<compile_context>
chip_gen: v7x
topology: tpu7x:2x2x1
jax: 0.10.2.dev20260603
libtpu: 0.0.44.dev20260713+nightly
codegen_flags: <defaults>
</compile_context>

<pallas_src>
import functools

import jax
import jax.numpy as jnp
from jax import lax
from jax.experimental import pallas as pl
from jax.experimental.pallas import tpu as pltpu
from jax.experimental.pallas import tpu_sc as plsc

_EPS = 1e-6
_NC, _NS = 2, 16
_NW = _NC * _NS
_CHUNK = 128
_L = 16
_PK = 128


def _sc_gather(users, pos, negf, u_true_s, u3, v):
    B = users.shape[0]
    D = u_true_s.shape[1]
    NNEG = negf.shape[0] // B
    rows_per_w = B // _NW
    n_chunks = rows_per_w // _CHUNK

    mesh = plsc.VectorSubcoreMesh(core_axis_name="c", subcore_axis_name="s")

    @functools.partial(
        pl.kernel,
        out_type=(
            jax.ShapeDtypeStruct((B, _PK), jnp.float32),
            jax.ShapeDtypeStruct((B, _PK), jnp.float32),
        ),
        mesh=mesh,
        scratch_types=(
            pltpu.VMEM((_CHUNK,), jnp.int32),
            pltpu.VMEM((_CHUNK,), jnp.int32),
            pltpu.VMEM((NNEG, _CHUNK), jnp.int32),
            pltpu.VMEM((_CHUNK, D), jnp.float32),
            pltpu.VMEM((_CHUNK, 2 * D), jnp.float32),
            pltpu.VMEM((_CHUNK, D), jnp.float32),
            pltpu.VMEM((_CHUNK, D), jnp.float32),
            pltpu.VMEM((NNEG, _CHUNK, D), jnp.float32),
            pltpu.SemaphoreType.DMA,
        ),
        compiler_params=pltpu.CompilerParams(use_tc_tiling_on_sc=False),
    )
    def k(users_h, pos_h, neg_h, ut_tab, u3_tab, v_tab,
          o1, o2, uix, pix, nix, ut_b, uu_b, up_b, pi_b, nj_b, sem):
        wid = lax.axis_index("s") * _NC + lax.axis_index("c")
        for ci in range(n_chunks):
            base = wid * rows_per_w + ci * _CHUNK
            rows = pl.ds(base, _CHUNK)
            pltpu.sync_copy(users_h.at[rows], uix)
            pltpu.sync_copy(pos_h.at[rows], pix)
            for kn in range(NNEG):
                pltpu.sync_copy(neg_h.at[pl.ds(kn * B + base, _CHUNK)],
                                nix.at[kn])
            cps = [
                pltpu.async_copy(ut_tab.at[uix], ut_b, sem),
                pltpu.async_copy(u3_tab.at[uix], uu_b, sem),
                pltpu.async_copy(v_tab.at[pix], pi_b, sem),
            ]
            cps += [
                pltpu.async_copy(v_tab.at[nix.at[kn]], nj_b.at[kn], sem)
                for kn in range(NNEG)
            ]
            cps[0].wait()
            cps[1].wait()

            @pl.loop(0, _CHUNK)
            def _(r):
                for h in range(D // _L):
                    sl = pl.ds(h * _L, _L)
                    up_b[r, sl] = (ut_b[r, sl] * 2.0 + uu_b[r, sl]
                                   + uu_b[r, pl.ds(D + h * _L, _L)])

            for cp in cps[2:]:
                cp.wait()
            pltpu.sync_copy(up_b, o1.at[rows, pl.ds(0, D)])
            pltpu.sync_copy(pi_b, o1.at[rows, pl.ds(D, D)])
            pltpu.sync_copy(nj_b.at[0], o1.at[rows, pl.ds(2 * D, D)])
            pltpu.sync_copy(nj_b.at[1], o1.at[rows, pl.ds(3 * D, D)])
            pltpu.sync_copy(nj_b.at[2], o2.at[rows, pl.ds(0, D)])
            pltpu.sync_copy(nj_b.at[3], o2.at[rows, pl.ds(D, D)])
            pltpu.sync_copy(nj_b.at[4], o2.at[rows, pl.ds(2 * D, D)])

    return k(users, pos, negf, u_true_s, u3, v)


def _tc_loss(p1, p2, das2, wt, dab):
    B = p1.shape[0]
    D = dab.shape[1]
    DAP = dab.shape[0]
    BLK = 1024
    grid = B // BLK

    def body(p1_ref, p2_ref, das_ref, w_ref, dab_ref, out_ref):
        x1 = p1_ref[...]
        x2 = p2_ref[...]
        onehot = (
            lax.broadcasted_iota(jnp.int32, (BLK, DAP), 1) == das_ref[...]
        ).astype(jnp.float32)
        u = jnp.dot(x1[:, 0:D], w_ref[...],
                    preferred_element_type=jnp.float32)
        u = u + jnp.dot(onehot, dab_ref[...],
                        preferred_element_type=jnp.float32)
        dpos = u - x1[:, D:2 * D] + _EPS
        dp = jnp.sqrt(jnp.sum(dpos * dpos, axis=1))
        negs = [x1[:, 2 * D:3 * D], x1[:, 3 * D:4 * D],
                x2[:, 0:D], x2[:, D:2 * D], x2[:, 2 * D:3 * D]]
        acc = jnp.zeros((), jnp.float32)
        for xj in negs:
            dneg = u - xj + _EPS
            dn = jnp.sqrt(jnp.sum(dneg * dneg, axis=1))
            acc = acc + jnp.sum(jnp.maximum(dp - dn + 1.0, 0.0))

        @pl.when(pl.program_id(0) == 0)
        def _():
            out_ref[...] = jnp.zeros_like(out_ref)

        out_ref[...] += (acc * (1.0 / B)).reshape(1, 1)

    out = pl.pallas_call(
        body,
        grid=(grid,),
        in_specs=[
            pl.BlockSpec((BLK, _PK), lambda i: (i, 0)),
            pl.BlockSpec((BLK, _PK), lambda i: (i, 0)),
            pl.BlockSpec((BLK, 1), lambda i: (i, 0)),
            pl.BlockSpec((D, D), lambda i: (0, 0)),
            pl.BlockSpec((DAP, D), lambda i: (0, 0)),
        ],
        out_specs=pl.BlockSpec((1, 1), lambda i: (0, 0)),
        out_shape=jax.ShapeDtypeStruct((1, 1), jnp.float32),
    )(p1, p2, das2, wt, dab)
    return out[0, 0]


def kernel(phase, users, pos_job_ids, behavior_ids, das, neg_job_id_lists,
           U_true, U, V, da_tab, W, b):
    del phase, behavior_ids
    NUSER, BEHm1, D = U.shape
    B = users.shape[0]
    DA = da_tab.shape[0] - 1
    u_true_s = U_true[:NUSER]
    u2 = U.reshape(NUSER, BEHm1 * D)
    negf = neg_job_id_lists.T.reshape(-1)
    das_c = jnp.clip(das, 0, DA).astype(jnp.int32).reshape(B, 1)
    DAP = 128
    dab = jnp.zeros((DAP, D), jnp.float32).at[:DA + 1].set(da_tab + b[None, :])
    p1, p2 = _sc_gather(users, pos_job_ids, negf, u_true_s, u2, V)
    return _tc_loss(p1, p2, das_c, W.T, dab)

# --- scband reference (transcript-rebuilt; emitter-appended) ---
"""Pipeline reference for scband-model-3229815407317 (READ-ONLY COPY).

The authoritative reference and input builder live on the scoring server;
editing this copy changes nothing except your own understanding.
"""

import jax, jax.numpy as jnp
import numpy as np

USER_SIZE = 100000
JOB_SIZE = 1000000
BEH = 3
DIM = 32
DA = 100
B = 16384
NNEG = 5


def setup_inputs(seed: int = 0) -> dict:
    key = jax.random.key(seed)
    ks = jax.random.split(key, 12)
    xav_tab = (2.0 / (JOB_SIZE + DIM)) ** 0.5
    xav_lin = (2.0 / (DIM + DIM)) ** 0.5
    return {
        "phase": 1,
        "users": jax.random.randint(ks[0], (B,), 0, USER_SIZE, dtype=jnp.int64 if jax.config.jax_enable_x64 else jnp.int32).astype(jnp.int32),
        "pos_job_ids": jax.random.randint(ks[1], (B,), 0, JOB_SIZE).astype(jnp.int32),
        "behavior_ids": jax.random.randint(ks[2], (B,), 0, BEH - 1).astype(jnp.int32),
        "das": jax.random.randint(ks[3], (B,), 0, DA).astype(jnp.int32),
        "neg_job_id_lists": jax.random.randint(ks[4], (B, NNEG), 0, JOB_SIZE).astype(jnp.int32),
        "U_true": jax.random.normal(ks[5], (JOB_SIZE, DIM), dtype=jnp.float32) * xav_tab,
        "U": jax.random.normal(ks[6], (USER_SIZE, BEH - 1, DIM), dtype=jnp.float32) * 0.02,
        "V": jax.random.normal(ks[7], (JOB_SIZE, DIM), dtype=jnp.float32) * xav_tab,
        "da_tab": jax.random.normal(ks[8], (DA + 1, DIM), dtype=jnp.float32) * 0.1,
        "W": jax.random.normal(ks[9], (DIM, DIM), dtype=jnp.float32) * xav_lin,
        "b": jnp.zeros((DIM,), dtype=jnp.float32),
    }


def _triplet(anchor, pos, neg, margin=1.0, eps=1e-6):
    # matches torch.nn.TripletMarginLoss(reduction='none'): pairwise_distance adds eps to diff
    dp = jnp.linalg.norm(anchor - pos + eps, axis=-1)
    dn = jnp.linalg.norm(anchor - neg + eps, axis=-1)
    return jnp.maximum(dp - dn + margin, 0.0)


def reference(phase, users, pos_job_ids, behavior_ids, das, neg_job_id_lists,
              U_true, U, V, da_tab, W, b):
    # phase == 1: _target_loss path
    ut = jnp.take(U_true, users, axis=0)          # [B, DIM]
    uu = jnp.take(U, users, axis=0)               # [B, BEH-1, DIM]
    u_v = ut + uu[:, 0]
    u_f = ut + uu[:, 1]
    u = u_v + u_f
    u = u @ W.T + b                               # linear_target
    das_c = jnp.clip(das, 0, DA)
    u = u + jnp.take(da_tab, das_c, axis=0)
    i = jnp.take(V, pos_job_ids, axis=0)          # [B, DIM]
    j = jnp.take(V, neg_job_id_lists, axis=0)     # [B, NNEG, DIM]
    loss = 0.0
    for idx in range(j.shape[1]):
        loss = loss + _triplet(u, i, j[:, idx, :]).mean()
    return loss

if __name__ == "__main__":
    import jax
    _d = setup_inputs()
    print(jax.jit(kernel)(*tuple(_d.values())))

</pallas_src>

<mosaic_0001>
#map = affine_map<(d0, d1) -> (0)>
#map1 = affine_map<(d0, d1) -> (0, 0)>
module attributes {stable_mosaic.version = 14 : i64} {
  func.func @k(%arg0: i32, %arg1: i32, %arg2: memref<16384xi32, #tpu.memory_space<hbm>>, %arg3: memref<16384xi32, #tpu.memory_space<hbm>>, %arg4: memref<81920xi32, #tpu.memory_space<hbm>>, %arg5: memref<100000x32xf32, #tpu.memory_space<hbm>>, %arg6: memref<100000x64xf32, #tpu.memory_space<hbm>>, %arg7: memref<1000000x32xf32, #tpu.memory_space<hbm>>, %arg8: memref<16384x128xf32, #tpu.memory_space<hbm>>, %arg9: memref<16384x128xf32, #tpu.memory_space<hbm>>, %arg10: memref<128xi32, #tpu.memory_space<vmem>>, %arg11: memref<128xi32, #tpu.memory_space<vmem>>, %arg12: memref<5x128xi32, #tpu.memory_space<vmem>>, %arg13: memref<128x32xf32, #tpu.memory_space<vmem>>, %arg14: memref<128x64xf32, #tpu.memory_space<vmem>>, %arg15: memref<128x32xf32, #tpu.memory_space<vmem>>, %arg16: memref<128x32xf32, #tpu.memory_space<vmem>>, %arg17: memref<5x128x32xf32, #tpu.memory_space<vmem>>, %arg18: memref<!tpu.dma_semaphore, #tpu.memory_space<semaphore_mem>>) attributes {dimension_semantics = [#tpu.dimension_semantics<core_parallel>, #tpu.dimension_semantics<subcore_parallel>], iteration_bounds = array<i64: 2, 16>, scalar_prefetch = 0 : i64, scratch_operands = 9 : i64, tpu.core_type = #tpu.core_type<sc_vector_subcore>, window_params = [{transform_indices = #map}, {transform_indices = #map}, {transform_indices = #map}, {transform_indices = #map1}, {transform_indices = #map1}, {transform_indices = #map1}, {transform_indices = #map1}, {transform_indices = #map1}]} {
    %mul3A = arith.constant 2 : i32
    %mul3A_0 = arith.muli %arg1, %mul3A : i32
    %add3A = arith.addi %mul3A_0, %arg0 : i32
    %mul3A_1 = arith.constant 512 : i32
    %mul3A_2 = arith.muli %add3A, %mul3A_1 : i32
    %add3A_3 = arith.constant 0 : i32
    %add3A_4 = arith.addi %mul3A_2, %add3A_3 : i32
    "tpu.region"() ({
      %run_scoped3A_665 = tpu.sem_alloc : memref<!tpu.dma_semaphore, #tpu.memory_space<semaphore_mem>>
      %dma_start3A_666 = tpu.memref_slice %arg2[%add3A_4] : memref<16384xi32, #tpu.memory_space<hbm>> -> memref<128xi32, #tpu.memory_space<hbm>>
      %dma_start3A_667 = tpu.memref_slice %arg2[%add3A_4] : memref<16384xi32, #tpu.memory_space<hbm>> -> memref<128xi32, #tpu.memory_space<hbm>>
      tpu.enqueue_dma source(%dma_start3A_667 : memref<128xi32, #tpu.memory_space<hbm>>) target(%arg10 : memref<128xi32, #tpu.memory_space<vmem>>) target_semaphore(%run_scoped3A_665 : memref<!tpu.dma_semaphore, #tpu.memory_space<semaphore_mem>>)
      %dma_wait3A_668 = tpu.memref_slice %arg2[%add3A_4] : memref<16384xi32, #tpu.memory_space<hbm>> -> memref<128xi32, #tpu.memory_space<hbm>>
      %dma_wait3A_669 = tpu.memref_slice %arg2[%add3A_4] : memref<16384xi32, #tpu.memory_space<hbm>> -> memref<128xi32, #tpu.memory_space<hbm>>
      tpu.wait_dma2 semaphore(%run_scoped3A_665 : memref<!tpu.dma_semaphore, #tpu.memory_space<semaphore_mem>>) src(%dma_wait3A_669 : memref<128xi32, #tpu.memory_space<hbm>>) dst(%arg10 : memref<128xi32, #tpu.memory_space<vmem>>)
      tpu.yield
    }) : () -> ()
    "tpu.region"() ({
      %run_scoped3A_665 = tpu.sem_alloc : memref<!tpu.dma_semaphore, #tpu.memory_space<semaphore_mem>>
      %dma_start3A_666 = tpu.memref_slice %arg3[%add3A_4] : memref<16384xi32, #tpu.memory_space<hbm>> -> memref<128xi32, #tpu.memory_space<hbm>>
      %dma_start3A_667 = tpu.memref_slice %arg3[%add3A_4] : memref<16384xi32, #tpu.memory_space<hbm>> -> memref<128xi32, #tpu.memory_space<hbm>>
      tpu.enqueue_dma source(%dma_start3A_667 : memref<128xi32, #tpu.memory_space<hbm>>) target(%arg11 : memref<128xi32, #tpu.memory_space<vmem>>) target_semaphore(%run_scoped3A_665 : memref<!tpu.dma_semaphore, #tpu.memory_space<semaphore_mem>>)
      %dma_wait3A_668 = tpu.memref_slice %arg3[%add3A_4] : memref<16384xi32, #tpu.memory_space<hbm>> -> memref<128xi32, #tpu.memory_space<hbm>>
      %dma_wait3A_669 = tpu.memref_slice %arg3[%add3A_4] : memref<16384xi32, #tpu.memory_space<hbm>> -> memref<128xi32, #tpu.memory_space<hbm>>
      tpu.wait_dma2 semaphore(%run_scoped3A_665 : memref<!tpu.dma_semaphore, #tpu.memory_space<semaphore_mem>>) src(%dma_wait3A_669 : memref<128xi32, #tpu.memory_space<hbm>>) dst(%arg11 : memref<128xi32, #tpu.memory_space<vmem>>)
      tpu.yield
    }) : () -> ()
    %add3A_5 = arith.constant 0 : i32
    %add3A_6 = arith.addi %add3A_5, %add3A_4 : i32
    %run_scoped3A = arith.constant 0 : i32
    "tpu.region"() ({
      %run_scoped3A_665 = tpu.sem_alloc : memref<!tpu.dma_semaphore, #tpu.memory_space<semaphore_mem>>
      %dma_start3A_666 = arith.constant 0 : i32
      %dma_start3A_667 = tpu.memref_slice %arg12[%run_scoped3A, %dma_start3A_666] : memref<5x128xi32, #tpu.memory_space<vmem>> -> memref<1x128xi32, #tpu.memory_space<vmem>>
      %dma_start3A_668 = tpu.memref_squeeze %dma_start3A_667 : memref<1x128xi32, #tpu.memory_space<vmem>> -> memref<128xi32, #tpu.memory_space<vmem>>
      %dma_start3A_669 = tpu.memref_slice %arg4[%add3A_6] : memref<81920xi32, #tpu.memory_space<hbm>> -> memref<128xi32, #tpu.memory_space<hbm>>
      %dma_start3A_670 = arith.constant 0 : i32
      %dma_start3A_671 = tpu.memref_slice %arg12[%run_scoped3A, %dma_start3A_670] : memref<5x128xi32, #tpu.memory_space<vmem>> -> memref<1x128xi32, #tpu.memory_space<vmem>>
      %dma_start3A_672 = tpu.memref_squeeze %dma_start3A_671 : memref<1x128xi32, #tpu.memory_space<vmem>> -> memref<128xi32, #tpu.memory_space<vmem>>
      %dma_start3A_673 = tpu.memref_slice %arg4[%add3A_6] : memref<81920xi32, #tpu.memory_space<hbm>> -> memref<128xi32, #tpu.memory_space<hbm>>
      tpu.enqueue_dma source(%dma_start3A_673 : memref<128xi32, #tpu.memory_space<hbm>>) target(%dma_start3A_672 : memref<128xi32, #tpu.memory_space<vmem>>) target_semaphore(%run_scoped3A_665 : memref<!tpu.dma_semaphore, #tpu.memory_space<semaphore_mem>>)
      %dma_wait3A_674 = arith.constant 0 : i32
      %dma_wait3A_675 = tpu.memref_slice %arg12[%run_scoped3A, %dma_wait3A_674] : memref<5x128xi32, #tpu.memory_space<vmem>> -> memref<1x128xi32, #tpu.memory_space<vmem>>
      %dma_wait3A_676 = tpu.memref_squeeze %dma_wait3A_675 : memref<1x128xi32, #tpu.memory_space<vmem>> -> memref<128xi32, #tpu.memory_space<vmem>>
      %dma_wait3A_677 = tpu.memref_slice %arg4[%add3A_6] : memref<81920xi32, #tpu.memory_space<hbm>> -> memref<128xi32, #tpu.memory_space<hbm>>
      %dma_wait3A_678 = arith.constant 0 : i32
      %dma_wait3A_679 = tpu.memref_slice %arg12[%run_scoped3A, %dma_wait3A_678] : memref<5x128xi32, #tpu.memory_space<vmem>> -> memref<1x128xi32, #tpu.memory_space<vmem>>
      %dma_wait3A_680 = tpu.memref_squeeze %dma_wait3A_679 : memref<1x128xi32, #tpu.memory_space<vmem>> -> memref<128xi32, #tpu.memory_space<vmem>>
      %dma_wait3A_681 = tpu.memref_slice %arg4[%add3A_6] : memref<81920xi32, #tpu.memory_space<hbm>> -> memref<128xi32, #tpu.memory_space<hbm>>
      tpu.wait_dma2 semaphore(%run_scoped3A_665 : memref<!tpu.dma_semaphore, #tpu.memory_space<semaphore_mem>>) src(%dma_wait3A_681 : memref<128xi32, #tpu.memory_space<hbm>>) dst(%dma_wait3A_680 : memref<128xi32, #tpu.memory_space<vmem>>)
      tpu.yield
    }) : () -> ()
    %add3A_7 = arith.constant 16384 : i32
    %add3A_8 = arith.addi %add3A_7, %add3A_4 : i32
    %run_scoped3A_9 = arith.constant 1 : i32
    "tpu.region"() ({
      %run_scoped3A_665 = tpu.sem_alloc : memref<!tpu.dma_semaphore, #tpu.memory_space<semaphore_mem>>
      %dma_start3A_666 = arith.constant 0 : i32
      %dma_start3A_667 = tpu.memref_slice %arg12[%run_scoped3A_9, %dma_start3A_666] : memref<5x128xi32, #tpu.memory_space<vmem>> -> memref<1x128xi32, #tpu.memory_space<vmem>>
      %dma_start3A_668 = tpu.memref_squeeze %dma_start3A_667 : memref<1x128xi32, #tpu.memory_space<vmem>> -> memref<128xi32, #tpu.memory_space<vmem>>
      %dma_start3A_669 = tpu.memref_slice %arg4[%add3A_8] : memref<81920xi32, #tpu.memory_space<hbm>> -> memref<128xi32, #tpu.memory_space<hbm>>
      %dma_start3A_670 = arith.constant 0 : i32
      %dma_start3A_671 = tpu.memref_slice %arg12[%run_scoped3A_9, %dma_start3A_670] : memref<5x128xi32, #tpu.memory_space<vmem>> -> memref<1x128xi32, #tpu.memory_space<vmem>>
      %dma_start3A_672 = tpu.memref_squeeze %dma_start3A_671 : memref<1x128xi32, #tpu.memory_space<vmem>> -> memref<128xi32, #tpu.memory_space<vmem>>
      %dma_start3A_673 = tpu.memref_slice %arg4[%add3A_8] : memref<81920xi32, #tpu.memory_space<hbm>> -> memref<128xi32, #tpu.memory_space<hbm>>
      tpu.enqueue_dma source(%dma_start3A_673 : memref<128xi32, #tpu.memory_space<hbm>>) target(%dma_start3A_672 : memref<128xi32, #tpu.memory_space<vmem>>) target_semaphore(%run_scoped3A_665 : memref<!tpu.dma_semaphore, #tpu.memory_space<semaphore_mem>>)
      %dma_wait3A_674 = arith.constant 0 : i32
      %dma_wait3A_675 = tpu.memref_slice %arg12[%run_scoped3A_9, %dma_wait3A_674] : memref<5x128xi32, #tpu.memory_space<vmem>> -> memref<1x128xi32, #tpu.memory_space<vmem>>
      %dma_wait3A_676 = tpu.memref_squeeze %dma_wait3A_675 : memref<1x128xi32, #tpu.memory_space<vmem>> -> memref<128xi32, #tpu.memory_space<vmem>>
      %dma_wait3A_677 = tpu.memref_slice %arg4[%add3A_8] : memref<81920xi32, #tpu.memory_space<hbm>> -> memref<128xi32, #tpu.memory_space<hbm>>
      %dma_wait3A_678 = arith.constant 0 : i32
      %dma_wait3A_679 = tpu.memref_slice %arg12[%run_scoped3A_9, %dma_wait3A_678] : memref<5x128xi32, #tpu.memory_space<vmem>> -> memref<1x128xi32, #tpu.memory_space<vmem>>
      %dma_wait3A_680 = tpu.memref_squeeze %dma_wait3A_679 : memref<1x128xi32, #tpu.memory_space<vmem>> -> memref<128xi32, #tpu.memory_space<vmem>>
      %dma_wait3A_681 = tpu.memref_slice %arg4[%add3A_8] : memref<81920xi32, #tpu.memory_space<hbm>> -> memref<128xi32, #tpu.memory_space<hbm>>
      tpu.wait_dma2 semaphore(%run_scoped3A_665 : memref<!tpu.dma_semaphore, #tpu.memory_space<semaphore_mem>>) src(%dma_wait3A_681 : memref<128xi32, #tpu.memory_space<hbm>>) dst(%dma_wait3A_680 : memref<128xi32, #tpu.memory_space<vmem>>)
      tpu.yield
    }) : () -> ()
    %add3A_10 = arith.constant 32768 : i32
    %add3A_11 = arith.addi %add3A_10, %add3A_4 : i32
    %run_scoped3A_12 = arith.constant 2 : i32
    "tpu.region"() ({
      %run_scoped3A_665 = tpu.sem_alloc : memref<!tpu.dma_semaphore, #tpu.memory_space<semaphore_mem>>
      %dma_start3A_666 = arith.constant 0 : i32
      %dma_start3A_667 = tpu.memref_slice %arg12[%run_scoped3A_12, %dma_start3A_666] : memref<5x128xi32, #tpu.memory_space<vmem>> -> memref<1x128xi32, #tpu.memory_space<vmem>>
      %dma_start3A_668 = tpu.memref_squeeze %dma_start3A_667 : memref<1x128xi32, #tpu.memory_space<vmem>> -> memref<128xi32, #tpu.memory_space<vmem>>
      %dma_start3A_669 = tpu.memref_slice %arg4[%add3A_11] : memref<81920xi32, #tpu.memory_space<hbm>> -> memref<128xi32, #tpu.memory_space<hbm>>
      %dma_start3A_670 = arith.constant 0 : i32
      %dma_start3A_671 = tpu.memref_slice %arg12[%run_scoped3A_12, %dma_start3A_670] : memref<5x128xi32, #tpu.memory_space<vmem>> -> memref<1x128xi32, #tpu.memory_space<vmem>>
      %dma_start3A_672 = tpu.memref_squeeze %dma_start3A_671 : memref<1x128xi32, #tpu.memory_space<vmem>> -> memref<128xi32, #tpu.memory_space<vmem>>
      %dma_start3A_673 = tpu.memref_slice %arg4[%add3A_11] : memref<81920xi32, #tpu.memory_space<hbm>> -> memref<128xi32, #tpu.memory_space<hbm>>
      tpu.enqueue_dma source(%dma_start3A_673 : memref<128xi32, #tpu.memory_space<hbm>>) target(%dma_start3A_672 : memref<128xi32, #tpu.memory_space<vmem>>) target_semaphore(%run_scoped3A_665 : memref<!tpu.dma_semaphore, #tpu.memory_space<semaphore_mem>>)
      %dma_wait3A_674 = arith.constant 0 : i32
      %dma_wait3A_675 = tpu.memref_slice %arg12[%run_scoped3A_12, %dma_wait3A_674] : memref<5x128xi32, #tpu.memory_space<vmem>> -> memref<1x128xi32, #tpu.memory_space<vmem>>
      %dma_wait3A_676 = tpu.memref_squeeze %dma_wait3A_675 : memref<1x128xi32, #tpu.memory_space<vmem>> -> memref<128xi32, #tpu.memory_space<vmem>>
      %dma_wait3A_677 = tpu.memref_slice %arg4[%add3A_11] : memref<81920xi32, #tpu.memory_space<hbm>> -> memref<128xi32, #tpu.memory_space<hbm>>
      %dma_wait3A_678 = arith.constant 0 : i32
      %dma_wait3A_679 = tpu.memref_slice %arg12[%run_scoped3A_12, %dma_wait3A_678] : memref<5x128xi32, #tpu.memory_space<vmem>> -> memref<1x128xi32, #tpu.memory_space<vmem>>
      %dma_wait3A_680 = tpu.memref_squeeze %dma_wait3A_679 : memref<1x128xi32, #tpu.memory_space<vmem>> -> memref<128xi32, #tpu.memory_space<vmem>>
      %dma_wait3A_681 = tpu.memref_slice %arg4[%add3A_11] : memref<81920xi32, #tpu.memory_space<hbm>> -> memref<128xi32, #tpu.memory_space<hbm>>
      tpu.wait_dma2 semaphore(%run_scoped3A_665 : memref<!tpu.dma_semaphore, #tpu.memory_space<semaphore_mem>>) src(%dma_wait3A_681 : memref<128xi32, #tpu.memory_space<hbm>>) dst(%dma_wait3A_680 : memref<128xi32, #tpu.memory_space<vmem>>)
      tpu.yield
    }) : () -> ()
    %add3A_13 = arith.constant 49152 : i32
    %add3A_14 = arith.addi %add3A_13, %add3A_4 : i32
    %run_scoped3A_15 = arith.constant 3 : i32
    "tpu.region"() ({
      %run_scoped3A_665 = tpu.sem_alloc : memref<!tpu.dma_semaphore, #tpu.memory_space<semaphore_mem>>
      %dma_start3A_666 = arith.constant 0 : i32
      %dma_start3A_667 = tpu.memref_slice %arg12[%run_scoped3A_15, %dma_start3A_666] : memref<5x128xi32, #tpu.memory_space<vmem>> -> memref<1x128xi32, #tpu.memory_space<vmem>>
      %dma_start3A_668 = tpu.memref_squeeze %dma_start3A_667 : memref<1x128xi32, #tpu.memory_space<vmem>> -> memref<128xi32, #tpu.memory_space<vmem>>
      %dma_start3A_669 = tpu.memref_slice %arg4[%add3A_14] : memref<81920xi32, #tpu.memory_space<hbm>> -> memref<128xi32, #tpu.memory_space<hbm>>
      %dma_start3A_670 = arith.constant 0 : i32
      %dma_start3A_671 = tpu.memref_slice %arg12[%run_scoped3A_15, %dma_start3A_670] : memref<5x128xi32, #tpu.memory_space<vmem>> -> memref<1x128xi32, #tpu.memory_space<vmem>>
      %dma_start3A_672 = tpu.memref_squeeze %dma_start3A_671 : memref<1x128xi32, #tpu.memory_space<vmem>> -> memref<128xi32, #tpu.memory_space<vmem>>
      %dma_start3A_673 = tpu.memref_slice %arg4[%add3A_14] : memref<81920xi32, #tpu.memory_space<hbm>> -> memref<128xi32, #tpu.memory_space<hbm>>
      tpu.enqueue_dma source(%dma_start3A_673 : memref<128xi32, #tpu.memory_space<hbm>>) target(%dma_start3A_672 : memref<128xi32, #tpu.memory_space<vmem>>) target_semaphore(%run_scoped3A_665 : memref<!tpu.dma_semaphore, #tpu.memory_space<semaphore_mem>>)
      %dma_wait3A_674 = arith.constant 0 : i32
      %dma_wait3A_675 = tpu.memref_slice %arg12[%run_scoped3A_15, %dma_wait3A_674] : memref<5x128xi32, #tpu.memory_space<vmem>> -> memref<1x128xi32, #tpu.memory_space<vmem>>
      %dma_wait3A_676 = tpu.memref_squeeze %dma_wait3A_675 : memref<1x128xi32, #tpu.memory_space<vmem>> -> memref<128xi32, #tpu.memory_space<vmem>>
      %dma_wait3A_677 = tpu.memref_slice %arg4[%add3A_14] : memref<81920xi32, #tpu.memory_space<hbm>> -> memref<128xi32, #tpu.memory_space<hbm>>
      %dma_wait3A_678 = arith.constant 0 : i32
      %dma_wait3A_679 = tpu.memref_slice %arg12[%run_scoped3A_15, %dma_wait3A_678] : memref<5x128xi32, #tpu.memory_space<vmem>> -> memref<1x128xi32, #tpu.memory_space<vmem>>
      %dma_wait3A_680 = tpu.memref_squeeze %dma_wait3A_679 : memref<1x128xi32, #tpu.memory_space<vmem>> -> memref<128xi32, #tpu.memory_space<vmem>>
      %dma_wait3A_681 = tpu.memref_slice %arg4[%add3A_14] : memref<81920xi32, #tpu.memory_space<hbm>> -> memref<128xi32, #tpu.memory_space<hbm>>
      tpu.wait_dma2 semaphore(%run_scoped3A_665 : memref<!tpu.dma_semaphore, #tpu.memory_space<semaphore_mem>>) src(%dma_wait3A_681 : memref<128xi32, #tpu.memory_space<hbm>>) dst(%dma_wait3A_680 : memref<128xi32, #tpu.memory_space<vmem>>)
      tpu.yield
    }) : () -> ()
    %add3A_16 = arith.constant 65536 : i32
    %add3A_17 = arith.addi %add3A_16, %add3A_4 : i32
    %run_scoped3A_18 = arith.constant 4 : i32
    "tpu.region"() ({
      %run_scoped3A_665 = tpu.sem_alloc : memref<!tpu.dma_semaphore, #tpu.memory_space<semaphore_mem>>
      %dma_start3A_666 = arith.constant 0 : i32
      %dma_start3A_667 = tpu.memref_slice %arg12[%run_scoped3A_18, %dma_start3A_666] : memref<5x128xi32, #tpu.memory_space<vmem>> -> memref<1x128xi32, #tpu.memory_space<vmem>>
      %dma_start3A_668 = tpu.memref_squeeze %dma_start3A_667 : memref<1x128xi32, #tpu.memory_space<vmem>> -> memref<128xi32, #tpu.memory_space<vmem>>
      %dma_start3A_669 = tpu.memref_slice %arg4[%add3A_17] : memref<81920xi32, #tpu.memory_space<hbm>> -> memref<128xi32, #tpu.memory_space<hbm>>
      %dma_start3A_670 = arith.constant 0 : i32
      %dma_start3A_671 = tpu.memref_slice %arg12[%run_scoped3A_18, %dma_start3A_670] : memref<5x128xi32, #tpu.memory_space<vmem>> -> memref<1x128xi32, #tpu.memory_space<vmem>>
      %dma_start3A_672 = tpu.memref_squeeze %dma_start3A_671 : memref<1x128xi32, #tpu.memory_space<vmem>> -> memref<128xi32, #tpu.memory_space<vmem>>
      %dma_start3A_673 = tpu.memref_slice %arg4[%add3A_17] : memref<81920xi32, #tpu.memory_space<hbm>> -> memref<128xi32, #tpu.memory_space<hbm>>
      tpu.enqueue_dma source(%dma_start3A_673 : memref<128xi32, #tpu.memory_space<hbm>>) target(%dma_start3A_672 : memref<128xi32, #tpu.memory_space<vmem>>) target_semaphore(%run_scoped3A_665 : memref<!tpu.dma_semaphore, #tpu.memory_space<semaphore_mem>>)
      %dma_wait3A_674 = arith.constant 0 : i32
      %dma_wait3A_675 = tpu.memref_slice %arg12[%run_scoped3A_18, %dma_wait3A_674] : memref<5x128xi32, #tpu.memory_space<vmem>> -> memref<1x128xi32, #tpu.memory_space<vmem>>
      %dma_wait3A_676 = tpu.memref_squeeze %dma_wait3A_675 : memref<1x128xi32, #tpu.memory_space<vmem>> -> memref<128xi32, #tpu.memory_space<vmem>>
      %dma_wait3A_677 = tpu.memref_slice %arg4[%add3A_17] : memref<81920xi32, #tpu.memory_space<hbm>> -> memref<128xi32, #tpu.memory_space<hbm>>
      %dma_wait3A_678 = arith.constant 0 : i32
      %dma_wait3A_679 = tpu.memref_slice %arg12[%run_scoped3A_18, %dma_wait3A_678] : memref<5x128xi32, #tpu.memory_space<vmem>> -> memref<1x128xi32, #tpu.memory_space<vmem>>
      %dma_wait3A_680 = tpu.memref_squeeze %dma_wait3A_679 : memref<1x128xi32, #tpu.memory_space<vmem>> -> memref<128xi32, #tpu.memory_space<vmem>>
      %dma_wait3A_681 = tpu.memref_slice %arg4[%add3A_17] : memref<81920xi32, #tpu.memory_space<hbm>> -> memref<128xi32, #tpu.memory_space<hbm>>
      tpu.wait_dma2 semaphore(%run_scoped3A_665 : memref<!tpu.dma_semaphore, #tpu.memory_space<semaphore_mem>>) src(%dma_wait3A_681 : memref<128xi32, #tpu.memory_space<hbm>>) dst(%dma_wait3A_680 : memref<128xi32, #tpu.memory_space<vmem>>)
      tpu.yield
    }) : () -> ()
    %dma_start3A = arith.constant 0 : i32
    %dma_start3A_19 = arith.constant 0 : i32
    %dma_start3A_20 = tpu.memref_slice %arg5[%dma_start3A, %dma_start3A_19] : memref<100000x32xf32, #tpu.memory_space<hbm>> -> memref<100000x32xf32, #tpu.memory_space<hbm>>
    tpu.enqueue_indirect_dma source(%dma_start3A_20 : memref<100000x32xf32, #tpu.memory_space<hbm>>) target(%arg13 : memref<128x32xf32, #tpu.memory_space<vmem>>) offsets(%arg10 : memref<128xi32, #tpu.memory_space<vmem>>) semaphore(%arg18 : memref<!tpu.dma_semaphore, #tpu.memory_space<semaphore_mem>>)
    %dma_start3A_21 = arith.constant 0 : i32
    %dma_start3A_22 = arith.constant 0 : i32
    %dma_start3A_23 = tpu.memref_slice %arg6[%dma_start3A_21, %dma_start3A_22] : memref<100000x64xf32, #tpu.memory_space<hbm>> -> memref<100000x64xf32, #tpu.memory_space<hbm>>
    tpu.enqueue_indirect_dma source(%dma_start3A_23 : memref<100000x64xf32, #tpu.memory_space<hbm>>) target(%arg14 : memref<128x64xf32, #tpu.memory_space<vmem>>) offsets(%arg10 : memref<128xi32, #tpu.memory_space<vmem>>) semaphore(%arg18 : memref<!tpu.dma_semaphore, #tpu.memory_space<semaphore_mem>>)
    %dma_start3A_24 = arith.constant 0 : i32
    %dma_start3A_25 = arith.constant 0 : i32
    %dma_start3A_26 = tpu.memref_slice %arg7[%dma_start3A_24, %dma_start3A_25] : memref<1000000x32xf32, #tpu.memory_space<hbm>> -> memref<1000000x32xf32, #tpu.memory_space<hbm>>
    tpu.enqueue_indirect_dma source(%dma_start3A_26 : memref<1000000x32xf32, #tpu.memory_space<hbm>>) target(%arg16 : memref<128x32xf32, #tpu.memory_space<vmem>>) offsets(%arg11 : memref<128xi32, #tpu.memory_space<vmem>>) semaphore(%arg18 : memref<!tpu.dma_semaphore, #tpu.memory_space<semaphore_mem>>)
    %dma_start3A_27 = arith.constant 0 : i32
    %dma_start3A_28 = arith.constant 0 : i32
    %dma_start3A_29 = arith.constant 0 : i32
    %dma_start3A_30 = arith.constant 0 : i32
    %dma_start3A_31 = tpu.memref_slice %arg17[%dma_start3A_28, %dma_start3A_29, %dma_start3A_30] : memref<5x128x32xf32, #tpu.memory_space<vmem>> -> memref<1x128x32xf32, #tpu.memory_space<vmem>>
    %dma_start3A_32 = tpu.memref_squeeze %dma_start3A_31 : memref<1x128x32xf32, #tpu.memory_space<vmem>> -> memref<128x32xf32, #tpu.memory_space<vmem>>
    %dma_start3A_33 = arith.constant 0 : i32
    %dma_start3A_34 = tpu.memref_slice %arg12[%dma_start3A_27, %dma_start3A_33] : memref<5x128xi32, #tpu.memory_space<vmem>> -> memref<1x128xi32, #tpu.memory_space<vmem>>
    %dma_start3A_35 = tpu.memref_squeeze %dma_start3A_34 : memref<1x128xi32, #tpu.memory_space<vmem>> -> memref<128xi32, #tpu.memory_space<vmem>>
    %dma_start3A_36 = arith.constant 0 : i32
    %dma_start3A_37 = arith.constant 0 : i32
    %dma_start3A_38 = tpu.memref_slice %arg7[%dma_start3A_36, %dma_start3A_37] : memref<1000000x32xf32, #tpu.memory_space<hbm>> -> memref<1000000x32xf32, #tpu.memory_space<hbm>>
    tpu.enqueue_indirect_dma source(%dma_start3A_38 : memref<1000000x32xf32, #tpu.memory_space<hbm>>) target(%dma_start3A_32 : memref<128x32xf32, #tpu.memory_space<vmem>>) offsets(%dma_start3A_35 : memref<128xi32, #tpu.memory_space<vmem>>) semaphore(%arg18 : memref<!tpu.dma_semaphore, #tpu.memory_space<semaphore_mem>>)
    %dma_start3A_39 = arith.constant 1 : i32
    %dma_start3A_40 = arith.constant 1 : i32
    %dma_start3A_41 = arith.constant 0 : i32
    %dma_start3A_42 = arith.constant 0 : i32
    %dma_start3A_43 = tpu.memref_slice %arg17[%dma_start3A_40, %dma_start3A_41, %dma_start3A_42] : memref<5x128x32xf32, #tpu.memory_space<vmem>> -> memref<1x128x32xf32, #tpu.memory_space<vmem>>
    %dma_start3A_44 = tpu.memref_squeeze %dma_start3A_43 : memref<1x128x32xf32, #tpu.memory_space<vmem>> -> memref<128x32xf32, #tpu.memory_space<vmem>>
    %dma_start3A_45 = arith.constant 0 : i32
    %dma_start3A_46 = tpu.memref_slice %arg12[%dma_start3A_39, %dma_start3A_45] : memref<5x128xi32, #tpu.memory_space<vmem>> -> memref<1x128xi32, #tpu.memory_space<vmem>>
    %dma_start3A_47 = tpu.memref_squeeze %dma_start3A_46 : memref<1x128xi32, #tpu.memory_space<vmem>> -> memref<128xi32, #tpu.memory_space<vmem>>
    %dma_start3A_48 = arith.constant 0 : i32
    %dma_start3A_49 = arith.constant 0 : i32
    %dma_start3A_50 = tpu.memref_slice %arg7[%dma_start3A_48, %dma_start3A_49] : memref<1000000x32xf32, #tpu.memory_space<hbm>> -> memref<1000000x32xf32, #tpu.memory_space<hbm>>
    tpu.enqueue_indirect_dma source(%dma_start3A_50 : memref<1000000x32xf32, #tpu.memory_space<hbm>>) target(%dma_start3A_44 : memref<128x32xf32, #tpu.memory_space<vmem>>) offsets(%dma_start3A_47 : memref<128xi32, #tpu.memory_space<vmem>>) semaphore(%arg18 : memref<!tpu.dma_semaphore, #tpu.memory_space<semaphore_mem>>)
    %dma_start3A_51 = arith.constant 2 : i32
    %dma_start3A_52 = arith.constant 2 : i32
    %dma_start3A_53 = arith.constant 0 : i32
    %dma_start3A_54 = arith.constant 0 : i32
    %dma_start3A_55 = tpu.memref_slice %arg17[%dma_start3A_52, %dma_start3A_53, %dma_start3A_54] : memref<5x128x32xf32, #tpu.memory_space<vmem>> -> memref<1x128x32xf32, #tpu.memory_space<vmem>>
    %dma_start3A_56 = tpu.memref_squeeze %dma_start3A_55 : memref<1x128x32xf32, #tpu.memory_space<vmem>> -> memref<128x32xf32, #tpu.memory_space<vmem>>
    %dma_start3A_57 = arith.constant 0 : i32
    %dma_start3A_58 = tpu.memref_slice %arg12[%dma_start3A_51, %dma_start3A_57] : memref<5x128xi32, #tpu.memory_space<vmem>> -> memref<1x128xi32, #tpu.memory_space<vmem>>
    %dma_start3A_59 = tpu.memref_squeeze %dma_start3A_58 : memref<1x128xi32, #tpu.memory_space<vmem>> -> memref<128xi32, #tpu.memory_space<vmem>>
    %dma_start3A_60 = arith.constant 0 : i32
    %dma_start3A_61 = arith.constant 0 : i32
    %dma_start3A_62 = tpu.memref_slice %arg7[%dma_start3A_60, %dma_start3A_61] : memref<1000000x32xf32, #tpu.memory_space<hbm>> -> memref<1000000x32xf32, #tpu.memory_space<hbm>>
    tpu.enqueue_indirect_dma source(%dma_start3A_62 : memref<1000000x32xf32, #tpu.memory_space<hbm>>) target(%dma_start3A_56 : memref<128x32xf32, #tpu.memory_space<vmem>>) offsets(%dma_start3A_59 : memref<128xi32, #tpu.memory_space<vmem>>) semaphore(%arg18 : memref<!tpu.dma_semaphore, #tpu.memory_space<semaphore_mem>>)
    %dma_start3A_63 = arith.constant 3 : i32
    %dma_start3A_64 = arith.constant 3 : i32
    %dma_start3A_65 = arith.constant 0 : i32
    %dma_start3A_66 = arith.constant 0 : i32
    %dma_start3A_67 = tpu.memref_slice %arg17[%dma_start3A_64, %dma_start3A_65, %dma_start3A_66] : memref<5x128x32xf32, #tpu.memory_space<vmem>> -> memref<1x128x32xf32, #tpu.memory_space<vmem>>
    %dma_start3A_68 = tpu.memref_squeeze %dma_start3A_67 : memref<1x128x32xf32, #tpu.memory_space<vmem>> -> memref<128x32xf32, #tpu.memory_space<vmem>>
    %dma_start3A_69 = arith.constant 0 : i32
    %dma_start3A_70 = tpu.memref_slice %arg12[%dma_start3A_63, %dma_start3A_69] : memref<5x128xi32, #tpu.memory_space<vmem>> -> memref<1x128xi32, #tpu.memory_space<vmem>>
    %dma_start3A_71 = tpu.memref_squeeze %dma_start3A_70 : memref<1x128xi32, #tpu.memory_space<vmem>> -> memref<128xi32, #tpu.memory_space<vmem>>
    %dma_start3A_72 = arith.constant 0 : i32
    %dma_start3A_73 = arith.constant 0 : i32
    %dma_start3A_74 = tpu.memref_slice %arg7[%dma_start3A_72, %dma_start3A_73] : memref<1000000x32xf32, #tpu.memory_space<hbm>> -> memref<1000000x32xf32, #tpu.memory_space<hbm>>
    tpu.enqueue_indirect_dma source(%dma_start3A_74 : memref<1000000x32xf32, #tpu.memory_space<hbm>>) target(%dma_start3A_68 : memref<128x32xf32, #tpu.memory_space<vmem>>) offsets(%dma_start3A_71 : memref<128xi32, #tpu.memory_space<vmem>>) semaphore(%arg18 : memref<!tpu.dma_semaphore, #tpu.memory_space<semaphore_mem>>)
    %dma_start3A_75 = arith.constant 4 : i32
    %dma_start3A_76 = arith.constant 4 : i32
    %dma_start3A_77 = arith.constant 0 : i32
    %dma_start3A_78 = arith.constant 0 : i32
    %dma_start3A_79 = tpu.memref_slice %arg17[%dma_start3A_76, %dma_start3A_77, %dma_start3A_78] : memref<5x128x32xf32, #tpu.memory_space<vmem>> -> memref<1x128x32xf32, #tpu.memory_space<vmem>>
    %dma_start3A_80 = tpu.memref_squeeze %dma_start3A_79 : memref<1x128x32xf32, #tpu.memory_space<vmem>> -> memref<128x32xf32, #tpu.memory_space<vmem>>
    %dma_start3A_81 = arith.constant 0 : i32
    %dma_start3A_82 = tpu.memref_slice %arg12[%dma_start3A_75, %dma_start3A_81] : memref<5x128xi32, #tpu.memory_space<vmem>> -> memref<1x128xi32, #tpu.memory_space<vmem>>
    %dma_start3A_83 = tpu.memref_squeeze %dma_start3A_82 : memref<1x128xi32, #tpu.memory_space<vmem>> -> memref<128xi32, #tpu.memory_space<vmem>>
    %dma_start3A_84 = arith.constant 0 : i32
    %dma_start3A_85 = arith.constant 0 : i32
    %dma_start3A_86 = tpu.memref_slice %arg7[%dma_start3A_84, %dma_start3A_85] : memref<1000000x32xf32, #tpu.memory_space<hbm>> -> memref<1000000x32xf32, #tpu.memory_space<hbm>>
    tpu.enqueue_indirect_dma source(%dma_start3A_86 : memref<1000000x32xf32, #tpu.memory_space<hbm>>) target(%dma_start3A_80 : memref<128x32xf32, #tpu.memory_space<vmem>>) offsets(%dma_start3A_83 : memref<128xi32, #tpu.memory_space<vmem>>) semaphore(%arg18 : memref<!tpu.dma_semaphore, #tpu.memory_space<semaphore_mem>>)
    %dma_wait3A = arith.constant 0 : i32
    %dma_wait3A_87 = arith.constant 0 : i32
    %dma_wait3A_88 = tpu.memref_slice %arg5[%dma_wait3A, %dma_wait3A_87] : memref<100000x32xf32, #tpu.memory_space<hbm>> -> memref<100000x32xf32, #tpu.memory_space<hbm>>
    tpu.wait_indirect_dma semaphore(%arg18 : memref<!tpu.dma_semaphore, #tpu.memory_space<semaphore_mem>>) src(%dma_wait3A_88 : memref<100000x32xf32, #tpu.memory_space<hbm>>) dst(%arg13 : memref<128x32xf32, #tpu.memory_space<vmem>>)
    %dma_wait3A_89 = arith.constant 0 : i32
    %dma_wait3A_90 = arith.constant 0 : i32
    %dma_wait3A_91 = tpu.memref_slice %arg6[%dma_wait3A_89, %dma_wait3A_90] : memref<100000x64xf32, #tpu.memory_space<hbm>> -> memref<100000x64xf32, #tpu.memory_space<hbm>>
    tpu.wait_indirect_dma semaphore(%arg18 : memref<!tpu.dma_semaphore, #tpu.memory_space<semaphore_mem>>) src(%dma_wait3A_91 : memref<100000x64xf32, #tpu.memory_space<hbm>>) dst(%arg14 : memref<128x64xf32, #tpu.memory_space<vmem>>)
    %scan3A = arith.constant 0 : i32
    %scan3A_92 = arith.constant 128 : i32
    %scan3A_93 = arith.addi %scan3A, %scan3A_92 : i32
    %scan3A_94 = arith.constant 1 : i32
    scf.for %scan3A_665 = %scan3A to %scan3A_93 step %scan3A_94  : i32 {
      %mul3A_666 = arith.constant 1 : i32
      %mul3A_667 = arith.muli %scan3A_665, %mul3A_666 : i32
      %add3A_668 = arith.constant 0 : i32
      %add3A_669 = arith.addi %add3A_668, %mul3A_667 : i32
      %get3A = arith.index_cast %add3A_669 : i32 to index
      %get3A_670 = arith.constant 0 : index
      %get3A_671 = tpu.vector_load %arg13[%get3A, %get3A_670] {strides = array<i32>} : memref<128x32xf32, #tpu.memory_space<vmem>>, vector<1x16xf32>,
      %get3A_672 = vector.shape_cast %get3A_671 : vector<1x16xf32> to vector<16xf32>
      %mul3A_673 = arith.constant 2.000000e+00 : f32
      %mul3A_674 = vector.broadcast %mul3A_673 : f32 to vector<16xf32>
      %mul3A_675 = arith.mulf %get3A_672, %mul3A_674 : vector<16xf32>
      %get3A_676 = arith.index_cast %add3A_669 : i32 to index
      %get3A_677 = arith.constant 0 : index
      %get3A_678 = tpu.vector_load %arg14[%get3A_676, %get3A_677] {strides = array<i32>} : memref<128x64xf32, #tpu.memory_space<vmem>>, vector<1x16xf32>,
      %get3A_679 = vector.shape_cast %get3A_678 : vector<1x16xf32> to vector<16xf32>
      %add3A_680 = arith.addf %mul3A_675, %get3A_679 : vector<16xf32>
      %get3A_681 = arith.index_cast %add3A_669 : i32 to index
      %get3A_682 = arith.constant 32 : index
      %get3A_683 = tpu.vector_load %arg14[%get3A_681, %get3A_682] {strides = array<i32>} : memref<128x64xf32, #tpu.memory_space<vmem>>, vector<1x16xf32>,
      %get3A_684 = vector.shape_cast %get3A_683 : vector<1x16xf32> to vector<16xf32>
      %add3A_685 = arith.addf %add3A_680, %get3A_684 : vector<16xf32>
      %swap3A = arith.index_cast %add3A_669 : i32 to index
      %swap3A_686 = arith.constant 0 : index
      %swap3A_687 = tpu.vector_load %arg15[%swap3A, %swap3A_686] {strides = array<i32>} : memref<128x32xf32, #tpu.memory_space<vmem>>, vector<1x16xf32>,
      %swap3A_688 = vector.shape_cast %swap3A_687 : vector<1x16xf32> to vector<16xf32>
      %swap3A_689 = vector.shape_cast %add3A_685 : vector<16xf32> to vector<1x16xf32>
      tpu.vector_store %arg15[%swap3A, %swap3A_686], %swap3A_689 {strides = array<i32>} : memref<128x32xf32, #tpu.memory_space<vmem>>, vector<1x16xf32>,
      %get3A_690 = arith.index_cast %add3A_669 : i32 to index
      %get3A_691 = arith.constant 16 : index
      %get3A_692 = tpu.vector_load %arg13[%get3A_690, %get3A_691] {strides = array<i32>} : memref<128x32xf32, #tpu.memory_space<vmem>>, vector<1x16xf32>,
      %get3A_693 = vector.shape_cast %get3A_692 : vector<1x16xf32> to vector<16xf32>
      %mul3A_694 = arith.constant 2.000000e+00 : f32
      %mul3A_695 = vector.broadcast %mul3A_694 : f32 to vector<16xf32>
      %mul3A_696 = arith.mulf %get3A_693, %mul3A_695 : vector<16xf32>
      %get3A_697 = arith.index_cast %add3A_669 : i32 to index
      %get3A_698 = arith.constant 16 : index
      %get3A_699 = tpu.vector_load %arg14[%get3A_697, %get3A_698] {strides = array<i32>} : memref<128x64xf32, #tpu.memory_space<vmem>>, vector<1x16xf32>,
      %get3A_700 = vector.shape_cast %get3A_699 : vector<1x16xf32> to vector<16xf32>
      %add3A_701 = arith.addf %mul3A_696, %get3A_700 : vector<16xf32>
      %get3A_702 = arith.index_cast %add3A_669 : i32 to index
      %get3A_703 = arith.constant 48 : index
      %get3A_704 = tpu.vector_load %arg14[%get3A_702, %get3A_703] {strides = array<i32>} : memref<128x64xf32, #tpu.memory_space<vmem>>, vector<1x16xf32>,
      %get3A_705 = vector.shape_cast %get3A_704 : vector<1x16xf32> to vector<16xf32>
      %add3A_706 = arith.addf %add3A_701, %get3A_705 : vector<16xf32>
      %swap3A_707 = arith.index_cast %add3A_669 : i32 to index
      %swap3A_708 = arith.constant 16 : index
      %swap3A_709 = tpu.vector_load %arg15[%swap3A_707, %swap3A_708] {strides = array<i32>} : memref<128x32xf32, #tpu.memory_space<vmem>>, vector<1x16xf32>,
      %swap3A_710 = vector.shape_cast %swap3A_709 : vector<1x16xf32> to vector<16xf32>
      %swap3A_711 = vector.shape_cast %add3A_706 : vector<16xf32> to vector<1x16xf32>
      tpu.vector_store %arg15[%swap3A_707, %swap3A_708], %swap3A_711 {strides = array<i32>} : memref<128x32xf32, #tpu.memory_space<vmem>>, vector<1x16xf32>,
    }
    %scan3A_95 = arith.constant 128 : i32
    %dma_wait3A_96 = arith.constant 0 : i32
    %dma_wait3A_97 = arith.constant 0 : i32
    %dma_wait3A_98 = tpu.memref_slice %arg7[%dma_wait3A_96, %dma_wait3A_97] : memref<1000000x32xf32, #tpu.memory_space<hbm>> -> memref<1000000x32xf32, #tpu.memory_space<hbm>>
    tpu.wait_indirect_dma semaphore(%arg18 : memref<!tpu.dma_semaphore, #tpu.memory_space<semaphore_mem>>) src(%dma_wait3A_98 : memref<1000000x32xf32, #tpu.memory_space<hbm>>) dst(%arg16 : memref<128x32xf32, #tpu.memory_space<vmem>>)
    %dma_wait3A_99 = arith.constant 0 : i32
    %dma_wait3A_100 = arith.constant 0 : i32
    %dma_wait3A_101 = arith.constant 0 : i32
    %dma_wait3A_102 = arith.constant 0 : i32
    %dma_wait3A_103 = tpu.memref_slice %arg17[%dma_wait3A_100, %dma_wait3A_101, %dma_wait3A_102] : memref<5x128x32xf32, #tpu.memory_space<vmem>> -> memref<1x128x32xf32, #tpu.memory_space<vmem>>
    %dma_wait3A_104 = tpu.memref_squeeze %dma_wait3A_103 : memref<1x128x32xf32, #tpu.memory_space<vmem>> -> memref<128x32xf32, #tpu.memory_space<vmem>>
    %dma_wait3A_105 = arith.constant 0 : i32
    %dma_wait3A_106 = tpu.memref_slice %arg12[%dma_wait3A_99, %dma_wait3A_105] : memref<5x128xi32, #tpu.memory_space<vmem>> -> memref<1x128xi32, #tpu.memory_space<vmem>>
    %dma_wait3A_107 = tpu.memref_squeeze %dma_wait3A_106 : memref<1x128xi32, #tpu.memory_space<vmem>> -> memref<128xi32, #tpu.memory_space<vmem>>
    %dma_wait3A_108 = arith.constant 0 : i32
    %dma_wait3A_109 = arith.constant 0 : i32
    %dma_wait3A_110 = tpu.memref_slice %arg7[%dma_wait3A_108, %dma_wait3A_109] : memref<1000000x32xf32, #tpu.memory_space<hbm>> -> memref<1000000x32xf32, #tpu.memory_space<hbm>>
    tpu.wait_indirect_dma semaphore(%arg18 : memref<!tpu.dma_semaphore, #tpu.memory_space<semaphore_mem>>) src(%dma_wait3A_110 : memref<1000000x32xf32, #tpu.memory_space<hbm>>) dst(%dma_wait3A_104 : memref<128x32xf32, #tpu.memory_space<vmem>>)
    %dma_wait3A_111 = arith.constant 1 : i32
    %dma_wait3A_112 = arith.constant 1 : i32
    %dma_wait3A_113 = arith.constant 0 : i32
    %dma_wait3A_114 = arith.constant 0 : i32
    %dma_wait3A_115 = tpu.memref_slice %arg17[%dma_wait3A_112, %dma_wait3A_113, %dma_wait3A_114] : memref<5x128x32xf32, #tpu.memory_space<vmem>> -> memref<1x128x32xf32, #tpu.memory_space<vmem>>
    %dma_wait3A_116 = tpu.memref_squeeze %dma_wait3A_115 : memref<1x128x32xf32, #tpu.memory_space<vmem>> -> memref<128x32xf32, #tpu.memory_space<vmem>>
    %dma_wait3A_117 = arith.constant 0 : i32
    %dma_wait3A_118 = tpu.memref_slice %arg12[%dma_wait3A_111, %dma_wait3A_117] : memref<5x128xi32, #tpu.memory_space<vmem>> -> memref<1x128xi32, #tpu.memory_space<vmem>>
    %dma_wait3A_119 = tpu.memref_squeeze %dma_wait3A_118 : memref<1x128xi32, #tpu.memory_space<vmem>> -> memref<128xi32, #tpu.memory_space<vmem>>
    %dma_wait3A_120 = arith.constant 0 : i32
    %dma_wait3A_121 = arith.constant 0 : i32
    %dma_wait3A_122 = tpu.memref_slice %arg7[%dma_wait3A_120, %dma_wait3A_121] : memref<1000000x32xf32, #tpu.memory_space<hbm>> -> memref<1000000x32xf32, #tpu.memory_space<hbm>>
    tpu.wait_indirect_dma semaphore(%arg18 : memref<!tpu.dma_semaphore, #tpu.memory_space<semaphore_mem>>) src(%dma_wait3A_122 : memref<1000000x32xf32, #tpu.memory_space<hbm>>) dst(%dma_wait3A_116 : memref<128x32xf32, #tpu.memory_space<vmem>>)
    %dma_wait3A_123 = arith.constant 2 : i32
    %dma_wait3A_124 = arith.constant 2 : i32
    %dma_wait3A_125 = arith.constant 0 : i32
    %dma_wait3A_126 = arith.constant 0 : i32
    %dma_wait3A_127 = tpu.memref_slice %arg17[%dma_wait3A_124, %dma_wait3A_125, %dma_wait3A_126] : memref<5x128x32xf32, #tpu.memory_space<vmem>> -> memref<1x128x32xf32, #tpu.memory_space<vmem>>
    %dma_wait3A_128 = tpu.memref_squeeze %dma_wait3A_127 : memref<1x128x32xf32, #tpu.memory_space<vmem>> -> memref<128x32xf32, #tpu.memory_space<vmem>>
    %dma_wait3A_129 = arith.constant 0 : i32
    %dma_wait3A_130 = tpu.memref_slice %arg12[%dma_wait3A_123, %dma_wait3A_129] : memref<5x128xi32, #tpu.memory_space<vmem>> -> memref<1x128xi32, #tpu.memory_space<vmem>>
    %dma_wait3A_131 = tpu.memref_squeeze %dma_wait3A_130 : memref<1x128xi32, #tpu.memory_space<vmem>> -> memref<128xi32, #tpu.memory_space<vmem>>
    %dma_wait3A_132 = arith.constant 0 : i32
    %dma_wait3A_133 = arith.constant 0 : i32
    %dma_wait3A_134 = tpu.memref_slice %arg7[%dma_wait3A_132, %dma_wait3A_133] : memref<1000000x32xf32, #tpu.memory_space<hbm>> -> memref<1000000x32xf32, #tpu.memory_space<hbm>>
    tpu.wait_indirect_dma semaphore(%arg18 : memref<!tpu.dma_semaphore, #tpu.memory_space<semaphore_mem>>) src(%dma_wait3A_134 : memref<1000000x32xf32, #tpu.memory_space<hbm>>) dst(%dma_wait3A_128 : memref<128x32xf32, #tpu.memory_space<vmem>>)
    %dma_wait3A_135 = arith.constant 3 : i32
    %dma_wait3A_136 = arith.constant 3 : i32
    %dma_wait3A_137 = arith.constant 0 : i32
    %dma_wait3A_138 = arith.constant 0 : i32
    %dma_wait3A_139 = tpu.memref_slice %arg17[%dma_wait3A_136, %dma_wait3A_137, %dma_wait3A_138] : memref<5x128x32xf32, #tpu.memory_space<vmem>> -> memref<1x128x32xf32, #tpu.memory_space<vmem>>
    %dma_wait3A_140 = tpu.memref_squeeze %dma_wait3A_139 : memref<1x128x32xf32, #tpu.memory_space<vmem>> -> memref<128x32xf32, #tpu.memory_space<vmem>>
    %dma_wait3A_141 = arith.constant 0 : i32
    %dma_wait3A_142 = tpu.memref_slice %arg12[%dma_wait3A_135, %dma_wait3A_141] : memref<5x128xi32, #tpu.memory_space<vmem>> -> memref<1x128xi32, #tpu.memory_space<vmem>>
    %dma_wait3A_143 = tpu.memref_squeeze %dma_wait3A_142 : memref<1x128xi32, #tpu.memory_space<vmem>> -> memref<128xi32, #tpu.memory_space<vmem>>
    %dma_wait3A_144 = arith.constant 0 : i32
    %dma_wait3A_145 = arith.constant 0 : i32
    %dma_wait3A_146 = tpu.memref_slice %arg7[%dma_wait3A_144, %dma_wait3A_145] : memref<1000000x32xf32, #tpu.memory_space<hbm>> -> memref<1000000x32xf32, #tpu.memory_space<hbm>>
    tpu.wait_indirect_dma semaphore(%arg18 : memref<!tpu.dma_semaphore, #tpu.memory_space<semaphore_mem>>) src(%dma_wait3A_146 : memref<1000000x32xf32, #tpu.memory_space<hbm>>) dst(%dma_wait3A_140 : memref<128x32xf32, #tpu.memory_space<vmem>>)
    %dma_wait3A_147 = arith.constant 4 : i32
    %dma_wait3A_148 = arith.constant 4 : i32
    %dma_wait3A_149 = arith.constant 0 : i32
    %dma_wait3A_150 = arith.constant 0 : i32
    %dma_wait3A_151 = tpu.memref_slice %arg17[%dma_wait3A_148, %dma_wait3A_149, %dma_wait3A_150] : memref<5x128x32xf32, #tpu.memory_space<vmem>> -> memref<1x128x32xf32, #tpu.memory_space<vmem>>
    %dma_wait3A_152 = tpu.memref_squeeze %dma_wait3A_151 : memref<1x128x32xf32, #tpu.memory_space<vmem>> -> memref<128x32xf32, #tpu.memory_space<vmem>>
    %dma_wait3A_153 = arith.constant 0 : i32
    %dma_wait3A_154 = tpu.memref_slice %arg12[%dma_wait3A_147, %dma_wait3A_153] : memref<5x128xi32, #tpu.memory_space<vmem>> -> memref<1x128xi32, #tpu.memory_space<vmem>>
    %dma_wait3A_155 = tpu.memref_squeeze %dma_wait3A_154 : memref<1x128xi32, #tpu.memory_space<vmem>> -> memref<128xi32, #tpu.memory_space<vmem>>
    %dma_wait3A_156 = arith.constant 0 : i32
    %dma_wait3A_157 = arith.constant 0 : i32
    %dma_wait3A_158 = tpu.memref_slice %arg7[%dma_wait3A_156, %dma_wait3A_157] : memref<1000000x32xf32, #tpu.memory_space<hbm>> -> memref<1000000x32xf32, #tpu.memory_space<hbm>>
    tpu.wait_indirect_dma semaphore(%arg18 : memref<!tpu.dma_semaphore, #tpu.memory_space<semaphore_mem>>) src(%dma_wait3A_158 : memref<1000000x32xf32, #tpu.memory_space<hbm>>) dst(%dma_wait3A_152 : memref<128x32xf32, #tpu.memory_space<vmem>>)
    "tpu.region"() ({
      %run_scoped3A_665 = tpu.sem_alloc : memref<!tpu.dma_semaphore, #tpu.memory_space<semaphore_mem>>
      %dma_start3A_666 = arith.constant 0 : i32
      %dma_start3A_667 = tpu.memref_slice %arg8[%add3A_4, %dma_start3A_666] : memref<16384x128xf32, #tpu.memory_space<hbm>> -> memref<128x32xf32, #tpu.memory_space<hbm>>
      %dma_start3A_668 = arith.constant 0 : i32
      %dma_start3A_669 = tpu.memref_slice %arg8[%add3A_4, %dma_start3A_668] : memref<16384x128xf32, #tpu.memory_space<hbm>> -> memref<128x32xf32, #tpu.memory_space<hbm>>
      tpu.enqueue_dma source(%arg15 : memref<128x32xf32, #tpu.memory_space<vmem>>) target(%dma_start3A_669 : memref<128x32xf32, #tpu.memory_space<hbm>>) target_semaphore(%run_scoped3A_665 : memref<!tpu.dma_semaphore, #tpu.memory_space<semaphore_mem>>)
      %dma_wait3A_670 = arith.constant 0 : i32
      %dma_wait3A_671 = tpu.memref_slice %arg8[%add3A_4, %dma_wait3A_670] : memref<16384x128xf32, #tpu.memory_space<hbm>> -> memref<128x32xf32, #tpu.memory_space<hbm>>
      %dma_wait3A_672 = arith.constant 0 : i32
      %dma_wait3A_673 = tpu.memref_slice %arg8[%add3A_4, %dma_wait3A_672] : memref<16384x128xf32, #tpu.memory_space<hbm>> -> memref<128x32xf32, #tpu.memory_space<hbm>>
      tpu.wait_dma2 semaphore(%run_scoped3A_665 : memref<!tpu.dma_semaphore, #tpu.memory_space<semaphore_mem>>) src(%arg15 : memref<128x32xf32, #tpu.memory_space<vmem>>) dst(%dma_wait3A_673 : memref<128x32xf32, #tpu.memory_space<hbm>>)
      tpu.yield
    }) : () -> ()
    "tpu.region"() ({
      %run_scoped3A_665 = tpu.sem_alloc : memref<!tpu.dma_semaphore, #tpu.memory_space<semaphore_mem>>
      %dma_start3A_666 = arith.constant 32 : i32
      %dma_start3A_667 = tpu.memref_slice %arg8[%add3A_4, %dma_start3A_666] : memref<16384x128xf32, #tpu.memory_space<hbm>> -> memref<128x32xf32, #tpu.memory_space<hbm>>
      %dma_start3A_668 = arith.constant 32 : i32
      %dma_start3A_669 = tpu.memref_slice %arg8[%add3A_4, %dma_start3A_668] : memref<16384x128xf32, #tpu.memory_space<hbm>> -> memref<128x32xf32, #tpu.memory_space<hbm>>
      tpu.enqueue_dma source(%arg16 : memref<128x32xf32, #tpu.memory_space<vmem>>) target(%dma_start3A_669 : memref<128x32xf32, #tpu.memory_space<hbm>>) target_semaphore(%run_scoped3A_665 : memref<!tpu.dma_semaphore, #tpu.memory_space<semaphore_mem>>)
      %dma_wait3A_670 = arith.constant 32 : i32
      %dma_wait3A_671 = tpu.memref_slice %arg8[%add3A_4, %dma_wait3A_670] : memref<16384x128xf32, #tpu.memory_space<hbm>> -> memref<128x32xf32, #tpu.memory_space<hbm>>
      %dma_wait3A_672 = arith.constant 32 : i32
      %dma_wait3A_673 = tpu.memref_slice %arg8[%add3A_4, %dma_wait3A_672] : memref<16384x128xf32, #tpu.memory_space<hbm>> -> memref<128x32xf32, #tpu.memory_space<hbm>>
      tpu.wait_dma2 semaphore(%run_scoped3A_665 : memref<!tpu.dma_semaphore, #tpu.memory_space<semaphore_mem>>) src(%arg16 : memref<128x32xf32, #tpu.memory_space<vmem>>) dst(%dma_wait3A_673 : memref<128x32xf32, #tpu.memory_space<hbm>>)
      tpu.yield
    }) : () -> ()
    %run_scoped3A_159 = arith.constant 0 : i32
    "tpu.region"() ({
      %run_scoped3A_665 = tpu.sem_alloc : memref<!tpu.dma_semaphore, #tpu.memory_space<semaphore_mem>>
      %dma_start3A_666 = arith.constant 0 : i32
      %dma_start3A_667 = arith.constant 0 : i32
      %dma_start3A_668 = tpu.memref_slice %arg17[%run_scoped3A_159, %dma_start3A_666, %dma_start3A_667] : memref<5x128x32xf32, #tpu.memory_space<vmem>> -> memref<1x128x32xf32, #tpu.memory_space<vmem>>
      %dma_start3A_669 = tpu.memref_squeeze %dma_start3A_668 : memref<1x128x32xf32, #tpu.memory_space<vmem>> -> memref<128x32xf32, #tpu.memory_space<vmem>>
      %dma_start3A_670 = arith.constant 64 : i32
      %dma_start3A_671 = tpu.memref_slice %arg8[%add3A_4, %dma_start3A_670] : memref<16384x128xf32, #tpu.memory_space<hbm>> -> memref<128x32xf32, #tpu.memory_space<hbm>>
      %dma_start3A_672 = arith.constant 64 : i32
      %dma_start3A_673 = tpu.memref_slice %arg8[%add3A_4, %dma_start3A_672] : memref<16384x128xf32, #tpu.memory_space<hbm>> -> memref<128x32xf32, #tpu.memory_space<hbm>>
      %dma_start3A_674 = arith.constant 0 : i32
      %dma_start3A_675 = arith.constant 0 : i32
      %dma_start3A_676 = tpu.memref_slice %arg17[%run_scoped3A_159, %dma_start3A_674, %dma_start3A_675] : memref<5x128x32xf32, #tpu.memory_space<vmem>> -> memref<1x128x32xf32, #tpu.memory_space<vmem>>
      %dma_start3A_677 = tpu.memref_squeeze %dma_start3A_676 : memref<1x128x32xf32, #tpu.memory_space<vmem>> -> memref<128x32xf32, #tpu.memory_space<vmem>>
      tpu.enqueue_dma source(%dma_start3A_677 : memref<128x32xf32, #tpu.memory_space<vmem>>) target(%dma_start3A_673 : memref<128x32xf32, #tpu.memory_space<hbm>>) target_semaphore(%run_scoped3A_665 : memref<!tpu.dma_semaphore, #tpu.memory_space<semaphore_mem>>)
      %dma_wait3A_678 = arith.constant 0 : i32
      %dma_wait3A_679 = arith.constant 0 : i32
      %dma_wait3A_680 = tpu.memref_slice %arg17[%run_scoped3A_159, %dma_wait3A_678, %dma_wait3A_679] : memref<5x128x32xf32, #tpu.memory_space<vmem>> -> memref<1x128x32xf32, #tpu.memory_space<vmem>>
      %dma_wait3A_681 = tpu.memref_squeeze %dma_wait3A_680 : memref<1x128x32xf32, #tpu.memory_space<vmem>> -> memref<128x32xf32, #tpu.memory_space<vmem>>
      %dma_wait3A_682 = arith.constant 64 : i32
      %dma_wait3A_683 = tpu.memref_slice %arg8[%add3A_4, %dma_wait3A_682] : memref<16384x128xf32, #tpu.memory_space<hbm>> -> memref<128x32xf32, #tpu.memory_space<hbm>>
      %dma_wait3A_684 = arith.constant 64 : i32
      %dma_wait3A_685 = tpu.memref_slice %arg8[%add3A_4, %dma_wait3A_684] : memref<16384x128xf32, #tpu.memory_space<hbm>> -> memref<128x32xf32, #tpu.memory_space<hbm>>
      %dma_wait3A_686 = arith.constant 0 : i32
      %dma_wait3A_687 = arith.constant 0 : i32
      %dma_wait3A_688 = tpu.memref_slice %arg17[%run_scoped3A_159, %dma_wait3A_686, %dma_wait3A_687] : memref<5x128x32xf32, #tpu.memory_space<vmem>> -> memref<1x128x32xf32, #tpu.memory_space<vmem>>
      %dma_wait3A_689 = tpu.memref_squeeze %dma_wait3A_688 : memref<1x128x32xf32, #tpu.memory_space<vmem>> -> memref<128x32xf32, #tpu.memory_space<vmem>>
      tpu.wait_dma2 semaphore(%run_scoped3A_665 : memref<!tpu.dma_semaphore, #tpu.memory_space<semaphore_mem>>) src(%dma_wait3A_689 : memref<128x32xf32, #tpu.memory_space<vmem>>) dst(%dma_wait3A_685 : memref<128x32xf32, #tpu.memory_space<hbm>>)
      tpu.yield
    }) : () -> ()
    %run_scoped3A_160 = arith.constant 1 : i32
    "tpu.region"() ({
      %run_scoped3A_665 = tpu.sem_alloc : memref<!tpu.dma_semaphore, #tpu.memory_space<semaphore_mem>>
      %dma_start3A_666 = arith.constant 0 : i32
      %dma_start3A_667 = arith.constant 0 : i32
      %dma_start3A_668 = tpu.memref_slice %arg17[%run_scoped3A_160, %dma_start3A_666, %dma_start3A_667] : memref<5x128x32xf32, #tpu.memory_space<vmem>> -> memref<1x128x32xf32, #tpu.memory_space<vmem>>
      %dma_start3A_669 = tpu.memref_squeeze %dma_start3A_668 : memref<1x128x32xf32, #tpu.memory_space<vmem>> -> memref<128x32xf32, #tpu.memory_space<vmem>>
      %dma_start3A_670 = arith.constant 96 : i32
      %dma_start3A_671 = tpu.memref_slice %arg8[%add3A_4, %dma_start3A_670] : memref<16384x128xf32, #tpu.memory_space<hbm>> -> memref<128x32xf32, #tpu.memory_space<hbm>>
      %dma_start3A_672 = arith.constant 96 : i32
      %dma_start3A_673 = tpu.memref_slice %arg8[%add3A_4, %dma_start3A_672] : memref<16384x128xf32, #tpu.memory_space<hbm>> -> memref<128x32xf32, #tpu.memory_space<hbm>>
      %dma_start3A_674 = arith.constant 0 : i32
      %dma_start3A_675 = arith.constant 0 : i32
      %dma_start3A_676 = tpu.memref_slice %arg17[%run_scoped3A_160, %dma_start3A_674, %dma_start3A_675] : memref<5x128x32xf32, #tpu.memory_space<vmem>> -> memref<1x128x32xf32, #tpu.memory_space<vmem>>
      %dma_start3A_677 = tpu.memref_squeeze %dma_start3A_676 : memref<1x128x32xf32, #tpu.memory_space<vmem>> -> memref<128x32xf32, #tpu.memory_space<vmem>>
      tpu.enqueue_dma source(%dma_start3A_677 : memref<128x32xf32, #tpu.memory_space<vmem>>) target(%dma_start3A_673 : memref<128x32xf32, #tpu.memory_space<hbm>>) target_semaphore(%run_scoped3A_665 : memref<!tpu.dma_semaphore, #tpu.memory_space<semaphore_mem>>)
      %dma_wait3A_678 = arith.constant 0 : i32
      %dma_wait3A_679 = arith.constant 0 : i32
      %dma_wait3A_680 = tpu.memref_slice %arg17[%run_scoped3A_160, %dma_wait3A_678, %dma_wait3A_679] : memref<5x128x32xf32, #tpu.memory_space<vmem>> -> memref<1x128x32xf32, #tpu.memory_space<vmem>>
      %dma_wait3A_681 = tpu.memref_squeeze %dma_wait3A_680 : memref<1x128x32xf32, #tpu.memory_space<vmem>> -> memref<128x32xf32, #tpu.memory_space<vmem>>
      %dma_wait3A_682 = arith.constant 96 : i32
      %dma_wait3A_683 = tpu.memref_slice %arg8[%add3A_4, %dma_wait3A_682] : memref<16384x128xf32, #tpu.memory_space<hbm>> -> memref<128x32xf32, #tpu.memory_space<hbm>>
      %dma_wait3A_684 = arith.constant 96 : i32
      %dma_wait3A_685 = tpu.memref_slice %arg8[%add3A_4, %dma_wait3A_684] : memref<16384x128xf32, #tpu.memory_space<hbm>> -> memref<128x32xf32, #tpu.memory_space<hbm>>
      %dma_wait3A_686 = arith.constant 0 : i32
      %dma_wait3A_687 = arith.constant 0 : i32
      %dma_wait3A_688 = tpu.memref_slice %arg17[%run_scoped3A_160, %dma_wait3A_686, %dma_wait3A_687] : memref<5x128x32xf32, #tpu.memory_space<vmem>> -> memref<1x128x32xf32, #tpu.memory_space<vmem>>
      %dma_wait3A_689 = tpu.memref_squeeze %dma_wait3A_688 : memref<1x128x32xf32, #tpu.memory_space<vmem>> -> memref<128x32xf32, #tpu.memory_space<vmem>>
      tpu.wait_dma2 semaphore(%run_scoped3A_665 : memref<!tpu.dma_semaphore, #tpu.memory_space<semaphore_mem>>) src(%dma_wait3A_689 : memref<128x32xf32, #tpu.memory_space<vmem>>) dst(%dma_wait3A_685 : memref<128x32xf32, #tpu.memory_space<hbm>>)
      tpu.yield
    }) : () -> ()
    %run_scoped3A_161 = arith.constant 2 : i32
    "tpu.region"() ({
      %run_scoped3A_665 = tpu.sem_alloc : memref<!tpu.dma_semaphore, #tpu.memory_space<semaphore_mem>>
      %dma_start3A_666 = arith.constant 0 : i32
      %dma_start3A_667 = arith.constant 0 : i32
      %dma_start3A_668 = tpu.memref_slice %arg17[%run_scoped3A_161, %dma_start3A_666, %dma_start3A_667] : memref<5x128x32xf32, #tpu.memory_space<vmem>> -> memref<1x128x32xf32, #tpu.memory_space<vmem>>
      %dma_start3A_669 = tpu.memref_squeeze %dma_start3A_668 : memref<1x128x32xf32, #tpu.memory_space<vmem>> -> memref<128x32xf32, #tpu.memory_space<vmem>>
      %dma_start3A_670 = arith.constant 0 : i32
      %dma_start3A_671 = tpu.memref_slice %arg9[%add3A_4, %dma_start3A_670] : memref<16384x128xf32, #tpu.memory_space<hbm>> -> memref<128x32xf32, #tpu.memory_space<hbm>>
      %dma_start3A_672 = arith.constant 0 : i32
      %dma_start3A_673 = tpu.memref_slice %arg9[%add3A_4, %dma_start3A_672] : memref<16384x128xf32, #tpu.memory_space<hbm>> -> memref<128x32xf32, #tpu.memory_space<hbm>>
      %dma_start3A_674 = arith.constant 0 : i32
      %dma_start3A_675 = arith.constant 0 : i32
      %dma_start3A_676 = tpu.memref_slice %arg17[%run_scoped3A_161, %dma_start3A_674, %dma_start3A_675] : memref<5x128x32xf32, #tpu.memory_space<vmem>> -> memref<1x128x32xf32, #tpu.memory_space<vmem>>
      %dma_start3A_677 = tpu.memref_squeeze %dma_start3A_676 : memref<1x128x32xf32, #tpu.memory_space<vmem>> -> memref<128x32xf32, #tpu.memory_space<vmem>>
      tpu.enqueue_dma source(%dma_start3A_677 : memref<128x32xf32, #tpu.memory_space<vmem>>) target(%dma_start3A_673 : memref<128x32xf32, #tpu.memory_space<hbm>>) target_semaphore(%run_scoped3A_665 : memref<!tpu.dma_semaphore, #tpu.memory_space<semaphore_mem>>)
      %dma_wait3A_678 = arith.constant 0 : i32
      %dma_wait3A_679 = arith.constant 0 : i32
      %dma_wait3A_680 = tpu.memref_slice %arg17[%run_scoped3A_161, %dma_wait3A_678, %dma_wait3A_679] : memref<5x128x32xf32, #tpu.memory_space<vmem>> -> memref<1x128x32xf32, #tpu.memory_space<vmem>>
      %dma_wait3A_681 = tpu.memref_squeeze %dma_wait3A_680 : memref<1x128x32xf32, #tpu.memory_space<vmem>> -> memref<128x32xf32, #tpu.memory_space<vmem>>
      %dma_wait3A_682 = arith.constant 0 : i32
      %dma_wait3A_683 = tpu.memref_slice %arg9[%add3A_4, %dma_wait3A_682] : memref<16384x128xf32, #tpu.memory_space<hbm>> -> memref<128x32xf32, #tpu.memory_space<hbm>>
      %dma_wait3A_684 = arith.constant 0 : i32
      %dma_wait3A_685 = tpu.memref_slice %arg9[%add3A_4, %dma_wait3A_684] : memref<16384x128xf32, #tpu.memory_space<hbm>> -> memref<128x32xf32, #tpu.memory_space<hbm>>
      %dma_wait3A_686 = arith.constant 0 : i32
      %dma_wait3A_687 = arith.constant 0 : i32
      %dma_wait3A_688 = tpu.memref_slice %arg17[%run_scoped3A_161, %dma_wait3A_686, %dma_wait3A_687] : memref<5x128x32xf32, #tpu.memory_space<vmem>> -> memref<1x128x32xf32, #tpu.memory_space<vmem>>
      %dma_wait3A_689 = tpu.memref_squeeze %dma_wait3A_688 : memref<1x128x32xf32, #tpu.memory_space<vmem>> -> memref<128x32xf32, #tpu.memory_space<vmem>>
      tpu.wait_dma2 semaphore(%run_scoped3A_665 : memref<!tpu.dma_semaphore, #tpu.memory_space<semaphore_mem>>) src(%dma_wait3A_689 : memref<128x32xf32, #tpu.memory_space<vmem>>) dst(%dma_wait3A_685 : memref<128x32xf32, #tpu.memory_space<hbm>>)
      tpu.yield
    }) : () -> ()
    %run_scoped3A_162 = arith.constant 3 : i32
    "tpu.region"() ({
      %run_scoped3A_665 = tpu.sem_alloc : memref<!tpu.dma_semaphore, #tpu.memory_space<semaphore_mem>>
      %dma_start3A_666 = arith.constant 0 : i32
      %dma_start3A_667 = arith.constant 0 : i32
      %dma_start3A_668 = tpu.memref_slice %arg17[%run_scoped3A_162, %dma_start3A_666, %dma_start3A_667] : memref<5x128x32xf32, #tpu.memory_space<vmem>> -> memref<1x128x32xf32, #tpu.memory_space<vmem>>
      %dma_start3A_669 = tpu.memref_squeeze %dma_start3A_668 : memref<1x128x32xf32, #tpu.memory_space<vmem>> -> memref<128x32xf32, #tpu.memory_space<vmem>>
      %dma_start3A_670 = arith.constant 32 : i32
      %dma_start3A_671 = tpu.memref_slice %arg9[%add3A_4, %dma_start3A_670] : memref<16384x128xf32, #tpu.memory_space<hbm>> -> memref<128x32xf32, #tpu.memory_space<hbm>>
      %dma_start3A_672 = arith.constant 32 : i32
      %dma_start3A_673 = tpu.memref_slice %arg9[%add3A_4, %dma_start3A_672] : memref<16384x128xf32, #tpu.memory_space<hbm>> -> memref<128x32xf32, #tpu.memory_space<hbm>>
      %dma_start3A_674 = arith.constant 0 : i32
      %dma_start3A_675 = arith.constant 0 : i32
      %dma_start3A_676 = tpu.memref_slice %arg17[%run_scoped3A_162, %dma_start3A_674, %dma_start3A_675] : memref<5x128x32xf32, #tpu.memory_space<vmem>> -> memref<1x128x32xf32, #tpu.memory_space<vmem>>
      %dma_start3A_677 = tpu.memref_squeeze %dma_start3A_676 : memref<1x128x32xf32, #tpu.memory_space<vmem>> -> memref<128x32xf32, #tpu.memory_space<vmem>>
      tpu.enqueue_dma source(%dma_start3A_677 : memref<128x32xf32, #tpu.memory_space<vmem>>) target(%dma_start3A_673 : memref<128x32xf32, #tpu.memory_space<hbm>>) target_semaphore(%run_scoped3A_665 : memref<!tpu.dma_semaphore, #tpu.memory_space<semaphore_mem>>)
      %dma_wait3A_678 = arith.constant 0 : i32
      %dma_wait3A_679 = arith.constant 0 : i32
      %dma_wait3A_680 = tpu.memref_slice %arg17[%run_scoped3A_162, %dma_wait3A_678, %dma_wait3A_679] : memref<5x128x32xf32, #tpu.memory_space<vmem>> -> memref<1x128x32xf32, #tpu.memory_space<vmem>>
      %dma_wait3A_681 = tpu.memref_squeeze %dma_wait3A_680 : memref<1x128x32xf32, #tpu.memory_space<vmem>> -> memref<128x32xf32, #tpu.memory_space<vmem>>
      %dma_wait3A_682 = arith.constant 32 : i32
      %dma_wait3A_683 = tpu.memref_slice %arg9[%add3A_4, %dma_wait3A_682] : memref<16384x128xf32, #tpu.memory_space<hbm>> -> memref<128x32xf32, #tpu.memory_space<hbm>>
      %dma_wait3A_684 = arith.constant 32 : i32
      %dma_wait3A_685 = tpu.memref_slice %arg9[%add3A_4, %dma_wait3A_684] : memref<16384x128xf32, #tpu.memory_space<hbm>> -> memref<128x32xf32, #tpu.memory_space<hbm>>
      %dma_wait3A_686 = arith.constant 0 : i32
      %dma_wait3A_687 = arith.constant 0 : i32
      %dma_wait3A_688 = tpu.memref_slice %arg17[%run_scoped3A_162, %dma_wait3A_686, %dma_wait3A_687] : memref<5x128x32xf32, #tpu.memory_space<vmem>> -> memref<1x128x32xf32, #tpu.memory_space<vmem>>
      %dma_wait3A_689 = tpu.memref_squeeze %dma_wait3A_688 : memref<1x128x32xf32, #tpu.memory_space<vmem>> -> memref<128x32xf32, #tpu.memory_space<vmem>>
      tpu.wait_dma2 semaphore(%run_scoped3A_665 : memref<!tpu.dma_semaphore, #tpu.memory_space<semaphore_mem>>) src(%dma_wait3A_689 : memref<128x32xf32, #tpu.memory_space<vmem>>) dst(%dma_wait3A_685 : memref<128x32xf32, #tpu.memory_space<hbm>>)
      tpu.yield
    }) : () -> ()
    %run_scoped3A_163 = arith.constant 4 : i32
    "tpu.region"() ({
      %run_scoped3A_665 = tpu.sem_alloc : memref<!tpu.dma_semaphore, #tpu.memory_space<semaphore_mem>>
      %dma_start3A_666 = arith.constant 0 : i32
      %dma_start3A_667 = arith.constant 0 : i32
      %dma_start3A_668 = tpu.memref_slice %arg17[%run_scoped3A_163, %dma_start3A_666, %dma_start3A_667] : memref<5x128x32xf32, #tpu.memory_space<vmem>> -> memref<1x128x32xf32, #tpu.memory_space<vmem>>
      %dma_start3A_669 = tpu.memref_squeeze %dma_start3A_668 : memref<1x128x32xf32, #tpu.memory_space<vmem>> -> memref<128x32xf32, #tpu.memory_space<vmem>>
      %dma_start3A_670 = arith.constant 64 : i32
      %dma_start3A_671 = tpu.memref_slice %arg9[%add3A_4, %dma_start3A_670] : memref<16384x128xf32, #tpu.memory_space<hbm>> -> memref<128x32xf32, #tpu.memory_space<hbm>>
      %dma_start3A_672 = arith.constant 64 : i32
      %dma_start3A_673 = tpu.memref_slice %arg9[%add3A_4, %dma_start3A_672] : memref<16384x128xf32, #tpu.memory_space<hbm>> -> memref<128x32xf32, #tpu.memory_space<hbm>>
      %dma_start3A_674 = arith.constant 0 : i32
      %dma_start3A_675 = arith.constant 0 : i32
      %dma_start3A_676 = tpu.memref_slice %arg17[%run_scoped3A_163, %dma_start3A_674, %dma_start3A_675] : memref<5x128x32xf32, #tpu.memory_space<vmem>> -> memref<1x128x32xf32, #tpu.memory_space<vmem>>
      %dma_start3A_677 = tpu.memref_squeeze %dma_start3A_676 : memref<1x128x32xf32, #tpu.memory_space<vmem>> -> memref<128x32xf32, #tpu.memory_space<vmem>>
      tpu.enqueue_dma source(%dma_start3A_677 : memref<128x32xf32, #tpu.memory_space<vmem>>) target(%dma_start3A_673 : memref<128x32xf32, #tpu.memory_space<hbm>>) target_semaphore(%run_scoped3A_665 : memref<!tpu.dma_semaphore, #tpu.memory_space<semaphore_mem>>)
      %dma_wait3A_678 = arith.constant 0 : i32
      %dma_wait3A_679 = arith.constant 0 : i32
      %dma_wait3A_680 = tpu.memref_slice %arg17[%run_scoped3A_163, %dma_wait3A_678, %dma_wait3A_679] : memref<5x128x32xf32, #tpu.memory_space<vmem>> -> memref<1x128x32xf32, #tpu.memory_space<vmem>>
      %dma_wait3A_681 = tpu.memref_squeeze %dma_wait3A_680 : memref<1x128x32xf32, #tpu.memory_space<vmem>> -> memref<128x32xf32, #tpu.memory_space<vmem>>
      %dma_wait3A_682 = arith.constant 64 : i32
      %dma_wait3A_683 = tpu.memref_slice %arg9[%add3A_4, %dma_wait3A_682] : memref<16384x128xf32, #tpu.memory_space<hbm>> -> memref<128x32xf32, #tpu.memory_space<hbm>>
      %dma_wait3A_684 = arith.constant 64 : i32
      %dma_wait3A_685 = tpu.memref_slice %arg9[%add3A_4, %dma_wait3A_684] : memref<16384x128xf32, #tpu.memory_space<hbm>> -> memref<128x32xf32, #tpu.memory_space<hbm>>
      %dma_wait3A_686 = arith.constant 0 : i32
      %dma_wait3A_687 = arith.constant 0 : i32
      %dma_wait3A_688 = tpu.memref_slice %arg17[%run_scoped3A_163, %dma_wait3A_686, %dma_wait3A_687] : memref<5x128x32xf32, #tpu.memory_space<vmem>> -> memref<1x128x32xf32, #tpu.memory_space<vmem>>
      %dma_wait3A_689 = tpu.memref_squeeze %dma_wait3A_688 : memref<1x128x32xf32, #tpu.memory_space<vmem>> -> memref<128x32xf32, #tpu.memory_space<vmem>>
      tpu.wait_dma2 semaphore(%run_scoped3A_665 : memref<!tpu.dma_semaphore, #tpu.memory_space<semaphore_mem>>) src(%dma_wait3A_689 : memref<128x32xf32, #tpu.memory_space<vmem>>) dst(%dma_wait3A_685 : memref<128x32xf32, #tpu.memory_space<hbm>>)
      tpu.yield
    }) : () -> ()
    %mul3A_164 = arith.constant 512 : i32
    %mul3A_165 = arith.muli %add3A, %mul3A_164 : i32
    %add3A_166 = arith.constant 128 : i32
    %add3A_167 = arith.addi %mul3A_165, %add3A_166 : i32
    "tpu.region"() ({
      %run_scoped3A_665 = tpu.sem_alloc : memref<!tpu.dma_semaphore, #tpu.memory_space<semaphore_mem>>
      %dma_start3A_666 = tpu.memref_slice %arg2[%add3A_167] : memref<16384xi32, #tpu.memory_space<hbm>> -> memref<128xi32, #tpu.memory_space<hbm>>
      %dma_start3A_667 = tpu.memref_slice %arg2[%add3A_167] : memref<16384xi32, #tpu.memory_space<hbm>> -> memref<128xi32, #tpu.memory_space<hbm>>
      tpu.enqueue_dma source(%dma_start3A_667 : memref<128xi32, #tpu.memory_space<hbm>>) target(%arg10 : memref<128xi32, #tpu.memory_space<vmem>>) target_semaphore(%run_scoped3A_665 : memref<!tpu.dma_semaphore, #tpu.memory_space<semaphore_mem>>)
      %dma_wait3A_668 = tpu.memref_slice %arg2[%add3A_167] : memref<16384xi32, #tpu.memory_space<hbm>> -> memref<128xi32, #tpu.memory_space<hbm>>
      %dma_wait3A_669 = tpu.memref_slice %arg2[%add3A_167] : memref<16384xi32, #tpu.memory_space<hbm>> -> memref<128xi32, #tpu.memory_space<hbm>>
      tpu.wait_dma2 semaphore(%run_scoped3A_665 : memref<!tpu.dma_semaphore, #tpu.memory_space<semaphore_mem>>) src(%dma_wait3A_669 : memref<128xi32, #tpu.memory_space<hbm>>) dst(%arg10 : memref<128xi32, #tpu.memory_space<vmem>>)
      tpu.yield
    }) : () -> ()
    "tpu.region"() ({
      %run_scoped3A_665 = tpu.sem_alloc : memref<!tpu.dma_semaphore, #tpu.memory_space<semaphore_mem>>
      %dma_start3A_666 = tpu.memref_slice %arg3[%add3A_167] : memref<16384xi32, #tpu.memory_space<hbm>> -> memref<128xi32, #tpu.memory_space<hbm>>
      %dma_start3A_667 = tpu.memref_slice %arg3[%add3A_167] : memref<16384xi32, #tpu.memory_space<hbm>> -> memref<128xi32, #tpu.memory_space<hbm>>
      tpu.enqueue_dma source(%dma_start3A_667 : memref<128xi32, #tpu.memory_space<hbm>>) target(%arg11 : memref<128xi32, #tpu.memory_space<vmem>>) target_semaphore(%run_scoped3A_665 : memref<!tpu.dma_semaphore, #tpu.memory_space<semaphore_mem>>)
      %dma_wait3A_668 = tpu.memref_slice %arg3[%add3A_167] : memref<16384xi32, #tpu.memory_space<hbm>> -> memref<128xi32, #tpu.memory_space<hbm>>
      %dma_wait3A_669 = tpu.memref_slice %arg3[%add3A_167] : memref<16384xi32, #tpu.memory_space<hbm>> -> memref<128xi32, #tpu.memory_space<hbm>>
      tpu.wait_dma2 semaphore(%run_scoped3A_665 : memref<!tpu.dma_semaphore, #tpu.memory_space<semaphore_mem>>) src(%dma_wait3A_669 : memref<128xi32, #tpu.memory_space<hbm>>) dst(%arg11 : memref<128xi32, #tpu.memory_space<vmem>>)
      tpu.yield
    }) : () -> ()
    %add3A_168 = arith.constant 0 : i32
    %add3A_169 = arith.addi %add3A_168, %add3A_167 : i32
    %run_scoped3A_170 = arith.constant 0 : i32
    "tpu.region"() ({
      %run_scoped3A_665 = tpu.sem_alloc : memref<!tpu.dma_semaphore, #tpu.memory_space<semaphore_mem>>
      %dma_start3A_666 = arith.constant 0 : i32
      %dma_start3A_667 = tpu.memref_slice %arg12[%run_scoped3A_170, %dma_start3A_666] : memref<5x128xi32, #tpu.memory_space<vmem>> -> memref<1x128xi32, #tpu.memory_space<vmem>>
      %dma_start3A_668 = tpu.memref_squeeze %dma_start3A_667 : memref<1x128xi32, #tpu.memory_space<vmem>> -> memref<128xi32, #tpu.memory_space<vmem>>
      %dma_start3A_669 = tpu.memref_slice %arg4[%add3A_169] : memref<81920xi32, #tpu.memory_space<hbm>> -> memref<128xi32, #tpu.memory_space<hbm>>
      %dma_start3A_670 = arith.constant 0 : i32
      %dma_start3A_671 = tpu.memref_slice %arg12[%run_scoped3A_170, %dma_start3A_670] : memref<5x128xi32, #tpu.memory_space<vmem>> -> memref<1x128xi32, #tpu.memory_space<vmem>>
      %dma_start3A_672 = tpu.memref_squeeze %dma_start3A_671 : memref<1x128xi32, #tpu.memory_space<vmem>> -> memref<128xi32, #tpu.memory_space<vmem>>
      %dma_start3A_673 = tpu.memref_slice %arg4[%add3A_169] : memref<81920xi32, #tpu.memory_space<hbm>> -> memref<128xi32, #tpu.memory_space<hbm>>
      tpu.enqueue_dma source(%dma_start3A_673 : memref<128xi32, #tpu.memory_space<hbm>>) target(%dma_start3A_672 : memref<128xi32, #tpu.memory_space<vmem>>) target_semaphore(%run_scoped3A_665 : memref<!tpu.dma_semaphore, #tpu.memory_space<semaphore_mem>>)
      %dma_wait3A_674 = arith.constant 0 : i32
      %dma_wait3A_675 = tpu.memref_slice %arg12[%run_scoped3A_170, %dma_wait3A_674] : memref<5x128xi32, #tpu.memory_space<vmem>> -> memref<1x128xi32, #tpu.memory_space<vmem>>
      %dma_wait3A_676 = tpu.memref_squeeze %dma_wait3A_675 : memref<1x128xi32, #tpu.memory_space<vmem>> -> memref<128xi32, #tpu.memory_space<vmem>>
      %dma_wait3A_677 = tpu.memref_slice %arg4[%add3A_169] : memref<81920xi32, #tpu.memory_space<hbm>> -> memref<128xi32, #tpu.memory_space<hbm>>
      %dma_wait3A_678 = arith.constant 0 : i32
      %dma_wait3A_679 = tpu.memref_slice %arg12[%run_scoped3A_170, %dma_wait3A_678] : memref<5x128xi32, #tpu.memory_space<vmem>> -> memref<1x128xi32, #tpu.memory_space<vmem>>
      %dma_wait3A_680 = tpu.memref_squeeze %dma_wait3A_679 : memref<1x128xi32, #tpu.memory_space<vmem>> -> memref<128xi32, #tpu.memory_space<vmem>>
      %dma_wait3A_681 = tpu.memref_slice %arg4[%add3A_169] : memref<81920xi32, #tpu.memory_space<hbm>> -> memref<128xi32, #tpu.memory_space<hbm>>
      tpu.wait_dma2 semaphore(%run_scoped3A_665 : memref<!tpu.dma_semaphore, #tpu.memory_space<semaphore_mem>>) src(%dma_wait3A_681 : memref<128xi32, #tpu.memory_space<hbm>>) dst(%dma_wait3A_680 : memref<128xi32, #tpu.memory_space<vmem>>)
      tpu.yield
    }) : () -> ()
    %add3A_171 = arith.constant 16384 : i32
    %add3A_172 = arith.addi %add3A_171, %add3A_167 : i32
    %run_scoped3A_173 = arith.constant 1 : i32
    "tpu.region"() ({
      %run_scoped3A_665 = tpu.sem_alloc : memref<!tpu.dma_semaphore, #tpu.memory_space<semaphore_mem>>
      %dma_start3A_666 = arith.constant 0 : i32
      %dma_start3A_667 = tpu.memref_slice %arg12[%run_scoped3A_173, %dma_start3A_666] : memref<5x128xi32, #tpu.memory_space<vmem>> -> memref<1x128xi32, #tpu.memory_space<vmem>>
      %dma_start3A_668 = tpu.memref_squeeze %dma_start3A_667 : memref<1x128xi32, #tpu.memory_space<vmem>> -> memref<128xi32, #tpu.memory_space<vmem>>
      %dma_start3A_669 = tpu.memref_slice %arg4[%add3A_172] : memref<81920xi32, #tpu.memory_space<hbm>> -> memref<128xi32, #tpu.memory_space<hbm>>
      %dma_start3A_670 = arith.constant 0 : i32
      %dma_start3A_671 = tpu.memref_slice %arg12[%run_scoped3A_173, %dma_start3A_670] : memref<5x128xi32, #tpu.memory_space<vmem>> -> memref<1x128xi32, #tpu.memory_space<vmem>>
      %dma_start3A_672 = tpu.memref_squeeze %dma_start3A_671 : memref<1x128xi32, #tpu.memory_space<vmem>> -> memref<128xi32, #tpu.memory_space<vmem>>
      %dma_start3A_673 = tpu.memref_slice %arg4[%add3A_172] : memref<81920xi32, #tpu.memory_space<hbm>> -> memref<128xi32, #tpu.memory_space<hbm>>
      tpu.enqueue_dma source(%dma_start3A_673 : memref<128xi32, #tpu.memory_space<hbm>>) target(%dma_start3A_672 : memref<128xi32, #tpu.memory_space<vmem>>) target_semaphore(%run_scoped3A_665 : memref<!tpu.dma_semaphore, #tpu.memory_space<semaphore_mem>>)
      %dma_wait3A_674 = arith.constant 0 : i32
      %dma_wait3A_675 = tpu.memref_slice %arg12[%run_scoped3A_173, %dma_wait3A_674] : memref<5x128xi32, #tpu.memory_space<vmem>> -> memref<1x128xi32, #tpu.memory_space<vmem>>
      %dma_wait3A_676 = tpu.memref_squeeze %dma_wait3A_675 : memref<1x128xi32, #tpu.memory_space<vmem>> -> memref<128xi32, #tpu.memory_space<vmem>>
      %dma_wait3A_677 = tpu.memref_slice %arg4[%add3A_172] : memref<81920xi32, #tpu.memory_space<hbm>> -> memref<128xi32, #tpu.memory_space<hbm>>
      %dma_wait3A_678 = arith.constant 0 : i32
      %dma_wait3A_679 = tpu.memref_slice %arg12[%run_scoped3A_173, %dma_wait3A_678] : memref<5x128xi32, #tpu.memory_space<vmem>> -> memref<1x128xi32, #tpu.memory_space<vmem>>
      %dma_wait3A_680 = tpu.memref_squeeze %dma_wait3A_679 : memref<1x128xi32, #tpu.memory_space<vmem>> -> memref<128xi32, #tpu.memory_space<vmem>>
      %dma_wait3A_681 = tpu.memref_slice %arg4[%add3A_172] : memref<81920xi32, #tpu.memory_space<hbm>> -> memref<128xi32, #tpu.memory_space<hbm>>
      tpu.wait_dma2 semaphore(%run_scoped3A_665 : memref<!tpu.dma_semaphore, #tpu.memory_space<semaphore_mem>>) src(%dma_wait3A_681 : memref<128xi32, #tpu.memory_space<hbm>>) dst(%dma_wait3A_680 : memref<128xi32, #tpu.memory_space<vmem>>)
      tpu.yield
    }) : () -> ()
    %add3A_174 = arith.constant 32768 : i32
    %add3A_175 = arith.addi %add3A_174, %add3A_167 : i32
    %run_scoped3A_176 = arith.constant 2 : i32
    "tpu.region"() ({
      %run_scoped3A_665 = tpu.sem_alloc : memref<!tpu.dma_semaphore, #tpu.memory_space<semaphore_mem>>
      %dma_start3A_666 = arith.constant 0 : i32
      %dma_start3A_667 = tpu.memref_slice %arg12[%run_scoped3A_176, %dma_start3A_666] : memref<5x128xi32, #tpu.memory_space<vmem>> -> memref<1x128xi32, #tpu.memory_space<vmem>>
      %dma_start3A_668 = tpu.memref_squeeze %dma_start3A_667 : memref<1x128xi32, #tpu.memory_space<vmem>> -> memref<128xi32, #tpu.memory_space<vmem>>
      %dma_start3A_669 = tpu.memref_slice %arg4[%add3A_175] : memref<81920xi32, #tpu.memory_space<hbm>> -> memref<128xi32, #tpu.memory_space<hbm>>
      %dma_start3A_670 = arith.constant 0 : i32
      %dma_start3A_671 = tpu.memref_slice %arg12[%run_scoped3A_176, %dma_start3A_670] : memref<5x128xi32, #tpu.memory_space<vmem>> -> memref<1x128xi32, #tpu.memory_space<vmem>>
      %dma_start3A_672 = tpu.memref_squeeze %dma_start3A_671 : memref<1x128xi32, #tpu.memory_space<vmem>> -> memref<128xi32, #tpu.memory_space<vmem>>
      %dma_start3A_673 = tpu.memref_slice %arg4[%add3A_175] : memref<81920xi32, #tpu.memory_space<hbm>> -> memref<128xi32, #tpu.memory_space<hbm>>
      tpu.enqueue_dma source(%dma_start3A_673 : memref<128xi32, #tpu.memory_space<hbm>>) target(%dma_start3A_672 : memref<128xi32, #tpu.memory_space<vmem>>) target_semaphore(%run_scoped3A_665 : memref<!tpu.dma_semaphore, #tpu.memory_space<semaphore_mem>>)
      %dma_wait3A_674 = arith.constant 0 : i32
      %dma_wait3A_675 = tpu.memref_slice %arg12[%run_scoped3A_176, %dma_wait3A_674] : memref<5x128xi32, #tpu.memory_space<vmem>> -> memref<1x128xi32, #tpu.memory_space<vmem>>
      %dma_wait3A_676 = tpu.memref_squeeze %dma_wait3A_675 : memref<1x128xi32, #tpu.memory_space<vmem>> -> memref<128xi32, #tpu.memory_space<vmem>>
      %dma_wait3A_677 = tpu.memref_slice %arg4[%add3A_175] : memref<81920xi32, #tpu.memory_space<hbm>> -> memref<128xi32, #tpu.memory_space<hbm>>
      %dma_wait3A_678 = arith.constant 0 : i32
      %dma_wait3A_679 = tpu.memref_slice %arg12[%run_scoped3A_176, %dma_wait3A_678] : memref<5x128xi32, #tpu.memory_space<vmem>> -> memref<1x128xi32, #tpu.memory_space<vmem>>
      %dma_wait3A_680 = tpu.memref_squeeze %dma_wait3A_679 : memref<1x128xi32, #tpu.memory_space<vmem>> -> memref<128xi32, #tpu.memory_space<vmem>>
      %dma_wait3A_681 = tpu.memref_slice %arg4[%add3A_175] : memref<81920xi32, #tpu.memory_space<hbm>> -> memref<128xi32, #tpu.memory_space<hbm>>
      tpu.wait_dma2 semaphore(%run_scoped3A_665 : memref<!tpu.dma_semaphore, #tpu.memory_space<semaphore_mem>>) src(%dma_wait3A_681 : memref<128xi32, #tpu.memory_space<hbm>>) dst(%dma_wait3A_680 : memref<128xi32, #tpu.memory_space<vmem>>)
      tpu.yield
    }) : () -> ()
    %add3A_177 = arith.constant 49152 : i32
    %add3A_178 = arith.addi %add3A_177, %add3A_167 : i32
    %run_scoped3A_179 = arith.constant 3 : i32
    "tpu.region"() ({
      %run_scoped3A_665 = tpu.sem_alloc : memref<!tpu.dma_semaphore, #tpu.memory_space<semaphore_mem>>
      %dma_start3A_666 = arith.constant 0 : i32
      %dma_start3A_667 = tpu.memref_slice %arg12[%run_scoped3A_179, %dma_start3A_666] : memref<5x128xi32, #tpu.memory_space<vmem>> -> memref<1x128xi32, #tpu.memory_space<vmem>>
      %dma_start3A_668 = tpu.memref_squeeze %dma_start3A_667 : memref<1x128xi32, #tpu.memory_space<vmem>> -> memref<128xi32, #tpu.memory_space<vmem>>
      %dma_start3A_669 = tpu.memref_slice %arg4[%add3A_178] : memref<81920xi32, #tpu.memory_space<hbm>> -> memref<128xi32, #tpu.memory_space<hbm>>
      %dma_start3A_670 = arith.constant 0 : i32
      %dma_start3A_671 = tpu.memref_slice %arg12[%run_scoped3A_179, %dma_start3A_670] : memref<5x128xi32, #tpu.memory_space<vmem>> -> memref<1x128xi32, #tpu.memory_space<vmem>>
      %dma_start3A_672 = tpu.memref_squeeze %dma_start3A_671 : memref<1x128xi32, #tpu.memory_space<vmem>> -> memref<128xi32, #tpu.memory_space<vmem>>
      %dma_start3A_673 = tpu.memref_slice %arg4[%add3A_178] : memref<81920xi32, #tpu.memory_space<hbm>> -> memref<128xi32, #tpu.memory_space<hbm>>
      tpu.enqueue_dma source(%dma_start3A_673 : memref<128xi32, #tpu.memory_space<hbm>>) target(%dma_start3A_672 : memref<128xi32, #tpu.memory_space<vmem>>) target_semaphore(%run_scoped3A_665 : memref<!tpu.dma_semaphore, #tpu.memory_space<semaphore_mem>>)
      %dma_wait3A_674 = arith.constant 0 : i32
      %dma_wait3A_675 = tpu.memref_slice %arg12[%run_scoped3A_179, %dma_wait3A_674] : memref<5x128xi32, #tpu.memory_space<vmem>> -> memref<1x128xi32, #tpu.memory_space<vmem>>
      %dma_wait3A_676 = tpu.memref_squeeze %dma_wait3A_675 : memref<1x128xi32, #tpu.memory_space<vmem>> -> memref<128xi32, #tpu.memory_space<vmem>>
      %dma_wait3A_677 = tpu.memref_slice %arg4[%add3A_178] : memref<81920xi32, #tpu.memory_space<hbm>> -> memref<128xi32, #tpu.memory_space<hbm>>
      %dma_wait3A_678 = arith.constant 0 : i32
      %dma_wait3A_679 = tpu.memref_slice %arg12[%run_scoped3A_179, %dma_wait3A_678] : memref<5x128xi32, #tpu.memory_space<vmem>> -> memref<1x128xi32, #tpu.memory_space<vmem>>
      %dma_wait3A_680 = tpu.memref_squeeze %dma_wait3A_679 : memref<1x128xi32, #tpu.memory_space<vmem>> -> memref<128xi32, #tpu.memory_space<vmem>>
      %dma_wait3A_681 = tpu.memref_slice %arg4[%add3A_178] : memref<81920xi32, #tpu.memory_space<hbm>> -> memref<128xi32, #tpu.memory_space<hbm>>
      tpu.wait_dma2 semaphore(%run_scoped3A_665 : memref<!tpu.dma_semaphore, #tpu.memory_space<semaphore_mem>>) src(%dma_wait3A_681 : memref<128xi32, #tpu.memory_space<hbm>>) dst(%dma_wait3A_680 : memref<128xi32, #tpu.memory_space<vmem>>)
      tpu.yield
    }) : () -> ()
    %add3A_180 = arith.constant 65536 : i32
    %add3A_181 = arith.addi %add3A_180, %add3A_167 : i32
    %run_scoped3A_182 = arith.constant 4 : i32
    "tpu.region"() ({
      %run_scoped3A_665 = tpu.sem_alloc : memref<!tpu.dma_semaphore, #tpu.memory_space<semaphore_mem>>
      %dma_start3A_666 = arith.constant 0 : i32
      %dma_start3A_667 = tpu.memref_slice %arg12[%run_scoped3A_182, %dma_start3A_666] : memref<5x128xi32, #tpu.memory_space<vmem>> -> memref<1x128xi32, #tpu.memory_space<vmem>>
      %dma_start3A_668 = tpu.memref_squeeze %dma_start3A_667 : memref<1x128xi32, #tpu.memory_space<vmem>> -> memref<128xi32, #tpu.memory_space<vmem>>
      %dma_start3A_669 = tpu.memref_slice %arg4[%add3A_181] : memref<81920xi32, #tpu.memory_space<hbm>> -> memref<128xi32, #tpu.memory_space<hbm>>
      %dma_start3A_670 = arith.constant 0 : i32
      %dma_start3A_671 = tpu.memref_slice %arg12[%run_scoped3A_182, %dma_start3A_670] : memref<5x128xi32, #tpu.memory_space<vmem>> -> memref<1x128xi32, #tpu.memory_space<vmem>>
      %dma_start3A_672 = tpu.memref_squeeze %dma_start3A_671 : memref<1x128xi32, #tpu.memory_space<vmem>> -> memref<128xi32, #tpu.memory_space<vmem>>
      %dma_start3A_673 = tpu.memref_slice %arg4[%add3A_181] : memref<81920xi32, #tpu.memory_space<hbm>> -> memref<128xi32, #tpu.memory_space<hbm>>
      tpu.enqueue_dma source(%dma_start3A_673 : memref<128xi32, #tpu.memory_space<hbm>>) target(%dma_start3A_672 : memref<128xi32, #tpu.memory_space<vmem>>) target_semaphore(%run_scoped3A_665 : memref<!tpu.dma_semaphore, #tpu.memory_space<semaphore_mem>>)
      %dma_wait3A_674 = arith.constant 0 : i32
      %dma_wait3A_675 = tpu.memref_slice %arg12[%run_scoped3A_182, %dma_wait3A_674] : memref<5x128xi32, #tpu.memory_space<vmem>> -> memref<1x128xi32, #tpu.memory_space<vmem>>
      %dma_wait3A_676 = tpu.memref_squeeze %dma_wait3A_675 : memref<1x128xi32, #tpu.memory_space<vmem>> -> memref<128xi32, #tpu.memory_space<vmem>>
      %dma_wait3A_677 = tpu.memref_slice %arg4[%add3A_181] : memref<81920xi32, #tpu.memory_space<hbm>> -> memref<128xi32, #tpu.memory_space<hbm>>
      %dma_wait3A_678 = arith.constant 0 : i32
      %dma_wait3A_679 = tpu.memref_slice %arg12[%run_scoped3A_182, %dma_wait3A_678] : memref<5x128xi32, #tpu.memory_space<vmem>> -> memref<1x128xi32, #tpu.memory_space<vmem>>
      %dma_wait3A_680 = tpu.memref_squeeze %dma_wait3A_679 : memref<1x128xi32, #tpu.memory_space<vmem>> -> memref<128xi32, #tpu.memory_space<vmem>>
      %dma_wait3A_681 = tpu.memref_slice %arg4[%add3A_181] : memref<81920xi32, #tpu.memory_space<hbm>> -> memref<128xi32, #tpu.memory_space<hbm>>
      tpu.wait_dma2 semaphore(%run_scoped3A_665 : memref<!tpu.dma_semaphore, #tpu.memory_space<semaphore_mem>>) src(%dma_wait3A_681 : memref<128xi32, #tpu.memory_space<hbm>>) dst(%dma_wait3A_680 : memref<128xi32, #tpu.memory_space<vmem>>)
      tpu.yield
    }) : () -> ()
    %dma_start3A_183 = arith.constant 0 : i32
    %dma_start3A_184 = arith.constant 0 : i32
    %dma_start3A_185 = tpu.memref_slice %arg5[%dma_start3A_183, %dma_start3A_184] : memref<100000x32xf32, #tpu.memory_space<hbm>> -> memref<100000x32xf32, #tpu.memory_space<hbm>>
    tpu.enqueue_indirect_dma source(%dma_start3A_185 : memref<100000x32xf32, #tpu.memory_space<hbm>>) target(%arg13 : memref<128x32xf32, #tpu.memory_space<vmem>>) offsets(%arg10 : memref<128xi32, #tpu.memory_space<vmem>>) semaphore(%arg18 : memref<!tpu.dma_semaphore, #tpu.memory_space<semaphore_mem>>)
    %dma_start3A_186 = arith.constant 0 : i32
    %dma_start3A_187 = arith.constant 0 : i32
    %dma_start3A_188 = tpu.memref_slice %arg6[%dma_start3A_186, %dma_start3A_187] : memref<100000x64xf32, #tpu.memory_space<hbm>> -> memref<100000x64xf32, #tpu.memory_space<hbm>>
    tpu.enqueue_indirect_dma source(%dma_start3A_188 : memref<100000x64xf32, #tpu.memory_space<hbm>>) target(%arg14 : memref<128x64xf32, #tpu.memory_space<vmem>>) offsets(%arg10 : memref<128xi32, #tpu.memory_space<vmem>>) semaphore(%arg18 : memref<!tpu.dma_semaphore, #tpu.memory_space<semaphore_mem>>)
    %dma_start3A_189 = arith.constant 0 : i32
    %dma_start3A_190 = arith.constant 0 : i32
    %dma_start3A_191 = tpu.memref_slice %arg7[%dma_start3A_189, %dma_start3A_190] : memref<1000000x32xf32, #tpu.memory_space<hbm>> -> memref<1000000x32xf32, #tpu.memory_space<hbm>>
    tpu.enqueue_indirect_dma source(%dma_start3A_191 : memref<1000000x32xf32, #tpu.memory_space<hbm>>) target(%arg16 : memref<128x32xf32, #tpu.memory_space<vmem>>) offsets(%arg11 : memref<128xi32, #tpu.memory_space<vmem>>) semaphore(%arg18 : memref<!tpu.dma_semaphore, #tpu.memory_space<semaphore_mem>>)
    %dma_start3A_192 = arith.constant 0 : i32
    %dma_start3A_193 = arith.constant 0 : i32
    %dma_start3A_194 = arith.constant 0 : i32
    %dma_start3A_195 = arith.constant 0 : i32
    %dma_start3A_196 = tpu.memref_slice %arg17[%dma_start3A_193, %dma_start3A_194, %dma_start3A_195] : memref<5x128x32xf32, #tpu.memory_space<vmem>> -> memref<1x128x32xf32, #tpu.memory_space<vmem>>
    %dma_start3A_197 = tpu.memref_squeeze %dma_start3A_196 : memref<1x128x32xf32, #tpu.memory_space<vmem>> -> memref<128x32xf32, #tpu.memory_space<vmem>>
    %dma_start3A_198 = arith.constant 0 : i32
    %dma_start3A_199 = tpu.memref_slice %arg12[%dma_start3A_192, %dma_start3A_198] : memref<5x128xi32, #tpu.memory_space<vmem>> -> memref<1x128xi32, #tpu.memory_space<vmem>>
    %dma_start3A_200 = tpu.memref_squeeze %dma_start3A_199 : memref<1x128xi32, #tpu.memory_space<vmem>> -> memref<128xi32, #tpu.memory_space<vmem>>
    %dma_start3A_201 = arith.constant 0 : i32
    %dma_start3A_202 = arith.constant 0 : i32
    %dma_start3A_203 = tpu.memref_slice %arg7[%dma_start3A_201, %dma_start3A_202] : memref<1000000x32xf32, #tpu.memory_space<hbm>> -> memref<1000000x32xf32, #tpu.memory_space<hbm>>
    tpu.enqueue_indirect_dma source(%dma_start3A_203 : memref<1000000x32xf32, #tpu.memory_space<hbm>>) target(%dma_start3A_197 : memref<128x32xf32, #tpu.memory_space<vmem>>) offsets(%dma_start3A_200 : memref<128xi32, #tpu.memory_space<vmem>>) semaphore(%arg18 : memref<!tpu.dma_semaphore, #tpu.memory_space<semaphore_mem>>)
    %dma_start3A_204 = arith.constant 1 : i32
    %dma_start3A_205 = arith.constant 1 : i32
    %dma_start3A_206 = arith.constant 0 : i32
    %dma_start3A_207 = arith.constant 0 : i32
    %dma_start3A_208 = tpu.memref_slice %arg17[%dma_start3A_205, %dma_start3A_206, %dma_start3A_207] : memref<5x128x32xf32, #tpu.memory_space<vmem>> -> memref<1x128x32xf32, #tpu.memory_space<vmem>>
    %dma_start3A_209 = tpu.memref_squeeze %dma_start3A_208 : memref<1x128x32xf32, #tpu.memory_space<vmem>> -> memref<128x32xf32, #tpu.memory_space<vmem>>
    %dma_start3A_210 = arith.constant 0 : i32
    %dma_start3A_211 = tpu.memref_slice %arg12[%dma_start3A_204, %dma_start3A_210] : memref<5x128xi32, #tpu.memory_space<vmem>> -> memref<1x128xi32, #tpu.memory_space<vmem>>
    %dma_start3A_212 = tpu.memref_squeeze %dma_start3A_211 : memref<1x128xi32, #tpu.memory_space<vmem>> -> memref<128xi32, #tpu.memory_space<vmem>>
    %dma_start3A_213 = arith.constant 0 : i32
    %dma_start3A_214 = arith.constant 0 : i32
    %dma_start3A_215 = tpu.memref_slice %arg7[%dma_start3A_213, %dma_start3A_214] : memref<1000000x32xf32, #tpu.memory_space<hbm>> -> memref<1000000x32xf32, #tpu.memory_space<hbm>>
    tpu.enqueue_indirect_dma source(%dma_start3A_215 : memref<1000000x32xf32, #tpu.memory_space<hbm>>) target(%dma_start3A_209 : memref<128x32xf32, #tpu.memory_space<vmem>>) offsets(%dma_start3A_212 : memref<128xi32, #tpu.memory_space<vmem>>) semaphore(%arg18 : memref<!tpu.dma_semaphore, #tpu.memory_space<semaphore_mem>>)
    %dma_start3A_216 = arith.constant 2 : i32
    %dma_start3A_217 = arith.constant 2 : i32
    %dma_start3A_218 = arith.constant 0 : i32
    %dma_start3A_219 = arith.constant 0 : i32
    %dma_start3A_220 = tpu.memref_slice %arg17[%dma_start3A_217, %dma_start3A_218, %dma_start3A_219] : memref<5x128x32xf32, #tpu.memory_space<vmem>> -> memref<1x128x32xf32, #tpu.memory_space<vmem>>
    %dma_start3A_221 = tpu.memref_squeeze %dma_start3A_220 : memref<1x128x32xf32, #tpu.memory_space<vmem>> -> memref<128x32xf32, #tpu.memory_space<vmem>>
    %dma_start3A_222 = arith.constant 0 : i32
    %dma_start3A_223 = tpu.memref_slice %arg12[%dma_start3A_216, %dma_start3A_222] : memref<5x128xi32, #tpu.memory_space<vmem>> -> memref<1x128xi32, #tpu.memory_space<vmem>>
    %dma_start3A_224 = tpu.memref_squeeze %dma_start3A_223 : memref<1x128xi32, #tpu.memory_space<vmem>> -> memref<128xi32, #tpu.memory_space<vmem>>
    %dma_start3A_225 = arith.constant 0 : i32
    %dma_start3A_226 = arith.constant 0 : i32
    %dma_start3A_227 = tpu.memref_slice %arg7[%dma_start3A_225, %dma_start3A_226] : memref<1000000x32xf32, #tpu.memory_space<hbm>> -> memref<1000000x32xf32, #tpu.memory_space<hbm>>
    tpu.enqueue_indirect_dma source(%dma_start3A_227 : memref<1000000x32xf32, #tpu.memory_space<hbm>>) target(%dma_start3A_221 : memref<128x32xf32, #tpu.memory_space<vmem>>) offsets(%dma_start3A_224 : memref<128xi32, #tpu.memory_space<vmem>>) semaphore(%arg18 : memref<!tpu.dma_semaphore, #tpu.memory_space<semaphore_mem>>)
    %dma_start3A_228 = arith.constant 3 : i32
    %dma_start3A_229 = arith.constant 3 : i32
    %dma_start3A_230 = arith.constant 0 : i32
    %dma_start3A_231 = arith.constant 0 : i32
    %dma_start3A_232 = tpu.memref_slice %arg17[%dma_start3A_229, %dma_start3A_230, %dma_start3A_231] : memref<5x128x32xf32, #tpu.memory_space<vmem>> -> memref<1x128x32xf32, #tpu.memory_space<vmem>>
    %dma_start3A_233 = tpu.memref_squeeze %dma_start3A_232 : memref<1x128x32xf32, #tpu.memory_space<vmem>> -> memref<128x32xf32, #tpu.memory_space<vmem>>
    %dma_start3A_234 = arith.constant 0 : i32
    %dma_start3A_235 = tpu.memref_slice %arg12[%dma_start3A_228, %dma_start3A_234] : memref<5x128xi32, #tpu.memory_space<vmem>> -> memref<1x128xi32, #tpu.memory_space<vmem>>
    %dma_start3A_236 = tpu.memref_squeeze %dma_start3A_235 : memref<1x128xi32, #tpu.memory_space<vmem>> -> memref<128xi32, #tpu.memory_space<vmem>>
    %dma_start3A_237 = arith.constant 0 : i32
    %dma_start3A_238 = arith.constant 0 : i32
    %dma_start3A_239 = tpu.memref_slice %arg7[%dma_start3A_237, %dma_start3A_238] : memref<1000000x32xf32, #tpu.memory_space<hbm>> -> memref<1000000x32xf32, #tpu.memory_space<hbm>>
    tpu.enqueue_indirect_dma source(%dma_start3A_239 : memref<1000000x32xf32, #tpu.memory_space<hbm>>) target(%dma_start3A_233 : memref<128x32xf32, #tpu.memory_space<vmem>>) offsets(%dma_start3A_236 : memref<128xi32, #tpu.memory_space<vmem>>) semaphore(%arg18 : memref<!tpu.dma_semaphore, #tpu.memory_space<semaphore_mem>>)
    %dma_start3A_240 = arith.constant 4 : i32
    %dma_start3A_241 = arith.constant 4 : i32
    %dma_start3A_242 = arith.constant 0 : i32
    %dma_start3A_243 = arith.constant 0 : i32
    %dma_start3A_244 = tpu.memref_slice %arg17[%dma_start3A_241, %dma_start3A_242, %dma_start3A_243] : memref<5x128x32xf32, #tpu.memory_space<vmem>> -> memref<1x128x32xf32, #tpu.memory_space<vmem>>
    %dma_start3A_245 = tpu.memref_squeeze %dma_start3A_244 : memref<1x128x32xf32, #tpu.memory_space<vmem>> -> memref<128x32xf32, #tpu.memory_space<vmem>>
    %dma_start3A_246 = arith.constant 0 : i32
    %dma_start3A_247 = tpu.memref_slice %arg12[%dma_start3A_240, %dma_start3A_246] : memref<5x128xi32, #tpu.memory_space<vmem>> -> memref<1x128xi32, #tpu.memory_space<vmem>>
    %dma_start3A_248 = tpu.memref_squeeze %dma_start3A_247 : memref<1x128xi32, #tpu.memory_space<vmem>> -> memref<128xi32, #tpu.memory_space<vmem>>
    %dma_start3A_249 = arith.constant 0 : i32
    %dma_start3A_250 = arith.constant 0 : i32
    %dma_start3A_251 = tpu.memref_slice %arg7[%dma_start3A_249, %dma_start3A_250] : memref<1000000x32xf32, #tpu.memory_space<hbm>> -> memref<1000000x32xf32, #tpu.memory_space<hbm>>
    tpu.enqueue_indirect_dma source(%dma_start3A_251 : memref<1000000x32xf32, #tpu.memory_space<hbm>>) target(%dma_start3A_245 : memref<128x32xf32, #tpu.memory_space<vmem>>) offsets(%dma_start3A_248 : memref<128xi32, #tpu.memory_space<vmem>>) semaphore(%arg18 : memref<!tpu.dma_semaphore, #tpu.memory_space<semaphore_mem>>)
    %dma_wait3A_252 = arith.constant 0 : i32
    %dma_wait3A_253 = arith.constant 0 : i32
    %dma_wait3A_254 = tpu.memref_slice %arg5[%dma_wait3A_252, %dma_wait3A_253] : memref<100000x32xf32, #tpu.memory_space<hbm>> -> memref<100000x32xf32, #tpu.memory_space<hbm>>
    tpu.wait_indirect_dma semaphore(%arg18 : memref<!tpu.dma_semaphore, #tpu.memory_space<semaphore_mem>>) src(%dma_wait3A_254 : memref<100000x32xf32, #tpu.memory_space<hbm>>) dst(%arg13 : memref<128x32xf32, #tpu.memory_space<vmem>>)
    %dma_wait3A_255 = arith.constant 0 : i32
    %dma_wait3A_256 = arith.constant 0 : i32
    %dma_wait3A_257 = tpu.memref_slice %arg6[%dma_wait3A_255, %dma_wait3A_256] : memref<100000x64xf32, #tpu.memory_space<hbm>> -> memref<100000x64xf32, #tpu.memory_space<hbm>>
    tpu.wait_indirect_dma semaphore(%arg18 : memref<!tpu.dma_semaphore, #tpu.memory_space<semaphore_mem>>) src(%dma_wait3A_257 : memref<100000x64xf32, #tpu.memory_space<hbm>>) dst(%arg14 : memref<128x64xf32, #tpu.memory_space<vmem>>)
    %scan3A_258 = arith.constant 0 : i32
    %scan3A_259 = arith.constant 128 : i32
    %scan3A_260 = arith.addi %scan3A_258, %scan3A_259 : i32
    %scan3A_261 = arith.constant 1 : i32
    scf.for %scan3A_665 = %scan3A_258 to %scan3A_260 step %scan3A_261  : i32 {
      %mul3A_666 = arith.constant 1 : i32
      %mul3A_667 = arith.muli %scan3A_665, %mul3A_666 : i32
      %add3A_668 = arith.constant 0 : i32
      %add3A_669 = arith.addi %add3A_668, %mul3A_667 : i32
      %get3A = arith.index_cast %add3A_669 : i32 to index
      %get3A_670 = arith.constant 0 : index
      %get3A_671 = tpu.vector_load %arg13[%get3A, %get3A_670] {strides = array<i32>} : memref<128x32xf32, #tpu.memory_space<vmem>>, vector<1x16xf32>,
      %get3A_672 = vector.shape_cast %get3A_671 : vector<1x16xf32> to vector<16xf32>
      %mul3A_673 = arith.constant 2.000000e+00 : f32
      %mul3A_674 = vector.broadcast %mul3A_673 : f32 to vector<16xf32>
      %mul3A_675 = arith.mulf %get3A_672, %mul3A_674 : vector<16xf32>
      %get3A_676 = arith.index_cast %add3A_669 : i32 to index
      %get3A_677 = arith.constant 0 : index
      %get3A_678 = tpu.vector_load %arg14[%get3A_676, %get3A_677] {strides = array<i32>} : memref<128x64xf32, #tpu.memory_space<vmem>>, vector<1x16xf32>,
      %get3A_679 = vector.shape_cast %get3A_678 : vector<1x16xf32> to vector<16xf32>
      %add3A_680 = arith.addf %mul3A_675, %get3A_679 : vector<16xf32>
      %get3A_681 = arith.index_cast %add3A_669 : i32 to index
      %get3A_682 = arith.constant 32 : index
      %get3A_683 = tpu.vector_load %arg14[%get3A_681, %get3A_682] {strides = array<i32>} : memref<128x64xf32, #tpu.memory_space<vmem>>, vector<1x16xf32>,
      %get3A_684 = vector.shape_cast %get3A_683 : vector<1x16xf32> to vector<16xf32>
      %add3A_685 = arith.addf %add3A_680, %get3A_684 : vector<16xf32>
      %swap3A = arith.index_cast %add3A_669 : i32 to index
      %swap3A_686 = arith.constant 0 : index
      %swap3A_687 = tpu.vector_load %arg15[%swap3A, %swap3A_686] {strides = array<i32>} : memref<128x32xf32, #tpu.memory_space<vmem>>, vector<1x16xf32>,
      %swap3A_688 = vector.shape_cast %swap3A_687 : vector<1x16xf32> to vector<16xf32>
      %swap3A_689 = vector.shape_cast %add3A_685 : vector<16xf32> to vector<1x16xf32>
      tpu.vector_store %arg15[%swap3A, %swap3A_686], %swap3A_689 {strides = array<i32>} : memref<128x32xf32, #tpu.memory_space<vmem>>, vector<1x16xf32>,
      %get3A_690 = arith.index_cast %add3A_669 : i32 to index
      %get3A_691 = arith.constant 16 : index
      %get3A_692 = tpu.vector_load %arg13[%get3A_690, %get3A_691] {strides = array<i32>} : memref<128x32xf32, #tpu.memory_space<vmem>>, vector<1x16xf32>,
      %get3A_693 = vector.shape_cast %get3A_692 : vector<1x16xf32> to vector<16xf32>
      %mul3A_694 = arith.constant 2.000000e+00 : f32
      %mul3A_695 = vector.broadcast %mul3A_694 : f32 to vector<16xf32>
      %mul3A_696 = arith.mulf %get3A_693, %mul3A_695 : vector<16xf32>
      %get3A_697 = arith.index_cast %add3A_669 : i32 to index
      %get3A_698 = arith.constant 16 : index
      %get3A_699 = tpu.vector_load %arg14[%get3A_697, %get3A_698] {strides = array<i32>} : memref<128x64xf32, #tpu.memory_space<vmem>>, vector<1x16xf32>,
      %get3A_700 = vector.shape_cast %get3A_699 : vector<1x16xf32> to vector<16xf32>
      %add3A_701 = arith.addf %mul3A_696, %get3A_700 : vector<16xf32>
      %get3A_702 = arith.index_cast %add3A_669 : i32 to index
      %get3A_703 = arith.constant 48 : index
      %get3A_704 = tpu.vector_load %arg14[%get3A_702, %get3A_703] {strides = array<i32>} : memref<128x64xf32, #tpu.memory_space<vmem>>, vector<1x16xf32>,
      %get3A_705 = vector.shape_cast %get3A_704 : vector<1x16xf32> to vector<16xf32>
      %add3A_706 = arith.addf %add3A_701, %get3A_705 : vector<16xf32>
      %swap3A_707 = arith.index_cast %add3A_669 : i32 to index
      %swap3A_708 = arith.constant 16 : index
      %swap3A_709 = tpu.vector_load %arg15[%swap3A_707, %swap3A_708] {strides = array<i32>} : memref<128x32xf32, #tpu.memory_space<vmem>>, vector<1x16xf32>,
      %swap3A_710 = vector.shape_cast %swap3A_709 : vector<1x16xf32> to vector<16xf32>
      %swap3A_711 = vector.shape_cast %add3A_706 : vector<16xf32> to vector<1x16xf32>
      tpu.vector_store %arg15[%swap3A_707, %swap3A_708], %swap3A_711 {strides = array<i32>} : memref<128x32xf32, #tpu.memory_space<vmem>>, vector<1x16xf32>,
    }
    %scan3A_262 = arith.constant 128 : i32
    %dma_wait3A_263 = arith.constant 0 : i32
    %dma_wait3A_264 = arith.constant 0 : i32
    %dma_wait3A_265 = tpu.memref_slice %arg7[%dma_wait3A_263, %dma_wait3A_264] : memref<1000000x32xf32, #tpu.memory_space<hbm>> -> memref<1000000x32xf32, #tpu.memory_space<hbm>>
    tpu.wait_indirect_dma semaphore(%arg18 : memref<!tpu.dma_semaphore, #tpu.memory_space<semaphore_mem>>) src(%dma_wait3A_265 : memref<1000000x32xf32, #tpu.memory_space<hbm>>) dst(%arg16 : memref<128x32xf32, #tpu.memory_space<vmem>>)
    %dma_wait3A_266 = arith.constant 0 : i32
    %dma_wait3A_267 = arith.constant 0 : i32
    %dma_wait3A_268 = arith.constant 0 : i32
    %dma_wait3A_269 = arith.constant 0 : i32
    %dma_wait3A_270 = tpu.memref_slice %arg17[%dma_wait3A_267, %dma_wait3A_268, %dma_wait3A_269] : memref<5x128x32xf32, #tpu.memory_space<vmem>> -> memref<1x128x32xf32, #tpu.memory_space<vmem>>
    %dma_wait3A_271 = tpu.memref_squeeze %dma_wait3A_270 : memref<1x128x32xf32, #tpu.memory_space<vmem>> -> memref<128x32xf32, #tpu.memory_space<vmem>>
    %dma_wait3A_272 = arith.constant 0 : i32
    %dma_wait3A_273 = tpu.memref_slice %arg12[%dma_wait3A_266, %dma_wait3A_272] : memref<5x128xi32, #tpu.memory_space<vmem>> -> memref<1x128xi32, #tpu.memory_space<vmem>>
    %dma_wait3A_274 = tpu.memref_squeeze %dma_wait3A_273 : memref<1x128xi32, #tpu.memory_space<vmem>> -> memref<128xi32, #tpu.memory_space<vmem>>
    %dma_wait3A_275 = arith.constant 0 : i32
    %dma_wait3A_276 = arith.constant 0 : i32
    %dma_wait3A_277 = tpu.memref_slice %arg7[%dma_wait3A_275, %dma_wait3A_276] : memref<1000000x32xf32, #tpu.memory_space<hbm>> -> memref<1000000x32xf32, #tpu.memory_space<hbm>>
    tpu.wait_indirect_dma semaphore(%arg18 : memref<!tpu.dma_semaphore, #tpu.memory_space<semaphore_mem>>) src(%dma_wait3A_277 : memref<1000000x32xf32, #tpu.memory_space<hbm>>) dst(%dma_wait3A_271 : memref<128x32xf32, #tpu.memory_space<vmem>>)
    %dma_wait3A_278 = arith.constant 1 : i32
    %dma_wait3A_279 = arith.constant 1 : i32
    %dma_wait3A_280 = arith.constant 0 : i32
    %dma_wait3A_281 = arith.constant 0 : i32
    %dma_wait3A_282 = tpu.memref_slice %arg17[%dma_wait3A_279, %dma_wait3A_280, %dma_wait3A_281] : memref<5x128x32xf32, #tpu.memory_space<vmem>> -> memref<1x128x32xf32, #tpu.memory_space<vmem>>
    %dma_wait3A_283 = tpu.memref_squeeze %dma_wait3A_282 : memref<1x128x32xf32, #tpu.memory_space<vmem>> -> memref<128x32xf32, #tpu.memory_space<vmem>>
    %dma_wait3A_284 = arith.constant 0 : i32
    %dma_wait3A_285 = tpu.memref_slice %arg12[%dma_wait3A_278, %dma_wait3A_284] : memref<5x128xi32, #tpu.memory_space<vmem>> -> memref<1x128xi32, #tpu.memory_space<vmem>>
    %dma_wait3A_286 = tpu.memref_squeeze %dma_wait3A_285 : memref<1x128xi32, #tpu.memory_space<vmem>> -> memref<128xi32, #tpu.memory_space<vmem>>
    %dma_wait3A_287 = arith.constant 0 : i32
    %dma_wait3A_288 = arith.constant 0 : i32
    %dma_wait3A_289 = tpu.memref_slice %arg7[%dma_wait3A_287, %dma_wait3A_288] : memref<1000000x32xf32, #tpu.memory_space<hbm>> -> memref<1000000x32xf32, #tpu.memory_space<hbm>>
    tpu.wait_indirect_dma semaphore(%arg18 : memref<!tpu.dma_semaphore, #tpu.memory_space<semaphore_mem>>) src(%dma_wait3A_289 : memref<1000000x32xf32, #tpu.memory_space<hbm>>) dst(%dma_wait3A_283 : memref<128x32xf32, #tpu.memory_space<vmem>>)
    %dma_wait3A_290 = arith.constant 2 : i32
    %dma_wait3A_291 = arith.constant 2 : i32
    %dma_wait3A_292 = arith.constant 0 : i32
    %dma_wait3A_293 = arith.constant 0 : i32
    %dma_wait3A_294 = tpu.memref_slice %arg17[%dma_wait3A_291, %dma_wait3A_292, %dma_wait3A_293] : memref<5x128x32xf32, #tpu.memory_space<vmem>> -> memref<1x128x32xf32, #tpu.memory_space<vmem>>
    %dma_wait3A_295 = tpu.memref_squeeze %dma_wait3A_294 : memref<1x128x32xf32, #tpu.memory_space<vmem>> -> memref<128x32xf32, #tpu.memory_space<vmem>>
    %dma_wait3A_296 = arith.constant 0 : i32
    %dma_wait3A_297 = tpu.memref_slice %arg12[%dma_wait3A_290, %dma_wait3A_296] : memref<5x128xi32, #tpu.memory_space<vmem>> -> memref<1x128xi32, #tpu.memory_space<vmem>>
    %dma_wait3A_298 = tpu.memref_squeeze %dma_wait3A_297 : memref<1x128xi32, #tpu.memory_space<vmem>> -> memref<128xi32, #tpu.memory_space<vmem>>
    %dma_wait3A_299 = arith.constant 0 : i32
    %dma_wait3A_300 = arith.constant 0 : i32
    %dma_wait3A_301 = tpu.memref_slice %arg7[%dma_wait3A_299, %dma_wait3A_300] : memref<1000000x32xf32, #tpu.memory_space<hbm>> -> memref<1000000x32xf32, #tpu.memory_space<hbm>>
    tpu.wait_indirect_dma semaphore(%arg18 : memref<!tpu.dma_semaphore, #tpu.memory_space<semaphore_mem>>) src(%dma_wait3A_301 : memref<1000000x32xf32, #tpu.memory_space<hbm>>) dst(%dma_wait3A_295 : memref<128x32xf32, #tpu.memory_space<vmem>>)
    %dma_wait3A_302 = arith.constant 3 : i32
    %dma_wait3A_303 = arith.constant 3 : i32
    %dma_wait3A_304 = arith.constant 0 : i32
    %dma_wait3A_305 = arith.constant 0 : i32
    %dma_wait3A_306 = tpu.memref_slice %arg17[%dma_wait3A_303, %dma_wait3A_304, %dma_wait3A_305] : memref<5x128x32xf32, #tpu.memory_space<vmem>> -> memref<1x128x32xf32, #tpu.memory_space<vmem>>
    %dma_wait3A_307 = tpu.memref_squeeze %dma_wait3A_306 : memref<1x128x32xf32, #tpu.memory_space<vmem>> -> memref<128x32xf32, #tpu.memory_space<vmem>>
    %dma_wait3A_308 = arith.constant 0 : i32
    %dma_wait3A_309 = tpu.memref_slice %arg12[%dma_wait3A_302, %dma_wait3A_308] : memref<5x128xi32, #tpu.memory_space<vmem>> -> memref<1x128xi32, #tpu.memory_space<vmem>>
    %dma_wait3A_310 = tpu.memref_squeeze %dma_wait3A_309 : memref<1x128xi32, #tpu.memory_space<vmem>> -> memref<128xi32, #tpu.memory_space<vmem>>
    %dma_wait3A_311 = arith.constant 0 : i32
    %dma_wait3A_312 = arith.constant 0 : i32
    %dma_wait3A_313 = tpu.memref_slice %arg7[%dma_wait3A_311, %dma_wait3A_312] : memref<1000000x32xf32, #tpu.memory_space<hbm>> -> memref<1000000x32xf32, #tpu.memory_space<hbm>>
    tpu.wait_indirect_dma semaphore(%arg18 : memref<!tpu.dma_semaphore, #tpu.memory_space<semaphore_mem>>) src(%dma_wait3A_313 : memref<1000000x32xf32, #tpu.memory_space<hbm>>) dst(%dma_wait3A_307 : memref<128x32xf32, #tpu.memory_space<vmem>>)
    %dma_wait3A_314 = arith.constant 4 : i32
    %dma_wait3A_315 = arith.constant 4 : i32
    %dma_wait3A_316 = arith.constant 0 : i32
    %dma_wait3A_317 = arith.constant 0 : i32
    %dma_wait3A_318 = tpu.memref_slice %arg17[%dma_wait3A_315, %dma_wait3A_316, %dma_wait3A_317] : memref<5x128x32xf32, #tpu.memory_space<vmem>> -> memref<1x128x32xf32, #tpu.memory_space<vmem>>
    %dma_wait3A_319 = tpu.memref_squeeze %dma_wait3A_318 : memref<1x128x32xf32, #tpu.memory_space<vmem>> -> memref<128x32xf32, #tpu.memory_space<vmem>>
    %dma_wait3A_320 = arith.constant 0 : i32
    %dma_wait3A_321 = tpu.memref_slice %arg12[%dma_wait3A_314, %dma_wait3A_320] : memref<5x128xi32, #tpu.memory_space<vmem>> -> memref<1x128xi32, #tpu.memory_space<vmem>>
    %dma_wait3A_322 = tpu.memref_squeeze %dma_wait3A_321 : memref<1x128xi32, #tpu.memory_space<vmem>> -> memref<128xi32, #tpu.memory_space<vmem>>
    %dma_wait3A_323 = arith.constant 0 : i32
    %dma_wait3A_324 = arith.constant 0 : i32
    %dma_wait3A_325 = tpu.memref_slice %arg7[%dma_wait3A_323, %dma_wait3A_324] : memref<1000000x32xf32, #tpu.memory_space<hbm>> -> memref<1000000x32xf32, #tpu.memory_space<hbm>>
    tpu.wait_indirect_dma semaphore(%arg18 : memref<!tpu.dma_semaphore, #tpu.memory_space<semaphore_mem>>) src(%dma_wait3A_325 : memref<1000000x32xf32, #tpu.memory_space<hbm>>) dst(%dma_wait3A_319 : memref<128x32xf32, #tpu.memory_space<vmem>>)
    "tpu.region"() ({
      %run_scoped3A_665 = tpu.sem_alloc : memref<!tpu.dma_semaphore, #tpu.memory_space<semaphore_mem>>
      %dma_start3A_666 = arith.constant 0 : i32
      %dma_start3A_667 = tpu.memref_slice %arg8[%add3A_167, %dma_start3A_666] : memref<16384x128xf32, #tpu.memory_space<hbm>> -> memref<128x32xf32, #tpu.memory_space<hbm>>
      %dma_start3A_668 = arith.constant 0 : i32
      %dma_start3A_669 = tpu.memref_slice %arg8[%add3A_167, %dma_start3A_668] : memref<16384x128xf32, #tpu.memory_space<hbm>> -> memref<128x32xf32, #tpu.memory_space<hbm>>
      tpu.enqueue_dma source(%arg15 : memref<128x32xf32, #tpu.memory_space<vmem>>) target(%dma_start3A_669 : memref<128x32xf32, #tpu.memory_space<hbm>>) target_semaphore(%run_scoped3A_665 : memref<!tpu.dma_semaphore, #tpu.memory_space<semaphore_mem>>)
      %dma_wait3A_670 = arith.constant 0 : i32
      %dma_wait3A_671 = tpu.memref_slice %arg8[%add3A_167, %dma_wait3A_670] : memref<16384x128xf32, #tpu.memory_space<hbm>> -> memref<128x32xf32, #tpu.memory_space<hbm>>
      %dma_wait3A_672 = arith.constant 0 : i32
      %dma_wait3A_673 = tpu.memref_slice %arg8[%add3A_167, %dma_wait3A_672] : memref<16384x128xf32, #tpu.memory_space<hbm>> -> memref<128x32xf32, #tpu.memory_space<hbm>>
      tpu.wait_dma2 semaphore(%run_scoped3A_665 : memref<!tpu.dma_semaphore, #tpu.memory_space<semaphore_mem>>) src(%arg15 : memref<128x32xf32, #tpu.memory_space<vmem>>) dst(%dma_wait3A_673 : memref<128x32xf32, #tpu.memory_space<hbm>>)
      tpu.yield
    }) : () -> ()
    "tpu.region"() ({
      %run_scoped3A_665 = tpu.sem_alloc : memref<!tpu.dma_semaphore, #tpu.memory_space<semaphore_mem>>
      %dma_start3A_666 = arith.constant 32 : i32
      %dma_start3A_667 = tpu.memref_slice %arg8[%add3A_167, %dma_start3A_666] : memref<16384x128xf32, #tpu.memory_space<hbm>> -> memref<128x32xf32, #tpu.memory_space<hbm>>
      %dma_start3A_668 = arith.constant 32 : i32
      %dma_start3A_669 = tpu.memref_slice %arg8[%add3A_167, %dma_start3A_668] : memref<16384x128xf32, #tpu.memory_space<hbm>> -> memref<128x32xf32, #tpu.memory_space<hbm>>
      tpu.enqueue_dma source(%arg16 : memref<128x32xf32, #tpu.memory_space<vmem>>) target(%dma_start3A_669 : memref<128x32xf32, #tpu.memory_space<hbm>>) target_semaphore(%run_scoped3A_665 : memref<!tpu.dma_semaphore, #tpu.memory_space<semaphore_mem>>)
      %dma_wait3A_670 = arith.constant 32 : i32
      %dma_wait3A_671 = tpu.memref_slice %arg8[%add3A_167, %dma_wait3A_670] : memref<16384x128xf32, #tpu.memory_space<hbm>> -> memref<128x32xf32, #tpu.memory_space<hbm>>
      %dma_wait3A_672 = arith.constant 32 : i32
      %dma_wait3A_673 = tpu.memref_slice %arg8[%add3A_167, %dma_wait3A_672] : memref<16384x128xf32, #tpu.memory_space<hbm>> -> memref<128x32xf32, #tpu.memory_space<hbm>>
      tpu.wait_dma2 semaphore(%run_scoped3A_665 : memref<!tpu.dma_semaphore, #tpu.memory_space<semaphore_mem>>) src(%arg16 : memref<128x32xf32, #tpu.memory_space<vmem>>) dst(%dma_wait3A_673 : memref<128x32xf32, #tpu.memory_space<hbm>>)
      tpu.yield
    }) : () -> ()
    %run_scoped3A_326 = arith.constant 0 : i32
    "tpu.region"() ({
      %run_scoped3A_665 = tpu.sem_alloc : memref<!tpu.dma_semaphore, #tpu.memory_space<semaphore_mem>>
      %dma_start3A_666 = arith.constant 0 : i32
      %dma_start3A_667 = arith.constant 0 : i32
      %dma_start3A_668 = tpu.memref_slice %arg17[%run_scoped3A_326, %dma_start3A_666, %dma_start3A_667] : memref<5x128x32xf32, #tpu.memory_space<vmem>> -> memref<1x128x32xf32, #tpu.memory_space<vmem>>
      %dma_start3A_669 = tpu.memref_squeeze %dma_start3A_668 : memref<1x128x32xf32, #tpu.memory_space<vmem>> -> memref<128x32xf32, #tpu.memory_space<vmem>>
      %dma_start3A_670 = arith.constant 64 : i32
      %dma_start3A_671 = tpu.memref_slice %arg8[%add3A_167, %dma_start3A_670] : memref<16384x128xf32, #tpu.memory_space<hbm>> -> memref<128x32xf32, #tpu.memory_space<hbm>>
      %dma_start3A_672 = arith.constant 64 : i32
      %dma_start3A_673 = tpu.memref_slice %arg8[%add3A_167, %dma_start3A_672] : memref<16384x128xf32, #tpu.memory_space<hbm>> -> memref<128x32xf32, #tpu.memory_space<hbm>>
      %dma_start3A_674 = arith.constant 0 : i32
      %dma_start3A_675 = arith.constant 0 : i32
      %dma_start3A_676 = tpu.memref_slice %arg17[%run_scoped3A_326, %dma_start3A_674, %dma_start3A_675] : memref<5x128x32xf32, #tpu.memory_space<vmem>> -> memref<1x128x32xf32, #tpu.memory_space<vmem>>
      %dma_start3A_677 = tpu.memref_squeeze %dma_start3A_676 : memref<1x128x32xf32, #tpu.memory_space<vmem>> -> memref<128x32xf32, #tpu.memory_space<vmem>>
      tpu.enqueue_dma source(%dma_start3A_677 : memref<128x32xf32, #tpu.memory_space<vmem>>) target(%dma_start3A_673 : memref<128x32xf32, #tpu.memory_space<hbm>>) target_semaphore(%run_scoped3A_665 : memref<!tpu.dma_semaphore, #tpu.memory_space<semaphore_mem>>)
      %dma_wait3A_678 = arith.constant 0 : i32
      %dma_wait3A_679 = arith.constant 0 : i32
      %dma_wait3A_680 = tpu.memref_slice %arg17[%run_scoped3A_326, %dma_wait3A_678, %dma_wait3A_679] : memref<5x128x32xf32, #tpu.memory_space<vmem>> -> memref<1x128x32xf32, #tpu.memory_space<vmem>>
      %dma_wait3A_681 = tpu.memref_squeeze %dma_wait3A_680 : memref<1x128x32xf32, #tpu.memory_space<vmem>> -> memref<128x32xf32, #tpu.memory_space<vmem>>
      %dma_wait3A_682 = arith.constant 64 : i32
      %dma_wait3A_683 = tpu.memref_slice %arg8[%add3A_167, %dma_wait3A_682] : memref<16384x128xf32, #tpu.memory_space<hbm>> -> memref<128x32xf32, #tpu.memory_space<hbm>>
      %dma_wait3A_684 = arith.constant 64 : i32
      %dma_wait3A_685 = tpu.memref_slice %arg8[%add3A_167, %dma_wait3A_684] : memref<16384x128xf32, #tpu.memory_space<hbm>> -> memref<128x32xf32, #tpu.memory_space<hbm>>
      %dma_wait3A_686 = arith.constant 0 : i32
      %dma_wait3A_687 = arith.constant 0 : i32
      %dma_wait3A_688 = tpu.memref_slice %arg17[%run_scoped3A_326, %dma_wait3A_686, %dma_wait3A_687] : memref<5x128x32xf32, #tpu.memory_space<vmem>> -> memref<1x128x32xf32, #tpu.memory_space<vmem>>
      %dma_wait3A_689 = tpu.memref_squeeze %dma_wait3A_688 : memref<1x128x32xf32, #tpu.memory_space<vmem>> -> memref<128x32xf32, #tpu.memory_space<vmem>>
      tpu.wait_dma2 semaphore(%run_scoped3A_665 : memref<!tpu.dma_semaphore, #tpu.memory_space<semaphore_mem>>) src(%dma_wait3A_689 : memref<128x32xf32, #tpu.memory_space<vmem>>) dst(%dma_wait3A_685 : memref<128x32xf32, #tpu.memory_space<hbm>>)
      tpu.yield
    }) : () -> ()
    %run_scoped3A_327 = arith.constant 1 : i32
    "tpu.region"() ({
      %run_scoped3A_665 = tpu.sem_alloc : memref<!tpu.dma_semaphore, #tpu.memory_space<semaphore_mem>>
      %dma_start3A_666 = arith.constant 0 : i32
      %dma_start3A_667 = arith.constant 0 : i32
      %dma_start3A_668 = tpu.memref_slice %arg17[%run_scoped3A_327, %dma_start3A_666, %dma_start3A_667] : memref<5x128x32xf32, #tpu.memory_space<vmem>> -> memref<1x128x32xf32, #tpu.memory_space<vmem>>
      %dma_start3A_669 = tpu.memref_squeeze %dma_start3A_668 : memref<1x128x32xf32, #tpu.memory_space<vmem>> -> memref<128x32xf32, #tpu.memory_space<vmem>>
      %dma_start3A_670 = arith.constant 96 : i32
      %dma_start3A_671 = tpu.memref_slice %arg8[%add3A_167, %dma_start3A_670] : memref<16384x128xf32, #tpu.memory_space<hbm>> -> memref<128x32xf32, #tpu.memory_space<hbm>>
      %dma_start3A_672 = arith.constant 96 : i32
      %dma_start3A_673 = tpu.memref_slice %arg8[%add3A_167, %dma_start3A_672] : memref<16384x128xf32, #tpu.memory_space<hbm>> -> memref<128x32xf32, #tpu.memory_space<hbm>>
      %dma_start3A_674 = arith.constant 0 : i32
      %dma_start3A_675 = arith.constant 0 : i32
      %dma_start3A_676 = tpu.memref_slice %arg17[%run_scoped3A_327, %dma_start3A_674, %dma_start3A_675] : memref<5x128x32xf32, #tpu.memory_space<vmem>> -> memref<1x128x32xf32, #tpu.memory_space<vmem>>
      %dma_start3A_677 = tpu.memref_squeeze %dma_start3A_676 : memref<1x128x32xf32, #tpu.memory_space<vmem>> -> memref<128x32xf32, #tpu.memory_space<vmem>>
      tpu.enqueue_dma source(%dma_start3A_677 : memref<128x32xf32, #tpu.memory_space<vmem>>) target(%dma_start3A_673 : memref<128x32xf32, #tpu.memory_space<hbm>>) target_semaphore(%run_scoped3A_665 : memref<!tpu.dma_semaphore, #tpu.memory_space<semaphore_mem>>)
      %dma_wait3A_678 = arith.constant 0 : i32
      %dma_wait3A_679 = arith.constant 0 : i32
      %dma_wait3A_680 = tpu.memref_slice %arg17[%run_scoped3A_327, %dma_wait3A_678, %dma_wait3A_679] : memref<5x128x32xf32, #tpu.memory_space<vmem>> -> memref<1x128x32xf32, #tpu.memory_space<vmem>>
      %dma_wait3A_681 = tpu.memref_squeeze %dma_wait3A_680 : memref<1x128x32xf32, #tpu.memory_space<vmem>> -> memref<128x32xf32, #tpu.memory_space<vmem>>
      %dma_wait3A_682 = arith.constant 96 : i32
      %dma_wait3A_683 = tpu.memref_slice %arg8[%add3A_167, %dma_wait3A_682] : memref<16384x128xf32, #tpu.memory_space<hbm>> -> memref<128x32xf32, #tpu.memory_space<hbm>>
      %dma_wait3A_684 = arith.constant 96 : i32
      %dma_wait3A_685 = tpu.memref_slice %arg8[%add3A_167, %dma_wait3A_684] : memref<16384x128xf32, #tpu.memory_space<hbm>> -> memref<128x32xf32, #tpu.memory_space<hbm>>
      %dma_wait3A_686 = arith.constant 0 : i32
      %dma_wait3A_687 = arith.constant 0 : i32
      %dma_wait3A_688 = tpu.memref_slice %arg17[%run_scoped3A_327, %dma_wait3A_686, %dma_wait3A_687] : memref<5x128x32xf32, #tpu.memory_space<vmem>> -> memref<1x128x32xf32, #tpu.memory_space<vmem>>
      %dma_wait3A_689 = tpu.memref_squeeze %dma_wait3A_688 : memref<1x128x32xf32, #tpu.memory_space<vmem>> -> memref<128x32xf32, #tpu.memory_space<vmem>>
      tpu.wait_dma2 semaphore(%run_scoped3A_665 : memref<!tpu.dma_semaphore, #tpu.memory_space<semaphore_mem>>) src(%dma_wait3A_689 : memref<128x32xf32, #tpu.memory_space<vmem>>) dst(%dma_wait3A_685 : memref<128x32xf32, #tpu.memory_space<hbm>>)
      tpu.yield
    }) : () -> ()
    %run_scoped3A_328 = arith.constant 2 : i32
    "tpu.region"() ({
      %run_scoped3A_665 = tpu.sem_alloc : memref<!tpu.dma_semaphore, #tpu.memory_space<semaphore_mem>>
      %dma_start3A_666 = arith.constant 0 : i32
      %dma_start3A_667 = arith.constant 0 : i32
      %dma_start3A_668 = tpu.memref_slice %arg17[%run_scoped3A_328, %dma_start3A_666, %dma_start3A_667] : memref<5x128x32xf32, #tpu.memory_space<vmem>> -> memref<1x128x32xf32, #tpu.memory_space<vmem>>
      %dma_start3A_669 = tpu.memref_squeeze %dma_start3A_668 : memref<1x128x32xf32, #tpu.memory_space<vmem>> -> memref<128x32xf32, #tpu.memory_space<vmem>>
      %dma_start3A_670 = arith.constant 0 : i32
      %dma_start3A_671 = tpu.memref_slice %arg9[%add3A_167, %dma_start3A_670] : memref<16384x128xf32, #tpu.memory_space<hbm>> -> memref<128x32xf32, #tpu.memory_space<hbm>>
      %dma_start3A_672 = arith.constant 0 : i32
      %dma_start3A_673 = tpu.memref_slice %arg9[%add3A_167, %dma_start3A_672] : memref<16384x128xf32, #tpu.memory_space<hbm>> -> memref<128x32xf32, #tpu.memory_space<hbm>>
      %dma_start3A_674 = arith.constant 0 : i32
      %dma_start3A_675 = arith.constant 0 : i32
      %dma_start3A_676 = tpu.memref_slice %arg17[%run_scoped3A_328, %dma_start3A_674, %dma_start3A_675] : memref<5x128x32xf32, #tpu.memory_space<vmem>> -> memref<1x128x32xf32, #tpu.memory_space<vmem>>
      %dma_start3A_677 = tpu.memref_squeeze %dma_start3A_676 : memref<1x128x32xf32, #tpu.memory_space<vmem>> -> memref<128x32xf32, #tpu.memory_space<vmem>>
      tpu.enqueue_dma source(%dma_start3A_677 : memref<128x32xf32, #tpu.memory_space<vmem>>) target(%dma_start3A_673 : memref<128x32xf32, #tpu.memory_space<hbm>>) target_semaphore(%run_scoped3A_665 : memref<!tpu.dma_semaphore, #tpu.memory_space<semaphore_mem>>)
      %dma_wait3A_678 = arith.constant 0 : i32
      %dma_wait3A_679 = arith.constant 0 : i32
      %dma_wait3A_680 = tpu.memref_slice %arg17[%run_scoped3A_328, %dma_wait3A_678, %dma_wait3A_679] : memref<5x128x32xf32, #tpu.memory_space<vmem>> -> memref<1x128x32xf32, #tpu.memory_space<vmem>>
      %dma_wait3A_681 = tpu.memref_squeeze %dma_wait3A_680 : memref<1x128x32xf32, #tpu.memory_space<vmem>> -> memref<128x32xf32, #tpu.memory_space<vmem>>
      %dma_wait3A_682 = arith.constant 0 : i32
      %dma_wait3A_683 = tpu.memref_slice %arg9[%add3A_167, %dma_wait3A_682] : memref<16384x128xf32, #tpu.memory_space<hbm>> -> memref<128x32xf32, #tpu.memory_space<hbm>>
      %dma_wait3A_684 = arith.constant 0 : i32
      %dma_wait3A_685 = tpu.memref_slice %arg9[%add3A_167, %dma_wait3A_684] : memref<16384x128xf32, #tpu.memory_space<hbm>> -> memref<128x32xf32, #tpu.memory_space<hbm>>
      %dma_wait3A_686 = arith.constant 0 : i32
      %dma_wait3A_687 = arith.constant 0 : i32
      %dma_wait3A_688 = tpu.memref_slice %arg17[%run_scoped3A_328, %dma_wait3A_686, %dma_wait3A_687] : memref<5x128x32xf32, #tpu.memory_space<vmem>> -> memref<1x128x32xf32, #tpu.memory_space<vmem>>
      %dma_wait3A_689 = tpu.memref_squeeze %dma_wait3A_688 : memref<1x128x32xf32, #tpu.memory_space<vmem>> -> memref<128x32xf32, #tpu.memory_space<vmem>>
      tpu.wait_dma2 semaphore(%run_scoped3A_665 : memref<!tpu.dma_semaphore, #tpu.memory_space<semaphore_mem>>) src(%dma_wait3A_689 : memref<128x32xf32, #tpu.memory_space<vmem>>) dst(%dma_wait3A_685 : memref<128x32xf32, #tpu.memory_space<hbm>>)
      tpu.yield
    }) : () -> ()
    %run_scoped3A_329 = arith.constant 3 : i32
    "tpu.region"() ({
      %run_scoped3A_665 = tpu.sem_alloc : memref<!tpu.dma_semaphore, #tpu.memory_space<semaphore_mem>>
      %dma_start3A_666 = arith.constant 0 : i32
      %dma_start3A_667 = arith.constant 0 : i32
      %dma_start3A_668 = tpu.memref_slice %arg17[%run_scoped3A_329, %dma_start3A_666, %dma_start3A_667] : memref<5x128x32xf32, #tpu.memory_space<vmem>> -> memref<1x128x32xf32, #tpu.memory_space<vmem>>
      %dma_start3A_669 = tpu.memref_squeeze %dma_start3A_668 : memref<1x128x32xf32, #tpu.memory_space<vmem>> -> memref<128x32xf32, #tpu.memory_space<vmem>>
      %dma_start3A_670 = arith.constant 32 : i32
      %dma_start3A_671 = tpu.memref_slice %arg9[%add3A_167, %dma_start3A_670] : memref<16384x128xf32, #tpu.memory_space<hbm>> -> memref<128x32xf32, #tpu.memory_space<hbm>>
      %dma_start3A_672 = arith.constant 32 : i32
      %dma_start3A_673 = tpu.memref_slice %arg9[%add3A_167, %dma_start3A_672] : memref<16384x128xf32, #tpu.memory_space<hbm>> -> memref<128x32xf32, #tpu.memory_space<hbm>>
      %dma_start3A_674 = arith.constant 0 : i32
      %dma_start3A_675 = arith.constant 0 : i32
      %dma_start3A_676 = tpu.memref_slice %arg17[%run_scoped3A_329, %dma_start3A_674, %dma_start3A_675] : memref<5x128x32xf32, #tpu.memory_space<vmem>> -> memref<1x128x32xf32, #tpu.memory_space<vmem>>
      %dma_start3A_677 = tpu.memref_squeeze %dma_start3A_676 : memref<1x128x32xf32, #tpu.memory_space<vmem>> -> memref<128x32xf32, #tpu.memory_space<vmem>>
      tpu.enqueue_dma source(%dma_start3A_677 : memref<128x32xf32, #tpu.memory_space<vmem>>) target(%dma_start3A_673 : memref<128x32xf32, #tpu.memory_space<hbm>>) target_semaphore(%run_scoped3A_665 : memref<!tpu.dma_semaphore, #tpu.memory_space<semaphore_mem>>)
      %dma_wait3A_678 = arith.constant 0 : i32
      %dma_wait3A_679 = arith.constant 0 : i32
      %dma_wait3A_680 = tpu.memref_slice %arg17[%run_scoped3A_329, %dma_wait3A_678, %dma_wait3A_679] : memref<5x128x32xf32, #tpu.memory_space<vmem>> -> memref<1x128x32xf32, #tpu.memory_space<vmem>>
      %dma_wait3A_681 = tpu.memref_squeeze %dma_wait3A_680 : memref<1x128x32xf32, #tpu.memory_space<vmem>> -> memref<128x32xf32, #tpu.memory_space<vmem>>
      %dma_wait3A_682 = arith.constant 32 : i32
      %dma_wait3A_683 = tpu.memref_slice %arg9[%add3A_167, %dma_wait3A_682] : memref<16384x128xf32, #tpu.memory_space<hbm>> -> memref<128x32xf32, #tpu.memory_space<hbm>>
      %dma_wait3A_684 = arith.constant 32 : i32
      %dma_wait3A_685 = tpu.memref_slice %arg9[%add3A_167, %dma_wait3A_684] : memref<16384x128xf32, #tpu.memory_space<hbm>> -> memref<128x32xf32, #tpu.memory_space<hbm>>
      %dma_wait3A_686 = arith.constant 0 : i32
      %dma_wait3A_687 = arith.constant 0 : i32
      %dma_wait3A_688 = tpu.memref_slice %arg17[%run_scoped3A_329, %dma_wait3A_686, %dma_wait3A_687] : memref<5x128x32xf32, #tpu.memory_space<vmem>> -> memref<1x128x32xf32, #tpu.memory_space<vmem>>
      %dma_wait3A_689 = tpu.memref_squeeze %dma_wait3A_688 : memref<1x128x32xf32, #tpu.memory_space<vmem>> -> memref<128x32xf32, #tpu.memory_space<vmem>>
      tpu.wait_dma2 semaphore(%run_scoped3A_665 : memref<!tpu.dma_semaphore, #tpu.memory_space<semaphore_mem>>) src(%dma_wait3A_689 : memref<128x32xf32, #tpu.memory_space<vmem>>) dst(%dma_wait3A_685 : memref<128x32xf32, #tpu.memory_space<hbm>>)
      tpu.yield
    }) : () -> ()
    %run_scoped3A_330 = arith.constant 4 : i32
    "tpu.region"() ({
      %run_scoped3A_665 = tpu.sem_alloc : memref<!tpu.dma_semaphore, #tpu.memory_space<semaphore_mem>>
      %dma_start3A_666 = arith.constant 0 : i32
      %dma_start3A_667 = arith.constant 0 : i32
      %dma_start3A_668 = tpu.memref_slice %arg17[%run_scoped3A_330, %dma_start3A_666, %dma_start3A_667] : memref<5x128x32xf32, #tpu.memory_space<vmem>> -> memref<1x128x32xf32, #tpu.memory_space<vmem>>
      %dma_start3A_669 = tpu.memref_squeeze %dma_start3A_668 : memref<1x128x32xf32, #tpu.memory_space<vmem>> -> memref<128x32xf32, #tpu.memory_space<vmem>>
      %dma_start3A_670 = arith.constant 64 : i32
      %dma_start3A_671 = tpu.memref_slice %arg9[%add3A_167, %dma_start3A_670] : memref<16384x128xf32, #tpu.memory_space<hbm>> -> memref<128x32xf32, #tpu.memory_space<hbm>>
      %dma_start3A_672 = arith.constant 64 : i32
      %dma_start3A_673 = tpu.memref_slice %arg9[%add3A_167, %dma_start3A_672] : memref<16384x128xf32, #tpu.memory_space<hbm>> -> memref<128x32xf32, #tpu.memory_space<hbm>>
      %dma_start3A_674 = arith.constant 0 : i32
      %dma_start3A_675 = arith.constant 0 : i32
      %dma_start3A_676 = tpu.memref_slice %arg17[%run_scoped3A_330, %dma_start3A_674, %dma_start3A_675] : memref<5x128x32xf32, #tpu.memory_space<vmem>> -> memref<1x128x32xf32, #tpu.memory_space<vmem>>
      %dma_start3A_677 = tpu.memref_squeeze %dma_start3A_676 : memref<1x128x32xf32, #tpu.memory_space<vmem>> -> memref<128x32xf32, #tpu.memory_space<vmem>>
      tpu.enqueue_dma source(%dma_start3A_677 : memref<128x32xf32, #tpu.memory_space<vmem>>) target(%dma_start3A_673 : memref<128x32xf32, #tpu.memory_space<hbm>>) target_semaphore(%run_scoped3A_665 : memref<!tpu.dma_semaphore, #tpu.memory_space<semaphore_mem>>)
      %dma_wait3A_678 = arith.constant 0 : i32
      %dma_wait3A_679 = arith.constant 0 : i32
      %dma_wait3A_680 = tpu.memref_slice %arg17[%run_scoped3A_330, %dma_wait3A_678, %dma_wait3A_679] : memref<5x128x32xf32, #tpu.memory_space<vmem>> -> memref<1x128x32xf32, #tpu.memory_space<vmem>>
      %dma_wait3A_681 = tpu.memref_squeeze %dma_wait3A_680 : memref<1x128x32xf32, #tpu.memory_space<vmem>> -> memref<128x32xf32, #tpu.memory_space<vmem>>
      %dma_wait3A_682 = arith.constant 64 : i32
      %dma_wait3A_683 = tpu.memref_slice %arg9[%add3A_167, %dma_wait3A_682] : memref<16384x128xf32, #tpu.memory_space<hbm>> -> memref<128x32xf32, #tpu.memory_space<hbm>>
      %dma_wait3A_684 = arith.constant 64 : i32
      %dma_wait3A_685 = tpu.memref_slice %arg9[%add3A_167, %dma_wait3A_684] : memref<16384x128xf32, #tpu.memory_space<hbm>> -> memref<128x32xf32, #tpu.memory_space<hbm>>
      %dma_wait3A_686 = arith.constant 0 : i32
      %dma_wait3A_687 = arith.constant 0 : i32
      %dma_wait3A_688 = tpu.memref_slice %arg17[%run_scoped3A_330, %dma_wait3A_686, %dma_wait3A_687] : memref<5x128x32xf32, #tpu.memory_space<vmem>> -> memref<1x128x32xf32, #tpu.memory_space<vmem>>
      %dma_wait3A_689 = tpu.memref_squeeze %dma_wait3A_688 : memref<1x128x32xf32, #tpu.memory_space<vmem>> -> memref<128x32xf32, #tpu.memory_space<vmem>>
      tpu.wait_dma2 semaphore(%run_scoped3A_665 : memref<!tpu.dma_semaphore, #tpu.memory_space<semaphore_mem>>) src(%dma_wait3A_689 : memref<128x32xf32, #tpu.memory_space<vmem>>) dst(%dma_wait3A_685 : memref<128x32xf32, #tpu.memory_space<hbm>>)
      tpu.yield
    }) : () -> ()
    %mul3A_331 = arith.constant 512 : i32
    %mul3A_332 = arith.muli %add3A, %mul3A_331 : i32
    %add3A_333 = arith.constant 256 : i32
    %add3A_334 = arith.addi %mul3A_332, %add3A_333 : i32
    "tpu.region"() ({
      %run_scoped3A_665 = tpu.sem_alloc : memref<!tpu.dma_semaphore, #tpu.memory_space<semaphore_mem>>
      %dma_start3A_666 = tpu.memref_slice %arg2[%add3A_334] : memref<16384xi32, #tpu.memory_space<hbm>> -> memref<128xi32, #tpu.memory_space<hbm>>
      %dma_start3A_667 = tpu.memref_slice %arg2[%add3A_334] : memref<16384xi32, #tpu.memory_space<hbm>> -> memref<128xi32, #tpu.memory_space<hbm>>
      tpu.enqueue_dma source(%dma_start3A_667 : memref<128xi32, #tpu.memory_space<hbm>>) target(%arg10 : memref<128xi32, #tpu.memory_space<vmem>>) target_semaphore(%run_scoped3A_665 : memref<!tpu.dma_semaphore, #tpu.memory_space<semaphore_mem>>)
      %dma_wait3A_668 = tpu.memref_slice %arg2[%add3A_334] : memref<16384xi32, #tpu.memory_space<hbm>> -> memref<128xi32, #tpu.memory_space<hbm>>
      %dma_wait3A_669 = tpu.memref_slice %arg2[%add3A_334] : memref<16384xi32, #tpu.memory_space<hbm>> -> memref<128xi32, #tpu.memory_space<hbm>>
      tpu.wait_dma2 semaphore(%run_scoped3A_665 : memref<!tpu.dma_semaphore, #tpu.memory_space<semaphore_mem>>) src(%dma_wait3A_669 : memref<128xi32, #tpu.memory_space<hbm>>) dst(%arg10 : memref<128xi32, #tpu.memory_space<vmem>>)
      tpu.yield
    }) : () -> ()
    "tpu.region"() ({
      %run_scoped3A_665 = tpu.sem_alloc : memref<!tpu.dma_semaphore, #tpu.memory_space<semaphore_mem>>
      %dma_start3A_666 = tpu.memref_slice %arg3[%add3A_334] : memref<16384xi32, #tpu.memory_space<hbm>> -> memref<128xi32, #tpu.memory_space<hbm>>
      %dma_start3A_667 = tpu.memref_slice %arg3[%add3A_334] : memref<16384xi32, #tpu.memory_space<hbm>> -> memref<128xi32, #tpu.memory_space<hbm>>
      tpu.enqueue_dma source(%dma_start3A_667 : memref<128xi32, #tpu.memory_space<hbm>>) target(%arg11 : memref<128xi32, #tpu.memory_space<vmem>>) target_semaphore(%run_scoped3A_665 : memref<!tpu.dma_semaphore, #tpu.memory_space<semaphore_mem>>)
      %dma_wait3A_668 = tpu.memref_slice %arg3[%add3A_334] : memref<16384xi32, #tpu.memory_space<hbm>> -> memref<128xi32, #tpu.memory_space<hbm>>
      %dma_wait3A_669 = tpu.memref_slice %arg3[%add3A_334] : memref<16384xi32, #tpu.memory_space<hbm>> -> memref<128xi32, #tpu.memory_space<hbm>>
      tpu.wait_dma2 semaphore(%run_scoped3A_665 : memref<!tpu.dma_semaphore, #tpu.memory_space<semaphore_mem>>) src(%dma_wait3A_669 : memref<128xi32, #tpu.memory_space<hbm>>) dst(%arg11 : memref<128xi32, #tpu.memory_space<vmem>>)
      tpu.yield
    }) : () -> ()
    %add3A_335 = arith.constant 0 : i32
    %add3A_336 = arith.addi %add3A_335, %add3A_334 : i32
    %run_scoped3A_337 = arith.constant 0 : i32
    "tpu.region"() ({
      %run_scoped3A_665 = tpu.sem_alloc : memref<!tpu.dma_semaphore, #tpu.memory_space<semaphore_mem>>
      %dma_start3A_666 = arith.constant 0 : i32
      %dma_start3A_667 = tpu.memref_slice %arg12[%run_scoped3A_337, %dma_start3A_666] : memref<5x128xi32, #tpu.memory_space<vmem>> -> memref<1x128xi32, #tpu.memory_space<vmem>>
      %dma_start3A_668 = tpu.memref_squeeze %dma_start3A_667 : memref<1x128xi32, #tpu.memory_space<vmem>> -> memref<128xi32, #tpu.memory_space<vmem>>
      %dma_start3A_669 = tpu.memref_slice %arg4[%add3A_336] : memref<81920xi32, #tpu.memory_space<hbm>> -> memref<128xi32, #tpu.memory_space<hbm>>
      %dma_start3A_670 = arith.constant 0 : i32
      %dma_start3A_671 = tpu.memref_slice %arg12[%run_scoped3A_337, %dma_start3A_670] : memref<5x128xi32, #tpu.memory_space<vmem>> -> memref<1x128xi32, #tpu.memory_space<vmem>>
      %dma_start3A_672 = tpu.memref_squeeze %dma_start3A_671 : memref<1x128xi32, #tpu.memory_space<vmem>> -> memref<128xi32, #tpu.memory_space<vmem>>
      %dma_start3A_673 = tpu.memref_slice %arg4[%add3A_336] : memref<81920xi32, #tpu.memory_space<hbm>> -> memref<128xi32, #tpu.memory_space<hbm>>
      tpu.enqueue_dma source(%dma_start3A_673 : memref<128xi32, #tpu.memory_space<hbm>>) target(%dma_start3A_672 : memref<128xi32, #tpu.memory_space<vmem>>) target_semaphore(%run_scoped3A_665 : memref<!tpu.dma_semaphore, #tpu.memory_space<semaphore_mem>>)
      %dma_wait3A_674 = arith.constant 0 : i32
      %dma_wait3A_675 = tpu.memref_slice %arg12[%run_scoped3A_337, %dma_wait3A_674] : memref<5x128xi32, #tpu.memory_space<vmem>> -> memref<1x128xi32, #tpu.memory_space<vmem>>
      %dma_wait3A_676 = tpu.memref_squeeze %dma_wait3A_675 : memref<1x128xi32, #tpu.memory_space<vmem>> -> memref<128xi32, #tpu.memory_space<vmem>>
      %dma_wait3A_677 = tpu.memref_slice %arg4[%add3A_336] : memref<81920xi32, #tpu.memory_space<hbm>> -> memref<128xi32, #tpu.memory_space<hbm>>
      %dma_wait3A_678 = arith.constant 0 : i32
      %dma_wait3A_679 = tpu.memref_slice %arg12[%run_scoped3A_337, %dma_wait3A_678] : memref<5x128xi32, #tpu.memory_space<vmem>> -> memref<1x128xi32, #tpu.memory_space<vmem>>
      %dma_wait3A_680 = tpu.memref_squeeze %dma_wait3A_679 : memref<1x128xi32, #tpu.memory_space<vmem>> -> memref<128xi32, #tpu.memory_space<vmem>>
      %dma_wait3A_681 = tpu.memref_slice %arg4[%add3A_336] : memref<81920xi32, #tpu.memory_space<hbm>> -> memref<128xi32, #tpu.memory_space<hbm>>
      tpu.wait_dma2 semaphore(%run_scoped3A_665 : memref<!tpu.dma_semaphore, #tpu.memory_space<semaphore_mem>>) src(%dma_wait3A_681 : memref<128xi32, #tpu.memory_space<hbm>>) dst(%dma_wait3A_680 : memref<128xi32, #tpu.memory_space<vmem>>)
      tpu.yield
    }) : () -> ()
    %add3A_338 = arith.constant 16384 : i32
    %add3A_339 = arith.addi %add3A_338, %add3A_334 : i32
    %run_scoped3A_340 = arith.constant 1 : i32
    "tpu.region"() ({
      %run_scoped3A_665 = tpu.sem_alloc : memref<!tpu.dma_semaphore, #tpu.memory_space<semaphore_mem>>
      %dma_start3A_666 = arith.constant 0 : i32
      %dma_start3A_667 = tpu.memref_slice %arg12[%run_scoped3A_340, %dma_start3A_666] : memref<5x128xi32, #tpu.memory_space<vmem>> -> memref<1x128xi32, #tpu.memory_space<vmem>>
      %dma_start3A_668 = tpu.memref_squeeze %dma_start3A_667 : memref<1x128xi32, #tpu.memory_space<vmem>> -> memref<128xi32, #tpu.memory_space<vmem>>
      %dma_start3A_669 = tpu.memref_slice %arg4[%add3A_339] : memref<81920xi32, #tpu.memory_space<hbm>> -> memref<128xi32, #tpu.memory_space<hbm>>
      %dma_start3A_670 = arith.constant 0 : i32
      %dma_start3A_671 = tpu.memref_slice %arg12[%run_scoped3A_340, %dma_start3A_670] : memref<5x128xi32, #tpu.memory_space<vmem>> -> memref<1x128xi32, #tpu.memory_space<vmem>>
      %dma_start3A_672 = tpu.memref_squeeze %dma_start3A_671 : memref<1x128xi32, #tpu.memory_space<vmem>> -> memref<128xi32, #tpu.memory_space<vmem>>
      %dma_start3A_673 = tpu.memref_slice %arg4[%add3A_339] : memref<81920xi32, #tpu.memory_space<hbm>> -> memref<128xi32, #tpu.memory_space<hbm>>
      tpu.enqueue_dma source(%dma_start3A_673 : memref<128xi32, #tpu.memory_space<hbm>>) target(%dma_start3A_672 : memref<128xi32, #tpu.memory_space<vmem>>) target_semaphore(%run_scoped3A_665 : memref<!tpu.dma_semaphore, #tpu.memory_space<semaphore_mem>>)
      %dma_wait3A_674 = arith.constant 0 : i32
      %dma_wait3A_675 = tpu.memref_slice %arg12[%run_scoped3A_340, %dma_wait3A_674] : memref<5x128xi32, #tpu.memory_space<vmem>> -> memref<1x128xi32, #tpu.memory_space<vmem>>
      %dma_wait3A_676 = tpu.memref_squeeze %dma_wait3A_675 : memref<1x128xi32, #tpu.memory_space<vmem>> -> memref<128xi32, #tpu.memory_space<vmem>>
      %dma_wait3A_677 = tpu.memref_slice %arg4[%add3A_339] : memref<81920xi32, #tpu.memory_space<hbm>> -> memref<128xi32, #tpu.memory_space<hbm>>
      %dma_wait3A_678 = arith.constant 0 : i32
      %dma_wait3A_679 = tpu.memref_slice %arg12[%run_scoped3A_340, %dma_wait3A_678] : memref<5x128xi32, #tpu.memory_space<vmem>> -> memref<1x128xi32, #tpu.memory_space<vmem>>
      %dma_wait3A_680 = tpu.memref_squeeze %dma_wait3A_679 : memref<1x128xi32, #tpu.memory_space<vmem>> -> memref<128xi32, #tpu.memory_space<vmem>>
      %dma_wait3A_681 = tpu.memref_slice %arg4[%add3A_339] : memref<81920xi32, #tpu.memory_space<hbm>> -> memref<128xi32, #tpu.memory_space<hbm>>
      tpu.wait_dma2 semaphore(%run_scoped3A_665 : memref<!tpu.dma_semaphore, #tpu.memory_space<semaphore_mem>>) src(%dma_wait3A_681 : memref<128xi32, #tpu.memory_space<hbm>>) dst(%dma_wait3A_680 : memref<128xi32, #tpu.memory_space<vmem>>)
      tpu.yield
    }) : () -> ()
    %add3A_341 = arith.constant 32768 : i32
    %add3A_342 = arith.addi %add3A_341, %add3A_334 : i32
    %run_scoped3A_343 = arith.constant 2 : i32
    "tpu.region"() ({
      %run_scoped3A_665 = tpu.sem_alloc : memref<!tpu.dma_semaphore, #tpu.memory_space<semaphore_mem>>
      %dma_start3A_666 = arith.constant 0 : i32
      %dma_start3A_667 = tpu.memref_slice %arg12[%run_scoped3A_343, %dma_start3A_666] : memref<5x128xi32, #tpu.memory_space<vmem>> -> memref<1x128xi32, #tpu.memory_space<vmem>>
      %dma_start3A_668 = tpu.memref_squeeze %dma_start3A_667 : memref<1x128xi32, #tpu.memory_space<vmem>> -> memref<128xi32, #tpu.memory_space<vmem>>
      %dma_start3A_669 = tpu.memref_slice %arg4[%add3A_342] : memref<81920xi32, #tpu.memory_space<hbm>> -> memref<128xi32, #tpu.memory_space<hbm>>
      %dma_start3A_670 = arith.constant 0 : i32
      %dma_start3A_671 = tpu.memref_slice %arg12[%run_scoped3A_343, %dma_start3A_670] : memref<5x128xi32, #tpu.memory_space<vmem>> -> memref<1x128xi32, #tpu.memory_space<vmem>>
      %dma_start3A_672 = tpu.memref_squeeze %dma_start3A_671 : memref<1x128xi32, #tpu.memory_space<vmem>> -> memref<128xi32, #tpu.memory_space<vmem>>
      %dma_start3A_673 = tpu.memref_slice %arg4[%add3A_342] : memref<81920xi32, #tpu.memory_space<hbm>> -> memref<128xi32, #tpu.memory_space<hbm>>
      tpu.enqueue_dma source(%dma_start3A_673 : memref<128xi32, #tpu.memory_space<hbm>>) target(%dma_start3A_672 : memref<128xi32, #tpu.memory_space<vmem>>) target_semaphore(%run_scoped3A_665 : memref<!tpu.dma_semaphore, #tpu.memory_space<semaphore_mem>>)
      %dma_wait3A_674 = arith.constant 0 : i32
      %dma_wait3A_675 = tpu.memref_slice %arg12[%run_scoped3A_343, %dma_wait3A_674] : memref<5x128xi32, #tpu.memory_space<vmem>> -> memref<1x128xi32, #tpu.memory_space<vmem>>
      %dma_wait3A_676 = tpu.memref_squeeze %dma_wait3A_675 : memref<1x128xi32, #tpu.memory_space<vmem>> -> memref<128xi32, #tpu.memory_space<vmem>>
      %dma_wait3A_677 = tpu.memref_slice %arg4[%add3A_342] : memref<81920xi32, #tpu.memory_space<hbm>> -> memref<128xi32, #tpu.memory_space<hbm>>
      %dma_wait3A_678 = arith.constant 0 : i32
      %dma_wait3A_679 = tpu.memref_slice %arg12[%run_scoped3A_343, %dma_wait3A_678] : memref<5x128xi32, #tpu.memory_space<vmem>> -> memref<1x128xi32, #tpu.memory_space<vmem>>
      %dma_wait3A_680 = tpu.memref_squeeze %dma_wait3A_679 : memref<1x128xi32, #tpu.memory_space<vmem>> -> memref<128xi32, #tpu.memory_space<vmem>>
      %dma_wait3A_681 = tpu.memref_slice %arg4[%add3A_342] : memref<81920xi32, #tpu.memory_space<hbm>> -> memref<128xi32, #tpu.memory_space<hbm>>
      tpu.wait_dma2 semaphore(%run_scoped3A_665 : memref<!tpu.dma_semaphore, #tpu.memory_space<semaphore_mem>>) src(%dma_wait3A_681 : memref<128xi32, #tpu.memory_space<hbm>>) dst(%dma_wait3A_680 : memref<128xi32, #tpu.memory_space<vmem>>)
      tpu.yield
    }) : () -> ()
    %add3A_344 = arith.constant 49152 : i32
    %add3A_345 = arith.addi %add3A_344, %add3A_334 : i32
    %run_scoped3A_346 = arith.constant 3 : i32
    "tpu.region"() ({
      %run_scoped3A_665 = tpu.sem_alloc : memref<!tpu.dma_semaphore, #tpu.memory_space<semaphore_mem>>
      %dma_start3A_666 = arith.constant 0 : i32
      %dma_start3A_667 = tpu.memref_slice %arg12[%run_scoped3A_346, %dma_start3A_666] : memref<5x128xi32, #tpu.memory_space<vmem>> -> memref<1x128xi32, #tpu.memory_space<vmem>>
      %dma_start3A_668 = tpu.memref_squeeze %dma_start3A_667 : memref<1x128xi32, #tpu.memory_space<vmem>> -> memref<128xi32, #tpu.memory_space<vmem>>
      %dma_start3A_669 = tpu.memref_slice %arg4[%add3A_345] : memref<81920xi32, #tpu.memory_space<hbm>> -> memref<128xi32, #tpu.memory_space<hbm>>
      %dma_start3A_670 = arith.constant 0 : i32
      %dma_start3A_671 = tpu.memref_slice %arg12[%run_scoped3A_346, %dma_start3A_670] : memref<5x128xi32, #tpu.memory_space<vmem>> -> memref<1x128xi32, #tpu.memory_space<vmem>>
      %dma_start3A_672 = tpu.memref_squeeze %dma_start3A_671 : memref<1x128xi32, #tpu.memory_space<vmem>> -> memref<128xi32, #tpu.memory_space<vmem>>
      %dma_start3A_673 = tpu.memref_slice %arg4[%add3A_345] : memref<81920xi32, #tpu.memory_space<hbm>> -> memref<128xi32, #tpu.memory_space<hbm>>
      tpu.enqueue_dma source(%dma_start3A_673 : memref<128xi32, #tpu.memory_space<hbm>>) target(%dma_start3A_672 : memref<128xi32, #tpu.memory_space<vmem>>) target_semaphore(%run_scoped3A_665 : memref<!tpu.dma_semaphore, #tpu.memory_space<semaphore_mem>>)
      %dma_wait3A_674 = arith.constant 0 : i32
      %dma_wait3A_675 = tpu.memref_slice %arg12[%run_scoped3A_346, %dma_wait3A_674] : memref<5x128xi32, #tpu.memory_space<vmem>> -> memref<1x128xi32, #tpu.memory_space<vmem>>
      %dma_wait3A_676 = tpu.memref_squeeze %dma_wait3A_675 : memref<1x128xi32, #tpu.memory_space<vmem>> -> memref<128xi32, #tpu.memory_space<vmem>>
      %dma_wait3A_677 = tpu.memref_slice %arg4[%add3A_345] : memref<81920xi32, #tpu.memory_space<hbm>> -> memref<128xi32, #tpu.memory_space<hbm>>
      %dma_wait3A_678 = arith.constant 0 : i32
      %dma_wait3A_679 = tpu.memref_slice %arg12[%run_scoped3A_346, %dma_wait3A_678] : memref<5x128xi32, #tpu.memory_space<vmem>> -> memref<1x128xi32, #tpu.memory_space<vmem>>
      %dma_wait3A_680 = tpu.memref_squeeze %dma_wait3A_679 : memref<1x128xi32, #tpu.memory_space<vmem>> -> memref<128xi32, #tpu.memory_space<vmem>>
      %dma_wait3A_681 = tpu.memref_slice %arg4[%add3A_345] : memref<81920xi32, #tpu.memory_space<hbm>> -> memref<128xi32, #tpu.memory_space<hbm>>
      tpu.wait_dma2 semaphore(%run_scoped3A_665 : memref<!tpu.dma_semaphore, #tpu.memory_space<semaphore_mem>>) src(%dma_wait3A_681 : memref<128xi32, #tpu.memory_space<hbm>>) dst(%dma_wait3A_680 : memref<128xi32, #tpu.memory_space<vmem>>)
      tpu.yield
    }) : () -> ()
    %add3A_347 = arith.constant 65536 : i32
    %add3A_348 = arith.addi %add3A_347, %add3A_334 : i32
    %run_scoped3A_349 = arith.constant 4 : i32
    "tpu.region"() ({
      %run_scoped3A_665 = tpu.sem_alloc : memref<!tpu.dma_semaphore, #tpu.memory_space<semaphore_mem>>
      %dma_start3A_666 = arith.constant 0 : i32
      %dma_start3A_667 = tpu.memref_slice %arg12[%run_scoped3A_349, %dma_start3A_666] : memref<5x128xi32, #tpu.memory_space<vmem>> -> memref<1x128xi32, #tpu.memory_space<vmem>>
      %dma_start3A_668 = tpu.memref_squeeze %dma_start3A_667 : memref<1x128xi32, #tpu.memory_space<vmem>> -> memref<128xi32, #tpu.memory_space<vmem>>
      %dma_start3A_669 = tpu.memref_slice %arg4[%add3A_348] : memref<81920xi32, #tpu.memory_space<hbm>> -> memref<128xi32, #tpu.memory_space<hbm>>
      %dma_start3A_670 = arith.constant 0 : i32
      %dma_start3A_671 = tpu.memref_slice %arg12[%run_scoped3A_349, %dma_start3A_670] : memref<5x128xi32, #tpu.memory_space<vmem>> -> memref<1x128xi32, #tpu.memory_space<vmem>>
      %dma_start3A_672 = tpu.memref_squeeze %dma_start3A_671 : memref<1x128xi32, #tpu.memory_space<vmem>> -> memref<128xi32, #tpu.memory_space<vmem>>
      %dma_start3A_673 = tpu.memref_slice %arg4[%add3A_348] : memref<81920xi32, #tpu.memory_space<hbm>> -> memref<128xi32, #tpu.memory_space<hbm>>
      tpu.enqueue_dma source(%dma_start3A_673 : memref<128xi32, #tpu.memory_space<hbm>>) target(%dma_start3A_672 : memref<128xi32, #tpu.memory_space<vmem>>) target_semaphore(%run_scoped3A_665 : memref<!tpu.dma_semaphore, #tpu.memory_space<semaphore_mem>>)
      %dma_wait3A_674 = arith.constant 0 : i32
      %dma_wait3A_675 = tpu.memref_slice %arg12[%run_scoped3A_349, %dma_wait3A_674] : memref<5x128xi32, #tpu.memory_space<vmem>> -> memref<1x128xi32, #tpu.memory_space<vmem>>
      %dma_wait3A_676 = tpu.memref_squeeze %dma_wait3A_675 : memref<1x128xi32, #tpu.memory_space<vmem>> -> memref<128xi32, #tpu.memory_space<vmem>>
      %dma_wait3A_677 = tpu.memref_slice %arg4[%add3A_348] : memref<81920xi32, #tpu.memory_space<hbm>> -> memref<128xi32, #tpu.memory_space<hbm>>
      %dma_wait3A_678 = arith.constant 0 : i32
      %dma_wait3A_679 = tpu.memref_slice %arg12[%run_scoped3A_349, %dma_wait3A_678] : memref<5x128xi32, #tpu.memory_space<vmem>> -> memref<1x128xi32, #tpu.memory_space<vmem>>
      %dma_wait3A_680 = tpu.memref_squeeze %dma_wait3A_679 : memref<1x128xi32, #tpu.memory_space<vmem>> -> memref<128xi32, #tpu.memory_space<vmem>>
      %dma_wait3A_681 = tpu.memref_slice %arg4[%add3A_348] : memref<81920xi32, #tpu.memory_space<hbm>> -> memref<128xi32, #tpu.memory_space<hbm>>
      tpu.wait_dma2 semaphore(%run_scoped3A_665 : memref<!tpu.dma_semaphore, #tpu.memory_space<semaphore_mem>>) src(%dma_wait3A_681 : memref<128xi32, #tpu.memory_space<hbm>>) dst(%dma_wait3A_680 : memref<128xi32, #tpu.memory_space<vmem>>)
      tpu.yield
    }) : () -> ()
    %dma_start3A_350 = arith.constant 0 : i32
    %dma_start3A_351 = arith.constant 0 : i32
    %dma_start3A_352 = tpu.memref_slice %arg5[%dma_start3A_350, %dma_start3A_351] : memref<100000x32xf32, #tpu.memory_space<hbm>> -> memref<100000x32xf32, #tpu.memory_space<hbm>>
    tpu.enqueue_indirect_dma source(%dma_start3A_352 : memref<100000x32xf32, #tpu.memory_space<hbm>>) target(%arg13 : memref<128x32xf32, #tpu.memory_space<vmem>>) offsets(%arg10 : memref<128xi32, #tpu.memory_space<vmem>>) semaphore(%arg18 : memref<!tpu.dma_semaphore, #tpu.memory_space<semaphore_mem>>)
    %dma_start3A_353 = arith.constant 0 : i32
    %dma_start3A_354 = arith.constant 0 : i32
    %dma_start3A_355 = tpu.memref_slice %arg6[%dma_start3A_353, %dma_start3A_354] : memref<100000x64xf32, #tpu.memory_space<hbm>> -> memref<100000x64xf32, #tpu.memory_space<hbm>>
    tpu.enqueue_indirect_dma source(%dma_start3A_355 : memref<100000x64xf32, #tpu.memory_space<hbm>>) target(%arg14 : memref<128x64xf32, #tpu.memory_space<vmem>>) offsets(%arg10 : memref<128xi32, #tpu.memory_space<vmem>>) semaphore(%arg18 : memref<!tpu.dma_semaphore, #tpu.memory_space<semaphore_mem>>)
    %dma_start3A_356 = arith.constant 0 : i32
    %dma_start3A_357 = arith.constant 0 : i32
    %dma_start3A_358 = tpu.memref_slice %arg7[%dma_start3A_356, %dma_start3A_357] : memref<1000000x32xf32, #tpu.memory_space<hbm>> -> memref<1000000x32xf32, #tpu.memory_space<hbm>>
    tpu.enqueue_indirect_dma source(%dma_start3A_358 : memref<1000000x32xf32, #tpu.memory_space<hbm>>) target(%arg16 : memref<128x32xf32, #tpu.memory_space<vmem>>) offsets(%arg11 : memref<128xi32, #tpu.memory_space<vmem>>) semaphore(%arg18 : memref<!tpu.dma_semaphore, #tpu.memory_space<semaphore_mem>>)
    %dma_start3A_359 = arith.constant 0 : i32
    %dma_start3A_360 = arith.constant 0 : i32
    %dma_start3A_361 = arith.constant 0 : i32
    %dma_start3A_362 = arith.constant 0 : i32
    %dma_start3A_363 = tpu.memref_slice %arg17[%dma_start3A_360, %dma_start3A_361, %dma_start3A_362] : memref<5x128x32xf32, #tpu.memory_space<vmem>> -> memref<1x128x32xf32, #tpu.memory_space<vmem>>
    %dma_start3A_364 = tpu.memref_squeeze %dma_start3A_363 : memref<1x128x32xf32, #tpu.memory_space<vmem>> -> memref<128x32xf32, #tpu.memory_space<vmem>>
    %dma_start3A_365 = arith.constant 0 : i32
    %dma_start3A_366 = tpu.memref_slice %arg12[%dma_start3A_359, %dma_start3A_365] : memref<5x128xi32, #tpu.memory_space<vmem>> -> memref<1x128xi32, #tpu.memory_space<vmem>>
    %dma_start3A_367 = tpu.memref_squeeze %dma_start3A_366 : memref<1x128xi32, #tpu.memory_space<vmem>> -> memref<128xi32, #tpu.memory_space<vmem>>
    %dma_start3A_368 = arith.constant 0 : i32
    %dma_start3A_369 = arith.constant 0 : i32
    %dma_start3A_370 = tpu.memref_slice %arg7[%dma_start3A_368, %dma_start3A_369] : memref<1000000x32xf32, #tpu.memory_space<hbm>> -> memref<1000000x32xf32, #tpu.memory_space<hbm>>
    tpu.enqueue_indirect_dma source(%dma_start3A_370 : memref<1000000x32xf32, #tpu.memory_space<hbm>>) target(%dma_start3A_364 : memref<128x32xf32, #tpu.memory_space<vmem>>) offsets(%dma_start3A_367 : memref<128xi32, #tpu.memory_space<vmem>>) semaphore(%arg18 : memref<!tpu.dma_semaphore, #tpu.memory_space<semaphore_mem>>)
    %dma_start3A_371 = arith.constant 1 : i32
    %dma_start3A_372 = arith.constant 1 : i32
    %dma_start3A_373 = arith.constant 0 : i32
    %dma_start3A_374 = arith.constant 0 : i32
    %dma_start3A_375 = tpu.memref_slice %arg17[%dma_start3A_372, %dma_start3A_373, %dma_start3A_374] : memref<5x128x32xf32, #tpu.memory_space<vmem>> -> memref<1x128x32xf32, #tpu.memory_space<vmem>>
    %dma_start3A_376 = tpu.memref_squeeze %dma_start3A_375 : memref<1x128x32xf32, #tpu.memory_space<vmem>> -> memref<128x32xf32, #tpu.memory_space<vmem>>
    %dma_start3A_377 = arith.constant 0 : i32
    %dma_start3A_378 = tpu.memref_slice %arg12[%dma_start3A_371, %dma_start3A_377] : memref<5x128xi32, #tpu.memory_space<vmem>> -> memref<1x128xi32, #tpu.memory_space<vmem>>
    %dma_start3A_379 = tpu.memref_squeeze %dma_start3A_378 : memref<1x128xi32, #tpu.memory_space<vmem>> -> memref<128xi32, #tpu.memory_space<vmem>>
    %dma_start3A_380 = arith.constant 0 : i32
    %dma_start3A_381 = arith.constant 0 : i32
    %dma_start3A_382 = tpu.memref_slice %arg7[%dma_start3A_380, %dma_start3A_381] : memref<1000000x32xf32, #tpu.memory_space<hbm>> -> memref<1000000x32xf32, #tpu.memory_space<hbm>>
    tpu.enqueue_indirect_dma source(%dma_start3A_382 : memref<1000000x32xf32, #tpu.memory_space<hbm>>) target(%dma_start3A_376 : memref<128x32xf32, #tpu.memory_space<vmem>>) offsets(%dma_start3A_379 : memref<128xi32, #tpu.memory_space<vmem>>) semaphore(%arg18 : memref<!tpu.dma_semaphore, #tpu.memory_space<semaphore_mem>>)
    %dma_start3A_383 = arith.constant 2 : i32
    %dma_start3A_384 = arith.constant 2 : i32
    %dma_start3A_385 = arith.constant 0 : i32
    %dma_start3A_386 = arith.constant 0 : i32
    %dma_start3A_387 = tpu.memref_slice %arg17[%dma_start3A_384, %dma_start3A_385, %dma_start3A_386] : memref<5x128x32xf32, #tpu.memory_space<vmem>> -> memref<1x128x32xf32, #tpu.memory_space<vmem>>
    %dma_start3A_388 = tpu.memref_squeeze %dma_start3A_387 : memref<1x128x32xf32, #tpu.memory_space<vmem>> -> memref<128x32xf32, #tpu.memory_space<vmem>>
    %dma_start3A_389 = arith.constant 0 : i32
    %dma_start3A_390 = tpu.memref_slice %arg12[%dma_start3A_383, %dma_start3A_389] : memref<5x128xi32, #tpu.memory_space<vmem>> -> memref<1x128xi32, #tpu.memory_space<vmem>>
    %dma_start3A_391 = tpu.memref_squeeze %dma_start3A_390 : memref<1x128xi32, #tpu.memory_space<vmem>> -> memref<128xi32, #tpu.memory_space<vmem>>
    %dma_start3A_392 = arith.constant 0 : i32
    %dma_start3A_393 = arith.constant 0 : i32
    %dma_start3A_394 = tpu.memref_slice %arg7[%dma_start3A_392, %dma_start3A_393] : memref<1000000x32xf32, #tpu.memory_space<hbm>> -> memref<1000000x32xf32, #tpu.memory_space<hbm>>
    tpu.enqueue_indirect_dma source(%dma_start3A_394 : memref<1000000x32xf32, #tpu.memory_space<hbm>>) target(%dma_start3A_388 : memref<128x32xf32, #tpu.memory_space<vmem>>) offsets(%dma_start3A_391 : memref<128xi32, #tpu.memory_space<vmem>>) semaphore(%arg18 : memref<!tpu.dma_semaphore, #tpu.memory_space<semaphore_mem>>)
    %dma_start3A_395 = arith.constant 3 : i32
    %dma_start3A_396 = arith.constant 3 : i32
    %dma_start3A_397 = arith.constant 0 : i32
    %dma_start3A_398 = arith.constant 0 : i32
    %dma_start3A_399 = tpu.memref_slice %arg17[%dma_start3A_396, %dma_start3A_397, %dma_start3A_398] : memref<5x128x32xf32, #tpu.memory_space<vmem>> -> memref<1x128x32xf32, #tpu.memory_space<vmem>>
    %dma_start3A_400 = tpu.memref_squeeze %dma_start3A_399 : memref<1x128x32xf32, #tpu.memory_space<vmem>> -> memref<128x32xf32, #tpu.memory_space<vmem>>
    %dma_start3A_401 = arith.constant 0 : i32
    %dma_start3A_402 = tpu.memref_slice %arg12[%dma_start3A_395, %dma_start3A_401] : memref<5x128xi32, #tpu.memory_space<vmem>> -> memref<1x128xi32, #tpu.memory_space<vmem>>
    %dma_start3A_403 = tpu.memref_squeeze %dma_start3A_402 : memref<1x128xi32, #tpu.memory_space<vmem>> -> memref<128xi32, #tpu.memory_space<vmem>>
    %dma_start3A_404 = arith.constant 0 : i32
    %dma_start3A_405 = arith.constant 0 : i32
    %dma_start3A_406 = tpu.memref_slice %arg7[%dma_start3A_404, %dma_start3A_405] : memref<1000000x32xf32, #tpu.memory_space<hbm>> -> memref<1000000x32xf32, #tpu.memory_space<hbm>>
    tpu.enqueue_indirect_dma source(%dma_start3A_406 : memref<1000000x32xf32, #tpu.memory_space<hbm>>) target(%dma_start3A_400 : memref<128x32xf32, #tpu.memory_space<vmem>>) offsets(%dma_start3A_403 : memref<128xi32, #tpu.memory_space<vmem>>) semaphore(%arg18 : memref<!tpu.dma_semaphore, #tpu.memory_space<semaphore_mem>>)
    %dma_start3A_407 = arith.constant 4 : i32
    %dma_start3A_408 = arith.constant 4 : i32
    %dma_start3A_409 = arith.constant 0 : i32
    %dma_start3A_410 = arith.constant 0 : i32
    %dma_start3A_411 = tpu.memref_slice %arg17[%dma_start3A_408, %dma_start3A_409, %dma_start3A_410] : memref<5x128x32xf32, #tpu.memory_space<vmem>> -> memref<1x128x32xf32, #tpu.memory_space<vmem>>
    %dma_start3A_412 = tpu.memref_squeeze %dma_start3A_411 : memref<1x128x32xf32, #tpu.memory_space<vmem>> -> memref<128x32xf32, #tpu.memory_space<vmem>>
    %dma_start3A_413 = arith.constant 0 : i32
    %dma_start3A_414 = tpu.memref_slice %arg12[%dma_start3A_407, %dma_start3A_413] : memref<5x128xi32, #tpu.memory_space<vmem>> -> memref<1x128xi32, #tpu.memory_space<vmem>>
    %dma_start3A_415 = tpu.memref_squeeze %dma_start3A_414 : memref<1x128xi32, #tpu.memory_space<vmem>> -> memref<128xi32, #tpu.memory_space<vmem>>
    %dma_start3A_416 = arith.constant 0 : i32
    %dma_start3A_417 = arith.constant 0 : i32
    %dma_start3A_418 = tpu.memref_slice %arg7[%dma_start3A_416, %dma_start3A_417] : memref<1000000x32xf32, #tpu.memory_space<hbm>> -> memref<1000000x32xf32, #tpu.memory_space<hbm>>
    tpu.enqueue_indirect_dma source(%dma_start3A_418 : memref<1000000x32xf32, #tpu.memory_space<hbm>>) target(%dma_start3A_412 : memref<128x32xf32, #tpu.memory_space<vmem>>) offsets(%dma_start3A_415 : memref<128xi32, #tpu.memory_space<vmem>>) semaphore(%arg18 : memref<!tpu.dma_semaphore, #tpu.memory_space<semaphore_mem>>)
    %dma_wait3A_419 = arith.constant 0 : i32
    %dma_wait3A_420 = arith.constant 0 : i32
    %dma_wait3A_421 = tpu.memref_slice %arg5[%dma_wait3A_419, %dma_wait3A_420] : memref<100000x32xf32, #tpu.memory_space<hbm>> -> memref<100000x32xf32, #tpu.memory_space<hbm>>
    tpu.wait_indirect_dma semaphore(%arg18 : memref<!tpu.dma_semaphore, #tpu.memory_space<semaphore_mem>>) src(%dma_wait3A_421 : memref<100000x32xf32, #tpu.memory_space<hbm>>) dst(%arg13 : memref<128x32xf32, #tpu.memory_space<vmem>>)
    %dma_wait3A_422 = arith.constant 0 : i32
    %dma_wait3A_423 = arith.constant 0 : i32
    %dma_wait3A_424 = tpu.memref_slice %arg6[%dma_wait3A_422, %dma_wait3A_423] : memref<100000x64xf32, #tpu.memory_space<hbm>> -> memref<100000x64xf32, #tpu.memory_space<hbm>>
    tpu.wait_indirect_dma semaphore(%arg18 : memref<!tpu.dma_semaphore, #tpu.memory_space<semaphore_mem>>) src(%dma_wait3A_424 : memref<100000x64xf32, #tpu.memory_space<hbm>>) dst(%arg14 : memref<128x64xf32, #tpu.memory_space<vmem>>)
    %scan3A_425 = arith.constant 0 : i32
    %scan3A_426 = arith.constant 128 : i32
    %scan3A_427 = arith.addi %scan3A_425, %scan3A_426 : i32
    %scan3A_428 = arith.constant 1 : i32
    scf.for %scan3A_665 = %scan3A_425 to %scan3A_427 step %scan3A_428  : i32 {
      %mul3A_666 = arith.constant 1 : i32
      %mul3A_667 = arith.muli %scan3A_665, %mul3A_666 : i32
      %add3A_668 = arith.constant 0 : i32
      %add3A_669 = arith.addi %add3A_668, %mul3A_667 : i32
      %get3A = arith.index_cast %add3A_669 : i32 to index
      %get3A_670 = arith.constant 0 : index
      %get3A_671 = tpu.vector_load %arg13[%get3A, %get3A_670] {strides = array<i32>} : memref<128x32xf32, #tpu.memory_space<vmem>>, vector<1x16xf32>,
      %get3A_672 = vector.shape_cast %get3A_671 : vector<1x16xf32> to vector<16xf32>
      %mul3A_673 = arith.constant 2.000000e+00 : f32
      %mul3A_674 = vector.broadcast %mul3A_673 : f32 to vector<16xf32>
      %mul3A_675 = arith.mulf %get3A_672, %mul3A_674 : vector<16xf32>
      %get3A_676 = arith.index_cast %add3A_669 : i32 to index
      %get3A_677 = arith.constant 0 : index
      %get3A_678 = tpu.vector_load %arg14[%get3A_676, %get3A_677] {strides = array<i32>} : memref<128x64xf32, #tpu.memory_space<vmem>>, vector<1x16xf32>,
      %get3A_679 = vector.shape_cast %get3A_678 : vector<1x16xf32> to vector<16xf32>
      %add3A_680 = arith.addf %mul3A_675, %get3A_679 : vector<16xf32>
      %get3A_681 = arith.index_cast %add3A_669 : i32 to index
      %get3A_682 = arith.constant 32 : index
      %get3A_683 = tpu.vector_load %arg14[%get3A_681, %get3A_682] {strides = array<i32>} : memref<128x64xf32, #tpu.memory_space<vmem>>, vector<1x16xf32>,
      %get3A_684 = vector.shape_cast %get3A_683 : vector<1x16xf32> to vector<16xf32>
      %add3A_685 = arith.addf %add3A_680, %get3A_684 : vector<16xf32>
      %swap3A = arith.index_cast %add3A_669 : i32 to index
      %swap3A_686 = arith.constant 0 : index
      %swap3A_687 = tpu.vector_load %arg15[%swap3A, %swap3A_686] {strides = array<i32>} : memref<128x32xf32, #tpu.memory_space<vmem>>, vector<1x16xf32>,
      %swap3A_688 = vector.shape_cast %swap3A_687 : vector<1x16xf32> to vector<16xf32>
      %swap3A_689 = vector.shape_cast %add3A_685 : vector<16xf32> to vector<1x16xf32>
      tpu.vector_store %arg15[%swap3A, %swap3A_686], %swap3A_689 {strides = array<i32>} : memref<128x32xf32, #tpu.memory_space<vmem>>, vector<1x16xf32>,
      %get3A_690 = arith.index_cast %add3A_669 : i32 to index
      %get3A_691 = arith.constant 16 : index
      %get3A_692 = tpu.vector_load %arg13[%get3A_690, %get3A_691] {strides = array<i32>} : memref<128x32xf32, #tpu.memory_space<vmem>>, vector<1x16xf32>,
      %get3A_693 = vector.shape_cast %get3A_692 : vector<1x16xf32> to vector<16xf32>
      %mul3A_694 = arith.constant 2.000000e+00 : f32
      %mul3A_695 = vector.broadcast %mul3A_694 : f32 to vector<16xf32>
      %mul3A_696 = arith.mulf %get3A_693, %mul3A_695 : vector<16xf32>
      %get3A_697 = arith.index_cast %add3A_669 : i32 to index
      %get3A_698 = arith.constant 16 : index
      %get3A_699 = tpu.vector_load %arg14[%get3A_697, %get3A_698] {strides = array<i32>} : memref<128x64xf32, #tpu.memory_space<vmem>>, vector<1x16xf32>,
      %get3A_700 = vector.shape_cast %get3A_699 : vector<1x16xf32> to vector<16xf32>
      %add3A_701 = arith.addf %mul3A_696, %get3A_700 : vector<16xf32>
      %get3A_702 = arith.index_cast %add3A_669 : i32 to index
      %get3A_703 = arith.constant 48 : index
      %get3A_704 = tpu.vector_load %arg14[%get3A_702, %get3A_703] {strides = array<i32>} : memref<128x64xf32, #tpu.memory_space<vmem>>, vector<1x16xf32>,
      %get3A_705 = vector.shape_cast %get3A_704 : vector<1x16xf32> to vector<16xf32>
      %add3A_706 = arith.addf %add3A_701, %get3A_705 : vector<16xf32>
      %swap3A_707 = arith.index_cast %add3A_669 : i32 to index
      %swap3A_708 = arith.constant 16 : index
      %swap3A_709 = tpu.vector_load %arg15[%swap3A_707, %swap3A_708] {strides = array<i32>} : memref<128x32xf32, #tpu.memory_space<vmem>>, vector<1x16xf32>,
      %swap3A_710 = vector.shape_cast %swap3A_709 : vector<1x16xf32> to vector<16xf32>
      %swap3A_711 = vector.shape_cast %add3A_706 : vector<16xf32> to vector<1x16xf32>
      tpu.vector_store %arg15[%swap3A_707, %swap3A_708], %swap3A_711 {strides = array<i32>} : memref<128x32xf32, #tpu.memory_space<vmem>>, vector<1x16xf32>,
    }
    %scan3A_429 = arith.constant 128 : i32
    %dma_wait3A_430 = arith.constant 0 : i32
    %dma_wait3A_431 = arith.constant 0 : i32
    %dma_wait3A_432 = tpu.memref_slice %arg7[%dma_wait3A_430, %dma_wait3A_431] : memref<1000000x32xf32, #tpu.memory_space<hbm>> -> memref<1000000x32xf32, #tpu.memory_space<hbm>>
    tpu.wait_indirect_dma semaphore(%arg18 : memref<!tpu.dma_semaphore, #tpu.memory_space<semaphore_mem>>) src(%dma_wait3A_432 : memref<1000000x32xf32, #tpu.memory_space<hbm>>) dst(%arg16 : memref<128x32xf32, #tpu.memory_space<vmem>>)
    %dma_wait3A_433 = arith.constant 0 : i32
    %dma_wait3A_434 = arith.constant 0 : i32
    %dma_wait3A_435 = arith.constant 0 : i32
    %dma_wait3A_436 = arith.constant 0 : i32
    %dma_wait3A_437 = tpu.memref_slice %arg17[%dma_wait3A_434, %dma_wait3A_435, %dma_wait3A_436] : memref<5x128x32xf32, #tpu.memory_space<vmem>> -> memref<1x128x32xf32, #tpu.memory_space<vmem>>
    %dma_wait3A_438 = tpu.memref_squeeze %dma_wait3A_437 : memref<1x128x32xf32, #tpu.memory_space<vmem>> -> memref<128x32xf32, #tpu.memory_space<vmem>>
    %dma_wait3A_439 = arith.constant 0 : i32
    %dma_wait3A_440 = tpu.memref_slice %arg12[%dma_wait3A_433, %dma_wait3A_439] : memref<5x128xi32, #tpu.memory_space<vmem>> -> memref<1x128xi32, #tpu.memory_space<vmem>>
    %dma_wait3A_441 = tpu.memref_squeeze %dma_wait3A_440 : memref<1x128xi32, #tpu.memory_space<vmem>> -> memref<128xi32, #tpu.memory_space<vmem>>
    %dma_wait3A_442 = arith.constant 0 : i32
    %dma_wait3A_443 = arith.constant 0 : i32
    %dma_wait3A_444 = tpu.memref_slice %arg7[%dma_wait3A_442, %dma_wait3A_443] : memref<1000000x32xf32, #tpu.memory_space<hbm>> -> memref<1000000x32xf32, #tpu.memory_space<hbm>>
    tpu.wait_indirect_dma semaphore(%arg18 : memref<!tpu.dma_semaphore, #tpu.memory_space<semaphore_mem>>) src(%dma_wait3A_444 : memref<1000000x32xf32, #tpu.memory_space<hbm>>) dst(%dma_wait3A_438 : memref<128x32xf32, #tpu.memory_space<vmem>>)
    %dma_wait3A_445 = arith.constant 1 : i32
    %dma_wait3A_446 = arith.constant 1 : i32
    %dma_wait3A_447 = arith.constant 0 : i32
    %dma_wait3A_448 = arith.constant 0 : i32
    %dma_wait3A_449 = tpu.memref_slice %arg17[%dma_wait3A_446, %dma_wait3A_447, %dma_wait3A_448] : memref<5x128x32xf32, #tpu.memory_space<vmem>> -> memref<1x128x32xf32, #tpu.memory_space<vmem>>
    %dma_wait3A_450 = tpu.memref_squeeze %dma_wait3A_449 : memref<1x128x32xf32, #tpu.memory_space<vmem>> -> memref<128x32xf32, #tpu.memory_space<vmem>>
    %dma_wait3A_451 = arith.constant 0 : i32
    %dma_wait3A_452 = tpu.memref_slice %arg12[%dma_wait3A_445, %dma_wait3A_451] : memref<5x128xi32, #tpu.memory_space<vmem>> -> memref<1x128xi32, #tpu.memory_space<vmem>>
    %dma_wait3A_453 = tpu.memref_squeeze %dma_wait3A_452 : memref<1x128xi32, #tpu.memory_space<vmem>> -> memref<128xi32, #tpu.memory_space<vmem>>
    %dma_wait3A_454 = arith.constant 0 : i32
    %dma_wait3A_455 = arith.constant 0 : i32
    %dma_wait3A_456 = tpu.memref_slice %arg7[%dma_wait3A_454, %dma_wait3A_455] : memref<1000000x32xf32, #tpu.memory_space<hbm>> -> memref<1000000x32xf32, #tpu.memory_space<hbm>>
    tpu.wait_indirect_dma semaphore(%arg18 : memref<!tpu.dma_semaphore, #tpu.memory_space<semaphore_mem>>) src(%dma_wait3A_456 : memref<1000000x32xf32, #tpu.memory_space<hbm>>) dst(%dma_wait3A_450 : memref<128x32xf32, #tpu.memory_space<vmem>>)
    %dma_wait3A_457 = arith.constant 2 : i32
    %dma_wait3A_458 = arith.constant 2 : i32
    %dma_wait3A_459 = arith.constant 0 : i32
    %dma_wait3A_460 = arith.constant 0 : i32
    %dma_wait3A_461 = tpu.memref_slice %arg17[%dma_wait3A_458, %dma_wait3A_459, %dma_wait3A_460] : memref<5x128x32xf32, #tpu.memory_space<vmem>> -> memref<1x128x32xf32, #tpu.memory_space<vmem>>
    %dma_wait3A_462 = tpu.memref_squeeze %dma_wait3A_461 : memref<1x128x32xf32, #tpu.memory_space<vmem>> -> memref<128x32xf32, #tpu.memory_space<vmem>>
    %dma_wait3A_463 = arith.constant 0 : i32
    %dma_wait3A_464 = tpu.memref_slice %arg12[%dma_wait3A_457, %dma_wait3A_463] : memref<5x128xi32, #tpu.memory_space<vmem>> -> memref<1x128xi32, #tpu.memory_space<vmem>>
    %dma_wait3A_465 = tpu.memref_squeeze %dma_wait3A_464 : memref<1x128xi32, #tpu.memory_space<vmem>> -> memref<128xi32, #tpu.memory_space<vmem>>
    %dma_wait3A_466 = arith.constant 0 : i32
    %dma_wait3A_467 = arith.constant 0 : i32
    %dma_wait3A_468 = tpu.memref_slice %arg7[%dma_wait3A_466, %dma_wait3A_467] : memref<1000000x32xf32, #tpu.memory_space<hbm>> -> memref<1000000x32xf32, #tpu.memory_space<hbm>>
    tpu.wait_indirect_dma semaphore(%arg18 : memref<!tpu.dma_semaphore, #tpu.memory_space<semaphore_mem>>) src(%dma_wait3A_468 : memref<1000000x32xf32, #tpu.memory_space<hbm>>) dst(%dma_wait3A_462 : memref<128x32xf32, #tpu.memory_space<vmem>>)
    %dma_wait3A_469 = arith.constant 3 : i32
    %dma_wait3A_470 = arith.constant 3 : i32
    %dma_wait3A_471 = arith.constant 0 : i32
    %dma_wait3A_472 = arith.constant 0 : i32
    %dma_wait3A_473 = tpu.memref_slice %arg17[%dma_wait3A_470, %dma_wait3A_471, %dma_wait3A_472] : memref<5x128x32xf32, #tpu.memory_space<vmem>> -> memref<1x128x32xf32, #tpu.memory_space<vmem>>
    %dma_wait3A_474 = tpu.memref_squeeze %dma_wait3A_473 : memref<1x128x32xf32, #tpu.memory_space<vmem>> -> memref<128x32xf32, #tpu.memory_space<vmem>>
    %dma_wait3A_475 = arith.constant 0 : i32
    %dma_wait3A_476 = tpu.memref_slice %arg12[%dma_wait3A_469, %dma_wait3A_475] : memref<5x128xi32, #tpu.memory_space<vmem>> -> memref<1x128xi32, #tpu.memory_space<vmem>>
    %dma_wait3A_477 = tpu.memref_squeeze %dma_wait3A_476 : memref<1x128xi32, #tpu.memory_space<vmem>> -> memref<128xi32, #tpu.memory_space<vmem>>
    %dma_wait3A_478 = arith.constant 0 : i32
    %dma_wait3A_479 = arith.constant 0 : i32
    %dma_wait3A_480 = tpu.memref_slice %arg7[%dma_wait3A_478, %dma_wait3A_479] : memref<1000000x32xf32, #tpu.memory_space<hbm>> -> memref<1000000x32xf32, #tpu.memory_space<hbm>>
    tpu.wait_indirect_dma semaphore(%arg18 : memref<!tpu.dma_semaphore, #tpu.memory_space<semaphore_mem>>) src(%dma_wait3A_480 : memref<1000000x32xf32, #tpu.memory_space<hbm>>) dst(%dma_wait3A_474 : memref<128x32xf32, #tpu.memory_space<vmem>>)
    %dma_wait3A_481 = arith.constant 4 : i32
    %dma_wait3A_482 = arith.constant 4 : i32
    %dma_wait3A_483 = arith.constant 0 : i32
    %dma_wait3A_484 = arith.constant 0 : i32
    %dma_wait3A_485 = tpu.memref_slice %arg17[%dma_wait3A_482, %dma_wait3A_483, %dma_wait3A_484] : memref<5x128x32xf32, #tpu.memory_space<vmem>> -> memref<1x128x32xf32, #tpu.memory_space<vmem>>
    %dma_wait3A_486 = tpu.memref_squeeze %dma_wait3A_485 : memref<1x128x32xf32, #tpu.memory_space<vmem>> -> memref<128x32xf32, #tpu.memory_space<vmem>>
    %dma_wait3A_487 = arith.constant 0 : i32
    %dma_wait3A_488 = tpu.memref_slice %arg12[%dma_wait3A_481, %dma_wait3A_487] : memref<5x128xi32, #tpu.memory_space<vmem>> -> memref<1x128xi32, #tpu.memory_space<vmem>>
    %dma_wait3A_489 = tpu.memref_squeeze %dma_wait3A_488 : memref<1x128xi32, #tpu.memory_space<vmem>> -> memref<128xi32, #tpu.memory_space<vmem>>
    %dma_wait3A_490 = arith.constant 0 : i32
    %dma_wait3A_491 = arith.constant 0 : i32
    %dma_wait3A_492 = tpu.memref_slice %arg7[%dma_wait3A_490, %dma_wait3A_491] : memref<1000000x32xf32, #tpu.memory_space<hbm>> -> memref<1000000x32xf32, #tpu.memory_space<hbm>>
    tpu.wait_indirect_dma semaphore(%arg18 : memref<!tpu.dma_semaphore, #tpu.memory_space<semaphore_mem>>) src(%dma_wait3A_492 : memref<1000000x32xf32, #tpu.memory_space<hbm>>) dst(%dma_wait3A_486 : memref<128x32xf32, #tpu.memory_space<vmem>>)
    "tpu.region"() ({
      %run_scoped3A_665 = tpu.sem_alloc : memref<!tpu.dma_semaphore, #tpu.memory_space<semaphore_mem>>
      %dma_start3A_666 = arith.constant 0 : i32
      %dma_start3A_667 = tpu.memref_slice %arg8[%add3A_334, %dma_start3A_666] : memref<16384x128xf32, #tpu.memory_space<hbm>> -> memref<128x32xf32, #tpu.memory_space<hbm>>
      %dma_start3A_668 = arith.constant 0 : i32
      %dma_start3A_669 = tpu.memref_slice %arg8[%add3A_334, %dma_start3A_668] : memref<16384x128xf32, #tpu.memory_space<hbm>> -> memref<128x32xf32, #tpu.memory_space<hbm>>
      tpu.enqueue_dma source(%arg15 : memref<128x32xf32, #tpu.memory_space<vmem>>) target(%dma_start3A_669 : memref<128x32xf32, #tpu.memory_space<hbm>>) target_semaphore(%run_scoped3A_665 : memref<!tpu.dma_semaphore, #tpu.memory_space<semaphore_mem>>)
      %dma_wait3A_670 = arith.constant 0 : i32
      %dma_wait3A_671 = tpu.memref_slice %arg8[%add3A_334, %dma_wait3A_670] : memref<16384x128xf32, #tpu.memory_space<hbm>> -> memref<128x32xf32, #tpu.memory_space<hbm>>
      %dma_wait3A_672 = arith.constant 0 : i32
      %dma_wait3A_673 = tpu.memref_slice %arg8[%add3A_334, %dma_wait3A_672] : memref<16384x128xf32, #tpu.memory_space<hbm>> -> memref<128x32xf32, #tpu.memory_space<hbm>>
      tpu.wait_dma2 semaphore(%run_scoped3A_665 : memref<!tpu.dma_semaphore, #tpu.memory_space<semaphore_mem>>) src(%arg15 : memref<128x32xf32, #tpu.memory_space<vmem>>) dst(%dma_wait3A_673 : memref<128x32xf32, #tpu.memory_space<hbm>>)
      tpu.yield
    }) : () -> ()
    "tpu.region"() ({
      %run_scoped3A_665 = tpu.sem_alloc : memref<!tpu.dma_semaphore, #tpu.memory_space<semaphore_mem>>
      %dma_start3A_666 = arith.constant 32 : i32
      %dma_start3A_667 = tpu.memref_slice %arg8[%add3A_334, %dma_start3A_666] : memref<16384x128xf32, #tpu.memory_space<hbm>> -> memref<128x32xf32, #tpu.memory_space<hbm>>
      %dma_start3A_668 = arith.constant 32 : i32
      %dma_start3A_669 = tpu.memref_slice %arg8[%add3A_334, %dma_start3A_668] : memref<16384x128xf32, #tpu.memory_space<hbm>> -> memref<128x32xf32, #tpu.memory_space<hbm>>
      tpu.enqueue_dma source(%arg16 : memref<128x32xf32, #tpu.memory_space<vmem>>) target(%dma_start3A_669 : memref<128x32xf32, #tpu.memory_space<hbm>>) target_semaphore(%run_scoped3A_665 : memref<!tpu.dma_semaphore, #tpu.memory_space<semaphore_mem>>)
      %dma_wait3A_670 = arith.constant 32 : i32
      %dma_wait3A_671 = tpu.memref_slice %arg8[%add3A_334, %dma_wait3A_670] : memref<16384x128xf32, #tpu.memory_space<hbm>> -> memref<128x32xf32, #tpu.memory_space<hbm>>
      %dma_wait3A_672 = arith.constant 32 : i32
      %dma_wait3A_673 = tpu.memref_slice %arg8[%add3A_334, %dma_wait3A_672] : memref<16384x128xf32, #tpu.memory_space<hbm>> -> memref<128x32xf32, #tpu.memory_space<hbm>>
      tpu.wait_dma2 semaphore(%run_scoped3A_665 : memref<!tpu.dma_semaphore, #tpu.memory_space<semaphore_mem>>) src(%arg16 : memref<128x32xf32, #tpu.memory_space<vmem>>) dst(%dma_wait3A_673 : memref<128x32xf32, #tpu.memory_space<hbm>>)
      tpu.yield
    }) : () -> ()
    %run_scoped3A_493 = arith.constant 0 : i32
    "tpu.region"() ({
      %run_scoped3A_665 = tpu.sem_alloc : memref<!tpu.dma_semaphore, #tpu.memory_space<semaphore_mem>>
      %dma_start3A_666 = arith.constant 0 : i32
      %dma_start3A_667 = arith.constant 0 : i32
      %dma_start3A_668 = tpu.memref_slice %arg17[%run_scoped3A_493, %dma_start3A_666, %dma_start3A_667] : memref<5x128x32xf32, #tpu.memory_space<vmem>> -> memref<1x128x32xf32, #tpu.memory_space<vmem>>
      %dma_start3A_669 = tpu.memref_squeeze %dma_start3A_668 : memref<1x128x32xf32, #tpu.memory_space<vmem>> -> memref<128x32xf32, #tpu.memory_space<vmem>>
      %dma_start3A_670 = arith.constant 64 : i32
      %dma_start3A_671 = tpu.memref_slice %arg8[%add3A_334, %dma_start3A_670] : memref<16384x128xf32, #tpu.memory_space<hbm>> -> memref<128x32xf32, #tpu.memory_space<hbm>>
      %dma_start3A_672 = arith.constant 64 : i32
      %dma_start3A_673 = tpu.memref_slice %arg8[%add3A_334, %dma_start3A_672] : memref<16384x128xf32, #tpu.memory_space<hbm>> -> memref<128x32xf32, #tpu.memory_space<hbm>>
      %dma_start3A_674 = arith.constant 0 : i32
      %dma_start3A_675 = arith.constant 0 : i32
      %dma_start3A_676 = tpu.memref_slice %arg17[%run_scoped3A_493, %dma_start3A_674, %dma_start3A_675] : memref<5x128x32xf32, #tpu.memory_space<vmem>> -> memref<1x128x32xf32, #tpu.memory_space<vmem>>
      %dma_start3A_677 = tpu.memref_squeeze %dma_start3A_676 : memref<1x128x32xf32, #tpu.memory_space<vmem>> -> memref<128x32xf32, #tpu.memory_space<vmem>>
      tpu.enqueue_dma source(%dma_start3A_677 : memref<128x32xf32, #tpu.memory_space<vmem>>) target(%dma_start3A_673 : memref<128x32xf32, #tpu.memory_space<hbm>>) target_semaphore(%run_scoped3A_665 : memref<!tpu.dma_semaphore, #tpu.memory_space<semaphore_mem>>)
      %dma_wait3A_678 = arith.constant 0 : i32
      %dma_wait3A_679 = arith.constant 0 : i32
      %dma_wait3A_680 = tpu.memref_slice %arg17[%run_scoped3A_493, %dma_wait3A_678, %dma_wait3A_679] : memref<5x128x32xf32, #tpu.memory_space<vmem>> -> memref<1x128x32xf32, #tpu.memory_space<vmem>>
      %dma_wait3A_681 = tpu.memref_squeeze %dma_wait3A_680 : memref<1x128x32xf32, #tpu.memory_space<vmem>> -> memref<128x32xf32, #tpu.memory_space<vmem>>
      %dma_wait3A_682 = arith.constant 64 : i32
      %dma_wait3A_683 = tpu.memref_slice %arg8[%add3A_334, %dma_wait3A_682] : memref<16384x128xf32, #tpu.memory_space<hbm>> -> memref<128x32xf32, #tpu.memory_space<hbm>>
      %dma_wait3A_684 = arith.constant 64 : i32
      %dma_wait3A_685 = tpu.memref_slice %arg8[%add3A_334, %dma_wait3A_684] : memref<16384x128xf32, #tpu.memory_space<hbm>> -> memref<128x32xf32, #tpu.memory_space<hbm>>
      %dma_wait3A_686 = arith.constant 0 : i32
      %dma_wait3A_687 = arith.constant 0 : i32
      %dma_wait3A_688 = tpu.memref_slice %arg17[%run_scoped3A_493, %dma_wait3A_686, %dma_wait3A_687] : memref<5x128x32xf32, #tpu.memory_space<vmem>> -> memref<1x128x32xf32, #tpu.memory_space<vmem>>
      %dma_wait3A_689 = tpu.memref_squeeze %dma_wait3A_688 : memref<1x128x32xf32, #tpu.memory_space<vmem>> -> memref<128x32xf32, #tpu.memory_space<vmem>>
      tpu.wait_dma2 semaphore(%run_scoped3A_665 : memref<!tpu.dma_semaphore, #tpu.memory_space<semaphore_mem>>) src(%dma_wait3A_689 : memref<128x32xf32, #tpu.memory_space<vmem>>) dst(%dma_wait3A_685 : memref<128x32xf32, #tpu.memory_space<hbm>>)
      tpu.yield
    }) : () -> ()
    %run_scoped3A_494 = arith.constant 1 : i32
    "tpu.region"() ({
      %run_scoped3A_665 = tpu.sem_alloc : memref<!tpu.dma_semaphore, #tpu.memory_space<semaphore_mem>>
      %dma_start3A_666 = arith.constant 0 : i32
      %dma_start3A_667 = arith.constant 0 : i32
      %dma_start3A_668 = tpu.memref_slice %arg17[%run_scoped3A_494, %dma_start3A_666, %dma_start3A_667] : memref<5x128x32xf32, #tpu.memory_space<vmem>> -> memref<1x128x32xf32, #tpu.memory_space<vmem>>
      %dma_start3A_669 = tpu.memref_squeeze %dma_start3A_668 : memref<1x128x32xf32, #tpu.memory_space<vmem>> -> memref<128x32xf32, #tpu.memory_space<vmem>>
      %dma_start3A_670 = arith.constant 96 : i32
      %dma_start3A_671 = tpu.memref_slice %arg8[%add3A_334, %dma_start3A_670] : memref<16384x128xf32, #tpu.memory_space<hbm>> -> memref<128x32xf32, #tpu.memory_space<hbm>>
      %dma_start3A_672 = arith.constant 96 : i32
      %dma_start3A_673 = tpu.memref_slice %arg8[%add3A_334, %dma_start3A_672] : memref<16384x128xf32, #tpu.memory_space<hbm>> -> memref<128x32xf32, #tpu.memory_space<hbm>>
      %dma_start3A_674 = arith.constant 0 : i32
      %dma_start3A_675 = arith.constant 0 : i32
      %dma_start3A_676 = tpu.memref_slice %arg17[%run_scoped3A_494, %dma_start3A_674, %dma_start3A_675] : memref<5x128x32xf32, #tpu.memory_space<vmem>> -> memref<1x128x32xf32, #tpu.memory_space<vmem>>
      %dma_start3A_677 = tpu.memref_squeeze %dma_start3A_676 : memref<1x128x32xf32, #tpu.memory_space<vmem>> -> memref<128x32xf32, #tpu.memory_space<vmem>>
      tpu.enqueue_dma source(%dma_start3A_677 : memref<128x32xf32, #tpu.memory_space<vmem>>) target(%dma_start3A_673 : memref<128x32xf32, #tpu.memory_space<hbm>>) target_semaphore(%run_scoped3A_665 : memref<!tpu.dma_semaphore, #tpu.memory_space<semaphore_mem>>)
      %dma_wait3A_678 = arith.constant 0 : i32
      %dma_wait3A_679 = arith.constant 0 : i32
      %dma_wait3A_680 = tpu.memref_slice %arg17[%run_scoped3A_494, %dma_wait3A_678, %dma_wait3A_679] : memref<5x128x32xf32, #tpu.memory_space<vmem>> -> memref<1x128x32xf32, #tpu.memory_space<vmem>>
      %dma_wait3A_681 = tpu.memref_squeeze %dma_wait3A_680 : memref<1x128x32xf32, #tpu.memory_space<vmem>> -> memref<128x32xf32, #tpu.memory_space<vmem>>
      %dma_wait3A_682 = arith.constant 96 : i32
      %dma_wait3A_683 = tpu.memref_slice %arg8[%add3A_334, %dma_wait3A_682] : memref<16384x128xf32, #tpu.memory_space<hbm>> -> memref<128x32xf32, #tpu.memory_space<hbm>>
      %dma_wait3A_684 = arith.constant 96 : i32
      %dma_wait3A_685 = tpu.memref_slice %arg8[%add3A_334, %dma_wait3A_684] : memref<16384x128xf32, #tpu.memory_space<hbm>> -> memref<128x32xf32, #tpu.memory_space<hbm>>
      %dma_wait3A_686 = arith.constant 0 : i32
      %dma_wait3A_687 = arith.constant 0 : i32
      %dma_wait3A_688 = tpu.memref_slice %arg17[%run_scoped3A_494, %dma_wait3A_686, %dma_wait3A_687] : memref<5x128x32xf32, #tpu.memory_space<vmem>> -> memref<1x128x32xf32, #tpu.memory_space<vmem>>
      %dma_wait3A_689 = tpu.memref_squeeze %dma_wait3A_688 : memref<1x128x32xf32, #tpu.memory_space<vmem>> -> memref<128x32xf32, #tpu.memory_space<vmem>>
      tpu.wait_dma2 semaphore(%run_scoped3A_665 : memref<!tpu.dma_semaphore, #tpu.memory_space<semaphore_mem>>) src(%dma_wait3A_689 : memref<128x32xf32, #tpu.memory_space<vmem>>) dst(%dma_wait3A_685 : memref<128x32xf32, #tpu.memory_space<hbm>>)
      tpu.yield
    }) : () -> ()
    %run_scoped3A_495 = arith.constant 2 : i32
    "tpu.region"() ({
      %run_scoped3A_665 = tpu.sem_alloc : memref<!tpu.dma_semaphore, #tpu.memory_space<semaphore_mem>>
      %dma_start3A_666 = arith.constant 0 : i32
      %dma_start3A_667 = arith.constant 0 : i32
      %dma_start3A_668 = tpu.memref_slice %arg17[%run_scoped3A_495, %dma_start3A_666, %dma_start3A_667] : memref<5x128x32xf32, #tpu.memory_space<vmem>> -> memref<1x128x32xf32, #tpu.memory_space<vmem>>
      %dma_start3A_669 = tpu.memref_squeeze %dma_start3A_668 : memref<1x128x32xf32, #tpu.memory_space<vmem>> -> memref<128x32xf32, #tpu.memory_space<vmem>>
      %dma_start3A_670 = arith.constant 0 : i32
      %dma_start3A_671 = tpu.memref_slice %arg9[%add3A_334, %dma_start3A_670] : memref<16384x128xf32, #tpu.memory_space<hbm>> -> memref<128x32xf32, #tpu.memory_space<hbm>>
      %dma_start3A_672 = arith.constant 0 : i32
      %dma_start3A_673 = tpu.memref_slice %arg9[%add3A_334, %dma_start3A_672] : memref<16384x128xf32, #tpu.memory_space<hbm>> -> memref<128x32xf32, #tpu.memory_space<hbm>>
      %dma_start3A_674 = arith.constant 0 : i32
      %dma_start3A_675 = arith.constant 0 : i32
      %dma_start3A_676 = tpu.memref_slice %arg17[%run_scoped3A_495, %dma_start3A_674, %dma_start3A_675] : memref<5x128x32xf32, #tpu.memory_space<vmem>> -> memref<1x128x32xf32, #tpu.memory_space<vmem>>
      %dma_start3A_677 = tpu.memref_squeeze %dma_start3A_676 : memref<1x128x32xf32, #tpu.memory_space<vmem>> -> memref<128x32xf32, #tpu.memory_space<vmem>>
      tpu.enqueue_dma source(%dma_start3A_677 : memref<128x32xf32, #tpu.memory_space<vmem>>) target(%dma_start3A_673 : memref<128x32xf32, #tpu.memory_space<hbm>>) target_semaphore(%run_scoped3A_665 : memref<!tpu.dma_semaphore, #tpu.memory_space<semaphore_mem>>)
      %dma_wait3A_678 = arith.constant 0 : i32
      %dma_wait3A_679 = arith.constant 0 : i32
      %dma_wait3A_680 = tpu.memref_slice %arg17[%run_scoped3A_495, %dma_wait3A_678, %dma_wait3A_679] : memref<5x128x32xf32, #tpu.memory_space<vmem>> -> memref<1x128x32xf32, #tpu.memory_space<vmem>>
      %dma_wait3A_681 = tpu.memref_squeeze %dma_wait3A_680 : memref<1x128x32xf32, #tpu.memory_space<vmem>> -> memref<128x32xf32, #tpu.memory_space<vmem>>
      %dma_wait3A_682 = arith.constant 0 : i32
      %dma_wait3A_683 = tpu.memref_slice %arg9[%add3A_334, %dma_wait3A_682] : memref<16384x128xf32, #tpu.memory_space<hbm>> -> memref<128x32xf32, #tpu.memory_space<hbm>>
      %dma_wait3A_684 = arith.constant 0 : i32
      %dma_wait3A_685 = tpu.memref_slice %arg9[%add3A_334, %dma_wait3A_684] : memref<16384x128xf32, #tpu.memory_space<hbm>> -> memref<128x32xf32, #tpu.memory_space<hbm>>
      %dma_wait3A_686 = arith.constant 0 : i32
      %dma_wait3A_687 = arith.constant 0 : i32
      %dma_wait3A_688 = tpu.memref_slice %arg17[%run_scoped3A_495, %dma_wait3A_686, %dma_wait3A_687] : memref<5x128x32xf32, #tpu.memory_space<vmem>> -> memref<1x128x32xf32, #tpu.memory_space<vmem>>
      %dma_wait3A_689 = tpu.memref_squeeze %dma_wait3A_688 : memref<1x128x32xf32, #tpu.memory_space<vmem>> -> memref<128x32xf32, #tpu.memory_space<vmem>>
      tpu.wait_dma2 semaphore(%run_scoped3A_665 : memref<!tpu.dma_semaphore, #tpu.memory_space<semaphore_mem>>) src(%dma_wait3A_689 : memref<128x32xf32, #tpu.memory_space<vmem>>) dst(%dma_wait3A_685 : memref<128x32xf32, #tpu.memory_space<hbm>>)
      tpu.yield
    }) : () -> ()
    %run_scoped3A_496 = arith.constant 3 : i32
    "tpu.region"() ({
      %run_scoped3A_665 = tpu.sem_alloc : memref<!tpu.dma_semaphore, #tpu.memory_space<semaphore_mem>>
      %dma_start3A_666 = arith.constant 0 : i32
      %dma_start3A_667 = arith.constant 0 : i32
      %dma_start3A_668 = tpu.memref_slice %arg17[%run_scoped3A_496, %dma_start3A_666, %dma_start3A_667] : memref<5x128x32xf32, #tpu.memory_space<vmem>> -> memref<1x128x32xf32, #tpu.memory_space<vmem>>
      %dma_start3A_669 = tpu.memref_squeeze %dma_start3A_668 : memref<1x128x32xf32, #tpu.memory_space<vmem>> -> memref<128x32xf32, #tpu.memory_space<vmem>>
      %dma_start3A_670 = arith.constant 32 : i32
      %dma_start3A_671 = tpu.memref_slice %arg9[%add3A_334, %dma_start3A_670] : memref<16384x128xf32, #tpu.memory_space<hbm>> -> memref<128x32xf32, #tpu.memory_space<hbm>>
      %dma_start3A_672 = arith.constant 32 : i32
      %dma_start3A_673 = tpu.memref_slice %arg9[%add3A_334, %dma_start3A_672] : memref<16384x128xf32, #tpu.memory_space<hbm>> -> memref<128x32xf32, #tpu.memory_space<hbm>>
      %dma_start3A_674 = arith.constant 0 : i32
      %dma_start3A_675 = arith.constant 0 : i32
      %dma_start3A_676 = tpu.memref_slice %arg17[%run_scoped3A_496, %dma_start3A_674, %dma_start3A_675] : memref<5x128x32xf32, #tpu.memory_space<vmem>> -> memref<1x128x32xf32, #tpu.memory_space<vmem>>
      %dma_start3A_677 = tpu.memref_squeeze %dma_start3A_676 : memref<1x128x32xf32, #tpu.memory_space<vmem>> -> memref<128x32xf32, #tpu.memory_space<vmem>>
      tpu.enqueue_dma source(%dma_start3A_677 : memref<128x32xf32, #tpu.memory_space<vmem>>) target(%dma_start3A_673 : memref<128x32xf32, #tpu.memory_space<hbm>>) target_semaphore(%run_scoped3A_665 : memref<!tpu.dma_semaphore, #tpu.memory_space<semaphore_mem>>)
      %dma_wait3A_678 = arith.constant 0 : i32
      %dma_wait3A_679 = arith.constant 0 : i32
      %dma_wait3A_680 = tpu.memref_slice %arg17[%run_scoped3A_496, %dma_wait3A_678, %dma_wait3A_679] : memref<5x128x32xf32, #tpu.memory_space<vmem>> -> memref<1x128x32xf32, #tpu.memory_space<vmem>>
      %dma_wait3A_681 = tpu.memref_squeeze %dma_wait3A_680 : memref<1x128x32xf32, #tpu.memory_space<vmem>> -> memref<128x32xf32, #tpu.memory_space<vmem>>
      %dma_wait3A_682 = arith.constant 32 : i32
      %dma_wait3A_683 = tpu.memref_slice %arg9[%add3A_334, %dma_wait3A_682] : memref<16384x128xf32, #tpu.memory_space<hbm>> -> memref<128x32xf32, #tpu.memory_space<hbm>>
      %dma_wait3A_684 = arith.constant 32 : i32
      %dma_wait3A_685 = tpu.memref_slice %arg9[%add3A_334, %dma_wait3A_684] : memref<16384x128xf32, #tpu.memory_space<hbm>> -> memref<128x32xf32, #tpu.memory_space<hbm>>
      %dma_wait3A_686 = arith.constant 0 : i32
      %dma_wait3A_687 = arith.constant 0 : i32
      %dma_wait3A_688 = tpu.memref_slice %arg17[%run_scoped3A_496, %dma_wait3A_686, %dma_wait3A_687] : memref<5x128x32xf32, #tpu.memory_space<vmem>> -> memref<1x128x32xf32, #tpu.memory_space<vmem>>
      %dma_wait3A_689 = tpu.memref_squeeze %dma_wait3A_688 : memref<1x128x32xf32, #tpu.memory_space<vmem>> -> memref<128x32xf32, #tpu.memory_space<vmem>>
      tpu.wait_dma2 semaphore(%run_scoped3A_665 : memref<!tpu.dma_semaphore, #tpu.memory_space<semaphore_mem>>) src(%dma_wait3A_689 : memref<128x32xf32, #tpu.memory_space<vmem>>) dst(%dma_wait3A_685 : memref<128x32xf32, #tpu.memory_space<hbm>>)
      tpu.yield
    }) : () -> ()
    %run_scoped3A_497 = arith.constant 4 : i32
    "tpu.region"() ({
      %run_scoped3A_665 = tpu.sem_alloc : memref<!tpu.dma_semaphore, #tpu.memory_space<semaphore_mem>>
      %dma_start3A_666 = arith.constant 0 : i32
      %dma_start3A_667 = arith.constant 0 : i32
      %dma_start3A_668 = tpu.memref_slice %arg17[%run_scoped3A_497, %dma_start3A_666, %dma_start3A_667] : memref<5x128x32xf32, #tpu.memory_space<vmem>> -> memref<1x128x32xf32, #tpu.memory_space<vmem>>
      %dma_start3A_669 = tpu.memref_squeeze %dma_start3A_668 : memref<1x128x32xf32, #tpu.memory_space<vmem>> -> memref<128x32xf32, #tpu.memory_space<vmem>>
      %dma_start3A_670 = arith.constant 64 : i32
      %dma_start3A_671 = tpu.memref_slice %arg9[%add3A_334, %dma_start3A_670] : memref<16384x128xf32, #tpu.memory_space<hbm>> -> memref<128x32xf32, #tpu.memory_space<hbm>>
      %dma_start3A_672 = arith.constant 64 : i32
      %dma_start3A_673 = tpu.memref_slice %arg9[%add3A_334, %dma_start3A_672] : memref<16384x128xf32, #tpu.memory_space<hbm>> -> memref<128x32xf32, #tpu.memory_space<hbm>>
      %dma_start3A_674 = arith.constant 0 : i32
      %dma_start3A_675 = arith.constant 0 : i32
      %dma_start3A_676 = tpu.memref_slice %arg17[%run_scoped3A_497, %dma_start3A_674, %dma_start3A_675] : memref<5x128x32xf32, #tpu.memory_space<vmem>> -> memref<1x128x32xf32, #tpu.memory_space<vmem>>
      %dma_start3A_677 = tpu.memref_squeeze %dma_start3A_676 : memref<1x128x32xf32, #tpu.memory_space<vmem>> -> memref<128x32xf32, #tpu.memory_space<vmem>>
      tpu.enqueue_dma source(%dma_start3A_677 : memref<128x32xf32, #tpu.memory_space<vmem>>) target(%dma_start3A_673 : memref<128x32xf32, #tpu.memory_space<hbm>>) target_semaphore(%run_scoped3A_665 : memref<!tpu.dma_semaphore, #tpu.memory_space<semaphore_mem>>)
      %dma_wait3A_678 = arith.constant 0 : i32
      %dma_wait3A_679 = arith.constant 0 : i32
      %dma_wait3A_680 = tpu.memref_slice %arg17[%run_scoped3A_497, %dma_wait3A_678, %dma_wait3A_679] : memref<5x128x32xf32, #tpu.memory_space<vmem>> -> memref<1x128x32xf32, #tpu.memory_space<vmem>>
      %dma_wait3A_681 = tpu.memref_squeeze %dma_wait3A_680 : memref<1x128x32xf32, #tpu.memory_space<vmem>> -> memref<128x32xf32, #tpu.memory_space<vmem>>
      %dma_wait3A_682 = arith.constant 64 : i32
      %dma_wait3A_683 = tpu.memref_slice %arg9[%add3A_334, %dma_wait3A_682] : memref<16384x128xf32, #tpu.memory_space<hbm>> -> memref<128x32xf32, #tpu.memory_space<hbm>>
      %dma_wait3A_684 = arith.constant 64 : i32
      %dma_wait3A_685 = tpu.memref_slice %arg9[%add3A_334, %dma_wait3A_684] : memref<16384x128xf32, #tpu.memory_space<hbm>> -> memref<128x32xf32, #tpu.memory_space<hbm>>
      %dma_wait3A_686 = arith.constant 0 : i32
      %dma_wait3A_687 = arith.constant 0 : i32
      %dma_wait3A_688 = tpu.memref_slice %arg17[%run_scoped3A_497, %dma_wait3A_686, %dma_wait3A_687] : memref<5x128x32xf32, #tpu.memory_space<vmem>> -> memref<1x128x32xf32, #tpu.memory_space<vmem>>
      %dma_wait3A_689 = tpu.memref_squeeze %dma_wait3A_688 : memref<1x128x32xf32, #tpu.memory_space<vmem>> -> memref<128x32xf32, #tpu.memory_space<vmem>>
      tpu.wait_dma2 semaphore(%run_scoped3A_665 : memref<!tpu.dma_semaphore, #tpu.memory_space<semaphore_mem>>) src(%dma_wait3A_689 : memref<128x32xf32, #tpu.memory_space<vmem>>) dst(%dma_wait3A_685 : memref<128x32xf32, #tpu.memory_space<hbm>>)
      tpu.yield
    }) : () -> ()
    %mul3A_498 = arith.constant 512 : i32
    %mul3A_499 = arith.muli %add3A, %mul3A_498 : i32
    %add3A_500 = arith.constant 384 : i32
    %add3A_501 = arith.addi %mul3A_499, %add3A_500 : i32
    "tpu.region"() ({
      %run_scoped3A_665 = tpu.sem_alloc : memref<!tpu.dma_semaphore, #tpu.memory_space<semaphore_mem>>
      %dma_start3A_666 = tpu.memref_slice %arg2[%add3A_501] : memref<16384xi32, #tpu.memory_space<hbm>> -> memref<128xi32, #tpu.memory_space<hbm>>
      %dma_start3A_667 = tpu.memref_slice %arg2[%add3A_501] : memref<16384xi32, #tpu.memory_space<hbm>> -> memref<128xi32, #tpu.memory_space<hbm>>
      tpu.enqueue_dma source(%dma_start3A_667 : memref<128xi32, #tpu.memory_space<hbm>>) target(%arg10 : memref<128xi32, #tpu.memory_space<vmem>>) target_semaphore(%run_scoped3A_665 : memref<!tpu.dma_semaphore, #tpu.memory_space<semaphore_mem>>)
      %dma_wait3A_668 = tpu.memref_slice %arg2[%add3A_501] : memref<16384xi32, #tpu.memory_space<hbm>> -> memref<128xi32, #tpu.memory_space<hbm>>
      %dma_wait3A_669 = tpu.memref_slice %arg2[%add3A_501] : memref<16384xi32, #tpu.memory_space<hbm>> -> memref<128xi32, #tpu.memory_space<hbm>>
      tpu.wait_dma2 semaphore(%run_scoped3A_665 : memref<!tpu.dma_semaphore, #tpu.memory_space<semaphore_mem>>) src(%dma_wait3A_669 : memref<128xi32, #tpu.memory_space<hbm>>) dst(%arg10 : memref<128xi32, #tpu.memory_space<vmem>>)
      tpu.yield
    }) : () -> ()
    "tpu.region"() ({
      %run_scoped3A_665 = tpu.sem_alloc : memref<!tpu.dma_semaphore, #tpu.memory_space<semaphore_mem>>
      %dma_start3A_666 = tpu.memref_slice %arg3[%add3A_501] : memref<16384xi32, #tpu.memory_space<hbm>> -> memref<128xi32, #tpu.memory_space<hbm>>
      %dma_start3A_667 = tpu.memref_slice %arg3[%add3A_501] : memref<16384xi32, #tpu.memory_space<hbm>> -> memref<128xi32, #tpu.memory_space<hbm>>
      tpu.enqueue_dma source(%dma_start3A_667 : memref<128xi32, #tpu.memory_space<hbm>>) target(%arg11 : memref<128xi32, #tpu.memory_space<vmem>>) target_semaphore(%run_scoped3A_665 : memref<!tpu.dma_semaphore, #tpu.memory_space<semaphore_mem>>)
      %dma_wait3A_668 = tpu.memref_slice %arg3[%add3A_501] : memref<16384xi32, #tpu.memory_space<hbm>> -> memref<128xi32, #tpu.memory_space<hbm>>
      %dma_wait3A_669 = tpu.memref_slice %arg3[%add3A_501] : memref<16384xi32, #tpu.memory_space<hbm>> -> memref<128xi32, #tpu.memory_space<hbm>>
      tpu.wait_dma2 semaphore(%run_scoped3A_665 : memref<!tpu.dma_semaphore, #tpu.memory_space<semaphore_mem>>) src(%dma_wait3A_669 : memref<128xi32, #tpu.memory_space<hbm>>) dst(%arg11 : memref<128xi32, #tpu.memory_space<vmem>>)
      tpu.yield
    }) : () -> ()
    %add3A_502 = arith.constant 0 : i32
    %add3A_503 = arith.addi %add3A_502, %add3A_501 : i32
    %run_scoped3A_504 = arith.constant 0 : i32
    "tpu.region"() ({
      %run_scoped3A_665 = tpu.sem_alloc : memref<!tpu.dma_semaphore, #tpu.memory_space<semaphore_mem>>
      %dma_start3A_666 = arith.constant 0 : i32
      %dma_start3A_667 = tpu.memref_slice %arg12[%run_scoped3A_504, %dma_start3A_666] : memref<5x128xi32, #tpu.memory_space<vmem>> -> memref<1x128xi32, #tpu.memory_space<vmem>>
      %dma_start3A_668 = tpu.memref_squeeze %dma_start3A_667 : memref<1x128xi32, #tpu.memory_space<vmem>> -> memref<128xi32, #tpu.memory_space<vmem>>
      %dma_start3A_669 = tpu.memref_slice %arg4[%add3A_503] : memref<81920xi32, #tpu.memory_space<hbm>> -> memref<128xi32, #tpu.memory_space<hbm>>
      %dma_start3A_670 = arith.constant 0 : i32
      %dma_start3A_671 = tpu.memref_slice %arg12[%run_scoped3A_504, %dma_start3A_670] : memref<5x128xi32, #tpu.memory_space<vmem>> -> memref<1x128xi32, #tpu.memory_space<vmem>>
      %dma_start3A_672 = tpu.memref_squeeze %dma_start3A_671 : memref<1x128xi32, #tpu.memory_space<vmem>> -> memref<128xi32, #tpu.memory_space<vmem>>
      %dma_start3A_673 = tpu.memref_slice %arg4[%add3A_503] : memref<81920xi32, #tpu.memory_space<hbm>> -> memref<128xi32, #tpu.memory_space<hbm>>
      tpu.enqueue_dma source(%dma_start3A_673 : memref<128xi32, #tpu.memory_space<hbm>>) target(%dma_start3A_672 : memref<128xi32, #tpu.memory_space<vmem>>) target_semaphore(%run_scoped3A_665 : memref<!tpu.dma_semaphore, #tpu.memory_space<semaphore_mem>>)
      %dma_wait3A_674 = arith.constant 0 : i32
      %dma_wait3A_675 = tpu.memref_slice %arg12[%run_scoped3A_504, %dma_wait3A_674] : memref<5x128xi32, #tpu.memory_space<vmem>> -> memref<1x128xi32, #tpu.memory_space<vmem>>
      %dma_wait3A_676 = tpu.memref_squeeze %dma_wait3A_675 : memref<1x128xi32, #tpu.memory_space<vmem>> -> memref<128xi32, #tpu.memory_space<vmem>>
      %dma_wait3A_677 = tpu.memref_slice %arg4[%add3A_503] : memref<81920xi32, #tpu.memory_space<hbm>> -> memref<128xi32, #tpu.memory_space<hbm>>
      %dma_wait3A_678 = arith.constant 0 : i32
      %dma_wait3A_679 = tpu.memref_slice %arg12[%run_scoped3A_504, %dma_wait3A_678] : memref<5x128xi32, #tpu.memory_space<vmem>> -> memref<1x128xi32, #tpu.memory_space<vmem>>
      %dma_wait3A_680 = tpu.memref_squeeze %dma_wait3A_679 : memref<1x128xi32, #tpu.memory_space<vmem>> -> memref<128xi32, #tpu.memory_space<vmem>>
      %dma_wait3A_681 = tpu.memref_slice %arg4[%add3A_503] : memref<81920xi32, #tpu.memory_space<hbm>> -> memref<128xi32, #tpu.memory_space<hbm>>
      tpu.wait_dma2 semaphore(%run_scoped3A_665 : memref<!tpu.dma_semaphore, #tpu.memory_space<semaphore_mem>>) src(%dma_wait3A_681 : memref<128xi32, #tpu.memory_space<hbm>>) dst(%dma_wait3A_680 : memref<128xi32, #tpu.memory_space<vmem>>)
      tpu.yield
    }) : () -> ()
    %add3A_505 = arith.constant 16384 : i32
    %add3A_506 = arith.addi %add3A_505, %add3A_501 : i32
    %run_scoped3A_507 = arith.constant 1 : i32
    "tpu.region"() ({
      %run_scoped3A_665 = tpu.sem_alloc : memref<!tpu.dma_semaphore, #tpu.memory_space<semaphore_mem>>
      %dma_start3A_666 = arith.constant 0 : i32
      %dma_start3A_667 = tpu.memref_slice %arg12[%run_scoped3A_507, %dma_start3A_666] : memref<5x128xi32, #tpu.memory_space<vmem>> -> memref<1x128xi32, #tpu.memory_space<vmem>>
      %dma_start3A_668 = tpu.memref_squeeze %dma_start3A_667 : memref<1x128xi32, #tpu.memory_space<vmem>> -> memref<128xi32, #tpu.memory_space<vmem>>
      %dma_start3A_669 = tpu.memref_slice %arg4[%add3A_506] : memref<81920xi32, #tpu.memory_space<hbm>> -> memref<128xi32, #tpu.memory_space<hbm>>
      %dma_start3A_670 = arith.constant 0 : i32
      %dma_start3A_671 = tpu.memref_slice %arg12[%run_scoped3A_507, %dma_start3A_670] : memref<5x128xi32, #tpu.memory_space<vmem>> -> memref<1x128xi32, #tpu.memory_space<vmem>>
      %dma_start3A_672 = tpu.memref_squeeze %dma_start3A_671 : memref<1x128xi32, #tpu.memory_space<vmem>> -> memref<128xi32, #tpu.memory_space<vmem>>
      %dma_start3A_673 = tpu.memref_slice %arg4[%add3A_506] : memref<81920xi32, #tpu.memory_space<hbm>> -> memref<128xi32, #tpu.memory_space<hbm>>
      tpu.enqueue_dma source(%dma_start3A_673 : memref<128xi32, #tpu.memory_space<hbm>>) target(%dma_start3A_672 : memref<128xi32, #tpu.memory_space<vmem>>) target_semaphore(%run_scoped3A_665 : memref<!tpu.dma_semaphore, #tpu.memory_space<semaphore_mem>>)
      %dma_wait3A_674 = arith.constant 0 : i32
      %dma_wait3A_675 = tpu.memref_slice %arg12[%run_scoped3A_507, %dma_wait3A_674] : memref<5x128xi32, #tpu.memory_space<vmem>> -> memref<1x128xi32, #tpu.memory_space<vmem>>
      %dma_wait3A_676 = tpu.memref_squeeze %dma_wait3A_675 : memref<1x128xi32, #tpu.memory_space<vmem>> -> memref<128xi32, #tpu.memory_space<vmem>>
      %dma_wait3A_677 = tpu.memref_slice %arg4[%add3A_506] : memref<81920xi32, #tpu.memory_space<hbm>> -> memref<128xi32, #tpu.memory_space<hbm>>
      %dma_wait3A_678 = arith.constant 0 : i32
      %dma_wait3A_679 = tpu.memref_slice %arg12[%run_scoped3A_507, %dma_wait3A_678] : memref<5x128xi32, #tpu.memory_space<vmem>> -> memref<1x128xi32, #tpu.memory_space<vmem>>
      %dma_wait3A_680 = tpu.memref_squeeze %dma_wait3A_679 : memref<1x128xi32, #tpu.memory_space<vmem>> -> memref<128xi32, #tpu.memory_space<vmem>>
      %dma_wait3A_681 = tpu.memref_slice %arg4[%add3A_506] : memref<81920xi32, #tpu.memory_space<hbm>> -> memref<128xi32, #tpu.memory_space<hbm>>
      tpu.wait_dma2 semaphore(%run_scoped3A_665 : memref<!tpu.dma_semaphore, #tpu.memory_space<semaphore_mem>>) src(%dma_wait3A_681 : memref<128xi32, #tpu.memory_space<hbm>>) dst(%dma_wait3A_680 : memref<128xi32, #tpu.memory_space<vmem>>)
      tpu.yield
    }) : () -> ()
    %add3A_508 = arith.constant 32768 : i32
    %add3A_509 = arith.addi %add3A_508, %add3A_501 : i32
    %run_scoped3A_510 = arith.constant 2 : i32
    "tpu.region"() ({
      %run_scoped3A_665 = tpu.sem_alloc : memref<!tpu.dma_semaphore, #tpu.memory_space<semaphore_mem>>
      %dma_start3A_666 = arith.constant 0 : i32
      %dma_start3A_667 = tpu.memref_slice %arg12[%run_scoped3A_510, %dma_start3A_666] : memref<5x128xi32, #tpu.memory_space<vmem>> -> memref<1x128xi32, #tpu.memory_space<vmem>>
      %dma_start3A_668 = tpu.memref_squeeze %dma_start3A_667 : memref<1x128xi32, #tpu.memory_space<vmem>> -> memref<128xi32, #tpu.memory_space<vmem>>
      %dma_start3A_669 = tpu.memref_slice %arg4[%add3A_509] : memref<81920xi32, #tpu.memory_space<hbm>> -> memref<128xi32, #tpu.memory_space<hbm>>
      %dma_start3A_670 = arith.constant 0 : i32
      %dma_start3A_671 = tpu.memref_slice %arg12[%run_scoped3A_510, %dma_start3A_670] : memref<5x128xi32, #tpu.memory_space<vmem>> -> memref<1x128xi32, #tpu.memory_space<vmem>>
      %dma_start3A_672 = tpu.memref_squeeze %dma_start3A_671 : memref<1x128xi32, #tpu.memory_space<vmem>> -> memref<128xi32, #tpu.memory_space<vmem>>
      %dma_start3A_673 = tpu.memref_slice %arg4[%add3A_509] : memref<81920xi32, #tpu.memory_space<hbm>> -> memref<128xi32, #tpu.memory_space<hbm>>
      tpu.enqueue_dma source(%dma_start3A_673 : memref<128xi32, #tpu.memory_space<hbm>>) target(%dma_start3A_672 : memref<128xi32, #tpu.memory_space<vmem>>) target_semaphore(%run_scoped3A_665 : memref<!tpu.dma_semaphore, #tpu.memory_space<semaphore_mem>>)
      %dma_wait3A_674 = arith.constant 0 : i32
      %dma_wait3A_675 = tpu.memref_slice %arg12[%run_scoped3A_510, %dma_wait3A_674] : memref<5x128xi32, #tpu.memory_space<vmem>> -> memref<1x128xi32, #tpu.memory_space<vmem>>
      %dma_wait3A_676 = tpu.memref_squeeze %dma_wait3A_675 : memref<1x128xi32, #tpu.memory_space<vmem>> -> memref<128xi32, #tpu.memory_space<vmem>>
      %dma_wait3A_677 = tpu.memref_slice %arg4[%add3A_509] : memref<81920xi32, #tpu.memory_space<hbm>> -> memref<128xi32, #tpu.memory_space<hbm>>
      %dma_wait3A_678 = arith.constant 0 : i32
      %dma_wait3A_679 = tpu.memref_slice %arg12[%run_scoped3A_510, %dma_wait3A_678] : memref<5x128xi32, #tpu.memory_space<vmem>> -> memref<1x128xi32, #tpu.memory_space<vmem>>
      %dma_wait3A_680 = tpu.memref_squeeze %dma_wait3A_679 : memref<1x128xi32, #tpu.memory_space<vmem>> -> memref<128xi32, #tpu.memory_space<vmem>>
      %dma_wait3A_681 = tpu.memref_slice %arg4[%add3A_509] : memref<81920xi32, #tpu.memory_space<hbm>> -> memref<128xi32, #tpu.memory_space<hbm>>
      tpu.wait_dma2 semaphore(%run_scoped3A_665 : memref<!tpu.dma_semaphore, #tpu.memory_space<semaphore_mem>>) src(%dma_wait3A_681 : memref<128xi32, #tpu.memory_space<hbm>>) dst(%dma_wait3A_680 : memref<128xi32, #tpu.memory_space<vmem>>)
      tpu.yield
    }) : () -> ()
    %add3A_511 = arith.constant 49152 : i32
    %add3A_512 = arith.addi %add3A_511, %add3A_501 : i32
    %run_scoped3A_513 = arith.constant 3 : i32
    "tpu.region"() ({
      %run_scoped3A_665 = tpu.sem_alloc : memref<!tpu.dma_semaphore, #tpu.memory_space<semaphore_mem>>
      %dma_start3A_666 = arith.constant 0 : i32
      %dma_start3A_667 = tpu.memref_slice %arg12[%run_scoped3A_513, %dma_start3A_666] : memref<5x128xi32, #tpu.memory_space<vmem>> -> memref<1x128xi32, #tpu.memory_space<vmem>>
      %dma_start3A_668 = tpu.memref_squeeze %dma_start3A_667 : memref<1x128xi32, #tpu.memory_space<vmem>> -> memref<128xi32, #tpu.memory_space<vmem>>
      %dma_start3A_669 = tpu.memref_slice %arg4[%add3A_512] : memref<81920xi32, #tpu.memory_space<hbm>> -> memref<128xi32, #tpu.memory_space<hbm>>
      %dma_start3A_670 = arith.constant 0 : i32
      %dma_start3A_671 = tpu.memref_slice %arg12[%run_scoped3A_513, %dma_start3A_670] : memref<5x128xi32, #tpu.memory_space<vmem>> -> memref<1x128xi32, #tpu.memory_space<vmem>>
      %dma_start3A_672 = tpu.memref_squeeze %dma_start3A_671 : memref<1x128xi32, #tpu.memory_space<vmem>> -> memref<128xi32, #tpu.memory_space<vmem>>
      %dma_start3A_673 = tpu.memref_slice %arg4[%add3A_512] : memref<81920xi32, #tpu.memory_space<hbm>> -> memref<128xi32, #tpu.memory_space<hbm>>
      tpu.enqueue_dma source(%dma_start3A_673 : memref<128xi32, #tpu.memory_space<hbm>>) target(%dma_start3A_672 : memref<128xi32, #tpu.memory_space<vmem>>) target_semaphore(%run_scoped3A_665 : memref<!tpu.dma_semaphore, #tpu.memory_space<semaphore_mem>>)
      %dma_wait3A_674 = arith.constant 0 : i32
      %dma_wait3A_675 = tpu.memref_slice %arg12[%run_scoped3A_513, %dma_wait3A_674] : memref<5x128xi32, #tpu.memory_space<vmem>> -> memref<1x128xi32, #tpu.memory_space<vmem>>
      %dma_wait3A_676 = tpu.memref_squeeze %dma_wait3A_675 : memref<1x128xi32, #tpu.memory_space<vmem>> -> memref<128xi32, #tpu.memory_space<vmem>>
      %dma_wait3A_677 = tpu.memref_slice %arg4[%add3A_512] : memref<81920xi32, #tpu.memory_space<hbm>> -> memref<128xi32, #tpu.memory_space<hbm>>
      %dma_wait3A_678 = arith.constant 0 : i32
      %dma_wait3A_679 = tpu.memref_slice %arg12[%run_scoped3A_513, %dma_wait3A_678] : memref<5x128xi32, #tpu.memory_space<vmem>> -> memref<1x128xi32, #tpu.memory_space<vmem>>
      %dma_wait3A_680 = tpu.memref_squeeze %dma_wait3A_679 : memref<1x128xi32, #tpu.memory_space<vmem>> -> memref<128xi32, #tpu.memory_space<vmem>>
      %dma_wait3A_681 = tpu.memref_slice %arg4[%add3A_512] : memref<81920xi32, #tpu.memory_space<hbm>> -> memref<128xi32, #tpu.memory_space<hbm>>
      tpu.wait_dma2 semaphore(%run_scoped3A_665 : memref<!tpu.dma_semaphore, #tpu.memory_space<semaphore_mem>>) src(%dma_wait3A_681 : memref<128xi32, #tpu.memory_space<hbm>>) dst(%dma_wait3A_680 : memref<128xi32, #tpu.memory_space<vmem>>)
      tpu.yield
    }) : () -> ()
    %add3A_514 = arith.constant 65536 : i32
    %add3A_515 = arith.addi %add3A_514, %add3A_501 : i32
    %run_scoped3A_516 = arith.constant 4 : i32
    "tpu.region"() ({
      %run_scoped3A_665 = tpu.sem_alloc : memref<!tpu.dma_semaphore, #tpu.memory_space<semaphore_mem>>
      %dma_start3A_666 = arith.constant 0 : i32
      %dma_start3A_667 = tpu.memref_slice %arg12[%run_scoped3A_516, %dma_start3A_666] : memref<5x128xi32, #tpu.memory_space<vmem>> -> memref<1x128xi32, #tpu.memory_space<vmem>>
      %dma_start3A_668 = tpu.memref_squeeze %dma_start3A_667 : memref<1x128xi32, #tpu.memory_space<vmem>> -> memref<128xi32, #tpu.memory_space<vmem>>
      %dma_start3A_669 = tpu.memref_slice %arg4[%add3A_515] : memref<81920xi32, #tpu.memory_space<hbm>> -> memref<128xi32, #tpu.memory_space<hbm>>
      %dma_start3A_670 = arith.constant 0 : i32
      %dma_start3A_671 = tpu.memref_slice %arg12[%run_scoped3A_516, %dma_start3A_670] : memref<5x128xi32, #tpu.memory_space<vmem>> -> memref<1x128xi32, #tpu.memory_space<vmem>>
      %dma_start3A_672 = tpu.memref_squeeze %dma_start3A_671 : memref<1x128xi32, #tpu.memory_space<vmem>> -> memref<128xi32, #tpu.memory_space<vmem>>
      %dma_start3A_673 = tpu.memref_slice %arg4[%add3A_515] : memref<81920xi32, #tpu.memory_space<hbm>> -> memref<128xi32, #tpu.memory_space<hbm>>
      tpu.enqueue_dma source(%dma_start3A_673 : memref<128xi32, #tpu.memory_space<hbm>>) target(%dma_start3A_672 : memref<128xi32, #tpu.memory_space<vmem>>) target_semaphore(%run_scoped3A_665 : memref<!tpu.dma_semaphore, #tpu.memory_space<semaphore_mem>>)
      %dma_wait3A_674 = arith.constant 0 : i32
      %dma_wait3A_675 = tpu.memref_slice %arg12[%run_scoped3A_516, %dma_wait3A_674] : memref<5x128xi32, #tpu.memory_space<vmem>> -> memref<1x128xi32, #tpu.memory_space<vmem>>
      %dma_wait3A_676 = tpu.memref_squeeze %dma_wait3A_675 : memref<1x128xi32, #tpu.memory_space<vmem>> -> memref<128xi32, #tpu.memory_space<vmem>>
      %dma_wait3A_677 = tpu.memref_slice %arg4[%add3A_515] : memref<81920xi32, #tpu.memory_space<hbm>> -> memref<128xi32, #tpu.memory_space<hbm>>
      %dma_wait3A_678 = arith.constant 0 : i32
      %dma_wait3A_679 = tpu.memref_slice %arg12[%run_scoped3A_516, %dma_wait3A_678] : memref<5x128xi32, #tpu.memory_space<vmem>> -> memref<1x128xi32, #tpu.memory_space<vmem>>
      %dma_wait3A_680 = tpu.memref_squeeze %dma_wait3A_679 : memref<1x128xi32, #tpu.memory_space<vmem>> -> memref<128xi32, #tpu.memory_space<vmem>>
      %dma_wait3A_681 = tpu.memref_slice %arg4[%add3A_515] : memref<81920xi32, #tpu.memory_space<hbm>> -> memref<128xi32, #tpu.memory_space<hbm>>
      tpu.wait_dma2 semaphore(%run_scoped3A_665 : memref<!tpu.dma_semaphore, #tpu.memory_space<semaphore_mem>>) src(%dma_wait3A_681 : memref<128xi32, #tpu.memory_space<hbm>>) dst(%dma_wait3A_680 : memref<128xi32, #tpu.memory_space<vmem>>)
      tpu.yield
    }) : () -> ()
    %dma_start3A_517 = arith.constant 0 : i32
    %dma_start3A_518 = arith.constant 0 : i32
    %dma_start3A_519 = tpu.memref_slice %arg5[%dma_start3A_517, %dma_start3A_518] : memref<100000x32xf32, #tpu.memory_space<hbm>> -> memref<100000x32xf32, #tpu.memory_space<hbm>>
    tpu.enqueue_indirect_dma source(%dma_start3A_519 : memref<100000x32xf32, #tpu.memory_space<hbm>>) target(%arg13 : memref<128x32xf32, #tpu.memory_space<vmem>>) offsets(%arg10 : memref<128xi32, #tpu.memory_space<vmem>>) semaphore(%arg18 : memref<!tpu.dma_semaphore, #tpu.memory_space<semaphore_mem>>)
    %dma_start3A_520 = arith.constant 0 : i32
    %dma_start3A_521 = arith.constant 0 : i32
    %dma_start3A_522 = tpu.memref_slice %arg6[%dma_start3A_520, %dma_start3A_521] : memref<100000x64xf32, #tpu.memory_space<hbm>> -> memref<100000x64xf32, #tpu.memory_space<hbm>>
    tpu.enqueue_indirect_dma source(%dma_start3A_522 : memref<100000x64xf32, #tpu.memory_space<hbm>>) target(%arg14 : memref<128x64xf32, #tpu.memory_space<vmem>>) offsets(%arg10 : memref<128xi32, #tpu.memory_space<vmem>>) semaphore(%arg18 : memref<!tpu.dma_semaphore, #tpu.memory_space<semaphore_mem>>)
    %dma_start3A_523 = arith.constant 0 : i32
    %dma_start3A_524 = arith.constant 0 : i32
    %dma_start3A_525 = tpu.memref_slice %arg7[%dma_start3A_523, %dma_start3A_524] : memref<1000000x32xf32, #tpu.memory_space<hbm>> -> memref<1000000x32xf32, #tpu.memory_space<hbm>>
    tpu.enqueue_indirect_dma source(%dma_start3A_525 : memref<1000000x32xf32, #tpu.memory_space<hbm>>) target(%arg16 : memref<128x32xf32, #tpu.memory_space<vmem>>) offsets(%arg11 : memref<128xi32, #tpu.memory_space<vmem>>) semaphore(%arg18 : memref<!tpu.dma_semaphore, #tpu.memory_space<semaphore_mem>>)
    %dma_start3A_526 = arith.constant 0 : i32
    %dma_start3A_527 = arith.constant 0 : i32
    %dma_start3A_528 = arith.constant 0 : i32
    %dma_start3A_529 = arith.constant 0 : i32
    %dma_start3A_530 = tpu.memref_slice %arg17[%dma_start3A_527, %dma_start3A_528, %dma_start3A_529] : memref<5x128x32xf32, #tpu.memory_space<vmem>> -> memref<1x128x32xf32, #tpu.memory_space<vmem>>
    %dma_start3A_531 = tpu.memref_squeeze %dma_start3A_530 : memref<1x128x32xf32, #tpu.memory_space<vmem>> -> memref<128x32xf32, #tpu.memory_space<vmem>>
    %dma_start3A_532 = arith.constant 0 : i32
    %dma_start3A_533 = tpu.memref_slice %arg12[%dma_start3A_526, %dma_start3A_532] : memref<5x128xi32, #tpu.memory_space<vmem>> -> memref<1x128xi32, #tpu.memory_space<vmem>>
    %dma_start3A_534 = tpu.memref_squeeze %dma_start3A_533 : memref<1x128xi32, #tpu.memory_space<vmem>> -> memref<128xi32, #tpu.memory_space<vmem>>
    %dma_start3A_535 = arith.constant 0 : i32
    %dma_start3A_536 = arith.constant 0 : i32
    %dma_start3A_537 = tpu.memref_slice %arg7[%dma_start3A_535, %dma_start3A_536] : memref<1000000x32xf32, #tpu.memory_space<hbm>> -> memref<1000000x32xf32, #tpu.memory_space<hbm>>
    tpu.enqueue_indirect_dma source(%dma_start3A_537 : memref<1000000x32xf32, #tpu.memory_space<hbm>>) target(%dma_start3A_531 : memref<128x32xf32, #tpu.memory_space<vmem>>) offsets(%dma_start3A_534 : memref<128xi32, #tpu.memory_space<vmem>>) semaphore(%arg18 : memref<!tpu.dma_semaphore, #tpu.memory_space<semaphore_mem>>)
    %dma_start3A_538 = arith.constant 1 : i32
    %dma_start3A_539 = arith.constant 1 : i32
    %dma_start3A_540 = arith.constant 0 : i32
    %dma_start3A_541 = arith.constant 0 : i32
    %dma_start3A_542 = tpu.memref_slice %arg17[%dma_start3A_539, %dma_start3A_540, %dma_start3A_541] : memref<5x128x32xf32, #tpu.memory_space<vmem>> -> memref<1x128x32xf32, #tpu.memory_space<vmem>>
    %dma_start3A_543 = tpu.memref_squeeze %dma_start3A_542 : memref<1x128x32xf32, #tpu.memory_space<vmem>> -> memref<128x32xf32, #tpu.memory_space<vmem>>
    %dma_start3A_544 = arith.constant 0 : i32
    %dma_start3A_545 = tpu.memref_slice %arg12[%dma_start3A_538, %dma_start3A_544] : memref<5x128xi32, #tpu.memory_space<vmem>> -> memref<1x128xi32, #tpu.memory_space<vmem>>
    %dma_start3A_546 = tpu.memref_squeeze %dma_start3A_545 : memref<1x128xi32, #tpu.memory_space<vmem>> -> memref<128xi32, #tpu.memory_space<vmem>>
    %dma_start3A_547 = arith.constant 0 : i32
    %dma_start3A_548 = arith.constant 0 : i32
    %dma_start3A_549 = tpu.memref_slice %arg7[%dma_start3A_547, %dma_start3A_548] : memref<1000000x32xf32, #tpu.memory_space<hbm>> -> memref<1000000x32xf32, #tpu.memory_space<hbm>>
    tpu.enqueue_indirect_dma source(%dma_start3A_549 : memref<1000000x32xf32, #tpu.memory_space<hbm>>) target(%dma_start3A_543 : memref<128x32xf32, #tpu.memory_space<vmem>>) offsets(%dma_start3A_546 : memref<128xi32, #tpu.memory_space<vmem>>) semaphore(%arg18 : memref<!tpu.dma_semaphore, #tpu.memory_space<semaphore_mem>>)
    %dma_start3A_550 = arith.constant 2 : i32
    %dma_start3A_551 = arith.constant 2 : i32
    %dma_start3A_552 = arith.constant 0 : i32
    %dma_start3A_553 = arith.constant 0 : i32
    %dma_start3A_554 = tpu.memref_slice %arg17[%dma_start3A_551, %dma_start3A_552, %dma_start3A_553] : memref<5x128x32xf32, #tpu.memory_space<vmem>> -> memref<1x128x32xf32, #tpu.memory_space<vmem>>
    %dma_start3A_555 = tpu.memref_squeeze %dma_start3A_554 : memref<1x128x32xf32, #tpu.memory_space<vmem>> -> memref<128x32xf32, #tpu.memory_space<vmem>>
    %dma_start3A_556 = arith.constant 0 : i32
    %dma_start3A_557 = tpu.memref_slice %arg12[%dma_start3A_550, %dma_start3A_556] : memref<5x128xi32, #tpu.memory_space<vmem>> -> memref<1x128xi32, #tpu.memory_space<vmem>>
    %dma_start3A_558 = tpu.memref_squeeze %dma_start3A_557 : memref<1x128xi32, #tpu.memory_space<vmem>> -> memref<128xi32, #tpu.memory_space<vmem>>
    %dma_start3A_559 = arith.constant 0 : i32
    %dma_start3A_560 = arith.constant 0 : i32
    %dma_start3A_561 = tpu.memref_slice %arg7[%dma_start3A_559, %dma_start3A_560] : memref<1000000x32xf32, #tpu.memory_space<hbm>> -> memref<1000000x32xf32, #tpu.memory_space<hbm>>
    tpu.enqueue_indirect_dma source(%dma_start3A_561 : memref<1000000x32xf32, #tpu.memory_space<hbm>>) target(%dma_start3A_555 : memref<128x32xf32, #tpu.memory_space<vmem>>) offsets(%dma_start3A_558 : memref<128xi32, #tpu.memory_space<vmem>>) semaphore(%arg18 : memref<!tpu.dma_semaphore, #tpu.memory_space<semaphore_mem>>)
    %dma_start3A_562 = arith.constant 3 : i32
    %dma_start3A_563 = arith.constant 3 : i32
    %dma_start3A_564 = arith.constant 0 : i32
    %dma_start3A_565 = arith.constant 0 : i32
    %dma_start3A_566 = tpu.memref_slice %arg17[%dma_start3A_563, %dma_start3A_564, %dma_start3A_565] : memref<5x128x32xf32, #tpu.memory_space<vmem>> -> memref<1x128x32xf32, #tpu.memory_space<vmem>>
    %dma_start3A_567 = tpu.memref_squeeze %dma_start3A_566 : memref<1x128x32xf32, #tpu.memory_space<vmem>> -> memref<128x32xf32, #tpu.memory_space<vmem>>
    %dma_start3A_568 = arith.constant 0 : i32
    %dma_start3A_569 = tpu.memref_slice %arg12[%dma_start3A_562, %dma_start3A_568] : memref<5x128xi32, #tpu.memory_space<vmem>> -> memref<1x128xi32, #tpu.memory_space<vmem>>
    %dma_start3A_570 = tpu.memref_squeeze %dma_start3A_569 : memref<1x128xi32, #tpu.memory_space<vmem>> -> memref<128xi32, #tpu.memory_space<vmem>>
    %dma_start3A_571 = arith.constant 0 : i32
    %dma_start3A_572 = arith.constant 0 : i32
    %dma_start3A_573 = tpu.memref_slice %arg7[%dma_start3A_571, %dma_start3A_572] : memref<1000000x32xf32, #tpu.memory_space<hbm>> -> memref<1000000x32xf32, #tpu.memory_space<hbm>>
    tpu.enqueue_indirect_dma source(%dma_start3A_573 : memref<1000000x32xf32, #tpu.memory_space<hbm>>) target(%dma_start3A_567 : memref<128x32xf32, #tpu.memory_space<vmem>>) offsets(%dma_start3A_570 : memref<128xi32, #tpu.memory_space<vmem>>) semaphore(%arg18 : memref<!tpu.dma_semaphore, #tpu.memory_space<semaphore_mem>>)
    %dma_start3A_574 = arith.constant 4 : i32
    %dma_start3A_575 = arith.constant 4 : i32
    %dma_start3A_576 = arith.constant 0 : i32
    %dma_start3A_577 = arith.constant 0 : i32
    %dma_start3A_578 = tpu.memref_slice %arg17[%dma_start3A_575, %dma_start3A_576, %dma_start3A_577] : memref<5x128x32xf32, #tpu.memory_space<vmem>> -> memref<1x128x32xf32, #tpu.memory_space<vmem>>
    %dma_start3A_579 = tpu.memref_squeeze %dma_start3A_578 : memref<1x128x32xf32, #tpu.memory_space<vmem>> -> memref<128x32xf32, #tpu.memory_space<vmem>>
    %dma_start3A_580 = arith.constant 0 : i32
    %dma_start3A_581 = tpu.memref_slice %arg12[%dma_start3A_574, %dma_start3A_580] : memref<5x128xi32, #tpu.memory_space<vmem>> -> memref<1x128xi32, #tpu.memory_space<vmem>>
    %dma_start3A_582 = tpu.memref_squeeze %dma_start3A_581 : memref<1x128xi32, #tpu.memory_space<vmem>> -> memref<128xi32, #tpu.memory_space<vmem>>
    %dma_start3A_583 = arith.constant 0 : i32
    %dma_start3A_584 = arith.constant 0 : i32
    %dma_start3A_585 = tpu.memref_slice %arg7[%dma_start3A_583, %dma_start3A_584] : memref<1000000x32xf32, #tpu.memory_space<hbm>> -> memref<1000000x32xf32, #tpu.memory_space<hbm>>
    tpu.enqueue_indirect_dma source(%dma_start3A_585 : memref<1000000x32xf32, #tpu.memory_space<hbm>>) target(%dma_start3A_579 : memref<128x32xf32, #tpu.memory_space<vmem>>) offsets(%dma_start3A_582 : memref<128xi32, #tpu.memory_space<vmem>>) semaphore(%arg18 : memref<!tpu.dma_semaphore, #tpu.memory_space<semaphore_mem>>)
    %dma_wait3A_586 = arith.constant 0 : i32
    %dma_wait3A_587 = arith.constant 0 : i32
    %dma_wait3A_588 = tpu.memref_slice %arg5[%dma_wait3A_586, %dma_wait3A_587] : memref<100000x32xf32, #tpu.memory_space<hbm>> -> memref<100000x32xf32, #tpu.memory_space<hbm>>
    tpu.wait_indirect_dma semaphore(%arg18 : memref<!tpu.dma_semaphore, #tpu.memory_space<semaphore_mem>>) src(%dma_wait3A_588 : memref<100000x32xf32, #tpu.memory_space<hbm>>) dst(%arg13 : memref<128x32xf32, #tpu.memory_space<vmem>>)
    %dma_wait3A_589 = arith.constant 0 : i32
    %dma_wait3A_590 = arith.constant 0 : i32
    %dma_wait3A_591 = tpu.memref_slice %arg6[%dma_wait3A_589, %dma_wait3A_590] : memref<100000x64xf32, #tpu.memory_space<hbm>> -> memref<100000x64xf32, #tpu.memory_space<hbm>>
    tpu.wait_indirect_dma semaphore(%arg18 : memref<!tpu.dma_semaphore, #tpu.memory_space<semaphore_mem>>) src(%dma_wait3A_591 : memref<100000x64xf32, #tpu.memory_space<hbm>>) dst(%arg14 : memref<128x64xf32, #tpu.memory_space<vmem>>)
    %scan3A_592 = arith.constant 0 : i32
    %scan3A_593 = arith.constant 128 : i32
    %scan3A_594 = arith.addi %scan3A_592, %scan3A_593 : i32
    %scan3A_595 = arith.constant 1 : i32
    scf.for %scan3A_665 = %scan3A_592 to %scan3A_594 step %scan3A_595  : i32 {
      %mul3A_666 = arith.constant 1 : i32
      %mul3A_667 = arith.muli %scan3A_665, %mul3A_666 : i32
      %add3A_668 = arith.constant 0 : i32
      %add3A_669 = arith.addi %add3A_668, %mul3A_667 : i32
      %get3A = arith.index_cast %add3A_669 : i32 to index
      %get3A_670 = arith.constant 0 : index
      %get3A_671 = tpu.vector_load %arg13[%get3A, %get3A_670] {strides = array<i32>} : memref<128x32xf32, #tpu.memory_space<vmem>>, vector<1x16xf32>,
      %get3A_672 = vector.shape_cast %get3A_671 : vector<1x16xf32> to vector<16xf32>
      %mul3A_673 = arith.constant 2.000000e+00 : f32
      %mul3A_674 = vector.broadcast %mul3A_673 : f32 to vector<16xf32>
      %mul3A_675 = arith.mulf %get3A_672, %mul3A_674 : vector<16xf32>
      %get3A_676 = arith.index_cast %add3A_669 : i32 to index
      %get3A_677 = arith.constant 0 : index
      %get3A_678 = tpu.vector_load %arg14[%get3A_676, %get3A_677] {strides = array<i32>} : memref<128x64xf32, #tpu.memory_space<vmem>>, vector<1x16xf32>,
      %get3A_679 = vector.shape_cast %get3A_678 : vector<1x16xf32> to vector<16xf32>
      %add3A_680 = arith.addf %mul3A_675, %get3A_679 : vector<16xf32>
      %get3A_681 = arith.index_cast %add3A_669 : i32 to index
      %get3A_682 = arith.constant 32 : index
      %get3A_683 = tpu.vector_load %arg14[%get3A_681, %get3A_682] {strides = array<i32>} : memref<128x64xf32, #tpu.memory_space<vmem>>, vector<1x16xf32>,
      %get3A_684 = vector.shape_cast %get3A_683 : vector<1x16xf32> to vector<16xf32>
      %add3A_685 = arith.addf %add3A_680, %get3A_684 : vector<16xf32>
      %swap3A = arith.index_cast %add3A_669 : i32 to index
      %swap3A_686 = arith.constant 0 : index
      %swap3A_687 = tpu.vector_load %arg15[%swap3A, %swap3A_686] {strides = array<i32>} : memref<128x32xf32, #tpu.memory_space<vmem>>, vector<1x16xf32>,
      %swap3A_688 = vector.shape_cast %swap3A_687 : vector<1x16xf32> to vector<16xf32>
      %swap3A_689 = vector.shape_cast %add3A_685 : vector<16xf32> to vector<1x16xf32>
      tpu.vector_store %arg15[%swap3A, %swap3A_686], %swap3A_689 {strides = array<i32>} : memref<128x32xf32, #tpu.memory_space<vmem>>, vector<1x16xf32>,
      %get3A_690 = arith.index_cast %add3A_669 : i32 to index
      %get3A_691 = arith.constant 16 : index
      %get3A_692 = tpu.vector_load %arg13[%get3A_690, %get3A_691] {strides = array<i32>} : memref<128x32xf32, #tpu.memory_space<vmem>>, vector<1x16xf32>,
      %get3A_693 = vector.shape_cast %get3A_692 : vector<1x16xf32> to vector<16xf32>
      %mul3A_694 = arith.constant 2.000000e+00 : f32
      %mul3A_695 = vector.broadcast %mul3A_694 : f32 to vector<16xf32>
      %mul3A_696 = arith.mulf %get3A_693, %mul3A_695 : vector<16xf32>
      %get3A_697 = arith.index_cast %add3A_669 : i32 to index
      %get3A_698 = arith.constant 16 : index
      %get3A_699 = tpu.vector_load %arg14[%get3A_697, %get3A_698] {strides = array<i32>} : memref<128x64xf32, #tpu.memory_space<vmem>>, vector<1x16xf32>,
      %get3A_700 = vector.shape_cast %get3A_699 : vector<1x16xf32> to vector<16xf32>
      %add3A_701 = arith.addf %mul3A_696, %get3A_700 : vector<16xf32>
      %get3A_702 = arith.index_cast %add3A_669 : i32 to index
      %get3A_703 = arith.constant 48 : index
      %get3A_704 = tpu.vector_load %arg14[%get3A_702, %get3A_703] {strides = array<i32>} : memref<128x64xf32, #tpu.memory_space<vmem>>, vector<1x16xf32>,
      %get3A_705 = vector.shape_cast %get3A_704 : vector<1x16xf32> to vector<16xf32>
      %add3A_706 = arith.addf %add3A_701, %get3A_705 : vector<16xf32>
      %swap3A_707 = arith.index_cast %add3A_669 : i32 to index
      %swap3A_708 = arith.constant 16 : index
      %swap3A_709 = tpu.vector_load %arg15[%swap3A_707, %swap3A_708] {strides = array<i32>} : memref<128x32xf32, #tpu.memory_space<vmem>>, vector<1x16xf32>,
      %swap3A_710 = vector.shape_cast %swap3A_709 : vector<1x16xf32> to vector<16xf32>
      %swap3A_711 = vector.shape_cast %add3A_706 : vector<16xf32> to vector<1x16xf32>
      tpu.vector_store %arg15[%swap3A_707, %swap3A_708], %swap3A_711 {strides = array<i32>} : memref<128x32xf32, #tpu.memory_space<vmem>>, vector<1x16xf32>,
    }
    %scan3A_596 = arith.constant 128 : i32
    %dma_wait3A_597 = arith.constant 0 : i32
    %dma_wait3A_598 = arith.constant 0 : i32
    %dma_wait3A_599 = tpu.memref_slice %arg7[%dma_wait3A_597, %dma_wait3A_598] : memref<1000000x32xf32, #tpu.memory_space<hbm>> -> memref<1000000x32xf32, #tpu.memory_space<hbm>>
    tpu.wait_indirect_dma semaphore(%arg18 : memref<!tpu.dma_semaphore, #tpu.memory_space<semaphore_mem>>) src(%dma_wait3A_599 : memref<1000000x32xf32, #tpu.memory_space<hbm>>) dst(%arg16 : memref<128x32xf32, #tpu.memory_space<vmem>>)
    %dma_wait3A_600 = arith.constant 0 : i32
    %dma_wait3A_601 = arith.constant 0 : i32
    %dma_wait3A_602 = arith.constant 0 : i32
    %dma_wait3A_603 = arith.constant 0 : i32
    %dma_wait3A_604 = tpu.memref_slice %arg17[%dma_wait3A_601, %dma_wait3A_602, %dma_wait3A_603] : memref<5x128x32xf32, #tpu.memory_space<vmem>> -> memref<1x128x32xf32, #tpu.memory_space<vmem>>
    %dma_wait3A_605 = tpu.memref_squeeze %dma_wait3A_604 : memref<1x128x32xf32, #tpu.memory_space<vmem>> -> memref<128x32xf32, #tpu.memory_space<vmem>>
    %dma_wait3A_606 = arith.constant 0 : i32
    %dma_wait3A_607 = tpu.memref_slice %arg12[%dma_wait3A_600, %dma_wait3A_606] : memref<5x128xi32, #tpu.memory_space<vmem>> -> memref<1x128xi32, #tpu.memory_space<vmem>>
    %dma_wait3A_608 = tpu.memref_squeeze %dma_wait3A_607 : memref<1x128xi32, #tpu.memory_space<vmem>> -> memref<128xi32, #tpu.memory_space<vmem>>
    %dma_wait3A_609 = arith.constant 0 : i32
    %dma_wait3A_610 = arith.constant 0 : i32
    %dma_wait3A_611 = tpu.memref_slice %arg7[%dma_wait3A_609, %dma_wait3A_610] : memref<1000000x32xf32, #tpu.memory_space<hbm>> -> memref<1000000x32xf32, #tpu.memory_space<hbm>>
    tpu.wait_indirect_dma semaphore(%arg18 : memref<!tpu.dma_semaphore, #tpu.memory_space<semaphore_mem>>) src(%dma_wait3A_611 : memref<1000000x32xf32, #tpu.memory_space<hbm>>) dst(%dma_wait3A_605 : memref<128x32xf32, #tpu.memory_space<vmem>>)
    %dma_wait3A_612 = arith.constant 1 : i32
    %dma_wait3A_613 = arith.constant 1 : i32
    %dma_wait3A_614 = arith.constant 0 : i32
    %dma_wait3A_615 = arith.constant 0 : i32
    %dma_wait3A_616 = tpu.memref_slice %arg17[%dma_wait3A_613, %dma_wait3A_614, %dma_wait3A_615] : memref<5x128x32xf32, #tpu.memory_space<vmem>> -> memref<1x128x32xf32, #tpu.memory_space<vmem>>
    %dma_wait3A_617 = tpu.memref_squeeze %dma_wait3A_616 : memref<1x128x32xf32, #tpu.memory_space<vmem>> -> memref<128x32xf32, #tpu.memory_space<vmem>>
    %dma_wait3A_618 = arith.constant 0 : i32
    %dma_wait3A_619 = tpu.memref_slice %arg12[%dma_wait3A_612, %dma_wait3A_618] : memref<5x128xi32, #tpu.memory_space<vmem>> -> memref<1x128xi32, #tpu.memory_space<vmem>>
    %dma_wait3A_620 = tpu.memref_squeeze %dma_wait3A_619 : memref<1x128xi32, #tpu.memory_space<vmem>> -> memref<128xi32, #tpu.memory_space<vmem>>
    %dma_wait3A_621 = arith.constant 0 : i32
    %dma_wait3A_622 = arith.constant 0 : i32
    %dma_wait3A_623 = tpu.memref_slice %arg7[%dma_wait3A_621, %dma_wait3A_622] : memref<1000000x32xf32, #tpu.memory_space<hbm>> -> memref<1000000x32xf32, #tpu.memory_space<hbm>>
    tpu.wait_indirect_dma semaphore(%arg18 : memref<!tpu.dma_semaphore, #tpu.memory_space<semaphore_mem>>) src(%dma_wait3A_623 : memref<1000000x32xf32, #tpu.memory_space<hbm>>) dst(%dma_wait3A_617 : memref<128x32xf32, #tpu.memory_space<vmem>>)
    %dma_wait3A_624 = arith.constant 2 : i32
    %dma_wait3A_625 = arith.constant 2 : i32
    %dma_wait3A_626 = arith.constant 0 : i32
    %dma_wait3A_627 = arith.constant 0 : i32
    %dma_wait3A_628 = tpu.memref_slice %arg17[%dma_wait3A_625, %dma_wait3A_626, %dma_wait3A_627] : memref<5x128x32xf32, #tpu.memory_space<vmem>> -> memref<1x128x32xf32, #tpu.memory_space<vmem>>
    %dma_wait3A_629 = tpu.memref_squeeze %dma_wait3A_628 : memref<1x128x32xf32, #tpu.memory_space<vmem>> -> memref<128x32xf32, #tpu.memory_space<vmem>>
    %dma_wait3A_630 = arith.constant 0 : i32
    %dma_wait3A_631 = tpu.memref_slice %arg12[%dma_wait3A_624, %dma_wait3A_630] : memref<5x128xi32, #tpu.memory_space<vmem>> -> memref<1x128xi32, #tpu.memory_space<vmem>>
    %dma_wait3A_632 = tpu.memref_squeeze %dma_wait3A_631 : memref<1x128xi32, #tpu.memory_space<vmem>> -> memref<128xi32, #tpu.memory_space<vmem>>
    %dma_wait3A_633 = arith.constant 0 : i32
    %dma_wait3A_634 = arith.constant 0 : i32
    %dma_wait3A_635 = tpu.memref_slice %arg7[%dma_wait3A_633, %dma_wait3A_634] : memref<1000000x32xf32, #tpu.memory_space<hbm>> -> memref<1000000x32xf32, #tpu.memory_space<hbm>>
    tpu.wait_indirect_dma semaphore(%arg18 : memref<!tpu.dma_semaphore, #tpu.memory_space<semaphore_mem>>) src(%dma_wait3A_635 : memref<1000000x32xf32, #tpu.memory_space<hbm>>) dst(%dma_wait3A_629 : memref<128x32xf32, #tpu.memory_space<vmem>>)
    %dma_wait3A_636 = arith.constant 3 : i32
    %dma_wait3A_637 = arith.constant 3 : i32
    %dma_wait3A_638 = arith.constant 0 : i32
    %dma_wait3A_639 = arith.constant 0 : i32
    %dma_wait3A_640 = tpu.memref_slice %arg17[%dma_wait3A_637, %dma_wait3A_638, %dma_wait3A_639] : memref<5x128x32xf32, #tpu.memory_space<vmem>> -> memref<1x128x32xf32, #tpu.memory_space<vmem>>
    %dma_wait3A_641 = tpu.memref_squeeze %dma_wait3A_640 : memref<1x128x32xf32, #tpu.memory_space<vmem>> -> memref<128x32xf32, #tpu.memory_space<vmem>>
    %dma_wait3A_642 = arith.constant 0 : i32
    %dma_wait3A_643 = tpu.memref_slice %arg12[%dma_wait3A_636, %dma_wait3A_642] : memref<5x128xi32, #tpu.memory_space<vmem>> -> memref<1x128xi32, #tpu.memory_space<vmem>>
    %dma_wait3A_644 = tpu.memref_squeeze %dma_wait3A_643 : memref<1x128xi32, #tpu.memory_space<vmem>> -> memref<128xi32, #tpu.memory_space<vmem>>
    %dma_wait3A_645 = arith.constant 0 : i32
    %dma_wait3A_646 = arith.constant 0 : i32
    %dma_wait3A_647 = tpu.memref_slice %arg7[%dma_wait3A_645, %dma_wait3A_646] : memref<1000000x32xf32, #tpu.memory_space<hbm>> -> memref<1000000x32xf32, #tpu.memory_space<hbm>>
    tpu.wait_indirect_dma semaphore(%arg18 : memref<!tpu.dma_semaphore, #tpu.memory_space<semaphore_mem>>) src(%dma_wait3A_647 : memref<1000000x32xf32, #tpu.memory_space<hbm>>) dst(%dma_wait3A_641 : memref<128x32xf32, #tpu.memory_space<vmem>>)
    %dma_wait3A_648 = arith.constant 4 : i32
    %dma_wait3A_649 = arith.constant 4 : i32
    %dma_wait3A_650 = arith.constant 0 : i32
    %dma_wait3A_651 = arith.constant 0 : i32
    %dma_wait3A_652 = tpu.memref_slice %arg17[%dma_wait3A_649, %dma_wait3A_650, %dma_wait3A_651] : memref<5x128x32xf32, #tpu.memory_space<vmem>> -> memref<1x128x32xf32, #tpu.memory_space<vmem>>
    %dma_wait3A_653 = tpu.memref_squeeze %dma_wait3A_652 : memref<1x128x32xf32, #tpu.memory_space<vmem>> -> memref<128x32xf32, #tpu.memory_space<vmem>>
    %dma_wait3A_654 = arith.constant 0 : i32
    %dma_wait3A_655 = tpu.memref_slice %arg12[%dma_wait3A_648, %dma_wait3A_654] : memref<5x128xi32, #tpu.memory_space<vmem>> -> memref<1x128xi32, #tpu.memory_space<vmem>>
    %dma_wait3A_656 = tpu.memref_squeeze %dma_wait3A_655 : memref<1x128xi32, #tpu.memory_space<vmem>> -> memref<128xi32, #tpu.memory_space<vmem>>
    %dma_wait3A_657 = arith.constant 0 : i32
    %dma_wait3A_658 = arith.constant 0 : i32
    %dma_wait3A_659 = tpu.memref_slice %arg7[%dma_wait3A_657, %dma_wait3A_658] : memref<1000000x32xf32, #tpu.memory_space<hbm>> -> memref<1000000x32xf32, #tpu.memory_space<hbm>>
    tpu.wait_indirect_dma semaphore(%arg18 : memref<!tpu.dma_semaphore, #tpu.memory_space<semaphore_mem>>) src(%dma_wait3A_659 : memref<1000000x32xf32, #tpu.memory_space<hbm>>) dst(%dma_wait3A_653 : memref<128x32xf32, #tpu.memory_space<vmem>>)
    "tpu.region"() ({
      %run_scoped3A_665 = tpu.sem_alloc : memref<!tpu.dma_semaphore, #tpu.memory_space<semaphore_mem>>
      %dma_start3A_666 = arith.constant 0 : i32
      %dma_start3A_667 = tpu.memref_slice %arg8[%add3A_501, %dma_start3A_666] : memref<16384x128xf32, #tpu.memory_space<hbm>> -> memref<128x32xf32, #tpu.memory_space<hbm>>
      %dma_start3A_668 = arith.constant 0 : i32
      %dma_start3A_669 = tpu.memref_slice %arg8[%add3A_501, %dma_start3A_668] : memref<16384x128xf32, #tpu.memory_space<hbm>> -> memref<128x32xf32, #tpu.memory_space<hbm>>
      tpu.enqueue_dma source(%arg15 : memref<128x32xf32, #tpu.memory_space<vmem>>) target(%dma_start3A_669 : memref<128x32xf32, #tpu.memory_space<hbm>>) target_semaphore(%run_scoped3A_665 : memref<!tpu.dma_semaphore, #tpu.memory_space<semaphore_mem>>)
      %dma_wait3A_670 = arith.constant 0 : i32
      %dma_wait3A_671 = tpu.memref_slice %arg8[%add3A_501, %dma_wait3A_670] : memref<16384x128xf32, #tpu.memory_space<hbm>> -> memref<128x32xf32, #tpu.memory_space<hbm>>
      %dma_wait3A_672 = arith.constant 0 : i32
      %dma_wait3A_673 = tpu.memref_slice %arg8[%add3A_501, %dma_wait3A_672] : memref<16384x128xf32, #tpu.memory_space<hbm>> -> memref<128x32xf32, #tpu.memory_space<hbm>>
      tpu.wait_dma2 semaphore(%run_scoped3A_665 : memref<!tpu.dma_semaphore, #tpu.memory_space<semaphore_mem>>) src(%arg15 : memref<128x32xf32, #tpu.memory_space<vmem>>) dst(%dma_wait3A_673 : memref<128x32xf32, #tpu.memory_space<hbm>>)
      tpu.yield
    }) : () -> ()
    "tpu.region"() ({
      %run_scoped3A_665 = tpu.sem_alloc : memref<!tpu.dma_semaphore, #tpu.memory_space<semaphore_mem>>
      %dma_start3A_666 = arith.constant 32 : i32
      %dma_start3A_667 = tpu.memref_slice %arg8[%add3A_501, %dma_start3A_666] : memref<16384x128xf32, #tpu.memory_space<hbm>> -> memref<128x32xf32, #tpu.memory_space<hbm>>
      %dma_start3A_668 = arith.constant 32 : i32
      %dma_start3A_669 = tpu.memref_slice %arg8[%add3A_501, %dma_start3A_668] : memref<16384x128xf32, #tpu.memory_space<hbm>> -> memref<128x32xf32, #tpu.memory_space<hbm>>
      tpu.enqueue_dma source(%arg16 : memref<128x32xf32, #tpu.memory_space<vmem>>) target(%dma_start3A_669 : memref<128x32xf32, #tpu.memory_space<hbm>>) target_semaphore(%run_scoped3A_665 : memref<!tpu.dma_semaphore, #tpu.memory_space<semaphore_mem>>)
      %dma_wait3A_670 = arith.constant 32 : i32
      %dma_wait3A_671 = tpu.memref_slice %arg8[%add3A_501, %dma_wait3A_670] : memref<16384x128xf32, #tpu.memory_space<hbm>> -> memref<128x32xf32, #tpu.memory_space<hbm>>
      %dma_wait3A_672 = arith.constant 32 : i32
      %dma_wait3A_673 = tpu.memref_slice %arg8[%add3A_501, %dma_wait3A_672] : memref<16384x128xf32, #tpu.memory_space<hbm>> -> memref<128x32xf32, #tpu.memory_space<hbm>>
      tpu.wait_dma2 semaphore(%run_scoped3A_665 : memref<!tpu.dma_semaphore, #tpu.memory_space<semaphore_mem>>) src(%arg16 : memref<128x32xf32, #tpu.memory_space<vmem>>) dst(%dma_wait3A_673 : memref<128x32xf32, #tpu.memory_space<hbm>>)
      tpu.yield
    }) : () -> ()
    %run_scoped3A_660 = arith.constant 0 : i32
    "tpu.region"() ({
      %run_scoped3A_665 = tpu.sem_alloc : memref<!tpu.dma_semaphore, #tpu.memory_space<semaphore_mem>>
      %dma_start3A_666 = arith.constant 0 : i32
      %dma_start3A_667 = arith.constant 0 : i32
      %dma_start3A_668 = tpu.memref_slice %arg17[%run_scoped3A_660, %dma_start3A_666, %dma_start3A_667] : memref<5x128x32xf32, #tpu.memory_space<vmem>> -> memref<1x128x32xf32, #tpu.memory_space<vmem>>
      %dma_start3A_669 = tpu.memref_squeeze %dma_start3A_668 : memref<1x128x32xf32, #tpu.memory_space<vmem>> -> memref<128x32xf32, #tpu.memory_space<vmem>>
      %dma_start3A_670 = arith.constant 64 : i32
      %dma_start3A_671 = tpu.memref_slice %arg8[%add3A_501, %dma_start3A_670] : memref<16384x128xf32, #tpu.memory_space<hbm>> -> memref<128x32xf32, #tpu.memory_space<hbm>>
      %dma_start3A_672 = arith.constant 64 : i32
      %dma_start3A_673 = tpu.memref_slice %arg8[%add3A_501, %dma_start3A_672] : memref<16384x128xf32, #tpu.memory_space<hbm>> -> memref<128x32xf32, #tpu.memory_space<hbm>>
      %dma_start3A_674 = arith.constant 0 : i32
      %dma_start3A_675 = arith.constant 0 : i32
      %dma_start3A_676 = tpu.memref_slice %arg17[%run_scoped3A_660, %dma_start3A_674, %dma_start3A_675] : memref<5x128x32xf32, #tpu.memory_space<vmem>> -> memref<1x128x32xf32, #tpu.memory_space<vmem>>
      %dma_start3A_677 = tpu.memref_squeeze %dma_start3A_676 : memref<1x128x32xf32, #tpu.memory_space<vmem>> -> memref<128x32xf32, #tpu.memory_space<vmem>>
      tpu.enqueue_dma source(%dma_start3A_677 : memref<128x32xf32, #tpu.memory_space<vmem>>) target(%dma_start3A_673 : memref<128x32xf32, #tpu.memory_space<hbm>>) target_semaphore(%run_scoped3A_665 : memref<!tpu.dma_semaphore, #tpu.memory_space<semaphore_mem>>)
      %dma_wait3A_678 = arith.constant 0 : i32
      %dma_wait3A_679 = arith.constant 0 : i32
      %dma_wait3A_680 = tpu.memref_slice %arg17[%run_scoped3A_660, %dma_wait3A_678, %dma_wait3A_679] : memref<5x128x32xf32, #tpu.memory_space<vmem>> -> memref<1x128x32xf32, #tpu.memory_space<vmem>>
      %dma_wait3A_681 = tpu.memref_squeeze %dma_wait3A_680 : memref<1x128x32xf32, #tpu.memory_space<vmem>> -> memref<128x32xf32, #tpu.memory_space<vmem>>
      %dma_wait3A_682 = arith.constant 64 : i32
      %dma_wait3A_683 = tpu.memref_slice %arg8[%add3A_501, %dma_wait3A_682] : memref<16384x128xf32, #tpu.memory_space<hbm>> -> memref<128x32xf32, #tpu.memory_space<hbm>>
      %dma_wait3A_684 = arith.constant 64 : i32
      %dma_wait3A_685 = tpu.memref_slice %arg8[%add3A_501, %dma_wait3A_684] : memref<16384x128xf32, #tpu.memory_space<hbm>> -> memref<128x32xf32, #tpu.memory_space<hbm>>
      %dma_wait3A_686 = arith.constant 0 : i32
      %dma_wait3A_687 = arith.constant 0 : i32
      %dma_wait3A_688 = tpu.memref_slice %arg17[%run_scoped3A_660, %dma_wait3A_686, %dma_wait3A_687] : memref<5x128x32xf32, #tpu.memory_space<vmem>> -> memref<1x128x32xf32, #tpu.memory_space<vmem>>
      %dma_wait3A_689 = tpu.memref_squeeze %dma_wait3A_688 : memref<1x128x32xf32, #tpu.memory_space<vmem>> -> memref<128x32xf32, #tpu.memory_space<vmem>>
      tpu.wait_dma2 semaphore(%run_scoped3A_665 : memref<!tpu.dma_semaphore, #tpu.memory_space<semaphore_mem>>) src(%dma_wait3A_689 : memref<128x32xf32, #tpu.memory_space<vmem>>) dst(%dma_wait3A_685 : memref<128x32xf32, #tpu.memory_space<hbm>>)
      tpu.yield
    }) : () -> ()
    %run_scoped3A_661 = arith.constant 1 : i32
    "tpu.region"() ({
      %run_scoped3A_665 = tpu.sem_alloc : memref<!tpu.dma_semaphore, #tpu.memory_space<semaphore_mem>>
      %dma_start3A_666 = arith.constant 0 : i32
      %dma_start3A_667 = arith.constant 0 : i32
      %dma_start3A_668 = tpu.memref_slice %arg17[%run_scoped3A_661, %dma_start3A_666, %dma_start3A_667] : memref<5x128x32xf32, #tpu.memory_space<vmem>> -> memref<1x128x32xf32, #tpu.memory_space<vmem>>
      %dma_start3A_669 = tpu.memref_squeeze %dma_start3A_668 : memref<1x128x32xf32, #tpu.memory_space<vmem>> -> memref<128x32xf32, #tpu.memory_space<vmem>>
      %dma_start3A_670 = arith.constant 96 : i32
      %dma_start3A_671 = tpu.memref_slice %arg8[%add3A_501, %dma_start3A_670] : memref<16384x128xf32, #tpu.memory_space<hbm>> -> memref<128x32xf32, #tpu.memory_space<hbm>>
      %dma_start3A_672 = arith.constant 96 : i32
      %dma_start3A_673 = tpu.memref_slice %arg8[%add3A_501, %dma_start3A_672] : memref<16384x128xf32, #tpu.memory_space<hbm>> -> memref<128x32xf32, #tpu.memory_space<hbm>>
      %dma_start3A_674 = arith.constant 0 : i32
      %dma_start3A_675 = arith.constant 0 : i32
      %dma_start3A_676 = tpu.memref_slice %arg17[%run_scoped3A_661, %dma_start3A_674, %dma_start3A_675] : memref<5x128x32xf32, #tpu.memory_space<vmem>> -> memref<1x128x32xf32, #tpu.memory_space<vmem>>
      %dma_start3A_677 = tpu.memref_squeeze %dma_start3A_676 : memref<1x128x32xf32, #tpu.memory_space<vmem>> -> memref<128x32xf32, #tpu.memory_space<vmem>>
      tpu.enqueue_dma source(%dma_start3A_677 : memref<128x32xf32, #tpu.memory_space<vmem>>) target(%dma_start3A_673 : memref<128x32xf32, #tpu.memory_space<hbm>>) target_semaphore(%run_scoped3A_665 : memref<!tpu.dma_semaphore, #tpu.memory_space<semaphore_mem>>)
      %dma_wait3A_678 = arith.constant 0 : i32
      %dma_wait3A_679 = arith.constant 0 : i32
      %dma_wait3A_680 = tpu.memref_slice %arg17[%run_scoped3A_661, %dma_wait3A_678, %dma_wait3A_679] : memref<5x128x32xf32, #tpu.memory_space<vmem>> -> memref<1x128x32xf32, #tpu.memory_space<vmem>>
      %dma_wait3A_681 = tpu.memref_squeeze %dma_wait3A_680 : memref<1x128x32xf32, #tpu.memory_space<vmem>> -> memref<128x32xf32, #tpu.memory_space<vmem>>
      %dma_wait3A_682 = arith.constant 96 : i32
      %dma_wait3A_683 = tpu.memref_slice %arg8[%add3A_501, %dma_wait3A_682] : memref<16384x128xf32, #tpu.memory_space<hbm>> -> memref<128x32xf32, #tpu.memory_space<hbm>>
      %dma_wait3A_684 = arith.constant 96 : i32
      %dma_wait3A_685 = tpu.memref_slice %arg8[%add3A_501, %dma_wait3A_684] : memref<16384x128xf32, #tpu.memory_space<hbm>> -> memref<128x32xf32, #tpu.memory_space<hbm>>
      %dma_wait3A_686 = arith.constant 0 : i32
      %dma_wait3A_687 = arith.constant 0 : i32
      %dma_wait3A_688 = tpu.memref_slice %arg17[%run_scoped3A_661, %dma_wait3A_686, %dma_wait3A_687] : memref<5x128x32xf32, #tpu.memory_space<vmem>> -> memref<1x128x32xf32, #tpu.memory_space<vmem>>
      %dma_wait3A_689 = tpu.memref_squeeze %dma_wait3A_688 : memref<1x128x32xf32, #tpu.memory_space<vmem>> -> memref<128x32xf32, #tpu.memory_space<vmem>>
      tpu.wait_dma2 semaphore(%run_scoped3A_665 : memref<!tpu.dma_semaphore, #tpu.memory_space<semaphore_mem>>) src(%dma_wait3A_689 : memref<128x32xf32, #tpu.memory_space<vmem>>) dst(%dma_wait3A_685 : memref<128x32xf32, #tpu.memory_space<hbm>>)
      tpu.yield
    }) : () -> ()
    %run_scoped3A_662 = arith.constant 2 : i32
    "tpu.region"() ({
      %run_scoped3A_665 = tpu.sem_alloc : memref<!tpu.dma_semaphore, #tpu.memory_space<semaphore_mem>>
      %dma_start3A_666 = arith.constant 0 : i32
      %dma_start3A_667 = arith.constant 0 : i32
      %dma_start3A_668 = tpu.memref_slice %arg17[%run_scoped3A_662, %dma_start3A_666, %dma_start3A_667] : memref<5x128x32xf32, #tpu.memory_space<vmem>> -> memref<1x128x32xf32, #tpu.memory_space<vmem>>
      %dma_start3A_669 = tpu.memref_squeeze %dma_start3A_668 : memref<1x128x32xf32, #tpu.memory_space<vmem>> -> memref<128x32xf32, #tpu.memory_space<vmem>>
      %dma_start3A_670 = arith.constant 0 : i32
      %dma_start3A_671 = tpu.memref_slice %arg9[%add3A_501, %dma_start3A_670] : memref<16384x128xf32, #tpu.memory_space<hbm>> -> memref<128x32xf32, #tpu.memory_space<hbm>>
      %dma_start3A_672 = arith.constant 0 : i32
      %dma_start3A_673 = tpu.memref_slice %arg9[%add3A_501, %dma_start3A_672] : memref<16384x128xf32, #tpu.memory_space<hbm>> -> memref<128x32xf32, #tpu.memory_space<hbm>>
      %dma_start3A_674 = arith.constant 0 : i32
      %dma_start3A_675 = arith.constant 0 : i32
      %dma_start3A_676 = tpu.memref_slice %arg17[%run_scoped3A_662, %dma_start3A_674, %dma_start3A_675] : memref<5x128x32xf32, #tpu.memory_space<vmem>> -> memref<1x128x32xf32, #tpu.memory_space<vmem>>
      %dma_start3A_677 = tpu.memref_squeeze %dma_start3A_676 : memref<1x128x32xf32, #tpu.memory_space<vmem>> -> memref<128x32xf32, #tpu.memory_space<vmem>>
      tpu.enqueue_dma source(%dma_start3A_677 : memref<128x32xf32, #tpu.memory_space<vmem>>) target(%dma_start3A_673 : memref<128x32xf32, #tpu.memory_space<hbm>>) target_semaphore(%run_scoped3A_665 : memref<!tpu.dma_semaphore, #tpu.memory_space<semaphore_mem>>)
      %dma_wait3A_678 = arith.constant 0 : i32
      %dma_wait3A_679 = arith.constant 0 : i32
      %dma_wait3A_680 = tpu.memref_slice %arg17[%run_scoped3A_662, %dma_wait3A_678, %dma_wait3A_679] : memref<5x128x32xf32, #tpu.memory_space<vmem>> -> memref<1x128x32xf32, #tpu.memory_space<vmem>>
      %dma_wait3A_681 = tpu.memref_squeeze %dma_wait3A_680 : memref<1x128x32xf32, #tpu.memory_space<vmem>> -> memref<128x32xf32, #tpu.memory_space<vmem>>
      %dma_wait3A_682 = arith.constant 0 : i32
      %dma_wait3A_683 = tpu.memref_slice %arg9[%add3A_501, %dma_wait3A_682] : memref<16384x128xf32, #tpu.memory_space<hbm>> -> memref<128x32xf32, #tpu.memory_space<hbm>>
      %dma_wait3A_684 = arith.constant 0 : i32
      %dma_wait3A_685 = tpu.memref_slice %arg9[%add3A_501, %dma_wait3A_684] : memref<16384x128xf32, #tpu.memory_space<hbm>> -> memref<128x32xf32, #tpu.memory_space<hbm>>
      %dma_wait3A_686 = arith.constant 0 : i32
      %dma_wait3A_687 = arith.constant 0 : i32
      %dma_wait3A_688 = tpu.memref_slice %arg17[%run_scoped3A_662, %dma_wait3A_686, %dma_wait3A_687] : memref<5x128x32xf32, #tpu.memory_space<vmem>> -> memref<1x128x32xf32, #tpu.memory_space<vmem>>
      %dma_wait3A_689 = tpu.memref_squeeze %dma_wait3A_688 : memref<1x128x32xf32, #tpu.memory_space<vmem>> -> memref<128x32xf32, #tpu.memory_space<vmem>>
      tpu.wait_dma2 semaphore(%run_scoped3A_665 : memref<!tpu.dma_semaphore, #tpu.memory_space<semaphore_mem>>) src(%dma_wait3A_689 : memref<128x32xf32, #tpu.memory_space<vmem>>) dst(%dma_wait3A_685 : memref<128x32xf32, #tpu.memory_space<hbm>>)
      tpu.yield
    }) : () -> ()
    %run_scoped3A_663 = arith.constant 3 : i32
    "tpu.region"() ({
      %run_scoped3A_665 = tpu.sem_alloc : memref<!tpu.dma_semaphore, #tpu.memory_space<semaphore_mem>>
      %dma_start3A_666 = arith.constant 0 : i32
      %dma_start3A_667 = arith.constant 0 : i32
      %dma_start3A_668 = tpu.memref_slice %arg17[%run_scoped3A_663, %dma_start3A_666, %dma_start3A_667] : memref<5x128x32xf32, #tpu.memory_space<vmem>> -> memref<1x128x32xf32, #tpu.memory_space<vmem>>
      %dma_start3A_669 = tpu.memref_squeeze %dma_start3A_668 : memref<1x128x32xf32, #tpu.memory_space<vmem>> -> memref<128x32xf32, #tpu.memory_space<vmem>>
      %dma_start3A_670 = arith.constant 32 : i32
      %dma_start3A_671 = tpu.memref_slice %arg9[%add3A_501, %dma_start3A_670] : memref<16384x128xf32, #tpu.memory_space<hbm>> -> memref<128x32xf32, #tpu.memory_space<hbm>>
      %dma_start3A_672 = arith.constant 32 : i32
      %dma_start3A_673 = tpu.memref_slice %arg9[%add3A_501, %dma_start3A_672] : memref<16384x128xf32, #tpu.memory_space<hbm>> -> memref<128x32xf32, #tpu.memory_space<hbm>>
      %dma_start3A_674 = arith.constant 0 : i32
      %dma_start3A_675 = arith.constant 0 : i32
      %dma_start3A_676 = tpu.memref_slice %arg17[%run_scoped3A_663, %dma_start3A_674, %dma_start3A_675] : memref<5x128x32xf32, #tpu.memory_space<vmem>> -> memref<1x128x32xf32, #tpu.memory_space<vmem>>
      %dma_start3A_677 = tpu.memref_squeeze %dma_start3A_676 : memref<1x128x32xf32, #tpu.memory_space<vmem>> -> memref<128x32xf32, #tpu.memory_space<vmem>>
      tpu.enqueue_dma source(%dma_start3A_677 : memref<128x32xf32, #tpu.memory_space<vmem>>) target(%dma_start3A_673 : memref<128x32xf32, #tpu.memory_space<hbm>>) target_semaphore(%run_scoped3A_665 : memref<!tpu.dma_semaphore, #tpu.memory_space<semaphore_mem>>)
      %dma_wait3A_678 = arith.constant 0 : i32
      %dma_wait3A_679 = arith.constant 0 : i32
      %dma_wait3A_680 = tpu.memref_slice %arg17[%run_scoped3A_663, %dma_wait3A_678, %dma_wait3A_679] : memref<5x128x32xf32, #tpu.memory_space<vmem>> -> memref<1x128x32xf32, #tpu.memory_space<vmem>>
      %dma_wait3A_681 = tpu.memref_squeeze %dma_wait3A_680 : memref<1x128x32xf32, #tpu.memory_space<vmem>> -> memref<128x32xf32, #tpu.memory_space<vmem>>
      %dma_wait3A_682 = arith.constant 32 : i32
      %dma_wait3A_683 = tpu.memref_slice %arg9[%add3A_501, %dma_wait3A_682] : memref<16384x128xf32, #tpu.memory_space<hbm>> -> memref<128x32xf32, #tpu.memory_space<hbm>>
      %dma_wait3A_684 = arith.constant 32 : i32
      %dma_wait3A_685 = tpu.memref_slice %arg9[%add3A_501, %dma_wait3A_684] : memref<16384x128xf32, #tpu.memory_space<hbm>> -> memref<128x32xf32, #tpu.memory_space<hbm>>
      %dma_wait3A_686 = arith.constant 0 : i32
      %dma_wait3A_687 = arith.constant 0 : i32
      %dma_wait3A_688 = tpu.memref_slice %arg17[%run_scoped3A_663, %dma_wait3A_686, %dma_wait3A_687] : memref<5x128x32xf32, #tpu.memory_space<vmem>> -> memref<1x128x32xf32, #tpu.memory_space<vmem>>
      %dma_wait3A_689 = tpu.memref_squeeze %dma_wait3A_688 : memref<1x128x32xf32, #tpu.memory_space<vmem>> -> memref<128x32xf32, #tpu.memory_space<vmem>>
      tpu.wait_dma2 semaphore(%run_scoped3A_665 : memref<!tpu.dma_semaphore, #tpu.memory_space<semaphore_mem>>) src(%dma_wait3A_689 : memref<128x32xf32, #tpu.memory_space<vmem>>) dst(%dma_wait3A_685 : memref<128x32xf32, #tpu.memory_space<hbm>>)
      tpu.yield
    }) : () -> ()
    %run_scoped3A_664 = arith.constant 4 : i32
    "tpu.region"() ({
      %run_scoped3A_665 = tpu.sem_alloc : memref<!tpu.dma_semaphore, #tpu.memory_space<semaphore_mem>>
      %dma_start3A_666 = arith.constant 0 : i32
      %dma_start3A_667 = arith.constant 0 : i32
      %dma_start3A_668 = tpu.memref_slice %arg17[%run_scoped3A_664, %dma_start3A_666, %dma_start3A_667] : memref<5x128x32xf32, #tpu.memory_space<vmem>> -> memref<1x128x32xf32, #tpu.memory_space<vmem>>
      %dma_start3A_669 = tpu.memref_squeeze %dma_start3A_668 : memref<1x128x32xf32, #tpu.memory_space<vmem>> -> memref<128x32xf32, #tpu.memory_space<vmem>>
      %dma_start3A_670 = arith.constant 64 : i32
      %dma_start3A_671 = tpu.memref_slice %arg9[%add3A_501, %dma_start3A_670] : memref<16384x128xf32, #tpu.memory_space<hbm>> -> memref<128x32xf32, #tpu.memory_space<hbm>>
      %dma_start3A_672 = arith.constant 64 : i32
      %dma_start3A_673 = tpu.memref_slice %arg9[%add3A_501, %dma_start3A_672] : memref<16384x128xf32, #tpu.memory_space<hbm>> -> memref<128x32xf32, #tpu.memory_space<hbm>>
      %dma_start3A_674 = arith.constant 0 : i32
      %dma_start3A_675 = arith.constant 0 : i32
      %dma_start3A_676 = tpu.memref_slice %arg17[%run_scoped3A_664, %dma_start3A_674, %dma_start3A_675] : memref<5x128x32xf32, #tpu.memory_space<vmem>> -> memref<1x128x32xf32, #tpu.memory_space<vmem>>
      %dma_start3A_677 = tpu.memref_squeeze %dma_start3A_676 : memref<1x128x32xf32, #tpu.memory_space<vmem>> -> memref<128x32xf32, #tpu.memory_space<vmem>>
      tpu.enqueue_dma source(%dma_start3A_677 : memref<128x32xf32, #tpu.memory_space<vmem>>) target(%dma_start3A_673 : memref<128x32xf32, #tpu.memory_space<hbm>>) target_semaphore(%run_scoped3A_665 : memref<!tpu.dma_semaphore, #tpu.memory_space<semaphore_mem>>)
      %dma_wait3A_678 = arith.constant 0 : i32
      %dma_wait3A_679 = arith.constant 0 : i32
      %dma_wait3A_680 = tpu.memref_slice %arg17[%run_scoped3A_664, %dma_wait3A_678, %dma_wait3A_679] : memref<5x128x32xf32, #tpu.memory_space<vmem>> -> memref<1x128x32xf32, #tpu.memory_space<vmem>>
      %dma_wait3A_681 = tpu.memref_squeeze %dma_wait3A_680 : memref<1x128x32xf32, #tpu.memory_space<vmem>> -> memref<128x32xf32, #tpu.memory_space<vmem>>
      %dma_wait3A_682 = arith.constant 64 : i32
      %dma_wait3A_683 = tpu.memref_slice %arg9[%add3A_501, %dma_wait3A_682] : memref<16384x128xf32, #tpu.memory_space<hbm>> -> memref<128x32xf32, #tpu.memory_space<hbm>>
      %dma_wait3A_684 = arith.constant 64 : i32
      %dma_wait3A_685 = tpu.memref_slice %arg9[%add3A_501, %dma_wait3A_684] : memref<16384x128xf32, #tpu.memory_space<hbm>> -> memref<128x32xf32, #tpu.memory_space<hbm>>
      %dma_wait3A_686 = arith.constant 0 : i32
      %dma_wait3A_687 = arith.constant 0 : i32
      %dma_wait3A_688 = tpu.memref_slice %arg17[%run_scoped3A_664, %dma_wait3A_686, %dma_wait3A_687] : memref<5x128x32xf32, #tpu.memory_space<vmem>> -> memref<1x128x32xf32, #tpu.memory_space<vmem>>
      %dma_wait3A_689 = tpu.memref_squeeze %dma_wait3A_688 : memref<1x128x32xf32, #tpu.memory_space<vmem>> -> memref<128x32xf32, #tpu.memory_space<vmem>>
      tpu.wait_dma2 semaphore(%run_scoped3A_665 : memref<!tpu.dma_semaphore, #tpu.memory_space<semaphore_mem>>) src(%dma_wait3A_689 : memref<128x32xf32, #tpu.memory_space<vmem>>) dst(%dma_wait3A_685 : memref<128x32xf32, #tpu.memory_space<hbm>>)
      tpu.yield
    }) : () -> ()
    return
  }
}

module attributes {stable_mosaic.version = 14 : i64} {
  func.func @body(%arg0: i32, %arg1: memref<1024x128xf32, #tpu.memory_space<vmem>>, %arg2: memref<1024x128xf32, #tpu.memory_space<vmem>>, %arg3: memref<1024x1xi32, #tpu.memory_space<vmem>>, %arg4: memref<32x32xf32, #tpu.memory_space<vmem>>, %arg5: memref<128x32xf32, #tpu.memory_space<vmem>>, %arg6: memref<1x1xf32, #tpu.memory_space<vmem>>) attributes {dimension_semantics = [#tpu.dimension_semantics<arbitrary>], iteration_bounds = array<i64: 16>, scalar_prefetch = 0 : i64, scratch_operands = 0 : i64, tpu.core_type = #tpu.core_type<tc>, window_params = [{transform_indices = @transform_0, window_bounds = array<i64: 1024, 128>}, {transform_indices = @transform_1, window_bounds = array<i64: 1024, 128>}, {transform_indices = @transform_2, window_bounds = array<i64: 1024, 1>}, {pipeline_mode = #tpu.pipeline_mode<synchronous>, transform_indices = @transform_3, window_bounds = array<i64: 32, 32>}, {pipeline_mode = #tpu.pipeline_mode<synchronous>, transform_indices = @transform_4, window_bounds = array<i64: 128, 32>}, {pipeline_mode = #tpu.pipeline_mode<synchronous>, transform_indices = @transform_5, window_bounds = array<i64: 1, 1>}]} {
    %get3A = arith.constant 0 : index
    %get3A_0 = arith.constant 0 : index
    %get3A_1 = vector.load %arg1[%get3A, %get3A_0] : memref<1024x128xf32, #tpu.memory_space<vmem>>, vector<1024x128xf32>
    %get3A_2 = arith.constant 0 : index
    %get3A_3 = arith.constant 0 : index
    %get3A_4 = vector.load %arg2[%get3A_2, %get3A_3] : memref<1024x128xf32, #tpu.memory_space<vmem>>, vector<1024x128xf32>
    %iota3A = tpu.iota {dimensions = array<i32: 1>} : vector<1024x128xi32>
    %get3A_5 = arith.constant 0 : index
    %get3A_6 = arith.constant 0 : index
    %get3A_7 = vector.load %arg3[%get3A_5, %get3A_6] : memref<1024x1xi32, #tpu.memory_space<vmem>>, vector<1024x1xi32>
    %eq3A = vector.broadcast %get3A_7 : vector<1024x1xi32> to vector<1024x128xi32>
    %eq3A_8 = arith.cmpi eq, %iota3A, %eq3A : vector<1024x128xi32>
    %convert_element_type3A = arith.extui %eq3A_8 : vector<1024x128xi1> to vector<1024x128xi32>
    %convert_element_type3A_9 = arith.sitofp %convert_element_type3A : vector<1024x128xi32> to vector<1024x128xf32>
    %slice3A = vector.extract_strided_slice %get3A_1 {offsets = [0, 0], sizes = [1024, 32], strides = [1, 1]} : vector<1024x128xf32> to vector<1024x32xf32>
    %get3A_10 = arith.constant 0 : index
    %get3A_11 = arith.constant 0 : index
    %get3A_12 = vector.load %arg4[%get3A_10, %get3A_11] : memref<32x32xf32, #tpu.memory_space<vmem>>, vector<32x32xf32>
    %dot_general3A = arith.constant dense<0.000000e+00> : vector<1024x32xf32>
    %dot_general3A_13 = tpu.matmul %slice3A, %get3A_12, %dot_general3A {dimension_numbers = #tpu.dot_dimension_numbers<[1], [0], [0], [1], [0, 0, 1, 1], [], []>, transpose_lhs_hint = false} : vector<1024x32xf32>, vector<32x32xf32>, vector<1024x32xf32> -> vector<1024x32xf32>
    %get3A_14 = arith.constant 0 : index
    %get3A_15 = arith.constant 0 : index
    %get3A_16 = vector.load %arg5[%get3A_14, %get3A_15] : memref<128x32xf32, #tpu.memory_space<vmem>>, vector<128x32xf32>
    %dot_general3A_17 = arith.constant dense<0.000000e+00> : vector<1024x32xf32>
    %dot_general3A_18 = tpu.matmul %convert_element_type3A_9, %get3A_16, %dot_general3A_17 {dimension_numbers = #tpu.dot_dimension_numbers<[1], [0], [0], [1], [0, 0, 1, 1], [], []>, transpose_lhs_hint = false} : vector<1024x128xf32>, vector<128x32xf32>, vector<1024x32xf32> -> vector<1024x32xf32>
    %add3A = arith.addf %dot_general3A_13, %dot_general3A_18 : vector<1024x32xf32>
    %slice3A_19 = vector.extract_strided_slice %get3A_1 {offsets = [0, 32], sizes = [1024, 32], strides = [1, 1]} : vector<1024x128xf32> to vector<1024x32xf32>
    %sub3A = arith.subf %add3A, %slice3A_19 : vector<1024x32xf32>
    %add3A_20 = arith.constant 9.99999997E-7 : f32
    %add3A_21 = vector.broadcast %add3A_20 : f32 to vector<1024x32xf32>
    %add3A_22 = arith.addf %sub3A, %add3A_21 : vector<1024x32xf32>
    %mul3A = arith.mulf %add3A_22, %add3A_22 : vector<1024x32xf32>
    %reduce_sum3A = arith.constant dense<0.000000e+00> : vector<1024xf32>
    %reduce_sum3A_23 = vector.multi_reduction <add>, %mul3A, %reduce_sum3A [1] : vector<1024x32xf32> to vector<1024xf32>
    %sqrt3A = math.sqrt %reduce_sum3A_23 : vector<1024xf32>
    %slice3A_24 = vector.extract_strided_slice %get3A_1 {offsets = [0, 64], sizes = [1024, 32], strides = [1, 1]} : vector<1024x128xf32> to vector<1024x32xf32>
    %slice3A_25 = vector.extract_strided_slice %get3A_1 {offsets = [0, 96], sizes = [1024, 32], strides = [1, 1]} : vector<1024x128xf32> to vector<1024x32xf32>
    %slice3A_26 = vector.extract_strided_slice %get3A_4 {offsets = [0, 0], sizes = [1024, 32], strides = [1, 1]} : vector<1024x128xf32> to vector<1024x32xf32>
    %slice3A_27 = vector.extract_strided_slice %get3A_4 {offsets = [0, 32], sizes = [1024, 32], strides = [1, 1]} : vector<1024x128xf32> to vector<1024x32xf32>
    %slice3A_28 = vector.extract_strided_slice %get3A_4 {offsets = [0, 64], sizes = [1024, 32], strides = [1, 1]} : vector<1024x128xf32> to vector<1024x32xf32>
    %sub3A_29 = arith.subf %add3A, %slice3A_24 : vector<1024x32xf32>
    %add3A_30 = arith.constant 9.99999997E-7 : f32
    %add3A_31 = vector.broadcast %add3A_30 : f32 to vector<1024x32xf32>
    %add3A_32 = arith.addf %sub3A_29, %add3A_31 : vector<1024x32xf32>
    %mul3A_33 = arith.mulf %add3A_32, %add3A_32 : vector<1024x32xf32>
    %reduce_sum3A_34 = arith.constant dense<0.000000e+00> : vector<1024xf32>
    %reduce_sum3A_35 = vector.multi_reduction <add>, %mul3A_33, %reduce_sum3A_34 [1] : vector<1024x32xf32> to vector<1024xf32>
    %sqrt3A_36 = math.sqrt %reduce_sum3A_35 : vector<1024xf32>
    %sub3A_37 = arith.subf %sqrt3A, %sqrt3A_36 : vector<1024xf32>
    %add3A_38 = arith.constant 1.000000e+00 : f32
    %add3A_39 = vector.broadcast %add3A_38 : f32 to vector<1024xf32>
    %add3A_40 = arith.addf %sub3A_37, %add3A_39 : vector<1024xf32>
    %max3A = arith.constant 0.000000e+00 : f32
    %max3A_41 = vector.broadcast %max3A : f32 to vector<1024xf32>
    %max3A_42 = arith.maximumf %add3A_40, %max3A_41 : vector<1024xf32>
    %reduce_sum3A_43 = vector.shape_cast %max3A_42 : vector<1024xf32> to vector<1x1024xf32>
    %reduce_sum3A_44 = arith.constant dense<0.000000e+00> : vector<1xf32>
    %reduce_sum3A_45 = vector.multi_reduction <add>, %reduce_sum3A_43, %reduce_sum3A_44 [1] : vector<1x1024xf32> to vector<1xf32>
    %reduce_sum3A_46 = vector.shape_cast %reduce_sum3A_45 : vector<1xf32> to vector<1x1xf32>
    %reduce_sum3A_47 = vector.extract %reduce_sum3A_46[0, 0] : f32 from vector<1x1xf32>
    %add3A_48 = arith.constant 0.000000e+00 : f32
    %add3A_49 = arith.addf %add3A_48, %reduce_sum3A_47 : f32
    %sub3A_50 = arith.subf %add3A, %slice3A_25 : vector<1024x32xf32>
    %add3A_51 = arith.constant 9.99999997E-7 : f32
    %add3A_52 = vector.broadcast %add3A_51 : f32 to vector<1024x32xf32>
    %add3A_53 = arith.addf %sub3A_50, %add3A_52 : vector<1024x32xf32>
    %mul3A_54 = arith.mulf %add3A_53, %add3A_53 : vector<1024x32xf32>
    %reduce_sum3A_55 = arith.constant dense<0.000000e+00> : vector<1024xf32>
    %reduce_sum3A_56 = vector.multi_reduction <add>, %mul3A_54, %reduce_sum3A_55 [1] : vector<1024x32xf32> to vector<1024xf32>
    %sqrt3A_57 = math.sqrt %reduce_sum3A_56 : vector<1024xf32>
    %sub3A_58 = arith.subf %sqrt3A, %sqrt3A_57 : vector<1024xf32>
    %add3A_59 = arith.constant 1.000000e+00 : f32
    %add3A_60 = vector.broadcast %add3A_59 : f32 to vector<1024xf32>
    %add3A_61 = arith.addf %sub3A_58, %add3A_60 : vector<1024xf32>
    %max3A_62 = arith.constant 0.000000e+00 : f32
    %max3A_63 = vector.broadcast %max3A_62 : f32 to vector<1024xf32>
    %max3A_64 = arith.maximumf %add3A_61, %max3A_63 : vector<1024xf32>
    %reduce_sum3A_65 = vector.shape_cast %max3A_64 : vector<1024xf32> to vector<1x1024xf32>
    %reduce_sum3A_66 = arith.constant dense<0.000000e+00> : vector<1xf32>
    %reduce_sum3A_67 = vector.multi_reduction <add>, %reduce_sum3A_65, %reduce_sum3A_66 [1] : vector<1x1024xf32> to vector<1xf32>
    %reduce_sum3A_68 = vector.shape_cast %reduce_sum3A_67 : vector<1xf32> to vector<1x1xf32>
    %reduce_sum3A_69 = vector.extract %reduce_sum3A_68[0, 0] : f32 from vector<1x1xf32>
    %add3A_70 = arith.addf %add3A_49, %reduce_sum3A_69 : f32
    %sub3A_71 = arith.subf %add3A, %slice3A_26 : vector<1024x32xf32>
    %add3A_72 = arith.constant 9.99999997E-7 : f32
    %add3A_73 = vector.broadcast %add3A_72 : f32 to vector<1024x32xf32>
    %add3A_74 = arith.addf %sub3A_71, %add3A_73 : vector<1024x32xf32>
    %mul3A_75 = arith.mulf %add3A_74, %add3A_74 : vector<1024x32xf32>
    %reduce_sum3A_76 = arith.constant dense<0.000000e+00> : vector<1024xf32>
    %reduce_sum3A_77 = vector.multi_reduction <add>, %mul3A_75, %reduce_sum3A_76 [1] : vector<1024x32xf32> to vector<1024xf32>
    %sqrt3A_78 = math.sqrt %reduce_sum3A_77 : vector<1024xf32>
    %sub3A_79 = arith.subf %sqrt3A, %sqrt3A_78 : vector<1024xf32>
    %add3A_80 = arith.constant 1.000000e+00 : f32
    %add3A_81 = vector.broadcast %add3A_80 : f32 to vector<1024xf32>
    %add3A_82 = arith.addf %sub3A_79, %add3A_81 : vector<1024xf32>
    %max3A_83 = arith.constant 0.000000e+00 : f32
    %max3A_84 = vector.broadcast %max3A_83 : f32 to vector<1024xf32>
    %max3A_85 = arith.maximumf %add3A_82, %max3A_84 : vector<1024xf32>
    %reduce_sum3A_86 = vector.shape_cast %max3A_85 : vector<1024xf32> to vector<1x1024xf32>
    %reduce_sum3A_87 = arith.constant dense<0.000000e+00> : vector<1xf32>
    %reduce_sum3A_88 = vector.multi_reduction <add>, %reduce_sum3A_86, %reduce_sum3A_87 [1] : vector<1x1024xf32> to vector<1xf32>
    %reduce_sum3A_89 = vector.shape_cast %reduce_sum3A_88 : vector<1xf32> to vector<1x1xf32>
    %reduce_sum3A_90 = vector.extract %reduce_sum3A_89[0, 0] : f32 from vector<1x1xf32>
    %add3A_91 = arith.addf %add3A_70, %reduce_sum3A_90 : f32
    %sub3A_92 = arith.subf %add3A, %slice3A_27 : vector<1024x32xf32>
    %add3A_93 = arith.constant 9.99999997E-7 : f32
    %add3A_94 = vector.broadcast %add3A_93 : f32 to vector<1024x32xf32>
    %add3A_95 = arith.addf %sub3A_92, %add3A_94 : vector<1024x32xf32>
    %mul3A_96 = arith.mulf %add3A_95, %add3A_95 : vector<1024x32xf32>
    %reduce_sum3A_97 = arith.constant dense<0.000000e+00> : vector<1024xf32>
    %reduce_sum3A_98 = vector.multi_reduction <add>, %mul3A_96, %reduce_sum3A_97 [1] : vector<1024x32xf32> to vector<1024xf32>
    %sqrt3A_99 = math.sqrt %reduce_sum3A_98 : vector<1024xf32>
    %sub3A_100 = arith.subf %sqrt3A, %sqrt3A_99 : vector<1024xf32>
    %add3A_101 = arith.constant 1.000000e+00 : f32
    %add3A_102 = vector.broadcast %add3A_101 : f32 to vector<1024xf32>
    %add3A_103 = arith.addf %sub3A_100, %add3A_102 : vector<1024xf32>
    %max3A_104 = arith.constant 0.000000e+00 : f32
    %max3A_105 = vector.broadcast %max3A_104 : f32 to vector<1024xf32>
    %max3A_106 = arith.maximumf %add3A_103, %max3A_105 : vector<1024xf32>
    %reduce_sum3A_107 = vector.shape_cast %max3A_106 : vector<1024xf32> to vector<1x1024xf32>
    %reduce_sum3A_108 = arith.constant dense<0.000000e+00> : vector<1xf32>
    %reduce_sum3A_109 = vector.multi_reduction <add>, %reduce_sum3A_107, %reduce_sum3A_108 [1] : vector<1x1024xf32> to vector<1xf32>
    %reduce_sum3A_110 = vector.shape_cast %reduce_sum3A_109 : vector<1xf32> to vector<1x1xf32>
    %reduce_sum3A_111 = vector.extract %reduce_sum3A_110[0, 0] : f32 from vector<1x1xf32>
    %add3A_112 = arith.addf %add3A_91, %reduce_sum3A_111 : f32
    %sub3A_113 = arith.subf %add3A, %slice3A_28 : vector<1024x32xf32>
    %add3A_114 = arith.constant 9.99999997E-7 : f32
    %add3A_115 = vector.broadcast %add3A_114 : f32 to vector<1024x32xf32>
    %add3A_116 = arith.addf %sub3A_113, %add3A_115 : vector<1024x32xf32>
    %mul3A_117 = arith.mulf %add3A_116, %add3A_116 : vector<1024x32xf32>
    %reduce_sum3A_118 = arith.constant dense<0.000000e+00> : vector<1024xf32>
    %reduce_sum3A_119 = vector.multi_reduction <add>, %mul3A_117, %reduce_sum3A_118 [1] : vector<1024x32xf32> to vector<1024xf32>
    %sqrt3A_120 = math.sqrt %reduce_sum3A_119 : vector<1024xf32>
    %sub3A_121 = arith.subf %sqrt3A, %sqrt3A_120 : vector<1024xf32>
    %add3A_122 = arith.constant 1.000000e+00 : f32
    %add3A_123 = vector.broadcast %add3A_122 : f32 to vector<1024xf32>
    %add3A_124 = arith.addf %sub3A_121, %add3A_123 : vector<1024xf32>
    %max3A_125 = arith.constant 0.000000e+00 : f32
    %max3A_126 = vector.broadcast %max3A_125 : f32 to vector<1024xf32>
    %max3A_127 = arith.maximumf %add3A_124, %max3A_126 : vector<1024xf32>
    %reduce_sum3A_128 = vector.shape_cast %max3A_127 : vector<1024xf32> to vector<1x1024xf32>
    %reduce_sum3A_129 = arith.constant dense<0.000000e+00> : vector<1xf32>
    %reduce_sum3A_130 = vector.multi_reduction <add>, %reduce_sum3A_128, %reduce_sum3A_129 [1] : vector<1x1024xf32> to vector<1xf32>
    %reduce_sum3A_131 = vector.shape_cast %reduce_sum3A_130 : vector<1xf32> to vector<1x1xf32>
    %reduce_sum3A_132 = vector.extract %reduce_sum3A_131[0, 0] : f32 from vector<1x1xf32>
    %add3A_133 = arith.addf %add3A_112, %reduce_sum3A_132 : f32
    %eq3A_134 = arith.constant 0 : i32
    %eq3A_135 = arith.cmpi eq, %arg0, %eq3A_134 : i32
    %convert_element_type3A_136 = arith.extui %eq3A_135 : i1 to i32
    %cond3A = arith.constant 0 : i32
    %cond3A_137 = arith.cmpi ne, %convert_element_type3A_136, %cond3A : i32
    scf.if %cond3A_137 {
      %broadcast_in_dim3A = arith.constant 0.000000e+00 : f32
      %broadcast_in_dim3A_146 = vector.broadcast %broadcast_in_dim3A : f32 to vector<1x1xf32>
      %swap3A_147 = arith.constant 0 : index
      %swap3A_148 = arith.constant 0 : index
      %swap3A_149 = vector.load %arg6[%swap3A_147, %swap3A_148] : memref<1x1xf32, #tpu.memory_space<vmem>>, vector<1x1xf32>
      tpu.vector_store %arg6[%swap3A_147, %swap3A_148], %broadcast_in_dim3A_146 {strides = array<i32>} : memref<1x1xf32, #tpu.memory_space<vmem>>, vector<1x1xf32>,
    } else {
    }
    %get3A_138 = arith.constant 0 : index
    %get3A_139 = arith.constant 0 : index
    %get3A_140 = vector.load %arg6[%get3A_138, %get3A_139] : memref<1x1xf32, #tpu.memory_space<vmem>>, vector<1x1xf32>
    %mul3A_141 = arith.constant 6.10351563E-5 : f32
    %mul3A_142 = arith.mulf %add3A_133, %mul3A_141 : f32
    %reshape3A = vector.broadcast %mul3A_142 : f32 to vector<1x1xf32>
    %add3A_143 = arith.addf %get3A_140, %reshape3A : vector<1x1xf32>
    %swap3A = arith.constant 0 : index
    %swap3A_144 = arith.constant 0 : index
    %swap3A_145 = vector.load %arg6[%swap3A, %swap3A_144] : memref<1x1xf32, #tpu.memory_space<vmem>>, vector<1x1xf32>
    tpu.vector_store %arg6[%swap3A, %swap3A_144], %add3A_143 {strides = array<i32>} : memref<1x1xf32, #tpu.memory_space<vmem>>, vector<1x1xf32>,
    return
  }
  func.func @transform_0(%arg0: i32) -> (i32, i32) {
    %c0_i32 = arith.constant 0 : i32
    %c0_i32_0 = arith.constant 0 : i32
    return %arg0, %c0_i32 : i32, i32
  }
  func.func @transform_1(%arg0: i32) -> (i32, i32) {
    %c0_i32 = arith.constant 0 : i32
    %c0_i32_0 = arith.constant 0 : i32
    return %arg0, %c0_i32 : i32, i32
  }
  func.func @transform_2(%arg0: i32) -> (i32, i32) {
    %c0_i32 = arith.constant 0 : i32
    %c0_i32_0 = arith.constant 0 : i32
    return %arg0, %c0_i32 : i32, i32
  }
  func.func @transform_3(%arg0: i32) -> (i32, i32) {
    %c0_i32 = arith.constant 0 : i32
    %c0_i32_0 = arith.constant 0 : i32
    %c0_i32_1 = arith.constant 0 : i32
    return %c0_i32, %c0_i32_0 : i32, i32
  }
  func.func @transform_4(%arg0: i32) -> (i32, i32) {
    %c0_i32 = arith.constant 0 : i32
    %c0_i32_0 = arith.constant 0 : i32
    %c0_i32_1 = arith.constant 0 : i32
    return %c0_i32, %c0_i32_0 : i32, i32
  }
  func.func @transform_5(%arg0: i32) -> (i32, i32) {
    %c0_i32 = arith.constant 0 : i32
    %c0_i32_0 = arith.constant 0 : i32
    %c0_i32_1 = arith.constant 0 : i32
    return %c0_i32, %c0_i32_0 : i32, i32
  }
}

</mosaic_0001>

<sc_bundles>
// kernel: kernel.4.cloned.1.call-start
scs
__scs_entry_jumppad:
0x0: {  	(pc) =	sbr.rel $0x88, $3  }
0x1: {  	(tag) =	ssettag $0x0;
	lr =	simm.s32 $0x1  }
0x2: {  	[smem:$0x3F97] =	sst lr;
	_ =	strace $0xD0000000  }
0x3: {  	_ = 	snop  }
0x4: {  	_ = 	snop  }
0x5: {  	_ = 	snop  }
0x6: {  	_ = 	snop  }
0x7: {  	_ = 	snop  }
__scs_overlays_trampoline_lowered:
0x8: {  	[smem:$0x3FA6] =	sst s0  }
0x9: {  	[smem:$0x3FA7] =	sst s1  }
0xa: {  	[smem:$0x3FA8] =	sst s2  }
0xb: {  	[smem:$0x3FA9] =	sst s3  }
0xc: {  	[smem:$0x3FAA] =	sst s4  }
0xd: {  	[smem:$0x3FAB] =	sst s5  }
0xe: {  	[smem:$0x3FAC] =	sst s6  }
0xf: {  	[smem:$0x3FAD] =	sst s7  }
0x10: {  	[smem:$0x3FAE] =	sst s8  }
0x11: {  	[smem:$0x3FAF] =	sst s9;
	s0 =	simm.s32 @!p0 $0x0  }
0x12: {  	s1 =	sld [smem:$0x3F95];
	s0 =	simm.s32 @p0 $0x1  }
0x13: {  	[smem:$0x3FB0] =	sst s0;
	s0 =	simm.s32 @!p1 $0x0  }
0x14: {  	s2 =	sld [smem:$0x3F94];
	s0 =	simm.s32 @p1 $0x1  }
0x15: {  	[smem:$0x3FB1] =	sst s0;
	s0 =	simm.s32 @!p2 $0x0  }
0x16: {  	s3 =	sld [smem:$0x3FDB];
	s0 =	simm.s32 @p2 $0x1  }
0x17: {  	s4 =	simm.s32 $0x1BF5;
	[smem:$0x3FB3] =	sst s0  }
0x18: {  	s0 =	sld [smem:$0x3F96];
	_ =	swait.ge [sflag:s4], $0x0  }
0x19: {  	s7 =	sld [smem:$0x3F97]  }
0x1a: {  	s8 =	sadd.s32 $0xFFFFE003, lr  }
0x1b: {  	s9 =	sadd.s32 $0xFFFFFEF7, lr;
	s5 =	simm.s32 $0xFFFFFFFF;
	p2 =	slt.u32 s8, $0xFFFFF086  }
0x1c: {  	p1 =	slt.u32 s9, $0xF7A;
	s5 =	simm.s32 @!p2 $0x0  }
0x1d: {  	s5 =	simm.s32 @p1 $0x1;
	p0 =	seq.s32 s7, s2  }
0x1e: {  	s7 =	smul.u32 @!p0 $0xF7A, s2;
	p2 =	seq.s32 @!p0 s5, $0x0  }
0x1f: {  	s9 =	smul.u32 $0xF7A, s1;
	s8 =	simm.s32 @!p0 $0x1BF5;
	p2 =	por !p2, p0  }
0x20: {  	[sflag:s8] =	ssyncset.s32 @!p0 $0xFFFFF086;
	s6 =	sadd.s32 @!p0 s3, s7;
	s7 =	simm.s32 @!p0 $0x108  }
0x21: {  	s3 =	sadd.s32 s3, s9;
	s6 =	sadd.s32 @!p0 $0x88, s6;
	s7 =	simm.s32 @p2 $0x1082  }
0x22: {  	[simem:s7], [sflag:s8] =	dma.local @!p0 [hbm:s6], $0xF7A  }
0x23: {  	s9 =	sor.u32 $0xD0000000, s2;
	s6 =	simm.s32 $0x108;
	_ =	swait.ge @!p0 [sflag:s8], $0x0  }
0x24: {  	s3 =	sadd.s32 $0x88, s3;
	s6 =	simm.s32 @!p1 $0x1082;
	[sflag:s4] =	ssyncset.s32 $0xFFFFF086  }
0x25: {  	[simem:s6], [sflag:s4] =	dma.local [hbm:s3], $0xF7A  }
0x26: {  	[smem:$0x3F97] =	sst s1;
	(tag) =	ssettag s2;
	_ =	strace s9  }
0x27: {  	s1 =	sld [smem:$0x3FA7]  }
0x28: {  	s2 =	sld [smem:$0x3FA8]  }
0x29: {  	s4 =	sld [smem:$0x3FAA]  }
0x2a: {  	p0 =	seq.s32 s5, $0x0;
	s5 =	sld [smem:$0x3FAB]  }
0x2b: {  	s6 =	sld [smem:$0x3FAC]  }
0x2c: {  	s7 =	sld [smem:$0x3FAD]  }
0x2d: {  	s3 =	simm.s32 $0x108;
	s8 =	sld [smem:$0x3FAE]  }
0x2e: {  	s3 =	simm.s32 @!p0 $0x1082;
	s9 =	sld [smem:$0x3FAF]  }
0x2f: {  	lr =	sadd.s32 s0, s3;
	s0 =	sld [smem:$0x3FA6]  }
0x30: {  	s3 =	sld [smem:$0x3FA9]  }
0x31: {  	[smem:$0x3FB2] =	sst s10  }
0x32: {  	s10 =	sld [smem:$0x3FB0];
	_ =	sdelay $0x3  }
0x33: {  	p0 =	seq.s32 s10, $0x1;
	s10 =	sld [smem:$0x3FB2];
	_ =	sdelay $0x3  }
0x34: {  	[smem:$0x3FB2] =	sst s10  }
0x35: {  	s10 =	sld [smem:$0x3FB1];
	_ =	sdelay $0x3  }
0x36: {  	p1 =	seq.s32 s10, $0x1;
	s10 =	sld [smem:$0x3FB2];
	_ =	sdelay $0x3  }
0x37: {  	[smem:$0x3FB2] =	sst s10  }
0x38: {  	s10 =	sld [smem:$0x3FB3]  }
0x39: {  	_ = 	snop;
	(pc) =	sbr.ind lr, $3  }
0x3a: {  	_ = 	snop  }
0x3b: {  	_ = 	snop  }
0x3c: {  	p2 =	seq.s32 s10, $0x1;
	s10 =	sld [smem:$0x3FB2]  }
0x3d: {  	_ =	shalt  }
0x3e: {  	_ =	shalt  }
0x3f: {  	_ =	shalt  }
0x40: {  	_ =	shalt  }
0x41: {  	_ =	shalt  }
0x42: {  	_ =	shalt  }
0x43: {  	_ =	shalt  }
0x44: {  	_ =	shalt  }
0x45: {  	_ =	shalt  }
0x46: {  	_ =	shalt  }
0x47: {  	_ =	shalt  }
0x48: {  	_ =	shalt  }
0x49: {  	_ =	shalt  }
0x4a: {  	_ =	shalt  }
0x4b: {  	_ =	shalt  }
0x4c: {  	_ =	shalt  }
0x4d: {  	_ =	shalt  }
0x4e: {  	_ =	shalt  }
0x4f: {  	_ =	shalt  }
0x50: {  	_ =	shalt  }
0x51: {  	_ =	shalt  }
0x52: {  	_ =	shalt  }
0x53: {  	_ =	shalt  }
0x54: {  	_ =	shalt  }
0x55: {  	_ =	shalt  }
0x56: {  	_ =	shalt  }
0x57: {  	_ =	shalt  }
0x58: {  	_ =	shalt  }
0x59: {  	_ =	shalt  }
0x5a: {  	_ =	shalt  }
0x5b: {  	_ =	shalt  }
0x5c: {  	_ =	shalt  }
0x5d: {  	_ =	shalt  }
0x5e: {  	_ =	shalt  }
0x5f: {  	_ =	shalt  }
0x60: {  	_ =	shalt  }
0x61: {  	_ =	shalt  }
0x62: {  	_ =	shalt  }
0x63: {  	_ =	shalt  }
0x64: {  	_ =	shalt  }
0x65: {  	_ =	shalt  }
0x66: {  	_ =	shalt  }
0x67: {  	_ =	shalt  }
0x68: {  	_ =	shalt  }
0x69: {  	_ =	shalt  }
0x6a: {  	_ =	shalt  }
0x6b: {  	_ =	shalt  }
0x6c: {  	_ =	shalt  }
0x6d: {  	_ =	shalt  }
0x6e: {  	_ =	shalt  }
0x6f: {  	_ =	shalt  }
0x70: {  	_ =	shalt  }
0x71: {  	_ =	shalt  }
0x72: {  	_ =	shalt  }
0x73: {  	_ =	shalt  }
0x74: {  	_ =	shalt  }
0x75: {  	_ =	shalt  }
0x76: {  	_ =	shalt  }
0x77: {  	_ =	shalt  }
0x78: {  	_ =	shalt  }
0x79: {  	_ =	shalt  }
0x7a: {  	_ =	shalt  }
0x7b: {  	_ =	shalt  }
0x7c: {  	_ =	shalt  }
0x7d: {  	_ =	shalt  }
0x7e: {  	_ =	shalt  }
0x7f: {  	_ =	shalt  }
0x80: {  	_ =	shalt  }
0x81: {  	_ =	shalt  }
0x82: {  	_ =	shalt  }
0x83: {  	_ =	shalt  }
0x84: {  	_ =	shalt  }
0x85: {  	_ =	shalt  }
0x86: {  	_ =	shalt  }
0x87: {  	_ =	shalt  }
.Lfunc_end0:
.L_simem_size_0:
called_computation_lowered:
.L_overlay_start_0:
0x88: {  	s2 =	sld [smem:$0x3FD9]  }
0x89: {  	s3 =	sld [smem:$0x3FFE];
	_ =	sdelay $0x1  }
0x8a: {  	s1 =	srdreg.scid  }
0x8b: {  	s0 =	sand.u32 $0x1, s1  }
0x8c: {  	s17 =	sshll.u32 s0, $0xA;
	s2 =	sadd.s32 s3, s2  }
0x8d: {  	s2 =	sadd.s32 s2, s17  }
0x8e: {  	[smem:$0x3FBE] =	sst s2  }
0x8f: {  	_ = 	snop  }
0x90: {  	s2 =	sld [smem:$0x3FC9]  }
0x91: {  	s18 =	sld [smem:$0x3FC8];
	(tm) =	ssettm $0x1  }
0x92: {  	s4 =	sld [smem:$0x3FFB];
	_ =	sdelay $0x3  }
0x93: {  	_ =	strace s4  }
0x94: {  	s4 =	sld [smem:$0x3FFC];
	_ =	sdelay $0x3  }
0x95: {  	_ =	strace s4  }
0x96: {  	s4 =	sld [smem:$0x3FFD];
	_ =	sdelay $0x3  }
0x97: {  	_ =	strace s4  }
0x98: {  	_ =	strace $0x8FFFFFFF  }
0x99: {  	s19 =	sld [smem:$0x3FDB];
	_ =	sdelay $0x1  }
0x9a: {  	s5 =	simm.s32 $_scs_section_size  }
0x9b: {  	s6 =	simm.s32 $_size__tile_overlayer_lowered;
	s7 =	simm.s32 $_tile_overlayer_lowered  }
0x9c: {  	s22 =	simm.s32 $0x1BFF;
	s21 =	sshll.u32 s7, $0x1;
	s4 =	sadd.s32 s5, s19  }
0x9d: {  	s8 =	simm.s32 $0x0;
	s20 =	sshll.u32 s6, $0x1;
	s6 =	sadd.s32 s21, s4  }
0x9e: {  	[timem:s8], [sflag:s22] =	dma.local [hbm:s6], s20  }
0x9f: {  	_ =	swait.ge [sflag:s22], s20  }
0xa0: {  	s5 =	ssub.s32 $0x0, s20;
	[sflag:s22] =	ssyncset.done $0x0  }
0xa1: {  	[sflag:s22] =	ssyncadd.s32 s5;
	_ =	sdelay $0x1  }
0xa2: {  	s23 =	simm.s32 $0x1B8B  }
0xa3: {  	_ =	swait.ge [sflag:s23], $0x1  }
0xa4: {  	[sflag:s23] =	ssyncset.done $0x0  }
0xa5: {  	s25 =	simm.s32 $0x1B8E;
	s24 =	sld [smem:$0x3FFE];
	[sflag:s23] =	ssyncadd.s32 $0xFFFFFFFF  }
0xa6: {  	s26 =	simm.s32 $execute0_lowered;
	[smem:$0x3FD2] =	sst s25  }
0xa7: {  	s6 =	sshll.u32 s26, $0x1;
	_ =	strace $0x80000046;
	[dreg:$0x1] =	wrdreg $0xFFFFFFFF  }
0xa8: {  	s28 =	simm.s32 $_size_execute0_lowered;
	s4 =	sadd.s32 s4, s6;
	[dreg:$0x0] =	wrdreg $0x0  }
0xa9: {  	s6 =	sshll.u32 s28, $0x1;
	[dreg:$0x2] =	wrdreg s4  }
0xaa: {  	[dreg:$0x3] =	wrdreg s6  }
0xab: {  	[dreg:$0x4] =	wrdreg $0xC0  }
0xac: {  	_ =	task [dreg:s8], $0x5FFFF  }
0xad: {  	[dreg:$0x1] =	wrdreg $0xFFFFFFFF  }
0xae: {  	[dreg:$0x0] =	wrdreg $0x60  }
0xaf: {  	[dreg:$0x2] =	wrdreg s2  }
0xb0: {  	[dreg:$0x3] =	wrdreg s18  }
0xb1: {  	[dreg:$0x4] =	wrdreg s24  }
0xb2: {  	[dreg:$0x5] =	wrdreg $0x9  }
0xb3: {  	_ =	task.clear_ibuf [dreg:s8], $0x6FFFF;
	_ =	strace $0x90000046  }
0xb4: {  	s29 =	simm.s32 $0x9;
	_ =	strace $0x80000048  }
0xb5: {  	_ =	swait.ge [sflag:s29], $0x1  }
0xb6: {  	[sflag:s29] =	ssyncadd.s32 $0xFFFFFFFF  }
0xb7: {  	_ =	strace $0x90000048  }
0xb8: {  	_ =	sfence  }
0xb9: {  	s30 =	sld [smem:$0x0];
	_ =	sdelay $0x2  }
0xba: {  	s31 =	sshll.u32 s1, $0xD;
	s1 =	sshrl.u32 s1, $0x2  }
0xbb: {  	s3 =	sand.u32 $0x4000, s31;
	s1 =	sadd.s32 s1, s30  }
0xbc: {  	s0 =	sor.u32 s3, s0;
	s1 =	sshll.u32 s1, $0x11  }
0xbd: {  	s0 =	sor.u32 s1, s0  }
0xbe: {  	s0 =	sadd.s32 $0x8F2B, s0  }
0xbf: {  	[sflag:s0] =	ssyncadd.remote.s32 $0x1  }
0xc0: {  	_ =	sfence.sel $0xFFFF  }
0xc1: {  	[dreg:$0x0] =	wrdreg $0xFFFFFFFF;
	(pc) =	sbr.abs _section_cstart, $3  }
0xc2: {  	[dreg:$0x1] =	wrdreg $0xFFFFFFFF  }
0xc3: {  	_ =	task.clear_ibuf [dreg:s8], $0x2FFFF;
	_ =	strace $0x9FFFFFFF  }
0xc4: {  	(tm) =	ssettm $0x7FFFFFFF  }
0xc5: {  	_ =	shalt  }
tec
execute0_lowered:
.L_overlay_start_1:
0x0: {  	(tag) =	ssettag $0x1  }
0x1: {  	s4 =	rddreg [dreg:$0x0]  }
0x2: {  	s6 =	rddreg [dreg:$0x1]  }
0x3: {  	s0 =	rddreg [dreg:$0x2];
	s1 =	srdreg.scid  }
0x4: {  	s2 =	simm.s32 $0x0;
	s3 =	stileid.u32;
	s1 =	sand.u32 $0x1, s1  }
0x5: {  	[smem:$0x7FF] =	sst s2;
	s3 =	sshll.u32 s3, $0xA;
	s5 =	sshll.u32 s1, $0x9  }
0x6: {  	s8 =	sadd.s32 $0x5E00, s0;
	s9 =	ssub.s32 $0x2, s1;
	s10 =	sor.u32 s5, s3  }
0x7: {  	_ =	strace $0x80000047;
	s17 =	sshrl.u32 s9, $0x1;
	s5 =	sshrl.u32 s10, $0x3  }
0x8: {  	s1 =	sadd.s32 $0x45E00, s0;
	s3 =	ssub.s32 s9, s17;
	s18 =	sadd.s32 s4, s5  }
0x9: {  	s20 =	sshll.u32 s10, $0x4;
	s19 =	sadd.s32 s6, s5;
	[dreg:$0x4] =	wrdreg s18  }
0xa: {  	s11 =	sor.u32 $0x80, s10;
	s12 =	sadd.s32 s8, s20;
	[dreg:$0x5] =	wrdreg s19  }
0xb: {  	s13 =	sshrl.u32 s11, $0x3;
	s9 =	sadd.s32 s1, s20;
	[dreg:$0x6] =	wrdreg s12  }
0xc: {  	s7 =	sadd.s32 $0x3600, s0;
	s14 =	sadd.s32 s4, s13;
	[dreg:$0x11] =	wrdreg s9  }
0xd: {  	s23 =	sor.u32 $0x100, s10;
	s22 =	sadd.s32 s6, s13;
	[dreg:$0x7] =	wrdreg s14  }
0xe: {  	s24 =	sshrl.u32 s23, $0x3;
	s13 =	sadd.s32 s7, s13;
	[dreg:$0x8] =	wrdreg s22  }
0xf: {  	s10 =	sor.u32 $0x180, s10;
	s15 =	sadd.s32 s4, s24;
	[dreg:$0x9] =	wrdreg s13  }
0x10: {  	s26 =	sshrl.u32 s10, $0x3;
	s25 =	sadd.s32 s6, s24;
	[dreg:$0xa] =	wrdreg s15  }
0x11: {  	s4 =	sadd.s32 s4, s26;
	[dreg:$0xb] =	wrdreg s25  }
0x12: {  	s28 =	sadd.s32 s6, s26;
	[dreg:$0xd] =	wrdreg s4  }
0x13: {  	s30 =	sor.u32 $0x8, s20;
	s29 =	sadd.s32 s7, s26;
	[dreg:$0xe] =	wrdreg s28  }
0x14: {  	s16 =	sshll.u32 s11, $0x4;
	s17 =	sadd.s32 s8, s30;
	[dreg:$0xf] =	wrdreg s29  }
0x15: {  	s18 =	sadd.s32 s8, s16;
	[dreg:$0x14] =	wrdreg s17  }
0x16: {  	s6 =	sadd.s32 $0x5E0C, s0;
	s13 =	sadd.s32 s7, s24;
	[dreg:$0x16] =	wrdreg s18  }
0x17: {  	s21 =	sor.u32 $0x4, s20;
	s31 =	sadd.s32 s20, s6;
	[dreg:$0xc] =	wrdreg s13  }
0x18: {  	s15 =	sadd.s32 s1, s21;
	[dreg:$0x10] =	wrdreg s31  }
0x19: {  	s4 =	sadd.s32 s1, s30;
	[dreg:$0x13] =	wrdreg s15  }
0x1a: {  	s11 =	sadd.s32 s16, s6;
	[dreg:$0x15] =	wrdreg s4  }
0x1b: {  	s5 =	sadd.s32 s7, s5;
	s7 =	sadd.s32 s1, s16;
	[dreg:$0x17] =	wrdreg s11  }
0x1c: {  	s17 =	smax.u32 s3, $0x1;
	[dreg:$0x18] =	wrdreg s7  }
0x1d: {  	s18 =	sadd.s32 $0x800, s5;
	[smem:$0x7F0] =	sst s17  }
0x1e: {  	s19 =	sor.u32 $0x4, s16;
	s13 =	sadd.s32 s8, s21;
	[smem:$0x7F1] =	sst s18  }
0x1f: {  	s21 =	sadd.s32 s8, s19;
	[dreg:$0x12] =	wrdreg s13  }
0x20: {  	s20 =	sor.u32 $0x8, s16;
	s4 =	sadd.s32 s1, s19;
	[dreg:$0x19] =	wrdreg s21  }
0x21: {  	s22 =	sshll.u32 s23, $0x4;
	s23 =	sadd.s32 s8, s20;
	[dreg:$0x1a] =	wrdreg s4  }
0x22: {  	s24 =	sadd.s32 s1, s20;
	[dreg:$0x1b] =	wrdreg s23  }
0x23: {  	s25 =	sadd.s32 s8, s22;
	[dreg:$0x1c] =	wrdreg s24  }
0x24: {  	s29 =	sadd.s32 s22, s6;
	[dreg:$0x1d] =	wrdreg s25  }
0x25: {  	s19 =	sadd.s32 $0x1000, s5;
	[dreg:$0x1e] =	wrdreg s29  }
0x26: {  	s20 =	sadd.s32 $0x1800, s5;
	[smem:$0x7F2] =	sst s19  }
0x27: {  	s26 =	sor.u32 $0x4, s22;
	s4 =	sadd.s32 s1, s22;
	[smem:$0x7F3] =	sst s20  }
0x28: {  	s3 =	sadd.s32 $0x2030, s5;
	s30 =	sadd.s32 s8, s26;
	[dreg:$0x1f] =	wrdreg s4  }
0x29: {  	s28 =	sor.u32 $0x8, s22;
	s31 =	sadd.s32 s1, s26;
	[smem:$0x7E5] =	sst s30  }
0x2a: {  	s11 =	sshll.u32 s10, $0x4;
	s7 =	sadd.s32 s8, s28;
	[smem:$0x7E6] =	sst s31  }
0x2b: {  	s10 =	simm.s32 $0x280;
	s9 =	sadd.s32 s1, s28;
	[smem:$0x7E7] =	sst s7  }
0x2c: {  	s17 =	simm.s32 $0x4380;
	s12 =	sadd.s32 s8, s11;
	[smem:$0x7E8] =	sst s9  }
0x2d: {  	s18 =	simm.s32 $0x5380;
	s6 =	sadd.s32 s11, s6;
	[smem:$0x7E9] =	sst s12  }
0x2e: {  	s13 =	sor.u32 $0x4, s11;
	s21 =	sadd.s32 $0x2000, s5;
	[smem:$0x7EC] =	sst s6  }
0x2f: {  	s14 =	sor.u32 $0x8, s11;
	s22 =	sadd.s32 $0x810, s5;
	[smem:$0x7F4] =	sst s21  }
0x30: {  	s23 =	sadd.s32 $0x1010, s5;
	s24 =	sadd.s32 $0x1810, s5;
	[smem:$0x7F5] =	sst s22  }
0x31: {  	s25 =	sadd.s32 $0x2010, s5;
	s26 =	sadd.s32 $0x820, s5;
	[smem:$0x7F6] =	sst s23  }
0x32: {  	s28 =	sadd.s32 $0x1020, s5;
	s29 =	sadd.s32 $0x1820, s5;
	[smem:$0x7F7] =	sst s24  }
0x33: {  	s19 =	simm.s32 $0x6380;
	s20 =	simm.s32 $0x7380;
	[smem:$0x7F8] =	sst s25  }
0x34: {  	s15 =	sadd.s32 s8, s13;
	s8 =	sadd.s32 s8, s14;
	[smem:$0x7F9] =	sst s26  }
0x35: {  	s4 =	sadd.s32 s1, s11;
	s16 =	sadd.s32 s1, s13;
	[smem:$0x7FA] =	sst s28  }
0x36: {  	s13 =	sadd.s32 $0x18A000, s0;
	s1 =	sadd.s32 s1, s14;
	[smem:$0x7FB] =	sst s29  }
0x37: {  	s30 =	sadd.s32 $0x2020, s5;
	s31 =	sadd.s32 $0x830, s5;
	s6 =	simm.s32 $0x80  }
0x38: {  	s7 =	simm.s32 $0x100;
	s9 =	simm.s32 $0x200;
	[smem:$0x7EA] =	sst s15  }
0x39: {  	s11 =	simm.s32 $0x300;
	s12 =	simm.s32 $0x380;
	[smem:$0x7EB] =	sst s8  }
0x3a: {  	s14 =	simm.s32 $0x1380;
	s21 =	simm.s32 $0x8380;
	[smem:$0x7ED] =	sst s4  }
0x3b: {  	s22 =	simm.s32 $0x9380;
	s23 =	simm.s32 $0x1;
	[smem:$0x7EE] =	sst s16  }
0x3c: {  	s24 =	simm.s32 $0x20;
	s25 =	simm.s32 $0x3380;
	[smem:$0x7EF] =	sst s1  }
0x3d: {  	s26 =	simm.s32 $0x0;
	s15 =	sadd.s32 $0x1EBC00, s0;
	[smem:$0x7FC] =	sst s30  }
0x3e: {  	s16 =	sadd.s32 $0xF45A00, s0;
	[smem:$0x7FD] =	sst s31;
	s0 =	sadd.s32 $0x1030, s5  }
0x3f: {  	s1 =	sadd.s32 $0x1830, s5;
	s4 =	simm.s32 $0x2;
	s8 =	simm.s32 $0x180  }
.LBB2_1:
0x40: {  	s28 =	rddreg [dreg:$0x4]  }
0x41: {  	[tilespmem:s2], [sflag:$0x2] =	stream.linear.gather [hbm4b:s28+s2], $0x80, $0x38;
	[tilespmem:$0xA380] =	vst v63  }
0x42: {  	_ =	swait.ge [sflag:s4], $0x80  }
0x43: {  	[sflag:s4] =	ssyncset.done $0x0  }
0x44: {  	s28 =	rddreg [dreg:$0x5];
	[sflag:s4] =	ssyncadd.s32 $0xFFFFFF80  }
0x45: {  	[tilespmem:s6], [sflag:$0x2] =	stream.linear.gather [hbm4b:s28+s2], $0x80, $0x38;
	[tilespmem:$0xA380] =	vst v63  }
0x46: {  	_ =	swait.ge [sflag:s4], $0x80  }
0x47: {  	[sflag:s4] =	ssyncset.done $0x0  }
0x48: {  	[sflag:s4] =	ssyncadd.s32 $0xFFFFFF80  }
0x49: {  	[tilespmem:s7], [sflag:$0x2] =	stream.linear.gather [hbm4b:s5+s2], $0x80, $0x38;
	[tilespmem:$0xA380] =	vst v63  }
0x4a: {  	_ =	swait.ge [sflag:s4], $0x80  }
0x4b: {  	s28 =	sld [smem:$0x7F1]  }
0x4c: {  	[sflag:s4] =	ssyncset.done $0x0  }
0x4d: {  	[sflag:s4] =	ssyncadd.s32 $0xFFFFFF80  }
0x4e: {  	[tilespmem:s8], [sflag:$0x2] =	stream.linear.gather [hbm4b:s28+s2], $0x80, $0x38;
	[tilespmem:$0xA380] =	vst v63  }
0x4f: {  	_ =	swait.ge [sflag:s4], $0x80  }
0x50: {  	s28 =	sld [smem:$0x7F2]  }
0x51: {  	[sflag:s4] =	ssyncset.done $0x0  }
0x52: {  	[sflag:s4] =	ssyncadd.s32 $0xFFFFFF80  }
0x53: {  	[tilespmem:s9], [sflag:$0x2] =	stream.linear.gather [hbm4b:s28+s2], $0x80, $0x38;
	[tilespmem:$0xA380] =	vst v63  }
0x54: {  	_ =	swait.ge [sflag:s4], $0x80  }
0x55: {  	s28 =	sld [smem:$0x7F3]  }
0x56: {  	[sflag:s4] =	ssyncset.done $0x0  }
0x57: {  	[sflag:s4] =	ssyncadd.s32 $0xFFFFFF80  }
0x58: {  	[tilespmem:s10], [sflag:$0x2] =	stream.linear.gather [hbm4b:s28+s2], $0x80, $0x38;
	[tilespmem:$0xA380] =	vst v63  }
0x59: {  	_ =	swait.ge [sflag:s4], $0x80  }
0x5a: {  	s28 =	sld [smem:$0x7F4]  }
0x5b: {  	[sflag:s4] =	ssyncset.done $0x0  }
0x5c: {  	[sflag:s4] =	ssyncadd.s32 $0xFFFFFF80  }
0x5d: {  	[tilespmem:s11], [sflag:$0x2] =	stream.linear.gather [hbm4b:s28+s2], $0x80, $0x38;
	[tilespmem:$0xA380] =	vst v63  }
0x5e: {  	_ =	swait.ge [sflag:s4], $0x80  }
0x5f: {  	[sflag:s4] =	ssyncset.done $0x0  }
0x60: {  	[sflag:s4] =	ssyncadd.s32 $0xFFFFFF80  }
0x61: {  	[tilespmem:s12], [sflag:$0x1] =	stream.indirect.gather [hbm4b:s13+s6], $0x20, s2, s6, $0xb8;
	[tilespmem:$0xA380] =	vst v63  }
0x62: {  	_ = 	snop  }
0x63: {  	[tilespmem:s14], [sflag:$0x1] =	stream.indirect.gather [hbm4b:s15+s6], $0x40, s2, s6, $0xb8;
	[tilespmem:$0xA380] =	vst v63  }
0x64: {  	_ = 	snop  }
0x65: {  	[tilespmem:s17], [sflag:$0x1] =	stream.indirect.gather [hbm4b:s16+s6], $0x20, s6, s6, $0xb8;
	[tilespmem:$0xA380] =	vst v63  }
0x66: {  	_ = 	snop  }
0x67: {  	[tilespmem:s18], [sflag:$0x1] =	stream.indirect.gather [hbm4b:s16+s6], $0x20, s7, s6, $0xb8;
	[tilespmem:$0xA380] =	vst v63  }
0x68: {  	_ = 	snop  }
0x69: {  	[tilespmem:s19], [sflag:$0x1] =	stream.indirect.gather [hbm4b:s16+s6], $0x20, s8, s6, $0xb8;
	[tilespmem:$0xA380] =	vst v63  }
0x6a: {  	_ = 	snop  }
0x6b: {  	[tilespmem:s20], [sflag:$0x1] =	stream.indirect.gather [hbm4b:s16+s6], $0x20, s9, s6, $0xb8;
	[tilespmem:$0xA380] =	vst v63  }
0x6c: {  	_ = 	snop  }
0x6d: {  	[tilespmem:s21], [sflag:$0x1] =	stream.indirect.gather [hbm4b:s16+s6], $0x20, s10, s6, $0xb8;
	[tilespmem:$0xA380] =	vst v63  }
0x6e: {  	_ = 	snop  }
0x6f: {  	[tilespmem:s22], [sflag:$0x1] =	stream.indirect.gather [hbm4b:s16+s6], $0x20, s11, s6, $0xb8;
	[tilespmem:$0xA380] =	vst v63  }
0x70: {  	_ =	swait.ge [sflag:s23], $0x1000  }
0x71: {  	[sflag:s23] =	ssyncset.done $0x0  }
0x72: {  	[sflag:s23] =	ssyncadd.s32 $0xFFFFF000  }
0x73: {  	_ =	swait.ge [sflag:s23], $0x2000  }
0x74: {  	[sflag:s23] =	ssyncset.done $0x0  }
0x75: {  	s29 =	simm.s32 $0x0;
	[sflag:s23] =	ssyncadd.s32 $0xFFFFE000  }
0x76: {  	v0 =	vld [tilespmem:s29+$0x380]  }
0x77: {  	s28 =	simm.s32 $0x13A0  }
0x78: {  	v1 =	vld [tilespmem:s28+$0xFFFFFFE0];
	_ =	sdelay $0x1  }
0x79: {  	v2 =	vld [tilespmem:s28+$0x0]  }
0x7a: {  	v0 =	vadd.f32 v0, v0;
	_ =	sdelay $0x1  }
0x7b: {  	v0 =	vadd.f32 v1, v0;
	_ =	sdelay $0x1  }
0x7c: {  	v0 =	vadd.f32 v2, v0  }
0x7d: {  	v1 =	vld [tilespmem:s29+$0x390]  }
0x7e: {  	[tilespmem:s29+$0x3380] =	vst v0  }
0x7f: {  	v0 =	vld [tilespmem:s28+$0xFFFFFFF0];
	_ =	sdelay $0x1  }
0x80: {  	v2 =	vld [tilespmem:s28+$0x10]  }
0x81: {  	v1 =	vadd.f32 v1, v1;
	_ =	sdelay $0x1  }
0x82: {  	v0 =	vadd.f32 v0, v1;
	_ =	sdelay $0x1  }
0x83: {  	s31 =	simm.s32 $0x20;
	s30 =	simm.s32 $0x100;
	v0 =	vadd.f32 v2, v0  }
.LBB2_2:
0x84: {  	p0 =	sne.s32 s30, $0x3F80;
	v1 =	vld [tilespmem:s31+$0x380]  }
0x85: {  	s28 =	sadd.s32 $0x40, s28;
	[tilespmem:s29+$0x3390] =	vst v0;
	s29 =	smov.u32 s31  }
0x86: {  	v0 =	vld [tilespmem:s28+$0xFFFFFFE0]  }
0x87: {  	v2 =	vld [tilespmem:s28+$0x0];
	_ =	sdelay $0x1  }
0x88: {  	v1 =	vadd.f32 v1, v1;
	_ =	sdelay $0x1  }
0x89: {  	v0 =	vadd.f32 v0, v1;
	_ =	sdelay $0x1  }
0x8a: {  	v0 =	vadd.f32 v2, v0  }
0x8b: {  	v1 =	vld [tilespmem:s29+$0x390]  }
0x8c: {  	[tilespmem:s29+$0x3380] =	vst v0  }
0x8d: {  	v0 =	vld [tilespmem:s28+$0xFFFFFFF0]  }
0x8e: {  	v2 =	vld [tilespmem:s28+$0x10];
	_ =	sdelay $0x1  }
.Ltmp0:
0x8f: {  	v1 =	vadd.f32 v1, v1;
	(pc) =	sbr.rel @p0 .LBB2_2-.Ltmp0, $3  }
0x90: {  	_ = 	snop  }
0x91: {  	v0 =	vadd.f32 v0, v1;
	_ =	sdelay $0x1  }
0x92: {  	s31 =	sshra.s32 s30, $0x2;
	s30 =	sadd.s32 $0x80, s30;
	v0 =	vadd.f32 v2, v0  }
0x93: {  	v1 =	vld [tilespmem:s31+$0x380]  }
0x94: {  	s28 =	sadd.s32 $0x40, s28;
	[tilespmem:s29+$0x3390] =	vst v0  }
0x95: {  	v0 =	vld [tilespmem:s28+$0xFFFFFFE0];
	_ =	sdelay $0x1  }
0x96: {  	v2 =	vld [tilespmem:s28+$0x0]  }
0x97: {  	v1 =	vadd.f32 v1, v1;
	_ =	sdelay $0x1  }
0x98: {  	v0 =	vadd.f32 v0, v1;
	_ =	sdelay $0x1  }
0x99: {  	v0 =	vadd.f32 v2, v0  }
0x9a: {  	v1 =	vld [tilespmem:s31+$0x390]  }
0x9b: {  	[tilespmem:s31+$0x3380] =	vst v0  }
0x9c: {  	v0 =	vld [tilespmem:s28+$0xFFFFFFF0];
	_ =	sdelay $0x1  }
0x9d: {  	v2 =	vld [tilespmem:s28+$0x10]  }
0x9e: {  	v1 =	vadd.f32 v1, v1;
	_ =	sdelay $0x1  }
0x9f: {  	v0 =	vadd.f32 v0, v1;
	_ =	sdelay $0x1  }
0xa0: {  	v0 =	vadd.f32 v2, v0;
	_ =	sdelay $0x1  }
0xa1: {  	[tilespmem:s31+$0x3390] =	vst v0  }
0xa2: {  	_ =	swait.ge [sflag:s23], $0x1000  }
0xa3: {  	[sflag:s23] =	ssyncset.done $0x0  }
0xa4: {  	[sflag:s23] =	ssyncadd.s32 $0xFFFFF000  }
0xa5: {  	_ =	swait.ge [sflag:s23], $0x1000  }
0xa6: {  	[sflag:s23] =	ssyncset.done $0x0  }
0xa7: {  	[sflag:s23] =	ssyncadd.s32 $0xFFFFF000  }
0xa8: {  	_ =	swait.ge [sflag:s23], $0x1000  }
0xa9: {  	[sflag:s23] =	ssyncset.done $0x0  }
0xaa: {  	[sflag:s23] =	ssyncadd.s32 $0xFFFFF000  }
0xab: {  	_ =	swait.ge [sflag:s23], $0x1000  }
0xac: {  	[sflag:s23] =	ssyncset.done $0x0  }
0xad: {  	[sflag:s23] =	ssyncadd.s32 $0xFFFFF000  }
0xae: {  	_ =	swait.ge [sflag:s23], $0x1000  }
0xaf: {  	[sflag:s23] =	ssyncset.done $0x0  }
0xb0: {  	[sflag:s23] =	ssyncadd.s32 $0xFFFFF000  }
0xb1: {  	_ =	swait.ge [sflag:s23], $0x1000  }
0xb2: {  	[sflag:s23] =	ssyncset.done $0x0  }
0xb3: {  	s28 =	rddreg [dreg:$0x6];
	[sflag:s23] =	ssyncadd.s32 $0xFFFFF000  }
0xb4: {  	[hbm4b:s28+s24] =	stream.strided.scatter [tilespmem:s25], [sflag:$0x2], $0x1000, s6, s24, $0x38;
	[tilespmem:$0xA380] =	vst v63  }
0xb5: {  	_ =	swait.ge [sflag:s4], $0x1000  }
0xb6: {  	[sflag:s4] =	ssyncset.done $0x0  }
0xb7: {  	s28 =	rddreg [dreg:$0x12];
	[sflag:s4] =	ssyncadd.s32 $0xFFFFF000  }
0xb8: {  	[hbm4b:s28+s24] =	stream.strided.scatter [tilespmem:s17], [sflag:$0x2], $0x1000, s6, s24, $0x38;
	[tilespmem:$0xA380] =	vst v63  }
0xb9: {  	_ =	swait.ge [sflag:s4], $0x1000  }
0xba: {  	[sflag:s4] =	ssyncset.done $0x0  }
0xbb: {  	s28 =	rddreg [dreg:$0x14];
	[sflag:s4] =	ssyncadd.s32 $0xFFFFF000  }
0xbc: {  	[hbm4b:s28+s24] =	stream.strided.scatter [tilespmem:s18], [sflag:$0x2], $0x1000, s6, s24, $0x38;
	[tilespmem:$0xA380] =	vst v63  }
0xbd: {  	_ =	swait.ge [sflag:s4], $0x1000  }
0xbe: {  	[sflag:s4] =	ssyncset.done $0x0  }
0xbf: {  	s28 =	rddreg [dreg:$0x10];
	[sflag:s4] =	ssyncadd.s32 $0xFFFFF000  }
0xc0: {  	[hbm4b:s28+s24] =	stream.strided.scatter [tilespmem:s19], [sflag:$0x2], $0x1000, s6, s24, $0x38;
	[tilespmem:$0xA380] =	vst v63  }
0xc1: {  	_ =	swait.ge [sflag:s4], $0x1000  }
0xc2: {  	[sflag:s4] =	ssyncset.done $0x0  }
0xc3: {  	s28 =	rddreg [dreg:$0x11];
	[sflag:s4] =	ssyncadd.s32 $0xFFFFF000  }
0xc4: {  	[hbm4b:s28+s24] =	stream.strided.scatter [tilespmem:s20], [sflag:$0x2], $0x1000, s6, s24, $0x38;
	[tilespmem:$0xA380] =	vst v63  }
0xc5: {  	_ =	swait.ge [sflag:s4], $0x1000  }
0xc6: {  	[sflag:s4] =	ssyncset.done $0x0  }
0xc7: {  	s28 =	rddreg [dreg:$0x13];
	[sflag:s4] =	ssyncadd.s32 $0xFFFFF000  }
0xc8: {  	[hbm4b:s28+s24] =	stream.strided.scatter [tilespmem:s21], [sflag:$0x2], $0x1000, s6, s24, $0x38;
	[tilespmem:$0xA380] =	vst v63  }
0xc9: {  	_ =	swait.ge [sflag:s4], $0x1000  }
0xca: {  	[sflag:s4] =	ssyncset.done $0x0  }
0xcb: {  	s28 =	rddreg [dreg:$0x15];
	[sflag:s4] =	ssyncadd.s32 $0xFFFFF000  }
0xcc: {  	[hbm4b:s28+s24] =	stream.strided.scatter [tilespmem:s22], [sflag:$0x2], $0x1000, s6, s24, $0x38;
	[tilespmem:$0xA380] =	vst v63  }
0xcd: {  	_ =	swait.ge [sflag:s4], $0x1000  }
0xce: {  	[sflag:s4] =	ssyncset.done $0x0  }
0xcf: {  	s28 =	simm.s32 $0x0;
	s29 =	rddreg [dreg:$0x7];
	[sflag:s4] =	ssyncadd.s32 $0xFFFFF000  }
0xd0: {  	[tilespmem:s28], [sflag:$0x2] =	stream.linear.gather [hbm4b:s29+s28], $0x80, $0x38;
	[tilespmem:$0xA380] =	vst v63  }
0xd1: {  	_ =	swait.ge [sflag:s4], $0x80  }
0xd2: {  	[sflag:s4] =	ssyncset.done $0x0  }
0xd3: {  	s29 =	rddreg [dreg:$0x8];
	[sflag:s4] =	ssyncadd.s32 $0xFFFFFF80  }
0xd4: {  	[tilespmem:s6], [sflag:$0x2] =	stream.linear.gather [hbm4b:s29+s28], $0x80, $0x38;
	[tilespmem:$0xA380] =	vst v63  }
0xd5: {  	_ =	swait.ge [sflag:s4], $0x80  }
0xd6: {  	[sflag:s4] =	ssyncset.done $0x0  }
0xd7: {  	s29 =	rddreg [dreg:$0x9];
	[sflag:s4] =	ssyncadd.s32 $0xFFFFFF80  }
0xd8: {  	[tilespmem:s7], [sflag:$0x2] =	stream.linear.gather [hbm4b:s29+s28], $0x80, $0x38;
	[tilespmem:$0xA380] =	vst v63  }
0xd9: {  	_ =	swait.ge [sflag:s4], $0x80  }
0xda: {  	s29 =	sld [smem:$0x7F5]  }
0xdb: {  	[sflag:s4] =	ssyncset.done $0x0  }
0xdc: {  	[sflag:s4] =	ssyncadd.s32 $0xFFFFFF80  }
0xdd: {  	[tilespmem:s8], [sflag:$0x2] =	stream.linear.gather [hbm4b:s29+s28], $0x80, $0x38;
	[tilespmem:$0xA380] =	vst v63  }
0xde: {  	_ =	swait.ge [sflag:s4], $0x80  }
0xdf: {  	s29 =	sld [smem:$0x7F6]  }
0xe0: {  	[sflag:s4] =	ssyncset.done $0x0  }
0xe1: {  	[sflag:s4] =	ssyncadd.s32 $0xFFFFFF80  }
0xe2: {  	[tilespmem:s9], [sflag:$0x2] =	stream.linear.gather [hbm4b:s29+s28], $0x80, $0x38;
	[tilespmem:$0xA380] =	vst v63  }
0xe3: {  	_ =	swait.ge [sflag:s4], $0x80  }
0xe4: {  	s29 =	sld [smem:$0x7F7]  }
0xe5: {  	[sflag:s4] =	ssyncset.done $0x0  }
0xe6: {  	[sflag:s4] =	ssyncadd.s32 $0xFFFFFF80  }
0xe7: {  	[tilespmem:s10], [sflag:$0x2] =	stream.linear.gather [hbm4b:s29+s28], $0x80, $0x38;
	[tilespmem:$0xA380] =	vst v63  }
0xe8: {  	_ =	swait.ge [sflag:s4], $0x80  }
0xe9: {  	s29 =	sld [smem:$0x7F8]  }
0xea: {  	[sflag:s4] =	ssyncset.done $0x0  }
0xeb: {  	[sflag:s4] =	ssyncadd.s32 $0xFFFFFF80  }
0xec: {  	[tilespmem:s11], [sflag:$0x2] =	stream.linear.gather [hbm4b:s29+s28], $0x80, $0x38;
	[tilespmem:$0xA380] =	vst v63  }
0xed: {  	_ =	swait.ge [sflag:s4], $0x80  }
0xee: {  	[sflag:s4] =	ssyncset.done $0x0  }
0xef: {  	[sflag:s4] =	ssyncadd.s32 $0xFFFFFF80  }
0xf0: {  	[tilespmem:s12], [sflag:$0x1] =	stream.indirect.gather [hbm4b:s13+s6], $0x20, s28, s6, $0xb8;
	[tilespmem:$0xA380] =	vst v63  }
0xf1: {  	_ = 	snop  }
0xf2: {  	[tilespmem:s14], [sflag:$0x1] =	stream.indirect.gather [hbm4b:s15+s6], $0x40, s28, s6, $0xb8;
	[tilespmem:$0xA380] =	vst v63  }
0xf3: {  	_ = 	snop  }
0xf4: {  	[tilespmem:s17], [sflag:$0x1] =	stream.indirect.gather [hbm4b:s16+s6], $0x20, s6, s6, $0xb8;
	[tilespmem:$0xA380] =	vst v63  }
0xf5: {  	_ = 	snop  }
0xf6: {  	[tilespmem:s18], [sflag:$0x1] =	stream.indirect.gather [hbm4b:s16+s6], $0x20, s7, s6, $0xb8;
	[tilespmem:$0xA380] =	vst v63  }
0xf7: {  	_ = 	snop  }
0xf8: {  	[tilespmem:s19], [sflag:$0x1] =	stream.indirect.gather [hbm4b:s16+s6], $0x20, s8, s6, $0xb8;
	[tilespmem:$0xA380] =	vst v63  }
0xf9: {  	_ = 	snop  }
0xfa: {  	[tilespmem:s20], [sflag:$0x1] =	stream.indirect.gather [hbm4b:s16+s6], $0x20, s9, s6, $0xb8;
	[tilespmem:$0xA380] =	vst v63  }
0xfb: {  	_ = 	snop  }
0xfc: {  	[tilespmem:s21], [sflag:$0x1] =	stream.indirect.gather [hbm4b:s16+s6], $0x20, s10, s6, $0xb8;
	[tilespmem:$0xA380] =	vst v63  }
0xfd: {  	_ = 	snop  }
0xfe: {  	[tilespmem:s22], [sflag:$0x1] =	stream.indirect.gather [hbm4b:s16+s6], $0x20, s11, s6, $0xb8;
	[tilespmem:$0xA380] =	vst v63  }
0xff: {  	_ =	swait.ge [sflag:s23], $0x1000  }
0x100: {  	[sflag:s23] =	ssyncset.done $0x0  }
0x101: {  	[sflag:s23] =	ssyncadd.s32 $0xFFFFF000  }
0x102: {  	_ =	swait.ge [sflag:s23], $0x2000  }
0x103: {  	[sflag:s23] =	ssyncset.done $0x0  }
0x104: {  	s29 =	simm.s32 $0x0;
	[sflag:s23] =	ssyncadd.s32 $0xFFFFE000  }
0x105: {  	v0 =	vld [tilespmem:s29+$0x380]  }
0x106: {  	s28 =	simm.s32 $0x13A0  }
0x107: {  	v1 =	vld [tilespmem:s28+$0xFFFFFFE0];
	_ =	sdelay $0x1  }
0x108: {  	v2 =	vld [tilespmem:s28+$0x0]  }
0x109: {  	v0 =	vadd.f32 v0, v0;
	_ =	sdelay $0x1  }
0x10a: {  	v0 =	vadd.f32 v1, v0;
	_ =	sdelay $0x1  }
0x10b: {  	v0 =	vadd.f32 v2, v0  }
0x10c: {  	v1 =	vld [tilespmem:s29+$0x390]  }
0x10d: {  	[tilespmem:s29+$0x3380] =	vst v0  }
0x10e: {  	v0 =	vld [tilespmem:s28+$0xFFFFFFF0];
	_ =	sdelay $0x1  }
0x10f: {  	v2 =	vld [tilespmem:s28+$0x10]  }
0x110: {  	v1 =	vadd.f32 v1, v1;
	_ =	sdelay $0x1  }
0x111: {  	v0 =	vadd.f32 v0, v1;
	_ =	sdelay $0x1  }
0x112: {  	s30 =	simm.s32 $0x100;
	s31 =	simm.s32 $0x20;
	v0 =	vadd.f32 v2, v0  }
.LBB2_4:
0x113: {  	p0 =	sne.s32 s30, $0x3F80;
	v1 =	vld [tilespmem:s31+$0x380]  }
0x114: {  	s28 =	sadd.s32 $0x40, s28;
	[tilespmem:s29+$0x3390] =	vst v0;
	s29 =	smov.u32 s31  }
0x115: {  	v0 =	vld [tilespmem:s28+$0xFFFFFFE0]  }
0x116: {  	v2 =	vld [tilespmem:s28+$0x0];
	_ =	sdelay $0x1  }
0x117: {  	v1 =	vadd.f32 v1, v1;
	_ =	sdelay $0x1  }
0x118: {  	v0 =	vadd.f32 v0, v1;
	_ =	sdelay $0x1  }
0x119: {  	v0 =	vadd.f32 v2, v0  }
0x11a: {  	v1 =	vld [tilespmem:s29+$0x390]  }
0x11b: {  	[tilespmem:s29+$0x3380] =	vst v0  }
0x11c: {  	v0 =	vld [tilespmem:s28+$0xFFFFFFF0]  }
0x11d: {  	v2 =	vld [tilespmem:s28+$0x10];
	_ =	sdelay $0x1  }
.Ltmp1:
0x11e: {  	v1 =	vadd.f32 v1, v1;
	(pc) =	sbr.rel @p0 .LBB2_4-.Ltmp1, $3  }
0x11f: {  	_ = 	snop  }
0x120: {  	v0 =	vadd.f32 v0, v1;
	_ =	sdelay $0x1  }
0x121: {  	s31 =	sshra.s32 s30, $0x2;
	s30 =	sadd.s32 $0x80, s30;
	v0 =	vadd.f32 v2, v0  }
0x122: {  	v1 =	vld [tilespmem:s31+$0x380]  }
0x123: {  	s28 =	sadd.s32 $0x40, s28;
	[tilespmem:s29+$0x3390] =	vst v0  }
0x124: {  	v0 =	vld [tilespmem:s28+$0xFFFFFFE0];
	_ =	sdelay $0x1  }
0x125: {  	v2 =	vld [tilespmem:s28+$0x0]  }
0x126: {  	v1 =	vadd.f32 v1, v1;
	_ =	sdelay $0x1  }
0x127: {  	v0 =	vadd.f32 v0, v1;
	_ =	sdelay $0x1  }
0x128: {  	v0 =	vadd.f32 v2, v0  }
0x129: {  	v1 =	vld [tilespmem:s31+$0x390]  }
0x12a: {  	[tilespmem:s31+$0x3380] =	vst v0  }
0x12b: {  	v0 =	vld [tilespmem:s28+$0xFFFFFFF0];
	_ =	sdelay $0x1  }
0x12c: {  	v2 =	vld [tilespmem:s28+$0x10]  }
0x12d: {  	v1 =	vadd.f32 v1, v1;
	_ =	sdelay $0x1  }
0x12e: {  	v0 =	vadd.f32 v0, v1;
	_ =	sdelay $0x1  }
0x12f: {  	v0 =	vadd.f32 v2, v0;
	_ =	sdelay $0x1  }
0x130: {  	[tilespmem:s31+$0x3390] =	vst v0  }
0x131: {  	_ =	swait.ge [sflag:s23], $0x1000  }
0x132: {  	[sflag:s23] =	ssyncset.done $0x0  }
0x133: {  	[sflag:s23] =	ssyncadd.s32 $0xFFFFF000  }
0x134: {  	_ =	swait.ge [sflag:s23], $0x1000  }
0x135: {  	[sflag:s23] =	ssyncset.done $0x0  }
0x136: {  	[sflag:s23] =	ssyncadd.s32 $0xFFFFF000  }
0x137: {  	_ =	swait.ge [sflag:s23], $0x1000  }
0x138: {  	[sflag:s23] =	ssyncset.done $0x0  }
0x139: {  	[sflag:s23] =	ssyncadd.s32 $0xFFFFF000  }
0x13a: {  	_ =	swait.ge [sflag:s23], $0x1000  }
0x13b: {  	[sflag:s23] =	ssyncset.done $0x0  }
0x13c: {  	[sflag:s23] =	ssyncadd.s32 $0xFFFFF000  }
0x13d: {  	_ =	swait.ge [sflag:s23], $0x1000  }
0x13e: {  	[sflag:s23] =	ssyncset.done $0x0  }
0x13f: {  	[sflag:s23] =	ssyncadd.s32 $0xFFFFF000  }
0x140: {  	_ =	swait.ge [sflag:s23], $0x1000  }
0x141: {  	[sflag:s23] =	ssyncset.done $0x0  }
0x142: {  	s28 =	rddreg [dreg:$0x16];
	[sflag:s23] =	ssyncadd.s32 $0xFFFFF000  }
0x143: {  	[hbm4b:s28+s24] =	stream.strided.scatter [tilespmem:s25], [sflag:$0x2], $0x1000, s6, s24, $0x38;
	[tilespmem:$0xA380] =	vst v63  }
0x144: {  	_ =	swait.ge [sflag:s4], $0x1000  }
0x145: {  	[sflag:s4] =	ssyncset.done $0x0  }
0x146: {  	s28 =	rddreg [dreg:$0x19];
	[sflag:s4] =	ssyncadd.s32 $0xFFFFF000  }
0x147: {  	[hbm4b:s28+s24] =	stream.strided.scatter [tilespmem:s17], [sflag:$0x2], $0x1000, s6, s24, $0x38;
	[tilespmem:$0xA380] =	vst v63  }
0x148: {  	_ =	swait.ge [sflag:s4], $0x1000  }
0x149: {  	[sflag:s4] =	ssyncset.done $0x0  }
0x14a: {  	s28 =	rddreg [dreg:$0x1b];
	[sflag:s4] =	ssyncadd.s32 $0xFFFFF000  }
0x14b: {  	[hbm4b:s28+s24] =	stream.strided.scatter [tilespmem:s18], [sflag:$0x2], $0x1000, s6, s24, $0x38;
	[tilespmem:$0xA380] =	vst v63  }
0x14c: {  	_ =	swait.ge [sflag:s4], $0x1000  }
0x14d: {  	[sflag:s4] =	ssyncset.done $0x0  }
0x14e: {  	s28 =	rddreg [dreg:$0x17];
	[sflag:s4] =	ssyncadd.s32 $0xFFFFF000  }
0x14f: {  	[hbm4b:s28+s24] =	stream.strided.scatter [tilespmem:s19], [sflag:$0x2], $0x1000, s6, s24, $0x38;
	[tilespmem:$0xA380] =	vst v63  }
0x150: {  	_ =	swait.ge [sflag:s4], $0x1000  }
0x151: {  	[sflag:s4] =	ssyncset.done $0x0  }
0x152: {  	s28 =	rddreg [dreg:$0x18];
	[sflag:s4] =	ssyncadd.s32 $0xFFFFF000  }
0x153: {  	[hbm4b:s28+s24] =	stream.strided.scatter [tilespmem:s20], [sflag:$0x2], $0x1000, s6, s24, $0x38;
	[tilespmem:$0xA380] =	vst v63  }
0x154: {  	_ =	swait.ge [sflag:s4], $0x1000  }
0x155: {  	[sflag:s4] =	ssyncset.done $0x0  }
0x156: {  	s28 =	rddreg [dreg:$0x1a];
	[sflag:s4] =	ssyncadd.s32 $0xFFFFF000  }
0x157: {  	[hbm4b:s28+s24] =	stream.strided.scatter [tilespmem:s21], [sflag:$0x2], $0x1000, s6, s24, $0x38;
	[tilespmem:$0xA380] =	vst v63  }
0x158: {  	_ =	swait.ge [sflag:s4], $0x1000  }
0x159: {  	[sflag:s4] =	ssyncset.done $0x0  }
0x15a: {  	s28 =	rddreg [dreg:$0x1c];
	[sflag:s4] =	ssyncadd.s32 $0xFFFFF000  }
0x15b: {  	[hbm4b:s28+s24] =	stream.strided.scatter [tilespmem:s22], [sflag:$0x2], $0x1000, s6, s24, $0x38;
	[tilespmem:$0xA380] =	vst v63  }
0x15c: {  	_ =	swait.ge [sflag:s4], $0x1000  }
0x15d: {  	[sflag:s4] =	ssyncset.done $0x0  }
0x15e: {  	s28 =	simm.s32 $0x0;
	s29 =	rddreg [dreg:$0xa];
	[sflag:s4] =	ssyncadd.s32 $0xFFFFF000  }
0x15f: {  	[tilespmem:s28], [sflag:$0x2] =	stream.linear.gather [hbm4b:s29+s28], $0x80, $0x38;
	[tilespmem:$0xA380] =	vst v63  }
0x160: {  	_ =	swait.ge [sflag:s4], $0x80  }
0x161: {  	[sflag:s4] =	ssyncset.done $0x0  }
0x162: {  	s29 =	rddreg [dreg:$0xb];
	[sflag:s4] =	ssyncadd.s32 $0xFFFFFF80  }
0x163: {  	[tilespmem:s6], [sflag:$0x2] =	stream.linear.gather [hbm4b:s29+s28], $0x80, $0x38;
	[tilespmem:$0xA380] =	vst v63  }
0x164: {  	_ =	swait.ge [sflag:s4], $0x80  }
0x165: {  	[sflag:s4] =	ssyncset.done $0x0  }
0x166: {  	s29 =	rddreg [dreg:$0xc];
	[sflag:s4] =	ssyncadd.s32 $0xFFFFFF80  }
0x167: {  	[tilespmem:s7], [sflag:$0x2] =	stream.linear.gather [hbm4b:s29+s28], $0x80, $0x38;
	[tilespmem:$0xA380] =	vst v63  }
0x168: {  	_ =	swait.ge [sflag:s4], $0x80  }
0x169: {  	s29 =	sld [smem:$0x7F9]  }
0x16a: {  	[sflag:s4] =	ssyncset.done $0x0  }
0x16b: {  	[sflag:s4] =	ssyncadd.s32 $0xFFFFFF80  }
0x16c: {  	[tilespmem:s8], [sflag:$0x2] =	stream.linear.gather [hbm4b:s29+s28], $0x80, $0x38;
	[tilespmem:$0xA380] =	vst v63  }
0x16d: {  	_ =	swait.ge [sflag:s4], $0x80  }
0x16e: {  	s29 =	sld [smem:$0x7FA]  }
0x16f: {  	[sflag:s4] =	ssyncset.done $0x0  }
0x170: {  	[sflag:s4] =	ssyncadd.s32 $0xFFFFFF80  }
0x171: {  	[tilespmem:s9], [sflag:$0x2] =	stream.linear.gather [hbm4b:s29+s28], $0x80, $0x38;
	[tilespmem:$0xA380] =	vst v63  }
0x172: {  	_ =	swait.ge [sflag:s4], $0x80  }
0x173: {  	s29 =	sld [smem:$0x7FB]  }
0x174: {  	[sflag:s4] =	ssyncset.done $0x0  }
0x175: {  	[sflag:s4] =	ssyncadd.s32 $0xFFFFFF80  }
0x176: {  	[tilespmem:s10], [sflag:$0x2] =	stream.linear.gather [hbm4b:s29+s28], $0x80, $0x38;
	[tilespmem:$0xA380] =	vst v63  }
0x177: {  	_ =	swait.ge [sflag:s4], $0x80  }
0x178: {  	s29 =	sld [smem:$0x7FC]  }
0x179: {  	[sflag:s4] =	ssyncset.done $0x0  }
0x17a: {  	[sflag:s4] =	ssyncadd.s32 $0xFFFFFF80  }
0x17b: {  	[tilespmem:s11], [sflag:$0x2] =	stream.linear.gather [hbm4b:s29+s28], $0x80, $0x38;
	[tilespmem:$0xA380] =	vst v63  }
0x17c: {  	_ =	swait.ge [sflag:s4], $0x80  }
0x17d: {  	[sflag:s4] =	ssyncset.done $0x0  }
0x17e: {  	[sflag:s4] =	ssyncadd.s32 $0xFFFFFF80  }
0x17f: {  	[tilespmem:s12], [sflag:$0x1] =	stream.indirect.gather [hbm4b:s13+s6], $0x20, s28, s6, $0xb8;
	[tilespmem:$0xA380] =	vst v63  }
0x180: {  	_ = 	snop  }
0x181: {  	[tilespmem:s14], [sflag:$0x1] =	stream.indirect.gather [hbm4b:s15+s6], $0x40, s28, s6, $0xb8;
	[tilespmem:$0xA380] =	vst v63  }
0x182: {  	_ = 	snop  }
0x183: {  	[tilespmem:s17], [sflag:$0x1] =	stream.indirect.gather [hbm4b:s16+s6], $0x20, s6, s6, $0xb8;
	[tilespmem:$0xA380] =	vst v63  }
0x184: {  	_ = 	snop  }
0x185: {  	[tilespmem:s18], [sflag:$0x1] =	stream.indirect.gather [hbm4b:s16+s6], $0x20, s7, s6, $0xb8;
	[tilespmem:$0xA380] =	vst v63  }
0x186: {  	_ = 	snop  }
0x187: {  	[tilespmem:s19], [sflag:$0x1] =	stream.indirect.gather [hbm4b:s16+s6], $0x20, s8, s6, $0xb8;
	[tilespmem:$0xA380] =	vst v63  }
0x188: {  	_ = 	snop  }
0x189: {  	[tilespmem:s20], [sflag:$0x1] =	stream.indirect.gather [hbm4b:s16+s6], $0x20, s9, s6, $0xb8;
	[tilespmem:$0xA380] =	vst v63  }
0x18a: {  	_ = 	snop  }
0x18b: {  	[tilespmem:s21], [sflag:$0x1] =	stream.indirect.gather [hbm4b:s16+s6], $0x20, s10, s6, $0xb8;
	[tilespmem:$0xA380] =	vst v63  }
0x18c: {  	_ = 	snop  }
0x18d: {  	[tilespmem:s22], [sflag:$0x1] =	stream.indirect.gather [hbm4b:s16+s6], $0x20, s11, s6, $0xb8;
	[tilespmem:$0xA380] =	vst v63  }
0x18e: {  	_ =	swait.ge [sflag:s23], $0x1000  }
0x18f: {  	[sflag:s23] =	ssyncset.done $0x0  }
0x190: {  	[sflag:s23] =	ssyncadd.s32 $0xFFFFF000  }
0x191: {  	_ =	swait.ge [sflag:s23], $0x2000  }
0x192: {  	[sflag:s23] =	ssyncset.done $0x0  }
0x193: {  	s29 =	simm.s32 $0x0;
	[sflag:s23] =	ssyncadd.s32 $0xFFFFE000  }
0x194: {  	v0 =	vld [tilespmem:s29+$0x380]  }
0x195: {  	s28 =	simm.s32 $0x13A0  }
0x196: {  	v1 =	vld [tilespmem:s28+$0xFFFFFFE0];
	_ =	sdelay $0x1  }
0x197: {  	v2 =	vld [tilespmem:s28+$0x0]  }
0x198: {  	v0 =	vadd.f32 v0, v0;
	_ =	sdelay $0x1  }
0x199: {  	v0 =	vadd.f32 v1, v0;
	_ =	sdelay $0x1  }
0x19a: {  	v0 =	vadd.f32 v2, v0  }
0x19b: {  	v1 =	vld [tilespmem:s29+$0x390]  }
0x19c: {  	[tilespmem:s29+$0x3380] =	vst v0  }
0x19d: {  	v0 =	vld [tilespmem:s28+$0xFFFFFFF0];
	_ =	sdelay $0x1  }
0x19e: {  	v2 =	vld [tilespmem:s28+$0x10]  }
0x19f: {  	v1 =	vadd.f32 v1, v1;
	_ =	sdelay $0x1  }
0x1a0: {  	v0 =	vadd.f32 v0, v1;
	_ =	sdelay $0x1  }
0x1a1: {  	s30 =	simm.s32 $0x100;
	s31 =	simm.s32 $0x20;
	v0 =	vadd.f32 v2, v0  }
.LBB2_6:
0x1a2: {  	p0 =	sne.s32 s30, $0x3F80;
	v1 =	vld [tilespmem:s31+$0x380]  }
0x1a3: {  	s28 =	sadd.s32 $0x40, s28;
	[tilespmem:s29+$0x3390] =	vst v0;
	s29 =	smov.u32 s31  }
0x1a4: {  	v0 =	vld [tilespmem:s28+$0xFFFFFFE0]  }
0x1a5: {  	v2 =	vld [tilespmem:s28+$0x0];
	_ =	sdelay $0x1  }
0x1a6: {  	v1 =	vadd.f32 v1, v1;
	_ =	sdelay $0x1  }
0x1a7: {  	v0 =	vadd.f32 v0, v1;
	_ =	sdelay $0x1  }
0x1a8: {  	v0 =	vadd.f32 v2, v0  }
0x1a9: {  	v1 =	vld [tilespmem:s29+$0x390]  }
0x1aa: {  	[tilespmem:s29+$0x3380] =	vst v0  }
0x1ab: {  	v0 =	vld [tilespmem:s28+$0xFFFFFFF0]  }
0x1ac: {  	v2 =	vld [tilespmem:s28+$0x10];
	_ =	sdelay $0x1  }
.Ltmp2:
0x1ad: {  	v1 =	vadd.f32 v1, v1;
	(pc) =	sbr.rel @p0 .LBB2_6-.Ltmp2, $3  }
0x1ae: {  	_ = 	snop  }
0x1af: {  	v0 =	vadd.f32 v0, v1;
	_ =	sdelay $0x1  }
0x1b0: {  	s31 =	sshra.s32 s30, $0x2;
	s30 =	sadd.s32 $0x80, s30;
	v0 =	vadd.f32 v2, v0  }
0x1b1: {  	v1 =	vld [tilespmem:s31+$0x380]  }
0x1b2: {  	s28 =	sadd.s32 $0x40, s28;
	[tilespmem:s29+$0x3390] =	vst v0  }
0x1b3: {  	v0 =	vld [tilespmem:s28+$0xFFFFFFE0];
	_ =	sdelay $0x1  }
0x1b4: {  	v2 =	vld [tilespmem:s28+$0x0]  }
0x1b5: {  	v1 =	vadd.f32 v1, v1;
	_ =	sdelay $0x1  }
0x1b6: {  	v0 =	vadd.f32 v0, v1;
	_ =	sdelay $0x1  }
0x1b7: {  	v0 =	vadd.f32 v2, v0  }
0x1b8: {  	v1 =	vld [tilespmem:s31+$0x390]  }
0x1b9: {  	[tilespmem:s31+$0x3380] =	vst v0  }
0x1ba: {  	v0 =	vld [tilespmem:s28+$0xFFFFFFF0];
	_ =	sdelay $0x1  }
0x1bb: {  	v2 =	vld [tilespmem:s28+$0x10]  }
0x1bc: {  	v1 =	vadd.f32 v1, v1;
	_ =	sdelay $0x1  }
0x1bd: {  	v0 =	vadd.f32 v0, v1;
	_ =	sdelay $0x1  }
0x1be: {  	v0 =	vadd.f32 v2, v0;
	_ =	sdelay $0x1  }
0x1bf: {  	[tilespmem:s31+$0x3390] =	vst v0  }
0x1c0: {  	_ =	swait.ge [sflag:s23], $0x1000  }
0x1c1: {  	[sflag:s23] =	ssyncset.done $0x0  }
0x1c2: {  	[sflag:s23] =	ssyncadd.s32 $0xFFFFF000  }
0x1c3: {  	_ =	swait.ge [sflag:s23], $0x1000  }
0x1c4: {  	[sflag:s23] =	ssyncset.done $0x0  }
0x1c5: {  	[sflag:s23] =	ssyncadd.s32 $0xFFFFF000  }
0x1c6: {  	_ =	swait.ge [sflag:s23], $0x1000  }
0x1c7: {  	[sflag:s23] =	ssyncset.done $0x0  }
0x1c8: {  	[sflag:s23] =	ssyncadd.s32 $0xFFFFF000  }
0x1c9: {  	_ =	swait.ge [sflag:s23], $0x1000  }
0x1ca: {  	[sflag:s23] =	ssyncset.done $0x0  }
0x1cb: {  	[sflag:s23] =	ssyncadd.s32 $0xFFFFF000  }
0x1cc: {  	_ =	swait.ge [sflag:s23], $0x1000  }
0x1cd: {  	[sflag:s23] =	ssyncset.done $0x0  }
0x1ce: {  	[sflag:s23] =	ssyncadd.s32 $0xFFFFF000  }
0x1cf: {  	_ =	swait.ge [sflag:s23], $0x1000  }
0x1d0: {  	[sflag:s23] =	ssyncset.done $0x0  }
0x1d1: {  	s28 =	rddreg [dreg:$0x1d];
	[sflag:s23] =	ssyncadd.s32 $0xFFFFF000  }
0x1d2: {  	[hbm4b:s28+s24] =	stream.strided.scatter [tilespmem:s25], [sflag:$0x2], $0x1000, s6, s24, $0x38;
	[tilespmem:$0xA380] =	vst v63  }
0x1d3: {  	_ =	swait.ge [sflag:s4], $0x1000  }
0x1d4: {  	s28 =	sld [smem:$0x7E5]  }
0x1d5: {  	[sflag:s4] =	ssyncset.done $0x0  }
0x1d6: {  	[sflag:s4] =	ssyncadd.s32 $0xFFFFF000  }
0x1d7: {  	[hbm4b:s28+s24] =	stream.strided.scatter [tilespmem:s17], [sflag:$0x2], $0x1000, s6, s24, $0x38;
	[tilespmem:$0xA380] =	vst v63  }
0x1d8: {  	_ =	swait.ge [sflag:s4], $0x1000  }
0x1d9: {  	s28 =	sld [smem:$0x7E7]  }
0x1da: {  	[sflag:s4] =	ssyncset.done $0x0  }
0x1db: {  	[sflag:s4] =	ssyncadd.s32 $0xFFFFF000  }
0x1dc: {  	[hbm4b:s28+s24] =	stream.strided.scatter [tilespmem:s18], [sflag:$0x2], $0x1000, s6, s24, $0x38;
	[tilespmem:$0xA380] =	vst v63  }
0x1dd: {  	_ =	swait.ge [sflag:s4], $0x1000  }
0x1de: {  	[sflag:s4] =	ssyncset.done $0x0  }
0x1df: {  	s28 =	rddreg [dreg:$0x1e];
	[sflag:s4] =	ssyncadd.s32 $0xFFFFF000  }
0x1e0: {  	[hbm4b:s28+s24] =	stream.strided.scatter [tilespmem:s19], [sflag:$0x2], $0x1000, s6, s24, $0x38;
	[tilespmem:$0xA380] =	vst v63  }
0x1e1: {  	_ =	swait.ge [sflag:s4], $0x1000  }
0x1e2: {  	[sflag:s4] =	ssyncset.done $0x0  }
0x1e3: {  	s28 =	rddreg [dreg:$0x1f];
	[sflag:s4] =	ssyncadd.s32 $0xFFFFF000  }
0x1e4: {  	[hbm4b:s28+s24] =	stream.strided.scatter [tilespmem:s20], [sflag:$0x2], $0x1000, s6, s24, $0x38;
	[tilespmem:$0xA380] =	vst v63  }
0x1e5: {  	_ =	swait.ge [sflag:s4], $0x1000  }
0x1e6: {  	s28 =	sld [smem:$0x7E6]  }
0x1e7: {  	[sflag:s4] =	ssyncset.done $0x0  }
0x1e8: {  	[sflag:s4] =	ssyncadd.s32 $0xFFFFF000  }
0x1e9: {  	[hbm4b:s28+s24] =	stream.strided.scatter [tilespmem:s21], [sflag:$0x2], $0x1000, s6, s24, $0x38;
	[tilespmem:$0xA380] =	vst v63  }
0x1ea: {  	_ =	swait.ge [sflag:s4], $0x1000  }
0x1eb: {  	s28 =	sld [smem:$0x7E8]  }
0x1ec: {  	[sflag:s4] =	ssyncset.done $0x0  }
0x1ed: {  	[sflag:s4] =	ssyncadd.s32 $0xFFFFF000  }
0x1ee: {  	[hbm4b:s28+s24] =	stream.strided.scatter [tilespmem:s22], [sflag:$0x2], $0x1000, s6, s24, $0x38;
	[tilespmem:$0xA380] =	vst v63  }
0x1ef: {  	_ =	swait.ge [sflag:s4], $0x1000  }
0x1f0: {  	[sflag:s4] =	ssyncset.done $0x0  }
0x1f1: {  	s28 =	simm.s32 $0x0;
	s29 =	rddreg [dreg:$0xd];
	[sflag:s4] =	ssyncadd.s32 $0xFFFFF000  }
0x1f2: {  	[tilespmem:s28], [sflag:$0x2] =	stream.linear.gather [hbm4b:s29+s28], $0x80, $0x38;
	[tilespmem:$0xA380] =	vst v63  }
0x1f3: {  	_ =	swait.ge [sflag:s4], $0x80  }
0x1f4: {  	[sflag:s4] =	ssyncset.done $0x0  }
0x1f5: {  	s29 =	rddreg [dreg:$0xe];
	[sflag:s4] =	ssyncadd.s32 $0xFFFFFF80  }
0x1f6: {  	[tilespmem:s6], [sflag:$0x2] =	stream.linear.gather [hbm4b:s29+s28], $0x80, $0x38;
	[tilespmem:$0xA380] =	vst v63  }
0x1f7: {  	_ =	swait.ge [sflag:s4], $0x80  }
0x1f8: {  	[sflag:s4] =	ssyncset.done $0x0  }
0x1f9: {  	s29 =	rddreg [dreg:$0xf];
	[sflag:s4] =	ssyncadd.s32 $0xFFFFFF80  }
0x1fa: {  	[tilespmem:s7], [sflag:$0x2] =	stream.linear.gather [hbm4b:s29+s28], $0x80, $0x38;
	[tilespmem:$0xA380] =	vst v63  }
0x1fb: {  	_ =	swait.ge [sflag:s4], $0x80  }
0x1fc: {  	s29 =	sld [smem:$0x7FD]  }
0x1fd: {  	[sflag:s4] =	ssyncset.done $0x0  }
0x1fe: {  	[sflag:s4] =	ssyncadd.s32 $0xFFFFFF80  }
0x1ff: {  	[tilespmem:s8], [sflag:$0x2] =	stream.linear.gather [hbm4b:s29+s28], $0x80, $0x38;
	[tilespmem:$0xA380] =	vst v63  }
0x200: {  	_ =	swait.ge [sflag:s4], $0x80  }
0x201: {  	[sflag:s4] =	ssyncset.done $0x0  }
0x202: {  	[sflag:s4] =	ssyncadd.s32 $0xFFFFFF80  }
0x203: {  	[tilespmem:s9], [sflag:$0x2] =	stream.linear.gather [hbm4b:s0+s28], $0x80, $0x38;
	[tilespmem:$0xA380] =	vst v63  }
0x204: {  	_ =	swait.ge [sflag:s4], $0x80  }
0x205: {  	[sflag:s4] =	ssyncset.done $0x0  }
0x206: {  	[sflag:s4] =	ssyncadd.s32 $0xFFFFFF80  }
0x207: {  	[tilespmem:s10], [sflag:$0x2] =	stream.linear.gather [hbm4b:s1+s28], $0x80, $0x38;
	[tilespmem:$0xA380] =	vst v63  }
0x208: {  	_ =	swait.ge [sflag:s4], $0x80  }
0x209: {  	[sflag:s4] =	ssyncset.done $0x0  }
0x20a: {  	[sflag:s4] =	ssyncadd.s32 $0xFFFFFF80  }
0x20b: {  	[tilespmem:s11], [sflag:$0x2] =	stream.linear.gather [hbm4b:s3+s28], $0x80, $0x38;
	[tilespmem:$0xA380] =	vst v63  }
0x20c: {  	_ =	swait.ge [sflag:s4], $0x80  }
0x20d: {  	[sflag:s4] =	ssyncset.done $0x0  }
0x20e: {  	[sflag:s4] =	ssyncadd.s32 $0xFFFFFF80  }
0x20f: {  	[tilespmem:s12], [sflag:$0x1] =	stream.indirect.gather [hbm4b:s13+s6], $0x20, s28, s6, $0xb8;
	[tilespmem:$0xA380] =	vst v63  }
0x210: {  	_ = 	snop  }
0x211: {  	[tilespmem:s14], [sflag:$0x1] =	stream.indirect.gather [hbm4b:s15+s6], $0x40, s28, s6, $0xb8;
	[tilespmem:$0xA380] =	vst v63  }
0x212: {  	_ = 	snop  }
0x213: {  	[tilespmem:s17], [sflag:$0x1] =	stream.indirect.gather [hbm4b:s16+s6], $0x20, s6, s6, $0xb8;
	[tilespmem:$0xA380] =	vst v63  }
0x214: {  	_ = 	snop  }
0x215: {  	[tilespmem:s18], [sflag:$0x1] =	stream.indirect.gather [hbm4b:s16+s6], $0x20, s7, s6, $0xb8;
	[tilespmem:$0xA380] =	vst v63  }
0x216: {  	_ = 	snop  }
0x217: {  	[tilespmem:s19], [sflag:$0x1] =	stream.indirect.gather [hbm4b:s16+s6], $0x20, s8, s6, $0xb8;
	[tilespmem:$0xA380] =	vst v63  }
0x218: {  	_ = 	snop  }
0x219: {  	[tilespmem:s20], [sflag:$0x1] =	stream.indirect.gather [hbm4b:s16+s6], $0x20, s9, s6, $0xb8;
	[tilespmem:$0xA380] =	vst v63  }
0x21a: {  	_ = 	snop  }
0x21b: {  	[tilespmem:s21], [sflag:$0x1] =	stream.indirect.gather [hbm4b:s16+s6], $0x20, s10, s6, $0xb8;
	[tilespmem:$0xA380] =	vst v63  }
0x21c: {  	_ = 	snop  }
0x21d: {  	[tilespmem:s22], [sflag:$0x1] =	stream.indirect.gather [hbm4b:s16+s6], $0x20, s11, s6, $0xb8;
	[tilespmem:$0xA380] =	vst v63  }
0x21e: {  	_ =	swait.ge [sflag:s23], $0x1000  }
0x21f: {  	[sflag:s23] =	ssyncset.done $0x0  }
0x220: {  	[sflag:s23] =	ssyncadd.s32 $0xFFFFF000  }
0x221: {  	_ =	swait.ge [sflag:s23], $0x2000  }
0x222: {  	[sflag:s23] =	ssyncset.done $0x0  }
0x223: {  	s29 =	simm.s32 $0x0;
	[sflag:s23] =	ssyncadd.s32 $0xFFFFE000  }
0x224: {  	v0 =	vld [tilespmem:s29+$0x380]  }
0x225: {  	s28 =	simm.s32 $0x13A0  }
0x226: {  	v1 =	vld [tilespmem:s28+$0xFFFFFFE0];
	_ =	sdelay $0x1  }
0x227: {  	v2 =	vld [tilespmem:s28+$0x0]  }
0x228: {  	v0 =	vadd.f32 v0, v0;
	_ =	sdelay $0x1  }
0x229: {  	v0 =	vadd.f32 v1, v0;
	_ =	sdelay $0x1  }
0x22a: {  	v0 =	vadd.f32 v2, v0  }
0x22b: {  	v1 =	vld [tilespmem:s29+$0x390]  }
0x22c: {  	[tilespmem:s29+$0x3380] =	vst v0  }
0x22d: {  	v0 =	vld [tilespmem:s28+$0xFFFFFFF0];
	_ =	sdelay $0x1  }
0x22e: {  	v2 =	vld [tilespmem:s28+$0x10]  }
0x22f: {  	v1 =	vadd.f32 v1, v1;
	_ =	sdelay $0x1  }
0x230: {  	v0 =	vadd.f32 v0, v1;
	_ =	sdelay $0x1  }
0x231: {  	s30 =	simm.s32 $0x100;
	s31 =	simm.s32 $0x20;
	v0 =	vadd.f32 v2, v0  }
.LBB2_8:
0x232: {  	p0 =	sne.s32 s30, $0x3F80;
	v1 =	vld [tilespmem:s31+$0x380]  }
0x233: {  	s28 =	sadd.s32 $0x40, s28;
	[tilespmem:s29+$0x3390] =	vst v0;
	s29 =	smov.u32 s31  }
0x234: {  	v0 =	vld [tilespmem:s28+$0xFFFFFFE0]  }
0x235: {  	v2 =	vld [tilespmem:s28+$0x0];
	_ =	sdelay $0x1  }
0x236: {  	v1 =	vadd.f32 v1, v1;
	_ =	sdelay $0x1  }
0x237: {  	v0 =	vadd.f32 v0, v1;
	_ =	sdelay $0x1  }
0x238: {  	v0 =	vadd.f32 v2, v0  }
0x239: {  	v1 =	vld [tilespmem:s29+$0x390]  }
0x23a: {  	[tilespmem:s29+$0x3380] =	vst v0  }
0x23b: {  	v0 =	vld [tilespmem:s28+$0xFFFFFFF0]  }
0x23c: {  	v2 =	vld [tilespmem:s28+$0x10];
	_ =	sdelay $0x1  }
.Ltmp3:
0x23d: {  	v1 =	vadd.f32 v1, v1;
	(pc) =	sbr.rel @p0 .LBB2_8-.Ltmp3, $3  }
0x23e: {  	_ = 	snop  }
0x23f: {  	v0 =	vadd.f32 v0, v1;
	_ =	sdelay $0x1  }
0x240: {  	s31 =	sshra.s32 s30, $0x2;
	s30 =	sadd.s32 $0x80, s30;
	v0 =	vadd.f32 v2, v0  }
0x241: {  	v1 =	vld [tilespmem:s31+$0x380]  }
0x242: {  	s28 =	sadd.s32 $0x40, s28;
	[tilespmem:s29+$0x3390] =	vst v0  }
0x243: {  	v0 =	vld [tilespmem:s28+$0xFFFFFFE0];
	_ =	sdelay $0x1  }
0x244: {  	v2 =	vld [tilespmem:s28+$0x0]  }
0x245: {  	v1 =	vadd.f32 v1, v1;
	_ =	sdelay $0x1  }
0x246: {  	v0 =	vadd.f32 v0, v1;
	_ =	sdelay $0x1  }
0x247: {  	v0 =	vadd.f32 v2, v0  }
0x248: {  	v62 =	vld [tilespmem:s31+$0x390]  }
0x249: {  	[tilespmem:s31+$0x3380] =	vst v0  }
0x24a: {  	v0 =	vld [tilespmem:s28+$0xFFFFFFF0];
	_ =	sdelay $0x1  }
0x24b: {  	v63 =	vld [tilespmem:s28+$0x10]  }
0x24c: {  	v1 =	vadd.f32 v62, v62;
	_ =	sdelay $0x1  }
0x24d: {  	v0 =	vadd.f32 v0, v1;
	_ =	sdelay $0x1  }
0x24e: {  	v0 =	vadd.f32 v63, v0;
	_ =	sdelay $0x1  }
0x24f: {  	[tilespmem:s31+$0x3390] =	vst v0  }
0x250: {  	_ =	swait.ge [sflag:s23], $0x1000  }
0x251: {  	[sflag:s23] =	ssyncset.done $0x0  }
0x252: {  	[sflag:s23] =	ssyncadd.s32 $0xFFFFF000  }
0x253: {  	_ =	swait.ge [sflag:s23], $0x1000  }
0x254: {  	[sflag:s23] =	ssyncset.done $0x0  }
0x255: {  	[sflag:s23] =	ssyncadd.s32 $0xFFFFF000  }
0x256: {  	_ =	swait.ge [sflag:s23], $0x1000  }
0x257: {  	[sflag:s23] =	ssyncset.done $0x0  }
0x258: {  	[sflag:s23] =	ssyncadd.s32 $0xFFFFF000  }
0x259: {  	_ =	swait.ge [sflag:s23], $0x1000  }
0x25a: {  	[sflag:s23] =	ssyncset.done $0x0  }
0x25b: {  	[sflag:s23] =	ssyncadd.s32 $0xFFFFF000  }
0x25c: {  	_ =	swait.ge [sflag:s23], $0x1000  }
0x25d: {  	[sflag:s23] =	ssyncset.done $0x0  }
0x25e: {  	[sflag:s23] =	ssyncadd.s32 $0xFFFFF000  }
0x25f: {  	_ =	swait.ge [sflag:s23], $0x1000  }
0x260: {  	s30 =	sld [smem:$0x7E9]  }
0x261: {  	[sflag:s23] =	ssyncset.done $0x0  }
0x262: {  	[sflag:s23] =	ssyncadd.s32 $0xFFFFF000  }
0x263: {  	[hbm4b:s30+s24] =	stream.strided.scatter [tilespmem:s25], [sflag:$0x2], $0x1000, s6, s24, $0x38;
	[tilespmem:$0xA380] =	vst v63  }
0x264: {  	_ =	swait.ge [sflag:s4], $0x1000  }
0x265: {  	s31 =	sld [smem:$0x7EA]  }
0x266: {  	[sflag:s4] =	ssyncset.done $0x0  }
0x267: {  	[sflag:s4] =	ssyncadd.s32 $0xFFFFF000  }
0x268: {  	[hbm4b:s31+s24] =	stream.strided.scatter [tilespmem:s17], [sflag:$0x2], $0x1000, s6, s24, $0x38;
	[tilespmem:$0xA380] =	vst v63  }
0x269: {  	_ =	swait.ge [sflag:s4], $0x1000  }
0x26a: {  	s29 =	sld [smem:$0x7EB]  }
0x26b: {  	[sflag:s4] =	ssyncset.done $0x0  }
0x26c: {  	[sflag:s4] =	ssyncadd.s32 $0xFFFFF000  }
0x26d: {  	[hbm4b:s29+s24] =	stream.strided.scatter [tilespmem:s18], [sflag:$0x2], $0x1000, s6, s24, $0x38;
	[tilespmem:$0xA380] =	vst v63  }
0x26e: {  	_ =	swait.ge [sflag:s4], $0x1000  }
0x26f: {  	s30 =	sld [smem:$0x7EC]  }
0x270: {  	[sflag:s4] =	ssyncset.done $0x0  }
0x271: {  	[sflag:s4] =	ssyncadd.s32 $0xFFFFF000  }
0x272: {  	[hbm4b:s30+s24] =	stream.strided.scatter [tilespmem:s19], [sflag:$0x2], $0x1000, s6, s24, $0x38;
	[tilespmem:$0xA380] =	vst v63  }
0x273: {  	_ =	swait.ge [sflag:s4], $0x1000  }
0x274: {  	s31 =	sld [smem:$0x7ED]  }
0x275: {  	[sflag:s4] =	ssyncset.done $0x0  }
0x276: {  	[sflag:s4] =	ssyncadd.s32 $0xFFFFF000  }
0x277: {  	[hbm4b:s31+s24] =	stream.strided.scatter [tilespmem:s20], [sflag:$0x2], $0x1000, s6, s24, $0x38;
	[tilespmem:$0xA380] =	vst v63  }
0x278: {  	_ =	swait.ge [sflag:s4], $0x1000  }
0x279: {  	s29 =	sld [smem:$0x7EE]  }
0x27a: {  	[sflag:s4] =	ssyncset.done $0x0  }
0x27b: {  	[sflag:s4] =	ssyncadd.s32 $0xFFFFF000  }
0x27c: {  	[hbm4b:s29+s24] =	stream.strided.scatter [tilespmem:s21], [sflag:$0x2], $0x1000, s6, s24, $0x38;
	[tilespmem:$0xA380] =	vst v63  }
0x27d: {  	_ =	swait.ge [sflag:s4], $0x1000  }
0x27e: {  	s30 =	sld [smem:$0x7EF]  }
0x27f: {  	[sflag:s4] =	ssyncset.done $0x0  }
0x280: {  	[sflag:s4] =	ssyncadd.s32 $0xFFFFF000  }
0x281: {  	[hbm4b:s30+s24] =	stream.strided.scatter [tilespmem:s22], [sflag:$0x2], $0x1000, s6, s24, $0x38;
	[tilespmem:$0xA380] =	vst v63  }
0x282: {  	_ =	swait.ge [sflag:s4], $0x1000  }
0x283: {  	s31 =	sld [smem:$0x7F0];
	_ =	sdelay $0x1  }
0x284: {  	s26 =	sadd.s32 $0x1, s26  }
0x285: {  	p0 =	sne.s32 s26, s31  }
.Ltmp4:
0x286: {  	_ = 	snop;
	(pc) =	sbr.rel @p0 .LBB2_1-.Ltmp4, $3  }
0x287: {  	_ =	sdelay $0x1  }
0x288: {  	[sflag:s4] =	ssyncset.done $0x0  }
0x289: {  	[sflag:s4] =	ssyncadd.s32 $0xFFFFF000  }
0x28a: {  	_ =	sfence.sel $0x180000  }
0x28b: {  	[bflag:$0x0] =	sbarrier.arrive $0xFFFF  }
0x28c: {  	_ =	strace $0x90000047  }
0x28d: {  	s0 =	stileid.u32;
	[bflag:$0x2] =	sbarrier.arrive $0xFFFF  }
0x28e: {  	p0 =	sne.s32 s0, $0x0;
	s0 =	rddreg [dreg:$0x3]  }
0x28f: {  	s0 =	sadd.s32 @!p0 $0x100000, s0  }
0x290: {  	[sflag:s0] =	ssyncadd.tile.s32 @!p0 $0x1;
	_ =	shalt  }
.Lfunc_end2:
_tile_overlayer_lowered:
.L_overlay_start_2:
0x291: {  	(tag) =	ssettag $0x2  }
0x292: {  	s0 =	rddreg [dreg:$0x0];
	s2 =	stileid.u32  }
0x293: {  	s1 =	rddreg [dreg:$0x1];
	p0 =	sne.s32 s2, $0x0  }
0x294: {  	s3 =	rddreg [dreg:$0x2];
	[bflag:$0x3] =	sbarrier.arrive $0xFFFF;
	s2 =	simm.s32 @!p0 $0x1C02  }
0x295: {  	[timem:s3], [sflag:s2] =	dma.local @!p0 [hbm:s0], s1  }
0x296: {  	s0 =	simm.s32 @!p0 $0x2  }
0x297: {  	_ =	swait.ge @!p0 [sflag:s0], s1  }
0x298: {  	s1 =	ssub.s32 @!p0 $0x0, s1;
	[sflag:s0] =	ssyncset.done @!p0 $0x0  }
0x299: {  	[sflag:s0] =	ssyncadd.s32 @!p0 s1  }
0x29a: {  	[bflag:$0x3] =	sbarrier.arrive $0xFFFF  }
0x29b: {  	_ =	shalt  }

</sc_bundles>
